<compile_context>
chip_gen: v7x
topology: tpu7x:2x2x1
jax: 0.10.2.dev20260603
libtpu: 0.0.44.dev20260713+nightly
codegen_flags: <defaults>
</compile_context>

<pallas_src>
import functools

import jax
import jax.numpy as jnp
from jax import lax
from jax.experimental import pallas as pl
from jax.experimental.pallas import tpu as pltpu
from jax.experimental.pallas import tpu_sc as plsc

N = 10000
E = 160000
B = 128
RB = 512
NBLK = 20
NPAD = NBLK * RB

SC_K = 128
E_CHUNKS = 1280
E_PAD = E_CHUNKS * SC_K
ACC_ROWS = 10112
DUMP_ROW = N
ZROWS = 632
CPROWS = 624

@functools.cache
def _make_segsum(split_edges: bool):
    rows_per_tile = 40 if split_edges else 80

    @functools.partial(
        pl.kernel,
        out_type=[jax.ShapeDtypeStruct((N, 128), jnp.float32)] * 2,
        mesh=plsc.VectorSubcoreMesh(core_axis_name="c", subcore_axis_name="s"),
        scratch_types=[
            pltpu.VMEM((rows_per_tile, SC_K), jnp.int32),
            pltpu.VMEM((rows_per_tile, SC_K), jnp.int32),
            pltpu.VMEM((SC_K, 128), jnp.float32),
            pltpu.VMEM_SHARED((ACC_ROWS, 128), jnp.float32),
            pltpu.SemaphoreType.DMA,
        ],
    )
    def segsum(t0, t1, src2, dst2, zer, out0, out1, srcv, dstv, rowsv, acc, sem):
        c = lax.axis_index("c")
        s = lax.axis_index("s")
        pltpu.sync_copy(zer, acc.at[pl.ds(s * ZROWS, ZROWS)])
        plsc.subcore_barrier()

        if split_edges:
            row_base = (c * 16 + s) * rows_per_tile
        else:
            row_base = s * rows_per_tile

        def run(table, out):
            pltpu.sync_copy(src2.at[pl.ds(row_base, rows_per_tile)], srcv)
            pltpu.sync_copy(dst2.at[pl.ds(row_base, rows_per_tile)], dstv)

            def body(j, carry):
                pltpu.async_copy(table.at[srcv.at[j]], rowsv, sem).wait()
                pltpu.sync_copy(rowsv, acc.at[dstv.at[j]], add=True)
                return carry

            lax.fori_loop(0, rows_per_tile, body, 0, unroll=False)
            plsc.subcore_barrier()
            pltpu.sync_copy(acc.at[pl.ds(s * CPROWS, CPROWS)],
                            out.at[pl.ds(s * CPROWS, CPROWS)])

            @pl.when(s == 0)
            def _():
                pltpu.sync_copy(acc.at[pl.ds(16 * CPROWS, N - 16 * CPROWS)],
                                out.at[pl.ds(16 * CPROWS, N - 16 * CPROWS)])

        @pl.when(c == 0)
        def _():
            run(t0, out0)

        @pl.when(c == 1)
        def _():
            run(t1, out1)

    return segsum


def _segsum_sc(t0, t1, src2, dst2, zer, split_edges):
    return _make_segsum(bool(split_edges))(t0, t1, src2, dst2, zer)


_segsum_dispatch = _segsum_sc



def _full(shape):
    nd = len(shape)
    return pl.BlockSpec(shape, lambda i, _nd=nd: (0,) * _nd)


def _full0(shape):
    nd = len(shape)
    return pl.BlockSpec(shape, lambda _nd=nd: (0,) * _nd)


def _rowmask(i):
    rows = i * RB + lax.broadcasted_iota(jnp.int32, (RB, 1), 0)
    return rows < N


def _sigmoid(x):
    return 1.0 / (1.0 + jnp.exp(-x))


def _gin_body_l1(x_ref, a0_ref, a1_ref, w1_ref, b1_ref, w2_ref, b2_ref,
                 eps_ref, y_ref, st_ref):
    i = pl.program_id(0)
    h = (1.0 + eps_ref[0, 0]) * x_ref[...] + a0_ref[...] + a1_ref[...]
    z = jnp.maximum(jnp.dot(h, w1_ref[...], preferred_element_type=jnp.float32)
                    + b1_ref[...], 0.0)
    y = jnp.dot(z, w2_ref[...], preferred_element_type=jnp.float32) + b2_ref[...]
    ym = jnp.where(_rowmask(i), y, 0.0)
    y_ref[...] = ym
    st = jnp.concatenate([jnp.sum(ym, axis=0, keepdims=True),
                          jnp.sum(ym * ym, axis=0, keepdims=True)], axis=0)

    @pl.when(i == 0)
    def _():
        st_ref[...] = st

    @pl.when(i > 0)
    def _():
        st_ref[...] += st


def _gin_body_l23(xa_ref, xb_ref, aa_ref, ab_ref, w1_ref, b1_ref, w2_ref,
                  b2_ref, eps_ref, y_ref, st_ref):
    i = pl.program_id(0)
    x = jnp.concatenate([xa_ref[...], xb_ref[...]], axis=1)
    agg = jnp.concatenate([aa_ref[...], ab_ref[...]], axis=1)
    h = (1.0 + eps_ref[0, 0]) * x + agg
    z = jnp.maximum(jnp.dot(h, w1_ref[...], preferred_element_type=jnp.float32)
                    + b1_ref[...], 0.0)
    y = jnp.dot(z, w2_ref[...], preferred_element_type=jnp.float32) + b2_ref[...]
    ym = jnp.where(_rowmask(i), y, 0.0)
    y_ref[...] = ym
    st = jnp.concatenate([jnp.sum(ym, axis=0, keepdims=True),
                          jnp.sum(ym * ym, axis=0, keepdims=True)], axis=0)

    @pl.when(i == 0)
    def _():
        st_ref[...] = st

    @pl.when(i > 0)
    def _():
        st_ref[...] += st


def _gin_matmul(x_or_halves, agg_pair, p, din):
    b1 = p["b1"].reshape(1, -1)
    b2 = p["b2"].reshape(1, -1)
    eps = p["eps"].reshape(1, 1)
    dout = p["W1"].shape[1]
    if din == 128:
        body = _gin_body_l1
        ins = [x_or_halves, agg_pair[0], agg_pair[1]]
        in_specs = [pl.BlockSpec((RB, 128), lambda i: (i, 0))] * 3
    else:
        body = _gin_body_l23
        ins = [x_or_halves[0], x_or_halves[1], agg_pair[0], agg_pair[1]]
        in_specs = [pl.BlockSpec((RB, 128), lambda i: (i, 0))] * 4
    in_specs += [_full(p["W1"].shape), _full((1, dout)),
                 _full(p["W2"].shape), _full((1, dout)), _full((1, 1))]
    y, st = pl.pallas_call(
        body,
        grid=(NBLK,),
        in_specs=in_specs,
        out_specs=[pl.BlockSpec((RB, dout), lambda i: (i, 0)),
                   pl.BlockSpec((2, dout), lambda i: (0, 0))],
        out_shape=[jax.ShapeDtypeStruct((N, dout), jnp.float32),
                   jax.ShapeDtypeStruct((2, dout), jnp.float32)],
    )(*ins, p["W1"], b1, p["W2"], b2, eps)
    return y, st


def _norm_body(y_ref, st_ref, g_ref, beta_ref, ha_ref, hb_ref):
    m = st_ref[0:1, :] / float(N)
    v = st_ref[1:2, :] / float(N) - m * m
    inv = lax.rsqrt(v + 1e-5)
    h = jnp.maximum((y_ref[...] - m) * inv * g_ref[...] + beta_ref[...], 0.0)
    ha_ref[...] = h[:, :128]
    hb_ref[...] = h[:, 128:]


def _gin_norm(y, st, p):
    dout = y.shape[1]
    return pl.pallas_call(
        _norm_body,
        grid=(NBLK,),
        in_specs=[pl.BlockSpec((RB, dout), lambda i: (i, 0)),
                  _full((2, dout)), _full((1, dout)), _full((1, dout))],
        out_specs=[pl.BlockSpec((RB, 128), lambda i: (i, 0))] * 2,
        out_shape=[jax.ShapeDtypeStruct((N, 128), jnp.float32)] * 2,
    )(y, st, p["g"].reshape(1, -1), p["beta"].reshape(1, -1))


def _att1_body(ha_ref, hb_ref, bt_ref, a1_ref, b1_ref, a2_ref, b2_ref,
               xg_ref, s_ref, cnt_ref):
    i = pl.program_id(0)
    h = jnp.concatenate([ha_ref[...], hb_ref[...]], axis=1)
    z = jnp.maximum(jnp.dot(h, a1_ref[...], preferred_element_type=jnp.float32)
                    + b1_ref[...], 0.0)
    a = jnp.tanh(jnp.dot(z, a2_ref[...], preferred_element_type=jnp.float32)
                 + b2_ref[...])
    xg = h * (1.0 + a)
    xgm = jnp.where(_rowmask(i), xg, 0.0)
    xg_ref[...] = xgm
    bt = bt_ref[...].reshape(1, RB)
    onehot_t = jnp.where(
        lax.broadcasted_iota(jnp.int32, (B, RB), 0) == bt, 1.0, 0.0)
    s_part = jnp.dot(onehot_t, xgm, preferred_element_type=jnp.float32)
    cnt_part = jnp.sum(onehot_t, axis=1, keepdims=True)
    cnt_part = jnp.broadcast_to(cnt_part, (B, 128))

    @pl.when(i == 0)
    def _():
        s_ref[...] = s_part
        cnt_ref[...] = cnt_part

    @pl.when(i > 0)
    def _():
        s_ref[...] += s_part
        cnt_ref[...] += cnt_part


def _att2_body(s_ref, cnt_ref, w_ref, tg_ref):
    cnt = cnt_ref[:, 0:1]
    mean = jnp.where(cnt > 0, s_ref[...] / jnp.maximum(cnt, 1.0), 0.0)
    tg_ref[...] = jnp.tanh(jnp.dot(mean, w_ref[...],
                                   preferred_element_type=jnp.float32))


def _att3_body(xg_ref, bt_ref, tg_ref, out_ref):
    i = pl.program_id(0)
    xgm = jnp.where(_rowmask(i), xg_ref[...], 0.0)
    bt = bt_ref[...].reshape(1, RB)
    onehot_t = jnp.where(
        lax.broadcasted_iota(jnp.int32, (B, RB), 0) == bt, 1.0, 0.0)
    tgrow = lax.dot_general(onehot_t, tg_ref[...], (((0,), (0,)), ((), ())),
                            preferred_element_type=jnp.float32)
    coefs = _sigmoid(jnp.sum(xgm * tgrow, axis=1, keepdims=True))
    px = coefs * xgm
    p_part = jnp.dot(onehot_t, px, preferred_element_type=jnp.float32)

    @pl.when(i == 0)
    def _():
        out_ref[...] = p_part

    @pl.when(i > 0)
    def _():
        out_ref[...] += p_part


def _att_pool(ha, hb, bt3, p):
    d = p["W"].shape[0]
    r = d // 4
    xg, s, cnt = pl.pallas_call(
        _att1_body,
        grid=(NBLK,),
        in_specs=[pl.BlockSpec((RB, 128), lambda i: (i, 0)),
                  pl.BlockSpec((RB, 128), lambda i: (i, 0)),
                  pl.BlockSpec((1, 1, RB), lambda i: (i, 0, 0)),
                  _full((d, r)), _full((1, r)), _full((r, d)), _full((1, d))],
        out_specs=[pl.BlockSpec((RB, d), lambda i: (i, 0)),
                   pl.BlockSpec((B, d), lambda i: (0, 0)),
                   pl.BlockSpec((B, 128), lambda i: (0, 0))],
        out_shape=[jax.ShapeDtypeStruct((N, d), jnp.float32),
                   jax.ShapeDtypeStruct((B, d), jnp.float32),
                   jax.ShapeDtypeStruct((B, 128), jnp.float32)],
    )(ha, hb, bt3, p["A1"], p["b1"].reshape(1, -1), p["A2"],
      p["b2"].reshape(1, -1))

    tg = pl.pallas_call(
        _att2_body,
        in_specs=[_full0((B, d)), _full0((B, 128)), _full0((d, d))],
        out_specs=_full0((B, d)),
        out_shape=jax.ShapeDtypeStruct((B, d), jnp.float32),
    )(s, cnt, p["W"])

    pooled = pl.pallas_call(
        _att3_body,
        grid=(NBLK,),
        in_specs=[pl.BlockSpec((RB, d), lambda i: (i, 0)),
                  pl.BlockSpec((1, 1, RB), lambda i: (i, 0, 0)),
                  _full((B, d))],
        out_specs=pl.BlockSpec((B, d), lambda i: (0, 0)),
        out_shape=jax.ShapeDtypeStruct((B, d), jnp.float32),
    )(xg, bt3, tg)
    return pooled


def _head_body(p1a_ref, p1b_ref, p2a_ref, p2b_ref, p3a_ref, p3b_ref,
               t1s1, t1sb1, t1s2, t1sb2, t1t1, t1tb1, t1t2, t1tb2,
               t2s1, t2sb1, t2s2, t2sb2, t2t1, t2tb1, t2t2, t2tb2,
               t3s1, t3sb1, t3s2, t3sb2, t3t1, t3tb1, t3t2, t3tb2,
               saa1, sab1, saa2, sab2, fcw, fcb, out_ref):
    def dot(a, b):
        return jnp.dot(a, b, preferred_element_type=jnp.float32)

    def tn(ea, eb, s1, sb1, s2, sb2, t1, tb1, t2, tb2):
        c = jnp.concatenate([ea, eb], axis=1)
        se = _sigmoid(dot(jnp.maximum(dot(c, s1[...]) + sb1[...], 0.0),
                          s2[...]) + sb2[...])
        sf = se * c + c
        h = jnp.maximum(dot(sf, t1[...]) + tb1[...], 0.0)
        return jnp.maximum(dot(h, t2[...]) + tb2[...], 0.0)

    s1 = tn(p1a_ref[...], p1b_ref[...], t1s1, t1sb1, t1s2, t1sb2,
            t1t1, t1tb1, t1t2, t1tb2)
    s2 = tn(p2a_ref[...], p2b_ref[...], t2s1, t2sb1, t2s2, t2sb2,
            t2t1, t2tb1, t2t2, t2tb2)
    s3 = tn(p3a_ref[...], p3b_ref[...], t3s1, t3sb1, t3s2, t3sb2,
            t3t1, t3tb1, t3t2, t3tb2)
    scores = jnp.concatenate([s3, s2, s1], axis=1)
    att = _sigmoid(dot(jnp.maximum(dot(scores, saa1[...]) + sab1[...], 0.0),
                       saa2[...]) + sab2[...])
    out_ref[...] = jnp.maximum(dot(att * scores + scores, fcw[...])
                               + fcb[...], 0.0)


def _head(p1, p2, p3, params):
    ins = list(p1) + list(p2) + list(p3)
    for key in ("tn1", "tn2", "tn3"):
        t = params[key]
        ins += [t["S1"], t["sb1"].reshape(1, -1), t["S2"], t["sb2"].reshape(1, -1),
                t["T1"], t["tb1"].reshape(1, -1), t["T2"], t["tb2"].reshape(1, -1)]
    ins += [params["saA1"], params["sab1"].reshape(1, -1),
            params["saA2"], params["sab2"].reshape(1, -1),
            params["fcW"], params["fcb"].reshape(1, -1)]
    return pl.pallas_call(
        _head_body,
        in_specs=[_full0(x.shape) for x in ins],
        out_specs=_full0((B, 128)),
        out_shape=jax.ShapeDtypeStruct((B, 128), jnp.float32),
    )(*ins)



def _edge_arrays(ei):
    src = jnp.concatenate([ei[0], jnp.zeros((E_PAD - E,), jnp.int32)])
    dst = jnp.concatenate([ei[1], jnp.full((E_PAD - E,), DUMP_ROW, jnp.int32)])
    return src.reshape(E_CHUNKS, SC_K), dst.reshape(E_CHUNKS, SC_K)


def _graph_levels(params, x, src2, dst2, zer, bt3):
    a0, a1 = _segsum_dispatch(x, x, src2, dst2, zer, True)
    y, st = _gin_matmul(x, (a0, a1), params["gin1"], 128)
    h1a, h1b = _gin_norm(y, st, params["gin1"])
    aa, ab = _segsum_dispatch(h1a, h1b, src2, dst2, zer, False)
    y, st = _gin_matmul((h1a, h1b), (aa, ab), params["gin2"], 256)
    h2a, h2b = _gin_norm(y, st, params["gin2"])
    aa, ab = _segsum_dispatch(h2a, h2b, src2, dst2, zer, False)
    y, st = _gin_matmul((h2a, h2b), (aa, ab), params["gin3"], 256)
    h3a, h3b = _gin_norm(y, st, params["gin3"])
    p1 = _att_pool(h1a, h1b, bt3, params["att1"])
    p2 = _att_pool(h2a, h2b, bt3, params["att2"])
    p3 = _att_pool(h3a, h3b, bt3, params["att3"])
    return p1, p2, p3


def kernel(features_1, edge_index_1, batch_1, features_2, edge_index_2,
           batch_2, params):
    zer = jnp.zeros((ZROWS, 128), jnp.float32)
    src2_1, dst2_1 = _edge_arrays(edge_index_1)
    src2_2, dst2_2 = _edge_arrays(edge_index_2)
    pad = jnp.full((NPAD - N,), 255, jnp.int32)
    bt3_1 = jnp.concatenate([batch_1, pad]).reshape(NBLK, 1, RB)
    bt3_2 = jnp.concatenate([batch_2, pad]).reshape(NBLK, 1, RB)

    p1a, p2a, p3a = _graph_levels(params, features_1, src2_1, dst2_1, zer, bt3_1)
    p1b, p2b, p3b = _graph_levels(params, features_2, src2_2, dst2_2, zer, bt3_2)

    return _head((p1a, p1b), (p2a, p2b), (p3a, p3b), params)

# --- scband reference (transcript-rebuilt; emitter-appended) ---
"""Pipeline reference for scband-egsct-generator-87694642250032 (READ-ONLY COPY).

The authoritative reference and input builder live on the scoring server;
editing this copy changes nothing except your own understanding.
"""

import jax, jax.numpy as jnp
import numpy as np

N = 10000
E = 160000
B = 128
D_IN = 128
F1 = 256; F2 = 256; F3 = 256
BOTTLE = 128
FEAT = (F1 + F2 + F3) // 2

def _p(key, i, shape, scale=0.1):
    return jax.random.normal(jax.random.fold_in(key, i), shape, dtype=jnp.float32) * scale

def _gin(key, base, din, dout):
    return {"W1": _p(key, base, (din, dout)), "b1": jnp.zeros((dout,), jnp.float32),
            "W2": _p(key, base + 1, (dout, dout)), "b2": jnp.zeros((dout,), jnp.float32),
            "g": jnp.ones((dout,), jnp.float32), "beta": jnp.zeros((dout,), jnp.float32),
            "eps": jnp.zeros((), jnp.float32)}

def _att(key, base, d):
    r = d // 4
    return {"W": _p(key, base, (d, d)), "A1": _p(key, base + 1, (d, r)), "b1": jnp.zeros((r,), jnp.float32),
            "A2": _p(key, base + 2, (r, d)), "b2": jnp.zeros((d,), jnp.float32)}

def _tn(key, base, d):
    c = 2 * d; r = c // 4
    return {"S1": _p(key, base, (c, r)), "sb1": jnp.zeros((r,), jnp.float32),
            "S2": _p(key, base + 1, (r, c)), "sb2": jnp.zeros((c,), jnp.float32),
            "T1": _p(key, base + 2, (c, c)), "tb1": jnp.zeros((c,), jnp.float32),
            "T2": _p(key, base + 3, (c, d // 2)), "tb2": jnp.zeros((d // 2,), jnp.float32)}

def setup_inputs(seed: int = 0):
    key = jax.random.key(seed)
    features_1 = jax.random.normal(jax.random.fold_in(key, 100), (N, D_IN), dtype=jnp.float32)
    features_2 = jax.random.normal(jax.random.fold_in(key, 101), (N, D_IN), dtype=jnp.float32)
    edge_index_1 = jax.random.randint(jax.random.fold_in(key, 102), (2, E), 0, N, dtype=jnp.int32)
    edge_index_2 = jax.random.randint(jax.random.fold_in(key, 103), (2, E), 0, N, dtype=jnp.int32)
    batch_1 = jnp.sort(jax.random.randint(jax.random.fold_in(key, 104), (N,), 0, B, dtype=jnp.int32))
    batch_2 = jnp.sort(jax.random.randint(jax.random.fold_in(key, 105), (N,), 0, B, dtype=jnp.int32))
    params = {"gin1": _gin(key, 0, D_IN, F1), "gin2": _gin(key, 2, F1, F2), "gin3": _gin(key, 4, F2, F3),
              "att1": _att(key, 10, F1), "att2": _att(key, 20, F2), "att3": _att(key, 30, F3),
              "tn1": _tn(key, 40, F1), "tn2": _tn(key, 50, F2), "tn3": _tn(key, 60, F3),
              "saA1": _p(key, 70, (FEAT, FEAT // 4)), "sab1": jnp.zeros((FEAT // 4,), jnp.float32),
              "saA2": _p(key, 71, (FEAT // 4, FEAT)), "sab2": jnp.zeros((FEAT,), jnp.float32),
              "fcW": _p(key, 72, (FEAT, BOTTLE)), "fcb": jnp.zeros((BOTTLE,), jnp.float32)}
    return {"features_1": features_1, "edge_index_1": edge_index_1, "batch_1": batch_1,
            "features_2": features_2, "edge_index_2": edge_index_2, "batch_2": batch_2,
            "params": params}

def _gin_fwd(p, x, ei):
    agg = jax.ops.segment_sum(x[ei[0]], ei[1], num_segments=x.shape[0])
    h = (1.0 + p["eps"]) * x + agg
    h = jax.nn.relu(h @ p["W1"] + p["b1"]) @ p["W2"] + p["b2"]
    m = jnp.mean(h, axis=0); v = jnp.var(h, axis=0)
    return (h - m) / jnp.sqrt(v + 1e-5) * p["g"] + p["beta"]

def _att_fwd(p, x, batch):
    a = jnp.tanh(jax.nn.relu(x @ p["A1"] + p["b1"]) @ p["A2"] + p["b2"])
    x = a * x + x
    ones = jnp.ones((x.shape[0], 1), jnp.float32)
    cnt = jax.ops.segment_sum(ones, batch, num_segments=B)
    s = jax.ops.segment_sum(x, batch, num_segments=B)
    mean = jnp.where(cnt > 0, s / jnp.maximum(cnt, 1.0), 0.0)
    tg = jnp.tanh(mean @ p["W"])
    coefs = jax.nn.sigmoid(jnp.sum(x * tg[batch], axis=1))
    return jax.ops.segment_sum(coefs[:, None] * x, batch, num_segments=B)

def _tn_fwd(p, e1, e2):
    c = jnp.concatenate([e1, e2], axis=1)
    se = jax.nn.sigmoid(jax.nn.relu(c @ p["S1"] + p["sb1"]) @ p["S2"] + p["sb2"])
    sf = se * c + c
    h = jax.nn.relu(sf @ p["T1"] + p["tb1"])
    return jax.nn.relu(h @ p["T2"] + p["tb2"])

def _forward(params, f1, ei1, b1, f2, ei2, b2):
    def levels(x, ei):
        h1 = jax.nn.relu(_gin_fwd(params["gin1"], x, ei))
        h2 = jax.nn.relu(_gin_fwd(params["gin2"], h1, ei))
        h3 = jax.nn.relu(_gin_fwd(params["gin3"], h2, ei))
        return h1, h2, h3
    a1, a2, a3 = levels(f1, ei1)
    c1, c2, c3 = levels(f2, ei2)
    p1a = _att_fwd(params["att1"], a1, b1); p1b = _att_fwd(params["att1"], c1, b2)
    p2a = _att_fwd(params["att2"], a2, b1); p2b = _att_fwd(params["att2"], c2, b2)
    p3a = _att_fwd(params["att3"], a3, b1); p3b = _att_fwd(params["att3"], c3, b2)
    s1 = _tn_fwd(params["tn1"], p1a, p1b)
    s2 = _tn_fwd(params["tn2"], p2a, p2b)
    s3 = _tn_fwd(params["tn3"], p3a, p3b)
    scores = jnp.concatenate([s3, s2, s1], axis=1)
    att = jax.nn.sigmoid(jax.nn.relu(scores @ params["saA1"] + params["sab1"]) @ params["saA2"] + params["sab2"])
    return jax.nn.relu((att * scores + scores) @ params["fcW"] + params["fcb"])

def reference(features_1, edge_index_1, batch_1, features_2, edge_index_2, batch_2, params):
    return _forward(params, features_1, edge_index_1, batch_1, features_2, edge_index_2, batch_2)

if __name__ == "__main__":
    import jax
    _d = setup_inputs()
    print(jax.jit(kernel)(*tuple(_d.values())))

</pallas_src>

<mosaic_0001>
#map = affine_map<(d0, d1) -> (0, 0)>
module attributes {stable_mosaic.version = 14 : i64} {
  func.func @segsum(%arg0: i32, %arg1: i32, %arg2: memref<10000x128xf32, #tpu.memory_space<hbm>>, %arg3: memref<10000x128xf32, #tpu.memory_space<hbm>>, %arg4: memref<1280x128xi32, #tpu.memory_space<hbm>>, %arg5: memref<1280x128xi32, #tpu.memory_space<hbm>>, %arg6: memref<632x128xf32, #tpu.memory_space<hbm>>, %arg7: memref<10000x128xf32, #tpu.memory_space<hbm>>, %arg8: memref<10000x128xf32, #tpu.memory_space<hbm>>, %arg9: memref<40x128xi32, #tpu.memory_space<vmem>>, %arg10: memref<40x128xi32, #tpu.memory_space<vmem>>, %arg11: memref<128x128xf32, #tpu.memory_space<vmem>>, %arg12: memref<10112x128xf32, #tpu.memory_space<vmem_shared>>, %arg13: memref<!tpu.dma_semaphore, #tpu.memory_space<semaphore_mem>>) attributes {dimension_semantics = [#tpu.dimension_semantics<core_parallel>, #tpu.dimension_semantics<subcore_parallel>], iteration_bounds = array<i64: 2, 16>, scalar_prefetch = 0 : i64, scratch_operands = 5 : i64, tpu.core_type = #tpu.core_type<sc_vector_subcore>, window_params = [{transform_indices = #map}, {transform_indices = #map}, {transform_indices = #map}, {transform_indices = #map}, {transform_indices = #map}, {transform_indices = #map}, {transform_indices = #map}]} {
    %mul3A = arith.constant 632 : i32
    %mul3A_0 = arith.muli %arg1, %mul3A : i32
    "tpu.region"() ({
      %run_scoped3A = tpu.sem_alloc : memref<!tpu.dma_semaphore, #tpu.memory_space<semaphore_mem>>
      %dma_start3A = arith.constant 0 : i32
      %dma_start3A_12 = tpu.memref_slice %arg12[%mul3A_0, %dma_start3A] : memref<10112x128xf32, #tpu.memory_space<vmem_shared>> -> memref<632x128xf32, #tpu.memory_space<vmem_shared>>
      tpu.enqueue_dma source(%arg6 : memref<632x128xf32, #tpu.memory_space<hbm>>) target(%dma_start3A_12 : memref<632x128xf32, #tpu.memory_space<vmem_shared>>) target_semaphore(%run_scoped3A : memref<!tpu.dma_semaphore, #tpu.memory_space<semaphore_mem>>)
      %dma_wait3A = arith.constant 0 : i32
      %dma_wait3A_13 = tpu.memref_slice %arg12[%mul3A_0, %dma_wait3A] : memref<10112x128xf32, #tpu.memory_space<vmem_shared>> -> memref<632x128xf32, #tpu.memory_space<vmem_shared>>
      tpu.wait_dma2 semaphore(%run_scoped3A : memref<!tpu.dma_semaphore, #tpu.memory_space<semaphore_mem>>) src(%arg6 : memref<632x128xf32, #tpu.memory_space<hbm>>) dst(%dma_wait3A_13 : memref<632x128xf32, #tpu.memory_space<vmem_shared>>)
      tpu.yield
    }) : () -> ()
    %barrier3A = arith.constant 0 : index
    tpu.barrier barrier_id(%barrier3A)
    %mul3A_1 = arith.constant 16 : i32
    %mul3A_2 = arith.muli %arg0, %mul3A_1 : i32
    %add3A = arith.addi %mul3A_2, %arg1 : i32
    %mul3A_3 = arith.constant 40 : i32
    %mul3A_4 = arith.muli %add3A, %mul3A_3 : i32
    %eq3A = arith.constant 0 : i32
    %eq3A_5 = arith.cmpi eq, %arg0, %eq3A : i32
    %convert_element_type3A = arith.extui %eq3A_5 : i1 to i32
    %cond3A = arith.constant 0 : i32
    %cond3A_6 = arith.cmpi ne, %convert_element_type3A, %cond3A : i32
    scf.if %cond3A_6 {
      "tpu.region"() ({
        %run_scoped3A = tpu.sem_alloc : memref<!tpu.dma_semaphore, #tpu.memory_space<semaphore_mem>>
        %dma_start3A = arith.constant 0 : i32
        %dma_start3A_27 = tpu.memref_slice %arg4[%mul3A_4, %dma_start3A] : memref<1280x128xi32, #tpu.memory_space<hbm>> -> memref<40x128xi32, #tpu.memory_space<hbm>>
        %dma_start3A_28 = arith.constant 0 : i32
        %dma_start3A_29 = tpu.memref_slice %arg4[%mul3A_4, %dma_start3A_28] : memref<1280x128xi32, #tpu.memory_space<hbm>> -> memref<40x128xi32, #tpu.memory_space<hbm>>
        tpu.enqueue_dma source(%dma_start3A_29 : memref<40x128xi32, #tpu.memory_space<hbm>>) target(%arg9 : memref<40x128xi32, #tpu.memory_space<vmem>>) target_semaphore(%run_scoped3A : memref<!tpu.dma_semaphore, #tpu.memory_space<semaphore_mem>>)
        %dma_wait3A = arith.constant 0 : i32
        %dma_wait3A_30 = tpu.memref_slice %arg4[%mul3A_4, %dma_wait3A] : memref<1280x128xi32, #tpu.memory_space<hbm>> -> memref<40x128xi32, #tpu.memory_space<hbm>>
        %dma_wait3A_31 = arith.constant 0 : i32
        %dma_wait3A_32 = tpu.memref_slice %arg4[%mul3A_4, %dma_wait3A_31] : memref<1280x128xi32, #tpu.memory_space<hbm>> -> memref<40x128xi32, #tpu.memory_space<hbm>>
        tpu.wait_dma2 semaphore(%run_scoped3A : memref<!tpu.dma_semaphore, #tpu.memory_space<semaphore_mem>>) src(%dma_wait3A_32 : memref<40x128xi32, #tpu.memory_space<hbm>>) dst(%arg9 : memref<40x128xi32, #tpu.memory_space<vmem>>)
        tpu.yield
      }) : () -> ()
      "tpu.region"() ({
        %run_scoped3A = tpu.sem_alloc : memref<!tpu.dma_semaphore, #tpu.memory_space<semaphore_mem>>
        %dma_start3A = arith.constant 0 : i32
        %dma_start3A_27 = tpu.memref_slice %arg5[%mul3A_4, %dma_start3A] : memref<1280x128xi32, #tpu.memory_space<hbm>> -> memref<40x128xi32, #tpu.memory_space<hbm>>
        %dma_start3A_28 = arith.constant 0 : i32
        %dma_start3A_29 = tpu.memref_slice %arg5[%mul3A_4, %dma_start3A_28] : memref<1280x128xi32, #tpu.memory_space<hbm>> -> memref<40x128xi32, #tpu.memory_space<hbm>>
        tpu.enqueue_dma source(%dma_start3A_29 : memref<40x128xi32, #tpu.memory_space<hbm>>) target(%arg10 : memref<40x128xi32, #tpu.memory_space<vmem>>) target_semaphore(%run_scoped3A : memref<!tpu.dma_semaphore, #tpu.memory_space<semaphore_mem>>)
        %dma_wait3A = arith.constant 0 : i32
        %dma_wait3A_30 = tpu.memref_slice %arg5[%mul3A_4, %dma_wait3A] : memref<1280x128xi32, #tpu.memory_space<hbm>> -> memref<40x128xi32, #tpu.memory_space<hbm>>
        %dma_wait3A_31 = arith.constant 0 : i32
        %dma_wait3A_32 = tpu.memref_slice %arg5[%mul3A_4, %dma_wait3A_31] : memref<1280x128xi32, #tpu.memory_space<hbm>> -> memref<40x128xi32, #tpu.memory_space<hbm>>
        tpu.wait_dma2 semaphore(%run_scoped3A : memref<!tpu.dma_semaphore, #tpu.memory_space<semaphore_mem>>) src(%dma_wait3A_32 : memref<40x128xi32, #tpu.memory_space<hbm>>) dst(%arg10 : memref<40x128xi32, #tpu.memory_space<vmem>>)
        tpu.yield
      }) : () -> ()
      %scan3A = arith.constant 0 : i32
      %scan3A_12 = arith.constant 0 : i32
      %scan3A_13 = arith.constant 40 : i32
      %scan3A_14 = arith.addi %scan3A_12, %scan3A_13 : i32
      %scan3A_15 = arith.constant 1 : i32
      scf.for %scan3A_27 = %scan3A_12 to %scan3A_14 step %scan3A_15  : i32 {
        %dma_start3A = arith.constant 0 : i32
        %dma_start3A_28 = tpu.memref_slice %arg9[%scan3A_27, %dma_start3A] : memref<40x128xi32, #tpu.memory_space<vmem>> -> memref<1x128xi32, #tpu.memory_space<vmem>>
        %dma_start3A_29 = tpu.memref_squeeze %dma_start3A_28 : memref<1x128xi32, #tpu.memory_space<vmem>> -> memref<128xi32, #tpu.memory_space<vmem>>
        %dma_start3A_30 = arith.constant 0 : i32
        %dma_start3A_31 = arith.constant 0 : i32
        %dma_start3A_32 = tpu.memref_slice %arg2[%dma_start3A_30, %dma_start3A_31] : memref<10000x128xf32, #tpu.memory_space<hbm>> -> memref<10000x128xf32, #tpu.memory_space<hbm>>
        tpu.enqueue_indirect_dma source(%dma_start3A_32 : memref<10000x128xf32, #tpu.memory_space<hbm>>) target(%arg11 : memref<128x128xf32, #tpu.memory_space<vmem>>) offsets(%dma_start3A_29 : memref<128xi32, #tpu.memory_space<vmem>>) semaphore(%arg13 : memref<!tpu.dma_semaphore, #tpu.memory_space<semaphore_mem>>)
        %dma_wait3A = arith.constant 0 : i32
        %dma_wait3A_33 = tpu.memref_slice %arg9[%scan3A_27, %dma_wait3A] : memref<40x128xi32, #tpu.memory_space<vmem>> -> memref<1x128xi32, #tpu.memory_space<vmem>>
        %dma_wait3A_34 = tpu.memref_squeeze %dma_wait3A_33 : memref<1x128xi32, #tpu.memory_space<vmem>> -> memref<128xi32, #tpu.memory_space<vmem>>
        %dma_wait3A_35 = arith.constant 0 : i32
        %dma_wait3A_36 = arith.constant 0 : i32
        %dma_wait3A_37 = tpu.memref_slice %arg2[%dma_wait3A_35, %dma_wait3A_36] : memref<10000x128xf32, #tpu.memory_space<hbm>> -> memref<10000x128xf32, #tpu.memory_space<hbm>>
        tpu.wait_indirect_dma semaphore(%arg13 : memref<!tpu.dma_semaphore, #tpu.memory_space<semaphore_mem>>) src(%dma_wait3A_37 : memref<10000x128xf32, #tpu.memory_space<hbm>>) dst(%arg11 : memref<128x128xf32, #tpu.memory_space<vmem>>)
        "tpu.region"() ({
          %run_scoped3A = tpu.sem_alloc : memref<!tpu.dma_semaphore, #tpu.memory_space<semaphore_mem>>
          %dma_start3A_38 = arith.constant 0 : i32
          %dma_start3A_39 = tpu.memref_slice %arg10[%scan3A_27, %dma_start3A_38] : memref<40x128xi32, #tpu.memory_space<vmem>> -> memref<1x128xi32, #tpu.memory_space<vmem>>
          %dma_start3A_40 = tpu.memref_squeeze %dma_start3A_39 : memref<1x128xi32, #tpu.memory_space<vmem>> -> memref<128xi32, #tpu.memory_space<vmem>>
          %dma_start3A_41 = arith.constant 0 : i32
          %dma_start3A_42 = arith.constant 0 : i32
          %dma_start3A_43 = tpu.memref_slice %arg12[%dma_start3A_41, %dma_start3A_42] : memref<10112x128xf32, #tpu.memory_space<vmem_shared>> -> memref<10112x128xf32, #tpu.memory_space<vmem_shared>>
          tpu.enqueue_indirect_dma source(%arg11 : memref<128x128xf32, #tpu.memory_space<vmem>>) target(%dma_start3A_43 : memref<10112x128xf32, #tpu.memory_space<vmem_shared>>) offsets(%dma_start3A_40 : memref<128xi32, #tpu.memory_space<vmem>>) semaphore(%run_scoped3A : memref<!tpu.dma_semaphore, #tpu.memory_space<semaphore_mem>>) {add = true}
          %dma_wait3A_44 = arith.constant 0 : i32
          %dma_wait3A_45 = tpu.memref_slice %arg10[%scan3A_27, %dma_wait3A_44] : memref<40x128xi32, #tpu.memory_space<vmem>> -> memref<1x128xi32, #tpu.memory_space<vmem>>
          %dma_wait3A_46 = tpu.memref_squeeze %dma_wait3A_45 : memref<1x128xi32, #tpu.memory_space<vmem>> -> memref<128xi32, #tpu.memory_space<vmem>>
          %dma_wait3A_47 = arith.constant 0 : i32
          %dma_wait3A_48 = arith.constant 0 : i32
          %dma_wait3A_49 = tpu.memref_slice %arg12[%dma_wait3A_47, %dma_wait3A_48] : memref<10112x128xf32, #tpu.memory_space<vmem_shared>> -> memref<10112x128xf32, #tpu.memory_space<vmem_shared>>
          tpu.wait_indirect_dma semaphore(%run_scoped3A : memref<!tpu.dma_semaphore, #tpu.memory_space<semaphore_mem>>) src(%arg11 : memref<128x128xf32, #tpu.memory_space<vmem>>) dst(%dma_wait3A_49 : memref<10112x128xf32, #tpu.memory_space<vmem_shared>>)
          tpu.yield
        }) : () -> ()
      }
      %scan3A_16 = arith.constant 40 : i32
      %barrier3A_17 = arith.constant 0 : index
      tpu.barrier barrier_id(%barrier3A_17)
      %mul3A_18 = arith.constant 624 : i32
      %mul3A_19 = arith.muli %arg1, %mul3A_18 : i32
      %mul3A_20 = arith.constant 624 : i32
      %mul3A_21 = arith.muli %arg1, %mul3A_20 : i32
      "tpu.region"() ({
        %run_scoped3A = tpu.sem_alloc : memref<!tpu.dma_semaphore, #tpu.memory_space<semaphore_mem>>
        %dma_start3A = arith.constant 0 : i32
        %dma_start3A_27 = tpu.memref_slice %arg7[%mul3A_21, %dma_start3A] : memref<10000x128xf32, #tpu.memory_space<hbm>> -> memref<624x128xf32, #tpu.memory_space<hbm>>
        %dma_start3A_28 = arith.constant 0 : i32
        %dma_start3A_29 = tpu.memref_slice %arg12[%mul3A_19, %dma_start3A_28] : memref<10112x128xf32, #tpu.memory_space<vmem_shared>> -> memref<624x128xf32, #tpu.memory_space<vmem_shared>>
        tpu.enqueue_dma source(%dma_start3A_29 : memref<624x128xf32, #tpu.memory_space<vmem_shared>>) target(%dma_start3A_27 : memref<624x128xf32, #tpu.memory_space<hbm>>) target_semaphore(%run_scoped3A : memref<!tpu.dma_semaphore, #tpu.memory_space<semaphore_mem>>)
        %dma_wait3A = arith.constant 0 : i32
        %dma_wait3A_30 = tpu.memref_slice %arg7[%mul3A_21, %dma_wait3A] : memref<10000x128xf32, #tpu.memory_space<hbm>> -> memref<624x128xf32, #tpu.memory_space<hbm>>
        %dma_wait3A_31 = arith.constant 0 : i32
        %dma_wait3A_32 = tpu.memref_slice %arg12[%mul3A_19, %dma_wait3A_31] : memref<10112x128xf32, #tpu.memory_space<vmem_shared>> -> memref<624x128xf32, #tpu.memory_space<vmem_shared>>
        tpu.wait_dma2 semaphore(%run_scoped3A : memref<!tpu.dma_semaphore, #tpu.memory_space<semaphore_mem>>) src(%dma_wait3A_32 : memref<624x128xf32, #tpu.memory_space<vmem_shared>>) dst(%dma_wait3A_30 : memref<624x128xf32, #tpu.memory_space<hbm>>)
        tpu.yield
      }) : () -> ()
      %eq3A_22 = arith.constant 0 : i32
      %eq3A_23 = arith.cmpi eq, %arg1, %eq3A_22 : i32
      %convert_element_type3A_24 = arith.extui %eq3A_23 : i1 to i32
      %cond3A_25 = arith.constant 0 : i32
      %cond3A_26 = arith.cmpi ne, %convert_element_type3A_24, %cond3A_25 : i32
      scf.if %cond3A_26 {
        "tpu.region"() ({
          %run_scoped3A = tpu.sem_alloc : memref<!tpu.dma_semaphore, #tpu.memory_space<semaphore_mem>>
          %dma_start3A = arith.constant 9984 : i32
          %dma_start3A_27 = arith.constant 0 : i32
          %dma_start3A_28 = tpu.memref_slice %arg7[%dma_start3A, %dma_start3A_27] : memref<10000x128xf32, #tpu.memory_space<hbm>> -> memref<16x128xf32, #tpu.memory_space<hbm>>
          %dma_start3A_29 = arith.constant 9984 : i32
          %dma_start3A_30 = arith.constant 0 : i32
          %dma_start3A_31 = tpu.memref_slice %arg12[%dma_start3A_29, %dma_start3A_30] : memref<10112x128xf32, #tpu.memory_space<vmem_shared>> -> memref<16x128xf32, #tpu.memory_space<vmem_shared>>
          tpu.enqueue_dma source(%dma_start3A_31 : memref<16x128xf32, #tpu.memory_space<vmem_shared>>) target(%dma_start3A_28 : memref<16x128xf32, #tpu.memory_space<hbm>>) target_semaphore(%run_scoped3A : memref<!tpu.dma_semaphore, #tpu.memory_space<semaphore_mem>>)
          %dma_wait3A = arith.constant 9984 : i32
          %dma_wait3A_32 = arith.constant 0 : i32
          %dma_wait3A_33 = tpu.memref_slice %arg7[%dma_wait3A, %dma_wait3A_32] : memref<10000x128xf32, #tpu.memory_space<hbm>> -> memref<16x128xf32, #tpu.memory_space<hbm>>
          %dma_wait3A_34 = arith.constant 9984 : i32
          %dma_wait3A_35 = arith.constant 0 : i32
          %dma_wait3A_36 = tpu.memref_slice %arg12[%dma_wait3A_34, %dma_wait3A_35] : memref<10112x128xf32, #tpu.memory_space<vmem_shared>> -> memref<16x128xf32, #tpu.memory_space<vmem_shared>>
          tpu.wait_dma2 semaphore(%run_scoped3A : memref<!tpu.dma_semaphore, #tpu.memory_space<semaphore_mem>>) src(%dma_wait3A_36 : memref<16x128xf32, #tpu.memory_space<vmem_shared>>) dst(%dma_wait3A_33 : memref<16x128xf32, #tpu.memory_space<hbm>>)
          tpu.yield
        }) : () -> ()
      } else {
      }
    } else {
    }
    %eq3A_7 = arith.constant 1 : i32
    %eq3A_8 = arith.cmpi eq, %arg0, %eq3A_7 : i32
    %convert_element_type3A_9 = arith.extui %eq3A_8 : i1 to i32
    %cond3A_10 = arith.constant 0 : i32
    %cond3A_11 = arith.cmpi ne, %convert_element_type3A_9, %cond3A_10 : i32
    scf.if %cond3A_11 {
      "tpu.region"() ({
        %run_scoped3A = tpu.sem_alloc : memref<!tpu.dma_semaphore, #tpu.memory_space<semaphore_mem>>
        %dma_start3A = arith.constant 0 : i32
        %dma_start3A_27 = tpu.memref_slice %arg4[%mul3A_4, %dma_start3A] : memref<1280x128xi32, #tpu.memory_space<hbm>> -> memref<40x128xi32, #tpu.memory_space<hbm>>
        %dma_start3A_28 = arith.constant 0 : i32
        %dma_start3A_29 = tpu.memref_slice %arg4[%mul3A_4, %dma_start3A_28] : memref<1280x128xi32, #tpu.memory_space<hbm>> -> memref<40x128xi32, #tpu.memory_space<hbm>>
        tpu.enqueue_dma source(%dma_start3A_29 : memref<40x128xi32, #tpu.memory_space<hbm>>) target(%arg9 : memref<40x128xi32, #tpu.memory_space<vmem>>) target_semaphore(%run_scoped3A : memref<!tpu.dma_semaphore, #tpu.memory_space<semaphore_mem>>)
        %dma_wait3A = arith.constant 0 : i32
        %dma_wait3A_30 = tpu.memref_slice %arg4[%mul3A_4, %dma_wait3A] : memref<1280x128xi32, #tpu.memory_space<hbm>> -> memref<40x128xi32, #tpu.memory_space<hbm>>
        %dma_wait3A_31 = arith.constant 0 : i32
        %dma_wait3A_32 = tpu.memref_slice %arg4[%mul3A_4, %dma_wait3A_31] : memref<1280x128xi32, #tpu.memory_space<hbm>> -> memref<40x128xi32, #tpu.memory_space<hbm>>
        tpu.wait_dma2 semaphore(%run_scoped3A : memref<!tpu.dma_semaphore, #tpu.memory_space<semaphore_mem>>) src(%dma_wait3A_32 : memref<40x128xi32, #tpu.memory_space<hbm>>) dst(%arg9 : memref<40x128xi32, #tpu.memory_space<vmem>>)
        tpu.yield
      }) : () -> ()
      "tpu.region"() ({
        %run_scoped3A = tpu.sem_alloc : memref<!tpu.dma_semaphore, #tpu.memory_space<semaphore_mem>>
        %dma_start3A = arith.constant 0 : i32
        %dma_start3A_27 = tpu.memref_slice %arg5[%mul3A_4, %dma_start3A] : memref<1280x128xi32, #tpu.memory_space<hbm>> -> memref<40x128xi32, #tpu.memory_space<hbm>>
        %dma_start3A_28 = arith.constant 0 : i32
        %dma_start3A_29 = tpu.memref_slice %arg5[%mul3A_4, %dma_start3A_28] : memref<1280x128xi32, #tpu.memory_space<hbm>> -> memref<40x128xi32, #tpu.memory_space<hbm>>
        tpu.enqueue_dma source(%dma_start3A_29 : memref<40x128xi32, #tpu.memory_space<hbm>>) target(%arg10 : memref<40x128xi32, #tpu.memory_space<vmem>>) target_semaphore(%run_scoped3A : memref<!tpu.dma_semaphore, #tpu.memory_space<semaphore_mem>>)
        %dma_wait3A = arith.constant 0 : i32
        %dma_wait3A_30 = tpu.memref_slice %arg5[%mul3A_4, %dma_wait3A] : memref<1280x128xi32, #tpu.memory_space<hbm>> -> memref<40x128xi32, #tpu.memory_space<hbm>>
        %dma_wait3A_31 = arith.constant 0 : i32
        %dma_wait3A_32 = tpu.memref_slice %arg5[%mul3A_4, %dma_wait3A_31] : memref<1280x128xi32, #tpu.memory_space<hbm>> -> memref<40x128xi32, #tpu.memory_space<hbm>>
        tpu.wait_dma2 semaphore(%run_scoped3A : memref<!tpu.dma_semaphore, #tpu.memory_space<semaphore_mem>>) src(%dma_wait3A_32 : memref<40x128xi32, #tpu.memory_space<hbm>>) dst(%arg10 : memref<40x128xi32, #tpu.memory_space<vmem>>)
        tpu.yield
      }) : () -> ()
      %scan3A = arith.constant 0 : i32
      %scan3A_12 = arith.constant 0 : i32
      %scan3A_13 = arith.constant 40 : i32
      %scan3A_14 = arith.addi %scan3A_12, %scan3A_13 : i32
      %scan3A_15 = arith.constant 1 : i32
      scf.for %scan3A_27 = %scan3A_12 to %scan3A_14 step %scan3A_15  : i32 {
        %dma_start3A = arith.constant 0 : i32
        %dma_start3A_28 = tpu.memref_slice %arg9[%scan3A_27, %dma_start3A] : memref<40x128xi32, #tpu.memory_space<vmem>> -> memref<1x128xi32, #tpu.memory_space<vmem>>
        %dma_start3A_29 = tpu.memref_squeeze %dma_start3A_28 : memref<1x128xi32, #tpu.memory_space<vmem>> -> memref<128xi32, #tpu.memory_space<vmem>>
        %dma_start3A_30 = arith.constant 0 : i32
        %dma_start3A_31 = arith.constant 0 : i32
        %dma_start3A_32 = tpu.memref_slice %arg3[%dma_start3A_30, %dma_start3A_31] : memref<10000x128xf32, #tpu.memory_space<hbm>> -> memref<10000x128xf32, #tpu.memory_space<hbm>>
        tpu.enqueue_indirect_dma source(%dma_start3A_32 : memref<10000x128xf32, #tpu.memory_space<hbm>>) target(%arg11 : memref<128x128xf32, #tpu.memory_space<vmem>>) offsets(%dma_start3A_29 : memref<128xi32, #tpu.memory_space<vmem>>) semaphore(%arg13 : memref<!tpu.dma_semaphore, #tpu.memory_space<semaphore_mem>>)
        %dma_wait3A = arith.constant 0 : i32
        %dma_wait3A_33 = tpu.memref_slice %arg9[%scan3A_27, %dma_wait3A] : memref<40x128xi32, #tpu.memory_space<vmem>> -> memref<1x128xi32, #tpu.memory_space<vmem>>
        %dma_wait3A_34 = tpu.memref_squeeze %dma_wait3A_33 : memref<1x128xi32, #tpu.memory_space<vmem>> -> memref<128xi32, #tpu.memory_space<vmem>>
        %dma_wait3A_35 = arith.constant 0 : i32
        %dma_wait3A_36 = arith.constant 0 : i32
        %dma_wait3A_37 = tpu.memref_slice %arg3[%dma_wait3A_35, %dma_wait3A_36] : memref<10000x128xf32, #tpu.memory_space<hbm>> -> memref<10000x128xf32, #tpu.memory_space<hbm>>
        tpu.wait_indirect_dma semaphore(%arg13 : memref<!tpu.dma_semaphore, #tpu.memory_space<semaphore_mem>>) src(%dma_wait3A_37 : memref<10000x128xf32, #tpu.memory_space<hbm>>) dst(%arg11 : memref<128x128xf32, #tpu.memory_space<vmem>>)
        "tpu.region"() ({
          %run_scoped3A = tpu.sem_alloc : memref<!tpu.dma_semaphore, #tpu.memory_space<semaphore_mem>>
          %dma_start3A_38 = arith.constant 0 : i32
          %dma_start3A_39 = tpu.memref_slice %arg10[%scan3A_27, %dma_start3A_38] : memref<40x128xi32, #tpu.memory_space<vmem>> -> memref<1x128xi32, #tpu.memory_space<vmem>>
          %dma_start3A_40 = tpu.memref_squeeze %dma_start3A_39 : memref<1x128xi32, #tpu.memory_space<vmem>> -> memref<128xi32, #tpu.memory_space<vmem>>
          %dma_start3A_41 = arith.constant 0 : i32
          %dma_start3A_42 = arith.constant 0 : i32
          %dma_start3A_43 = tpu.memref_slice %arg12[%dma_start3A_41, %dma_start3A_42] : memref<10112x128xf32, #tpu.memory_space<vmem_shared>> -> memref<10112x128xf32, #tpu.memory_space<vmem_shared>>
          tpu.enqueue_indirect_dma source(%arg11 : memref<128x128xf32, #tpu.memory_space<vmem>>) target(%dma_start3A_43 : memref<10112x128xf32, #tpu.memory_space<vmem_shared>>) offsets(%dma_start3A_40 : memref<128xi32, #tpu.memory_space<vmem>>) semaphore(%run_scoped3A : memref<!tpu.dma_semaphore, #tpu.memory_space<semaphore_mem>>) {add = true}
          %dma_wait3A_44 = arith.constant 0 : i32
          %dma_wait3A_45 = tpu.memref_slice %arg10[%scan3A_27, %dma_wait3A_44] : memref<40x128xi32, #tpu.memory_space<vmem>> -> memref<1x128xi32, #tpu.memory_space<vmem>>
          %dma_wait3A_46 = tpu.memref_squeeze %dma_wait3A_45 : memref<1x128xi32, #tpu.memory_space<vmem>> -> memref<128xi32, #tpu.memory_space<vmem>>
          %dma_wait3A_47 = arith.constant 0 : i32
          %dma_wait3A_48 = arith.constant 0 : i32
          %dma_wait3A_49 = tpu.memref_slice %arg12[%dma_wait3A_47, %dma_wait3A_48] : memref<10112x128xf32, #tpu.memory_space<vmem_shared>> -> memref<10112x128xf32, #tpu.memory_space<vmem_shared>>
          tpu.wait_indirect_dma semaphore(%run_scoped3A : memref<!tpu.dma_semaphore, #tpu.memory_space<semaphore_mem>>) src(%arg11 : memref<128x128xf32, #tpu.memory_space<vmem>>) dst(%dma_wait3A_49 : memref<10112x128xf32, #tpu.memory_space<vmem_shared>>)
          tpu.yield
        }) : () -> ()
      }
      %scan3A_16 = arith.constant 40 : i32
      %barrier3A_17 = arith.constant 0 : index
      tpu.barrier barrier_id(%barrier3A_17)
      %mul3A_18 = arith.constant 624 : i32
      %mul3A_19 = arith.muli %arg1, %mul3A_18 : i32
      %mul3A_20 = arith.constant 624 : i32
      %mul3A_21 = arith.muli %arg1, %mul3A_20 : i32
      "tpu.region"() ({
        %run_scoped3A = tpu.sem_alloc : memref<!tpu.dma_semaphore, #tpu.memory_space<semaphore_mem>>
        %dma_start3A = arith.constant 0 : i32
        %dma_start3A_27 = tpu.memref_slice %arg8[%mul3A_21, %dma_start3A] : memref<10000x128xf32, #tpu.memory_space<hbm>> -> memref<624x128xf32, #tpu.memory_space<hbm>>
        %dma_start3A_28 = arith.constant 0 : i32
        %dma_start3A_29 = tpu.memref_slice %arg12[%mul3A_19, %dma_start3A_28] : memref<10112x128xf32, #tpu.memory_space<vmem_shared>> -> memref<624x128xf32, #tpu.memory_space<vmem_shared>>
        tpu.enqueue_dma source(%dma_start3A_29 : memref<624x128xf32, #tpu.memory_space<vmem_shared>>) target(%dma_start3A_27 : memref<624x128xf32, #tpu.memory_space<hbm>>) target_semaphore(%run_scoped3A : memref<!tpu.dma_semaphore, #tpu.memory_space<semaphore_mem>>)
        %dma_wait3A = arith.constant 0 : i32
        %dma_wait3A_30 = tpu.memref_slice %arg8[%mul3A_21, %dma_wait3A] : memref<10000x128xf32, #tpu.memory_space<hbm>> -> memref<624x128xf32, #tpu.memory_space<hbm>>
        %dma_wait3A_31 = arith.constant 0 : i32
        %dma_wait3A_32 = tpu.memref_slice %arg12[%mul3A_19, %dma_wait3A_31] : memref<10112x128xf32, #tpu.memory_space<vmem_shared>> -> memref<624x128xf32, #tpu.memory_space<vmem_shared>>
        tpu.wait_dma2 semaphore(%run_scoped3A : memref<!tpu.dma_semaphore, #tpu.memory_space<semaphore_mem>>) src(%dma_wait3A_32 : memref<624x128xf32, #tpu.memory_space<vmem_shared>>) dst(%dma_wait3A_30 : memref<624x128xf32, #tpu.memory_space<hbm>>)
        tpu.yield
      }) : () -> ()
      %eq3A_22 = arith.constant 0 : i32
      %eq3A_23 = arith.cmpi eq, %arg1, %eq3A_22 : i32
      %convert_element_type3A_24 = arith.extui %eq3A_23 : i1 to i32
      %cond3A_25 = arith.constant 0 : i32
      %cond3A_26 = arith.cmpi ne, %convert_element_type3A_24, %cond3A_25 : i32
      scf.if %cond3A_26 {
        "tpu.region"() ({
          %run_scoped3A = tpu.sem_alloc : memref<!tpu.dma_semaphore, #tpu.memory_space<semaphore_mem>>
          %dma_start3A = arith.constant 9984 : i32
          %dma_start3A_27 = arith.constant 0 : i32
          %dma_start3A_28 = tpu.memref_slice %arg8[%dma_start3A, %dma_start3A_27] : memref<10000x128xf32, #tpu.memory_space<hbm>> -> memref<16x128xf32, #tpu.memory_space<hbm>>
          %dma_start3A_29 = arith.constant 9984 : i32
          %dma_start3A_30 = arith.constant 0 : i32
          %dma_start3A_31 = tpu.memref_slice %arg12[%dma_start3A_29, %dma_start3A_30] : memref<10112x128xf32, #tpu.memory_space<vmem_shared>> -> memref<16x128xf32, #tpu.memory_space<vmem_shared>>
          tpu.enqueue_dma source(%dma_start3A_31 : memref<16x128xf32, #tpu.memory_space<vmem_shared>>) target(%dma_start3A_28 : memref<16x128xf32, #tpu.memory_space<hbm>>) target_semaphore(%run_scoped3A : memref<!tpu.dma_semaphore, #tpu.memory_space<semaphore_mem>>)
          %dma_wait3A = arith.constant 9984 : i32
          %dma_wait3A_32 = arith.constant 0 : i32
          %dma_wait3A_33 = tpu.memref_slice %arg8[%dma_wait3A, %dma_wait3A_32] : memref<10000x128xf32, #tpu.memory_space<hbm>> -> memref<16x128xf32, #tpu.memory_space<hbm>>
          %dma_wait3A_34 = arith.constant 9984 : i32
          %dma_wait3A_35 = arith.constant 0 : i32
          %dma_wait3A_36 = tpu.memref_slice %arg12[%dma_wait3A_34, %dma_wait3A_35] : memref<10112x128xf32, #tpu.memory_space<vmem_shared>> -> memref<16x128xf32, #tpu.memory_space<vmem_shared>>
          tpu.wait_dma2 semaphore(%run_scoped3A : memref<!tpu.dma_semaphore, #tpu.memory_space<semaphore_mem>>) src(%dma_wait3A_36 : memref<16x128xf32, #tpu.memory_space<vmem_shared>>) dst(%dma_wait3A_33 : memref<16x128xf32, #tpu.memory_space<hbm>>)
          tpu.yield
        }) : () -> ()
      } else {
      }
    } else {
    }
    return
  }
}

#map = affine_map<(d0, d1) -> (0, 0)>
module attributes {stable_mosaic.version = 14 : i64} {
  func.func @segsum(%arg0: i32, %arg1: i32, %arg2: memref<10000x128xf32, #tpu.memory_space<hbm>>, %arg3: memref<10000x128xf32, #tpu.memory_space<hbm>>, %arg4: memref<1280x128xi32, #tpu.memory_space<hbm>>, %arg5: memref<1280x128xi32, #tpu.memory_space<hbm>>, %arg6: memref<632x128xf32, #tpu.memory_space<hbm>>, %arg7: memref<10000x128xf32, #tpu.memory_space<hbm>>, %arg8: memref<10000x128xf32, #tpu.memory_space<hbm>>, %arg9: memref<80x128xi32, #tpu.memory_space<vmem>>, %arg10: memref<80x128xi32, #tpu.memory_space<vmem>>, %arg11: memref<128x128xf32, #tpu.memory_space<vmem>>, %arg12: memref<10112x128xf32, #tpu.memory_space<vmem_shared>>, %arg13: memref<!tpu.dma_semaphore, #tpu.memory_space<semaphore_mem>>) attributes {dimension_semantics = [#tpu.dimension_semantics<core_parallel>, #tpu.dimension_semantics<subcore_parallel>], iteration_bounds = array<i64: 2, 16>, scalar_prefetch = 0 : i64, scratch_operands = 5 : i64, tpu.core_type = #tpu.core_type<sc_vector_subcore>, window_params = [{transform_indices = #map}, {transform_indices = #map}, {transform_indices = #map}, {transform_indices = #map}, {transform_indices = #map}, {transform_indices = #map}, {transform_indices = #map}]} {
    %mul3A = arith.constant 632 : i32
    %mul3A_0 = arith.muli %arg1, %mul3A : i32
    "tpu.region"() ({
      %run_scoped3A = tpu.sem_alloc : memref<!tpu.dma_semaphore, #tpu.memory_space<semaphore_mem>>
      %dma_start3A = arith.constant 0 : i32
      %dma_start3A_10 = tpu.memref_slice %arg12[%mul3A_0, %dma_start3A] : memref<10112x128xf32, #tpu.memory_space<vmem_shared>> -> memref<632x128xf32, #tpu.memory_space<vmem_shared>>
      tpu.enqueue_dma source(%arg6 : memref<632x128xf32, #tpu.memory_space<hbm>>) target(%dma_start3A_10 : memref<632x128xf32, #tpu.memory_space<vmem_shared>>) target_semaphore(%run_scoped3A : memref<!tpu.dma_semaphore, #tpu.memory_space<semaphore_mem>>)
      %dma_wait3A = arith.constant 0 : i32
      %dma_wait3A_11 = tpu.memref_slice %arg12[%mul3A_0, %dma_wait3A] : memref<10112x128xf32, #tpu.memory_space<vmem_shared>> -> memref<632x128xf32, #tpu.memory_space<vmem_shared>>
      tpu.wait_dma2 semaphore(%run_scoped3A : memref<!tpu.dma_semaphore, #tpu.memory_space<semaphore_mem>>) src(%arg6 : memref<632x128xf32, #tpu.memory_space<hbm>>) dst(%dma_wait3A_11 : memref<632x128xf32, #tpu.memory_space<vmem_shared>>)
      tpu.yield
    }) : () -> ()
    %barrier3A = arith.constant 0 : index
    tpu.barrier barrier_id(%barrier3A)
    %mul3A_1 = arith.constant 80 : i32
    %mul3A_2 = arith.muli %arg1, %mul3A_1 : i32
    %eq3A = arith.constant 0 : i32
    %eq3A_3 = arith.cmpi eq, %arg0, %eq3A : i32
    %convert_element_type3A = arith.extui %eq3A_3 : i1 to i32
    %cond3A = arith.constant 0 : i32
    %cond3A_4 = arith.cmpi ne, %convert_element_type3A, %cond3A : i32
    scf.if %cond3A_4 {
      "tpu.region"() ({
        %run_scoped3A = tpu.sem_alloc : memref<!tpu.dma_semaphore, #tpu.memory_space<semaphore_mem>>
        %dma_start3A = arith.constant 0 : i32
        %dma_start3A_25 = tpu.memref_slice %arg4[%mul3A_2, %dma_start3A] : memref<1280x128xi32, #tpu.memory_space<hbm>> -> memref<80x128xi32, #tpu.memory_space<hbm>>
        %dma_start3A_26 = arith.constant 0 : i32
        %dma_start3A_27 = tpu.memref_slice %arg4[%mul3A_2, %dma_start3A_26] : memref<1280x128xi32, #tpu.memory_space<hbm>> -> memref<80x128xi32, #tpu.memory_space<hbm>>
        tpu.enqueue_dma source(%dma_start3A_27 : memref<80x128xi32, #tpu.memory_space<hbm>>) target(%arg9 : memref<80x128xi32, #tpu.memory_space<vmem>>) target_semaphore(%run_scoped3A : memref<!tpu.dma_semaphore, #tpu.memory_space<semaphore_mem>>)
        %dma_wait3A = arith.constant 0 : i32
        %dma_wait3A_28 = tpu.memref_slice %arg4[%mul3A_2, %dma_wait3A] : memref<1280x128xi32, #tpu.memory_space<hbm>> -> memref<80x128xi32, #tpu.memory_space<hbm>>
        %dma_wait3A_29 = arith.constant 0 : i32
        %dma_wait3A_30 = tpu.memref_slice %arg4[%mul3A_2, %dma_wait3A_29] : memref<1280x128xi32, #tpu.memory_space<hbm>> -> memref<80x128xi32, #tpu.memory_space<hbm>>
        tpu.wait_dma2 semaphore(%run_scoped3A : memref<!tpu.dma_semaphore, #tpu.memory_space<semaphore_mem>>) src(%dma_wait3A_30 : memref<80x128xi32, #tpu.memory_space<hbm>>) dst(%arg9 : memref<80x128xi32, #tpu.memory_space<vmem>>)
        tpu.yield
      }) : () -> ()
      "tpu.region"() ({
        %run_scoped3A = tpu.sem_alloc : memref<!tpu.dma_semaphore, #tpu.memory_space<semaphore_mem>>
        %dma_start3A = arith.constant 0 : i32
        %dma_start3A_25 = tpu.memref_slice %arg5[%mul3A_2, %dma_start3A] : memref<1280x128xi32, #tpu.memory_space<hbm>> -> memref<80x128xi32, #tpu.memory_space<hbm>>
        %dma_start3A_26 = arith.constant 0 : i32
        %dma_start3A_27 = tpu.memref_slice %arg5[%mul3A_2, %dma_start3A_26] : memref<1280x128xi32, #tpu.memory_space<hbm>> -> memref<80x128xi32, #tpu.memory_space<hbm>>
        tpu.enqueue_dma source(%dma_start3A_27 : memref<80x128xi32, #tpu.memory_space<hbm>>) target(%arg10 : memref<80x128xi32, #tpu.memory_space<vmem>>) target_semaphore(%run_scoped3A : memref<!tpu.dma_semaphore, #tpu.memory_space<semaphore_mem>>)
        %dma_wait3A = arith.constant 0 : i32
        %dma_wait3A_28 = tpu.memref_slice %arg5[%mul3A_2, %dma_wait3A] : memref<1280x128xi32, #tpu.memory_space<hbm>> -> memref<80x128xi32, #tpu.memory_space<hbm>>
        %dma_wait3A_29 = arith.constant 0 : i32
        %dma_wait3A_30 = tpu.memref_slice %arg5[%mul3A_2, %dma_wait3A_29] : memref<1280x128xi32, #tpu.memory_space<hbm>> -> memref<80x128xi32, #tpu.memory_space<hbm>>
        tpu.wait_dma2 semaphore(%run_scoped3A : memref<!tpu.dma_semaphore, #tpu.memory_space<semaphore_mem>>) src(%dma_wait3A_30 : memref<80x128xi32, #tpu.memory_space<hbm>>) dst(%arg10 : memref<80x128xi32, #tpu.memory_space<vmem>>)
        tpu.yield
      }) : () -> ()
      %scan3A = arith.constant 0 : i32
      %scan3A_10 = arith.constant 0 : i32
      %scan3A_11 = arith.constant 80 : i32
      %scan3A_12 = arith.addi %scan3A_10, %scan3A_11 : i32
      %scan3A_13 = arith.constant 1 : i32
      scf.for %scan3A_25 = %scan3A_10 to %scan3A_12 step %scan3A_13  : i32 {
        %dma_start3A = arith.constant 0 : i32
        %dma_start3A_26 = tpu.memref_slice %arg9[%scan3A_25, %dma_start3A] : memref<80x128xi32, #tpu.memory_space<vmem>> -> memref<1x128xi32, #tpu.memory_space<vmem>>
        %dma_start3A_27 = tpu.memref_squeeze %dma_start3A_26 : memref<1x128xi32, #tpu.memory_space<vmem>> -> memref<128xi32, #tpu.memory_space<vmem>>
        %dma_start3A_28 = arith.constant 0 : i32
        %dma_start3A_29 = arith.constant 0 : i32
        %dma_start3A_30 = tpu.memref_slice %arg2[%dma_start3A_28, %dma_start3A_29] : memref<10000x128xf32, #tpu.memory_space<hbm>> -> memref<10000x128xf32, #tpu.memory_space<hbm>>
        tpu.enqueue_indirect_dma source(%dma_start3A_30 : memref<10000x128xf32, #tpu.memory_space<hbm>>) target(%arg11 : memref<128x128xf32, #tpu.memory_space<vmem>>) offsets(%dma_start3A_27 : memref<128xi32, #tpu.memory_space<vmem>>) semaphore(%arg13 : memref<!tpu.dma_semaphore, #tpu.memory_space<semaphore_mem>>)
        %dma_wait3A = arith.constant 0 : i32
        %dma_wait3A_31 = tpu.memref_slice %arg9[%scan3A_25, %dma_wait3A] : memref<80x128xi32, #tpu.memory_space<vmem>> -> memref<1x128xi32, #tpu.memory_space<vmem>>
        %dma_wait3A_32 = tpu.memref_squeeze %dma_wait3A_31 : memref<1x128xi32, #tpu.memory_space<vmem>> -> memref<128xi32, #tpu.memory_space<vmem>>
        %dma_wait3A_33 = arith.constant 0 : i32
        %dma_wait3A_34 = arith.constant 0 : i32
        %dma_wait3A_35 = tpu.memref_slice %arg2[%dma_wait3A_33, %dma_wait3A_34] : memref<10000x128xf32, #tpu.memory_space<hbm>> -> memref<10000x128xf32, #tpu.memory_space<hbm>>
        tpu.wait_indirect_dma semaphore(%arg13 : memref<!tpu.dma_semaphore, #tpu.memory_space<semaphore_mem>>) src(%dma_wait3A_35 : memref<10000x128xf32, #tpu.memory_space<hbm>>) dst(%arg11 : memref<128x128xf32, #tpu.memory_space<vmem>>)
        "tpu.region"() ({
          %run_scoped3A = tpu.sem_alloc : memref<!tpu.dma_semaphore, #tpu.memory_space<semaphore_mem>>
          %dma_start3A_36 = arith.constant 0 : i32
          %dma_start3A_37 = tpu.memref_slice %arg10[%scan3A_25, %dma_start3A_36] : memref<80x128xi32, #tpu.memory_space<vmem>> -> memref<1x128xi32, #tpu.memory_space<vmem>>
          %dma_start3A_38 = tpu.memref_squeeze %dma_start3A_37 : memref<1x128xi32, #tpu.memory_space<vmem>> -> memref<128xi32, #tpu.memory_space<vmem>>
          %dma_start3A_39 = arith.constant 0 : i32
          %dma_start3A_40 = arith.constant 0 : i32
          %dma_start3A_41 = tpu.memref_slice %arg12[%dma_start3A_39, %dma_start3A_40] : memref<10112x128xf32, #tpu.memory_space<vmem_shared>> -> memref<10112x128xf32, #tpu.memory_space<vmem_shared>>
          tpu.enqueue_indirect_dma source(%arg11 : memref<128x128xf32, #tpu.memory_space<vmem>>) target(%dma_start3A_41 : memref<10112x128xf32, #tpu.memory_space<vmem_shared>>) offsets(%dma_start3A_38 : memref<128xi32, #tpu.memory_space<vmem>>) semaphore(%run_scoped3A : memref<!tpu.dma_semaphore, #tpu.memory_space<semaphore_mem>>) {add = true}
          %dma_wait3A_42 = arith.constant 0 : i32
          %dma_wait3A_43 = tpu.memref_slice %arg10[%scan3A_25, %dma_wait3A_42] : memref<80x128xi32, #tpu.memory_space<vmem>> -> memref<1x128xi32, #tpu.memory_space<vmem>>
          %dma_wait3A_44 = tpu.memref_squeeze %dma_wait3A_43 : memref<1x128xi32, #tpu.memory_space<vmem>> -> memref<128xi32, #tpu.memory_space<vmem>>
          %dma_wait3A_45 = arith.constant 0 : i32
          %dma_wait3A_46 = arith.constant 0 : i32
          %dma_wait3A_47 = tpu.memref_slice %arg12[%dma_wait3A_45, %dma_wait3A_46] : memref<10112x128xf32, #tpu.memory_space<vmem_shared>> -> memref<10112x128xf32, #tpu.memory_space<vmem_shared>>
          tpu.wait_indirect_dma semaphore(%run_scoped3A : memref<!tpu.dma_semaphore, #tpu.memory_space<semaphore_mem>>) src(%arg11 : memref<128x128xf32, #tpu.memory_space<vmem>>) dst(%dma_wait3A_47 : memref<10112x128xf32, #tpu.memory_space<vmem_shared>>)
          tpu.yield
        }) : () -> ()
      }
      %scan3A_14 = arith.constant 80 : i32
      %barrier3A_15 = arith.constant 0 : index
      tpu.barrier barrier_id(%barrier3A_15)
      %mul3A_16 = arith.constant 624 : i32
      %mul3A_17 = arith.muli %arg1, %mul3A_16 : i32
      %mul3A_18 = arith.constant 624 : i32
      %mul3A_19 = arith.muli %arg1, %mul3A_18 : i32
      "tpu.region"() ({
        %run_scoped3A = tpu.sem_alloc : memref<!tpu.dma_semaphore, #tpu.memory_space<semaphore_mem>>
        %dma_start3A = arith.constant 0 : i32
        %dma_start3A_25 = tpu.memref_slice %arg7[%mul3A_19, %dma_start3A] : memref<10000x128xf32, #tpu.memory_space<hbm>> -> memref<624x128xf32, #tpu.memory_space<hbm>>
        %dma_start3A_26 = arith.constant 0 : i32
        %dma_start3A_27 = tpu.memref_slice %arg12[%mul3A_17, %dma_start3A_26] : memref<10112x128xf32, #tpu.memory_space<vmem_shared>> -> memref<624x128xf32, #tpu.memory_space<vmem_shared>>
        tpu.enqueue_dma source(%dma_start3A_27 : memref<624x128xf32, #tpu.memory_space<vmem_shared>>) target(%dma_start3A_25 : memref<624x128xf32, #tpu.memory_space<hbm>>) target_semaphore(%run_scoped3A : memref<!tpu.dma_semaphore, #tpu.memory_space<semaphore_mem>>)
        %dma_wait3A = arith.constant 0 : i32
        %dma_wait3A_28 = tpu.memref_slice %arg7[%mul3A_19, %dma_wait3A] : memref<10000x128xf32, #tpu.memory_space<hbm>> -> memref<624x128xf32, #tpu.memory_space<hbm>>
        %dma_wait3A_29 = arith.constant 0 : i32
        %dma_wait3A_30 = tpu.memref_slice %arg12[%mul3A_17, %dma_wait3A_29] : memref<10112x128xf32, #tpu.memory_space<vmem_shared>> -> memref<624x128xf32, #tpu.memory_space<vmem_shared>>
        tpu.wait_dma2 semaphore(%run_scoped3A : memref<!tpu.dma_semaphore, #tpu.memory_space<semaphore_mem>>) src(%dma_wait3A_30 : memref<624x128xf32, #tpu.memory_space<vmem_shared>>) dst(%dma_wait3A_28 : memref<624x128xf32, #tpu.memory_space<hbm>>)
        tpu.yield
      }) : () -> ()
      %eq3A_20 = arith.constant 0 : i32
      %eq3A_21 = arith.cmpi eq, %arg1, %eq3A_20 : i32
      %convert_element_type3A_22 = arith.extui %eq3A_21 : i1 to i32
      %cond3A_23 = arith.constant 0 : i32
      %cond3A_24 = arith.cmpi ne, %convert_element_type3A_22, %cond3A_23 : i32
      scf.if %cond3A_24 {
        "tpu.region"() ({
          %run_scoped3A = tpu.sem_alloc : memref<!tpu.dma_semaphore, #tpu.memory_space<semaphore_mem>>
          %dma_start3A = arith.constant 9984 : i32
          %dma_start3A_25 = arith.constant 0 : i32
          %dma_start3A_26 = tpu.memref_slice %arg7[%dma_start3A, %dma_start3A_25] : memref<10000x128xf32, #tpu.memory_space<hbm>> -> memref<16x128xf32, #tpu.memory_space<hbm>>
          %dma_start3A_27 = arith.constant 9984 : i32
          %dma_start3A_28 = arith.constant 0 : i32
          %dma_start3A_29 = tpu.memref_slice %arg12[%dma_start3A_27, %dma_start3A_28] : memref<10112x128xf32, #tpu.memory_space<vmem_shared>> -> memref<16x128xf32, #tpu.memory_space<vmem_shared>>
          tpu.enqueue_dma source(%dma_start3A_29 : memref<16x128xf32, #tpu.memory_space<vmem_shared>>) target(%dma_start3A_26 : memref<16x128xf32, #tpu.memory_space<hbm>>) target_semaphore(%run_scoped3A : memref<!tpu.dma_semaphore, #tpu.memory_space<semaphore_mem>>)
          %dma_wait3A = arith.constant 9984 : i32
          %dma_wait3A_30 = arith.constant 0 : i32
          %dma_wait3A_31 = tpu.memref_slice %arg7[%dma_wait3A, %dma_wait3A_30] : memref<10000x128xf32, #tpu.memory_space<hbm>> -> memref<16x128xf32, #tpu.memory_space<hbm>>
          %dma_wait3A_32 = arith.constant 9984 : i32
          %dma_wait3A_33 = arith.constant 0 : i32
          %dma_wait3A_34 = tpu.memref_slice %arg12[%dma_wait3A_32, %dma_wait3A_33] : memref<10112x128xf32, #tpu.memory_space<vmem_shared>> -> memref<16x128xf32, #tpu.memory_space<vmem_shared>>
          tpu.wait_dma2 semaphore(%run_scoped3A : memref<!tpu.dma_semaphore, #tpu.memory_space<semaphore_mem>>) src(%dma_wait3A_34 : memref<16x128xf32, #tpu.memory_space<vmem_shared>>) dst(%dma_wait3A_31 : memref<16x128xf32, #tpu.memory_space<hbm>>)
          tpu.yield
        }) : () -> ()
      } else {
      }
    } else {
    }
    %eq3A_5 = arith.constant 1 : i32
    %eq3A_6 = arith.cmpi eq, %arg0, %eq3A_5 : i32
    %convert_element_type3A_7 = arith.extui %eq3A_6 : i1 to i32
    %cond3A_8 = arith.constant 0 : i32
    %cond3A_9 = arith.cmpi ne, %convert_element_type3A_7, %cond3A_8 : i32
    scf.if %cond3A_9 {
      "tpu.region"() ({
        %run_scoped3A = tpu.sem_alloc : memref<!tpu.dma_semaphore, #tpu.memory_space<semaphore_mem>>
        %dma_start3A = arith.constant 0 : i32
        %dma_start3A_25 = tpu.memref_slice %arg4[%mul3A_2, %dma_start3A] : memref<1280x128xi32, #tpu.memory_space<hbm>> -> memref<80x128xi32, #tpu.memory_space<hbm>>
        %dma_start3A_26 = arith.constant 0 : i32
        %dma_start3A_27 = tpu.memref_slice %arg4[%mul3A_2, %dma_start3A_26] : memref<1280x128xi32, #tpu.memory_space<hbm>> -> memref<80x128xi32, #tpu.memory_space<hbm>>
        tpu.enqueue_dma source(%dma_start3A_27 : memref<80x128xi32, #tpu.memory_space<hbm>>) target(%arg9 : memref<80x128xi32, #tpu.memory_space<vmem>>) target_semaphore(%run_scoped3A : memref<!tpu.dma_semaphore, #tpu.memory_space<semaphore_mem>>)
        %dma_wait3A = arith.constant 0 : i32
        %dma_wait3A_28 = tpu.memref_slice %arg4[%mul3A_2, %dma_wait3A] : memref<1280x128xi32, #tpu.memory_space<hbm>> -> memref<80x128xi32, #tpu.memory_space<hbm>>
        %dma_wait3A_29 = arith.constant 0 : i32
        %dma_wait3A_30 = tpu.memref_slice %arg4[%mul3A_2, %dma_wait3A_29] : memref<1280x128xi32, #tpu.memory_space<hbm>> -> memref<80x128xi32, #tpu.memory_space<hbm>>
        tpu.wait_dma2 semaphore(%run_scoped3A : memref<!tpu.dma_semaphore, #tpu.memory_space<semaphore_mem>>) src(%dma_wait3A_30 : memref<80x128xi32, #tpu.memory_space<hbm>>) dst(%arg9 : memref<80x128xi32, #tpu.memory_space<vmem>>)
        tpu.yield
      }) : () -> ()
      "tpu.region"() ({
        %run_scoped3A = tpu.sem_alloc : memref<!tpu.dma_semaphore, #tpu.memory_space<semaphore_mem>>
        %dma_start3A = arith.constant 0 : i32
        %dma_start3A_25 = tpu.memref_slice %arg5[%mul3A_2, %dma_start3A] : memref<1280x128xi32, #tpu.memory_space<hbm>> -> memref<80x128xi32, #tpu.memory_space<hbm>>
        %dma_start3A_26 = arith.constant 0 : i32
        %dma_start3A_27 = tpu.memref_slice %arg5[%mul3A_2, %dma_start3A_26] : memref<1280x128xi32, #tpu.memory_space<hbm>> -> memref<80x128xi32, #tpu.memory_space<hbm>>
        tpu.enqueue_dma source(%dma_start3A_27 : memref<80x128xi32, #tpu.memory_space<hbm>>) target(%arg10 : memref<80x128xi32, #tpu.memory_space<vmem>>) target_semaphore(%run_scoped3A : memref<!tpu.dma_semaphore, #tpu.memory_space<semaphore_mem>>)
        %dma_wait3A = arith.constant 0 : i32
        %dma_wait3A_28 = tpu.memref_slice %arg5[%mul3A_2, %dma_wait3A] : memref<1280x128xi32, #tpu.memory_space<hbm>> -> memref<80x128xi32, #tpu.memory_space<hbm>>
        %dma_wait3A_29 = arith.constant 0 : i32
        %dma_wait3A_30 = tpu.memref_slice %arg5[%mul3A_2, %dma_wait3A_29] : memref<1280x128xi32, #tpu.memory_space<hbm>> -> memref<80x128xi32, #tpu.memory_space<hbm>>
        tpu.wait_dma2 semaphore(%run_scoped3A : memref<!tpu.dma_semaphore, #tpu.memory_space<semaphore_mem>>) src(%dma_wait3A_30 : memref<80x128xi32, #tpu.memory_space<hbm>>) dst(%arg10 : memref<80x128xi32, #tpu.memory_space<vmem>>)
        tpu.yield
      }) : () -> ()
      %scan3A = arith.constant 0 : i32
      %scan3A_10 = arith.constant 0 : i32
      %scan3A_11 = arith.constant 80 : i32
      %scan3A_12 = arith.addi %scan3A_10, %scan3A_11 : i32
      %scan3A_13 = arith.constant 1 : i32
      scf.for %scan3A_25 = %scan3A_10 to %scan3A_12 step %scan3A_13  : i32 {
        %dma_start3A = arith.constant 0 : i32
        %dma_start3A_26 = tpu.memref_slice %arg9[%scan3A_25, %dma_start3A] : memref<80x128xi32, #tpu.memory_space<vmem>> -> memref<1x128xi32, #tpu.memory_space<vmem>>
        %dma_start3A_27 = tpu.memref_squeeze %dma_start3A_26 : memref<1x128xi32, #tpu.memory_space<vmem>> -> memref<128xi32, #tpu.memory_space<vmem>>
        %dma_start3A_28 = arith.constant 0 : i32
        %dma_start3A_29 = arith.constant 0 : i32
        %dma_start3A_30 = tpu.memref_slice %arg3[%dma_start3A_28, %dma_start3A_29] : memref<10000x128xf32, #tpu.memory_space<hbm>> -> memref<10000x128xf32, #tpu.memory_space<hbm>>
        tpu.enqueue_indirect_dma source(%dma_start3A_30 : memref<10000x128xf32, #tpu.memory_space<hbm>>) target(%arg11 : memref<128x128xf32, #tpu.memory_space<vmem>>) offsets(%dma_start3A_27 : memref<128xi32, #tpu.memory_space<vmem>>) semaphore(%arg13 : memref<!tpu.dma_semaphore, #tpu.memory_space<semaphore_mem>>)
        %dma_wait3A = arith.constant 0 : i32
        %dma_wait3A_31 = tpu.memref_slice %arg9[%scan3A_25, %dma_wait3A] : memref<80x128xi32, #tpu.memory_space<vmem>> -> memref<1x128xi32, #tpu.memory_space<vmem>>
        %dma_wait3A_32 = tpu.memref_squeeze %dma_wait3A_31 : memref<1x128xi32, #tpu.memory_space<vmem>> -> memref<128xi32, #tpu.memory_space<vmem>>
        %dma_wait3A_33 = arith.constant 0 : i32
        %dma_wait3A_34 = arith.constant 0 : i32
        %dma_wait3A_35 = tpu.memref_slice %arg3[%dma_wait3A_33, %dma_wait3A_34] : memref<10000x128xf32, #tpu.memory_space<hbm>> -> memref<10000x128xf32, #tpu.memory_space<hbm>>
        tpu.wait_indirect_dma semaphore(%arg13 : memref<!tpu.dma_semaphore, #tpu.memory_space<semaphore_mem>>) src(%dma_wait3A_35 : memref<10000x128xf32, #tpu.memory_space<hbm>>) dst(%arg11 : memref<128x128xf32, #tpu.memory_space<vmem>>)
        "tpu.region"() ({
          %run_scoped3A = tpu.sem_alloc : memref<!tpu.dma_semaphore, #tpu.memory_space<semaphore_mem>>
          %dma_start3A_36 = arith.constant 0 : i32
          %dma_start3A_37 = tpu.memref_slice %arg10[%scan3A_25, %dma_start3A_36] : memref<80x128xi32, #tpu.memory_space<vmem>> -> memref<1x128xi32, #tpu.memory_space<vmem>>
          %dma_start3A_38 = tpu.memref_squeeze %dma_start3A_37 : memref<1x128xi32, #tpu.memory_space<vmem>> -> memref<128xi32, #tpu.memory_space<vmem>>
          %dma_start3A_39 = arith.constant 0 : i32
          %dma_start3A_40 = arith.constant 0 : i32
          %dma_start3A_41 = tpu.memref_slice %arg12[%dma_start3A_39, %dma_start3A_40] : memref<10112x128xf32, #tpu.memory_space<vmem_shared>> -> memref<10112x128xf32, #tpu.memory_space<vmem_shared>>
          tpu.enqueue_indirect_dma source(%arg11 : memref<128x128xf32, #tpu.memory_space<vmem>>) target(%dma_start3A_41 : memref<10112x128xf32, #tpu.memory_space<vmem_shared>>) offsets(%dma_start3A_38 : memref<128xi32, #tpu.memory_space<vmem>>) semaphore(%run_scoped3A : memref<!tpu.dma_semaphore, #tpu.memory_space<semaphore_mem>>) {add = true}
          %dma_wait3A_42 = arith.constant 0 : i32
          %dma_wait3A_43 = tpu.memref_slice %arg10[%scan3A_25, %dma_wait3A_42] : memref<80x128xi32, #tpu.memory_space<vmem>> -> memref<1x128xi32, #tpu.memory_space<vmem>>
          %dma_wait3A_44 = tpu.memref_squeeze %dma_wait3A_43 : memref<1x128xi32, #tpu.memory_space<vmem>> -> memref<128xi32, #tpu.memory_space<vmem>>
          %dma_wait3A_45 = arith.constant 0 : i32
          %dma_wait3A_46 = arith.constant 0 : i32
          %dma_wait3A_47 = tpu.memref_slice %arg12[%dma_wait3A_45, %dma_wait3A_46] : memref<10112x128xf32, #tpu.memory_space<vmem_shared>> -> memref<10112x128xf32, #tpu.memory_space<vmem_shared>>
          tpu.wait_indirect_dma semaphore(%run_scoped3A : memref<!tpu.dma_semaphore, #tpu.memory_space<semaphore_mem>>) src(%arg11 : memref<128x128xf32, #tpu.memory_space<vmem>>) dst(%dma_wait3A_47 : memref<10112x128xf32, #tpu.memory_space<vmem_shared>>)
          tpu.yield
        }) : () -> ()
      }
      %scan3A_14 = arith.constant 80 : i32
      %barrier3A_15 = arith.constant 0 : index
      tpu.barrier barrier_id(%barrier3A_15)
      %mul3A_16 = arith.constant 624 : i32
      %mul3A_17 = arith.muli %arg1, %mul3A_16 : i32
      %mul3A_18 = arith.constant 624 : i32
      %mul3A_19 = arith.muli %arg1, %mul3A_18 : i32
      "tpu.region"() ({
        %run_scoped3A = tpu.sem_alloc : memref<!tpu.dma_semaphore, #tpu.memory_space<semaphore_mem>>
        %dma_start3A = arith.constant 0 : i32
        %dma_start3A_25 = tpu.memref_slice %arg8[%mul3A_19, %dma_start3A] : memref<10000x128xf32, #tpu.memory_space<hbm>> -> memref<624x128xf32, #tpu.memory_space<hbm>>
        %dma_start3A_26 = arith.constant 0 : i32
        %dma_start3A_27 = tpu.memref_slice %arg12[%mul3A_17, %dma_start3A_26] : memref<10112x128xf32, #tpu.memory_space<vmem_shared>> -> memref<624x128xf32, #tpu.memory_space<vmem_shared>>
        tpu.enqueue_dma source(%dma_start3A_27 : memref<624x128xf32, #tpu.memory_space<vmem_shared>>) target(%dma_start3A_25 : memref<624x128xf32, #tpu.memory_space<hbm>>) target_semaphore(%run_scoped3A : memref<!tpu.dma_semaphore, #tpu.memory_space<semaphore_mem>>)
        %dma_wait3A = arith.constant 0 : i32
        %dma_wait3A_28 = tpu.memref_slice %arg8[%mul3A_19, %dma_wait3A] : memref<10000x128xf32, #tpu.memory_space<hbm>> -> memref<624x128xf32, #tpu.memory_space<hbm>>
        %dma_wait3A_29 = arith.constant 0 : i32
        %dma_wait3A_30 = tpu.memref_slice %arg12[%mul3A_17, %dma_wait3A_29] : memref<10112x128xf32, #tpu.memory_space<vmem_shared>> -> memref<624x128xf32, #tpu.memory_space<vmem_shared>>
        tpu.wait_dma2 semaphore(%run_scoped3A : memref<!tpu.dma_semaphore, #tpu.memory_space<semaphore_mem>>) src(%dma_wait3A_30 : memref<624x128xf32, #tpu.memory_space<vmem_shared>>) dst(%dma_wait3A_28 : memref<624x128xf32, #tpu.memory_space<hbm>>)
        tpu.yield
      }) : () -> ()
      %eq3A_20 = arith.constant 0 : i32
      %eq3A_21 = arith.cmpi eq, %arg1, %eq3A_20 : i32
      %convert_element_type3A_22 = arith.extui %eq3A_21 : i1 to i32
      %cond3A_23 = arith.constant 0 : i32
      %cond3A_24 = arith.cmpi ne, %convert_element_type3A_22, %cond3A_23 : i32
      scf.if %cond3A_24 {
        "tpu.region"() ({
          %run_scoped3A = tpu.sem_alloc : memref<!tpu.dma_semaphore, #tpu.memory_space<semaphore_mem>>
          %dma_start3A = arith.constant 9984 : i32
          %dma_start3A_25 = arith.constant 0 : i32
          %dma_start3A_26 = tpu.memref_slice %arg8[%dma_start3A, %dma_start3A_25] : memref<10000x128xf32, #tpu.memory_space<hbm>> -> memref<16x128xf32, #tpu.memory_space<hbm>>
          %dma_start3A_27 = arith.constant 9984 : i32
          %dma_start3A_28 = arith.constant 0 : i32
          %dma_start3A_29 = tpu.memref_slice %arg12[%dma_start3A_27, %dma_start3A_28] : memref<10112x128xf32, #tpu.memory_space<vmem_shared>> -> memref<16x128xf32, #tpu.memory_space<vmem_shared>>
          tpu.enqueue_dma source(%dma_start3A_29 : memref<16x128xf32, #tpu.memory_space<vmem_shared>>) target(%dma_start3A_26 : memref<16x128xf32, #tpu.memory_space<hbm>>) target_semaphore(%run_scoped3A : memref<!tpu.dma_semaphore, #tpu.memory_space<semaphore_mem>>)
          %dma_wait3A = arith.constant 9984 : i32
          %dma_wait3A_30 = arith.constant 0 : i32
          %dma_wait3A_31 = tpu.memref_slice %arg8[%dma_wait3A, %dma_wait3A_30] : memref<10000x128xf32, #tpu.memory_space<hbm>> -> memref<16x128xf32, #tpu.memory_space<hbm>>
          %dma_wait3A_32 = arith.constant 9984 : i32
          %dma_wait3A_33 = arith.constant 0 : i32
          %dma_wait3A_34 = tpu.memref_slice %arg12[%dma_wait3A_32, %dma_wait3A_33] : memref<10112x128xf32, #tpu.memory_space<vmem_shared>> -> memref<16x128xf32, #tpu.memory_space<vmem_shared>>
          tpu.wait_dma2 semaphore(%run_scoped3A : memref<!tpu.dma_semaphore, #tpu.memory_space<semaphore_mem>>) src(%dma_wait3A_34 : memref<16x128xf32, #tpu.memory_space<vmem_shared>>) dst(%dma_wait3A_31 : memref<16x128xf32, #tpu.memory_space<hbm>>)
          tpu.yield
        }) : () -> ()
      } else {
      }
    } else {
    }
    return
  }
}

#map = affine_map<(d0, d1) -> (0, 0)>
module attributes {stable_mosaic.version = 14 : i64} {
  func.func @segsum(%arg0: i32, %arg1: i32, %arg2: memref<10000x128xf32, #tpu.memory_space<hbm>>, %arg3: memref<10000x128xf32, #tpu.memory_space<hbm>>, %arg4: memref<1280x128xi32, #tpu.memory_space<hbm>>, %arg5: memref<1280x128xi32, #tpu.memory_space<hbm>>, %arg6: memref<632x128xf32, #tpu.memory_space<hbm>>, %arg7: memref<10000x128xf32, #tpu.memory_space<hbm>>, %arg8: memref<10000x128xf32, #tpu.memory_space<hbm>>, %arg9: memref<80x128xi32, #tpu.memory_space<vmem>>, %arg10: memref<80x128xi32, #tpu.memory_space<vmem>>, %arg11: memref<128x128xf32, #tpu.memory_space<vmem>>, %arg12: memref<10112x128xf32, #tpu.memory_space<vmem_shared>>, %arg13: memref<!tpu.dma_semaphore, #tpu.memory_space<semaphore_mem>>) attributes {dimension_semantics = [#tpu.dimension_semantics<core_parallel>, #tpu.dimension_semantics<subcore_parallel>], iteration_bounds = array<i64: 2, 16>, scalar_prefetch = 0 : i64, scratch_operands = 5 : i64, tpu.core_type = #tpu.core_type<sc_vector_subcore>, window_params = [{transform_indices = #map}, {transform_indices = #map}, {transform_indices = #map}, {transform_indices = #map}, {transform_indices = #map}, {transform_indices = #map}, {transform_indices = #map}]} {
    %mul3A = arith.constant 632 : i32
    %mul3A_0 = arith.muli %arg1, %mul3A : i32
    "tpu.region"() ({
      %run_scoped3A = tpu.sem_alloc : memref<!tpu.dma_semaphore, #tpu.memory_space<semaphore_mem>>
      %dma_start3A = arith.constant 0 : i32
      %dma_start3A_10 = tpu.memref_slice %arg12[%mul3A_0, %dma_start3A] : memref<10112x128xf32, #tpu.memory_space<vmem_shared>> -> memref<632x128xf32, #tpu.memory_space<vmem_shared>>
      tpu.enqueue_dma source(%arg6 : memref<632x128xf32, #tpu.memory_space<hbm>>) target(%dma_start3A_10 : memref<632x128xf32, #tpu.memory_space<vmem_shared>>) target_semaphore(%run_scoped3A : memref<!tpu.dma_semaphore, #tpu.memory_space<semaphore_mem>>)
      %dma_wait3A = arith.constant 0 : i32
      %dma_wait3A_11 = tpu.memref_slice %arg12[%mul3A_0, %dma_wait3A] : memref<10112x128xf32, #tpu.memory_space<vmem_shared>> -> memref<632x128xf32, #tpu.memory_space<vmem_shared>>
      tpu.wait_dma2 semaphore(%run_scoped3A : memref<!tpu.dma_semaphore, #tpu.memory_space<semaphore_mem>>) src(%arg6 : memref<632x128xf32, #tpu.memory_space<hbm>>) dst(%dma_wait3A_11 : memref<632x128xf32, #tpu.memory_space<vmem_shared>>)
      tpu.yield
    }) : () -> ()
    %barrier3A = arith.constant 0 : index
    tpu.barrier barrier_id(%barrier3A)
    %mul3A_1 = arith.constant 80 : i32
    %mul3A_2 = arith.muli %arg1, %mul3A_1 : i32
    %eq3A = arith.constant 0 : i32
    %eq3A_3 = arith.cmpi eq, %arg0, %eq3A : i32
    %convert_element_type3A = arith.extui %eq3A_3 : i1 to i32
    %cond3A = arith.constant 0 : i32
    %cond3A_4 = arith.cmpi ne, %convert_element_type3A, %cond3A : i32
    scf.if %cond3A_4 {
      "tpu.region"() ({
        %run_scoped3A = tpu.sem_alloc : memref<!tpu.dma_semaphore, #tpu.memory_space<semaphore_mem>>
        %dma_start3A = arith.constant 0 : i32
        %dma_start3A_25 = tpu.memref_slice %arg4[%mul3A_2, %dma_start3A] : memref<1280x128xi32, #tpu.memory_space<hbm>> -> memref<80x128xi32, #tpu.memory_space<hbm>>
        %dma_start3A_26 = arith.constant 0 : i32
        %dma_start3A_27 = tpu.memref_slice %arg4[%mul3A_2, %dma_start3A_26] : memref<1280x128xi32, #tpu.memory_space<hbm>> -> memref<80x128xi32, #tpu.memory_space<hbm>>
        tpu.enqueue_dma source(%dma_start3A_27 : memref<80x128xi32, #tpu.memory_space<hbm>>) target(%arg9 : memref<80x128xi32, #tpu.memory_space<vmem>>) target_semaphore(%run_scoped3A : memref<!tpu.dma_semaphore, #tpu.memory_space<semaphore_mem>>)
        %dma_wait3A = arith.constant 0 : i32
        %dma_wait3A_28 = tpu.memref_slice %arg4[%mul3A_2, %dma_wait3A] : memref<1280x128xi32, #tpu.memory_space<hbm>> -> memref<80x128xi32, #tpu.memory_space<hbm>>
        %dma_wait3A_29 = arith.constant 0 : i32
        %dma_wait3A_30 = tpu.memref_slice %arg4[%mul3A_2, %dma_wait3A_29] : memref<1280x128xi32, #tpu.memory_space<hbm>> -> memref<80x128xi32, #tpu.memory_space<hbm>>
        tpu.wait_dma2 semaphore(%run_scoped3A : memref<!tpu.dma_semaphore, #tpu.memory_space<semaphore_mem>>) src(%dma_wait3A_30 : memref<80x128xi32, #tpu.memory_space<hbm>>) dst(%arg9 : memref<80x128xi32, #tpu.memory_space<vmem>>)
        tpu.yield
      }) : () -> ()
      "tpu.region"() ({
        %run_scoped3A = tpu.sem_alloc : memref<!tpu.dma_semaphore, #tpu.memory_space<semaphore_mem>>
        %dma_start3A = arith.constant 0 : i32
        %dma_start3A_25 = tpu.memref_slice %arg5[%mul3A_2, %dma_start3A] : memref<1280x128xi32, #tpu.memory_space<hbm>> -> memref<80x128xi32, #tpu.memory_space<hbm>>
        %dma_start3A_26 = arith.constant 0 : i32
        %dma_start3A_27 = tpu.memref_slice %arg5[%mul3A_2, %dma_start3A_26] : memref<1280x128xi32, #tpu.memory_space<hbm>> -> memref<80x128xi32, #tpu.memory_space<hbm>>
        tpu.enqueue_dma source(%dma_start3A_27 : memref<80x128xi32, #tpu.memory_space<hbm>>) target(%arg10 : memref<80x128xi32, #tpu.memory_space<vmem>>) target_semaphore(%run_scoped3A : memref<!tpu.dma_semaphore, #tpu.memory_space<semaphore_mem>>)
        %dma_wait3A = arith.constant 0 : i32
        %dma_wait3A_28 = tpu.memref_slice %arg5[%mul3A_2, %dma_wait3A] : memref<1280x128xi32, #tpu.memory_space<hbm>> -> memref<80x128xi32, #tpu.memory_space<hbm>>
        %dma_wait3A_29 = arith.constant 0 : i32
        %dma_wait3A_30 = tpu.memref_slice %arg5[%mul3A_2, %dma_wait3A_29] : memref<1280x128xi32, #tpu.memory_space<hbm>> -> memref<80x128xi32, #tpu.memory_space<hbm>>
        tpu.wait_dma2 semaphore(%run_scoped3A : memref<!tpu.dma_semaphore, #tpu.memory_space<semaphore_mem>>) src(%dma_wait3A_30 : memref<80x128xi32, #tpu.memory_space<hbm>>) dst(%arg10 : memref<80x128xi32, #tpu.memory_space<vmem>>)
        tpu.yield
      }) : () -> ()
      %scan3A = arith.constant 0 : i32
      %scan3A_10 = arith.constant 0 : i32
      %scan3A_11 = arith.constant 80 : i32
      %scan3A_12 = arith.addi %scan3A_10, %scan3A_11 : i32
      %scan3A_13 = arith.constant 1 : i32
      scf.for %scan3A_25 = %scan3A_10 to %scan3A_12 step %scan3A_13  : i32 {
        %dma_start3A = arith.constant 0 : i32
        %dma_start3A_26 = tpu.memref_slice %arg9[%scan3A_25, %dma_start3A] : memref<80x128xi32, #tpu.memory_space<vmem>> -> memref<1x128xi32, #tpu.memory_space<vmem>>
        %dma_start3A_27 = tpu.memref_squeeze %dma_start3A_26 : memref<1x128xi32, #tpu.memory_space<vmem>> -> memref<128xi32, #tpu.memory_space<vmem>>
        %dma_start3A_28 = arith.constant 0 : i32
        %dma_start3A_29 = arith.constant 0 : i32
        %dma_start3A_30 = tpu.memref_slice %arg2[%dma_start3A_28, %dma_start3A_29] : memref<10000x128xf32, #tpu.memory_space<hbm>> -> memref<10000x128xf32, #tpu.memory_space<hbm>>
        tpu.enqueue_indirect_dma source(%dma_start3A_30 : memref<10000x128xf32, #tpu.memory_space<hbm>>) target(%arg11 : memref<128x128xf32, #tpu.memory_space<vmem>>) offsets(%dma_start3A_27 : memref<128xi32, #tpu.memory_space<vmem>>) semaphore(%arg13 : memref<!tpu.dma_semaphore, #tpu.memory_space<semaphore_mem>>)
        %dma_wait3A = arith.constant 0 : i32
        %dma_wait3A_31 = tpu.memref_slice %arg9[%scan3A_25, %dma_wait3A] : memref<80x128xi32, #tpu.memory_space<vmem>> -> memref<1x128xi32, #tpu.memory_space<vmem>>
        %dma_wait3A_32 = tpu.memref_squeeze %dma_wait3A_31 : memref<1x128xi32, #tpu.memory_space<vmem>> -> memref<128xi32, #tpu.memory_space<vmem>>
        %dma_wait3A_33 = arith.constant 0 : i32
        %dma_wait3A_34 = arith.constant 0 : i32
        %dma_wait3A_35 = tpu.memref_slice %arg2[%dma_wait3A_33, %dma_wait3A_34] : memref<10000x128xf32, #tpu.memory_space<hbm>> -> memref<10000x128xf32, #tpu.memory_space<hbm>>
        tpu.wait_indirect_dma semaphore(%arg13 : memref<!tpu.dma_semaphore, #tpu.memory_space<semaphore_mem>>) src(%dma_wait3A_35 : memref<10000x128xf32, #tpu.memory_space<hbm>>) dst(%arg11 : memref<128x128xf32, #tpu.memory_space<vmem>>)
        "tpu.region"() ({
          %run_scoped3A = tpu.sem_alloc : memref<!tpu.dma_semaphore, #tpu.memory_space<semaphore_mem>>
          %dma_start3A_36 = arith.constant 0 : i32
          %dma_start3A_37 = tpu.memref_slice %arg10[%scan3A_25, %dma_start3A_36] : memref<80x128xi32, #tpu.memory_space<vmem>> -> memref<1x128xi32, #tpu.memory_space<vmem>>
          %dma_start3A_38 = tpu.memref_squeeze %dma_start3A_37 : memref<1x128xi32, #tpu.memory_space<vmem>> -> memref<128xi32, #tpu.memory_space<vmem>>
          %dma_start3A_39 = arith.constant 0 : i32
          %dma_start3A_40 = arith.constant 0 : i32
          %dma_start3A_41 = tpu.memref_slice %arg12[%dma_start3A_39, %dma_start3A_40] : memref<10112x128xf32, #tpu.memory_space<vmem_shared>> -> memref<10112x128xf32, #tpu.memory_space<vmem_shared>>
          tpu.enqueue_indirect_dma source(%arg11 : memref<128x128xf32, #tpu.memory_space<vmem>>) target(%dma_start3A_41 : memref<10112x128xf32, #tpu.memory_space<vmem_shared>>) offsets(%dma_start3A_38 : memref<128xi32, #tpu.memory_space<vmem>>) semaphore(%run_scoped3A : memref<!tpu.dma_semaphore, #tpu.memory_space<semaphore_mem>>) {add = true}
          %dma_wait3A_42 = arith.constant 0 : i32
          %dma_wait3A_43 = tpu.memref_slice %arg10[%scan3A_25, %dma_wait3A_42] : memref<80x128xi32, #tpu.memory_space<vmem>> -> memref<1x128xi32, #tpu.memory_space<vmem>>
          %dma_wait3A_44 = tpu.memref_squeeze %dma_wait3A_43 : memref<1x128xi32, #tpu.memory_space<vmem>> -> memref<128xi32, #tpu.memory_space<vmem>>
          %dma_wait3A_45 = arith.constant 0 : i32
          %dma_wait3A_46 = arith.constant 0 : i32
          %dma_wait3A_47 = tpu.memref_slice %arg12[%dma_wait3A_45, %dma_wait3A_46] : memref<10112x128xf32, #tpu.memory_space<vmem_shared>> -> memref<10112x128xf32, #tpu.memory_space<vmem_shared>>
          tpu.wait_indirect_dma semaphore(%run_scoped3A : memref<!tpu.dma_semaphore, #tpu.memory_space<semaphore_mem>>) src(%arg11 : memref<128x128xf32, #tpu.memory_space<vmem>>) dst(%dma_wait3A_47 : memref<10112x128xf32, #tpu.memory_space<vmem_shared>>)
          tpu.yield
        }) : () -> ()
      }
      %scan3A_14 = arith.constant 80 : i32
      %barrier3A_15 = arith.constant 0 : index
      tpu.barrier barrier_id(%barrier3A_15)
      %mul3A_16 = arith.constant 624 : i32
      %mul3A_17 = arith.muli %arg1, %mul3A_16 : i32
      %mul3A_18 = arith.constant 624 : i32
      %mul3A_19 = arith.muli %arg1, %mul3A_18 : i32
      "tpu.region"() ({
        %run_scoped3A = tpu.sem_alloc : memref<!tpu.dma_semaphore, #tpu.memory_space<semaphore_mem>>
        %dma_start3A = arith.constant 0 : i32
        %dma_start3A_25 = tpu.memref_slice %arg7[%mul3A_19, %dma_start3A] : memref<10000x128xf32, #tpu.memory_space<hbm>> -> memref<624x128xf32, #tpu.memory_space<hbm>>
        %dma_start3A_26 = arith.constant 0 : i32
        %dma_start3A_27 = tpu.memref_slice %arg12[%mul3A_17, %dma_start3A_26] : memref<10112x128xf32, #tpu.memory_space<vmem_shared>> -> memref<624x128xf32, #tpu.memory_space<vmem_shared>>
        tpu.enqueue_dma source(%dma_start3A_27 : memref<624x128xf32, #tpu.memory_space<vmem_shared>>) target(%dma_start3A_25 : memref<624x128xf32, #tpu.memory_space<hbm>>) target_semaphore(%run_scoped3A : memref<!tpu.dma_semaphore, #tpu.memory_space<semaphore_mem>>)
        %dma_wait3A = arith.constant 0 : i32
        %dma_wait3A_28 = tpu.memref_slice %arg7[%mul3A_19, %dma_wait3A] : memref<10000x128xf32, #tpu.memory_space<hbm>> -> memref<624x128xf32, #tpu.memory_space<hbm>>
        %dma_wait3A_29 = arith.constant 0 : i32
        %dma_wait3A_30 = tpu.memref_slice %arg12[%mul3A_17, %dma_wait3A_29] : memref<10112x128xf32, #tpu.memory_space<vmem_shared>> -> memref<624x128xf32, #tpu.memory_space<vmem_shared>>
        tpu.wait_dma2 semaphore(%run_scoped3A : memref<!tpu.dma_semaphore, #tpu.memory_space<semaphore_mem>>) src(%dma_wait3A_30 : memref<624x128xf32, #tpu.memory_space<vmem_shared>>) dst(%dma_wait3A_28 : memref<624x128xf32, #tpu.memory_space<hbm>>)
        tpu.yield
      }) : () -> ()
      %eq3A_20 = arith.constant 0 : i32
      %eq3A_21 = arith.cmpi eq, %arg1, %eq3A_20 : i32
      %convert_element_type3A_22 = arith.extui %eq3A_21 : i1 to i32
      %cond3A_23 = arith.constant 0 : i32
      %cond3A_24 = arith.cmpi ne, %convert_element_type3A_22, %cond3A_23 : i32
      scf.if %cond3A_24 {
        "tpu.region"() ({
          %run_scoped3A = tpu.sem_alloc : memref<!tpu.dma_semaphore, #tpu.memory_space<semaphore_mem>>
          %dma_start3A = arith.constant 9984 : i32
          %dma_start3A_25 = arith.constant 0 : i32
          %dma_start3A_26 = tpu.memref_slice %arg7[%dma_start3A, %dma_start3A_25] : memref<10000x128xf32, #tpu.memory_space<hbm>> -> memref<16x128xf32, #tpu.memory_space<hbm>>
          %dma_start3A_27 = arith.constant 9984 : i32
          %dma_start3A_28 = arith.constant 0 : i32
          %dma_start3A_29 = tpu.memref_slice %arg12[%dma_start3A_27, %dma_start3A_28] : memref<10112x128xf32, #tpu.memory_space<vmem_shared>> -> memref<16x128xf32, #tpu.memory_space<vmem_shared>>
          tpu.enqueue_dma source(%dma_start3A_29 : memref<16x128xf32, #tpu.memory_space<vmem_shared>>) target(%dma_start3A_26 : memref<16x128xf32, #tpu.memory_space<hbm>>) target_semaphore(%run_scoped3A : memref<!tpu.dma_semaphore, #tpu.memory_space<semaphore_mem>>)
          %dma_wait3A = arith.constant 9984 : i32
          %dma_wait3A_30 = arith.constant 0 : i32
          %dma_wait3A_31 = tpu.memref_slice %arg7[%dma_wait3A, %dma_wait3A_30] : memref<10000x128xf32, #tpu.memory_space<hbm>> -> memref<16x128xf32, #tpu.memory_space<hbm>>
          %dma_wait3A_32 = arith.constant 9984 : i32
          %dma_wait3A_33 = arith.constant 0 : i32
          %dma_wait3A_34 = tpu.memref_slice %arg12[%dma_wait3A_32, %dma_wait3A_33] : memref<10112x128xf32, #tpu.memory_space<vmem_shared>> -> memref<16x128xf32, #tpu.memory_space<vmem_shared>>
          tpu.wait_dma2 semaphore(%run_scoped3A : memref<!tpu.dma_semaphore, #tpu.memory_space<semaphore_mem>>) src(%dma_wait3A_34 : memref<16x128xf32, #tpu.memory_space<vmem_shared>>) dst(%dma_wait3A_31 : memref<16x128xf32, #tpu.memory_space<hbm>>)
          tpu.yield
        }) : () -> ()
      } else {
      }
    } else {
    }
    %eq3A_5 = arith.constant 1 : i32
    %eq3A_6 = arith.cmpi eq, %arg0, %eq3A_5 : i32
    %convert_element_type3A_7 = arith.extui %eq3A_6 : i1 to i32
    %cond3A_8 = arith.constant 0 : i32
    %cond3A_9 = arith.cmpi ne, %convert_element_type3A_7, %cond3A_8 : i32
    scf.if %cond3A_9 {
      "tpu.region"() ({
        %run_scoped3A = tpu.sem_alloc : memref<!tpu.dma_semaphore, #tpu.memory_space<semaphore_mem>>
        %dma_start3A = arith.constant 0 : i32
        %dma_start3A_25 = tpu.memref_slice %arg4[%mul3A_2, %dma_start3A] : memref<1280x128xi32, #tpu.memory_space<hbm>> -> memref<80x128xi32, #tpu.memory_space<hbm>>
        %dma_start3A_26 = arith.constant 0 : i32
        %dma_start3A_27 = tpu.memref_slice %arg4[%mul3A_2, %dma_start3A_26] : memref<1280x128xi32, #tpu.memory_space<hbm>> -> memref<80x128xi32, #tpu.memory_space<hbm>>
        tpu.enqueue_dma source(%dma_start3A_27 : memref<80x128xi32, #tpu.memory_space<hbm>>) target(%arg9 : memref<80x128xi32, #tpu.memory_space<vmem>>) target_semaphore(%run_scoped3A : memref<!tpu.dma_semaphore, #tpu.memory_space<semaphore_mem>>)
        %dma_wait3A = arith.constant 0 : i32
        %dma_wait3A_28 = tpu.memref_slice %arg4[%mul3A_2, %dma_wait3A] : memref<1280x128xi32, #tpu.memory_space<hbm>> -> memref<80x128xi32, #tpu.memory_space<hbm>>
        %dma_wait3A_29 = arith.constant 0 : i32
        %dma_wait3A_30 = tpu.memref_slice %arg4[%mul3A_2, %dma_wait3A_29] : memref<1280x128xi32, #tpu.memory_space<hbm>> -> memref<80x128xi32, #tpu.memory_space<hbm>>
        tpu.wait_dma2 semaphore(%run_scoped3A : memref<!tpu.dma_semaphore, #tpu.memory_space<semaphore_mem>>) src(%dma_wait3A_30 : memref<80x128xi32, #tpu.memory_space<hbm>>) dst(%arg9 : memref<80x128xi32, #tpu.memory_space<vmem>>)
        tpu.yield
      }) : () -> ()
      "tpu.region"() ({
        %run_scoped3A = tpu.sem_alloc : memref<!tpu.dma_semaphore, #tpu.memory_space<semaphore_mem>>
        %dma_start3A = arith.constant 0 : i32
        %dma_start3A_25 = tpu.memref_slice %arg5[%mul3A_2, %dma_start3A] : memref<1280x128xi32, #tpu.memory_space<hbm>> -> memref<80x128xi32, #tpu.memory_space<hbm>>
        %dma_start3A_26 = arith.constant 0 : i32
        %dma_start3A_27 = tpu.memref_slice %arg5[%mul3A_2, %dma_start3A_26] : memref<1280x128xi32, #tpu.memory_space<hbm>> -> memref<80x128xi32, #tpu.memory_space<hbm>>
        tpu.enqueue_dma source(%dma_start3A_27 : memref<80x128xi32, #tpu.memory_space<hbm>>) target(%arg10 : memref<80x128xi32, #tpu.memory_space<vmem>>) target_semaphore(%run_scoped3A : memref<!tpu.dma_semaphore, #tpu.memory_space<semaphore_mem>>)
        %dma_wait3A = arith.constant 0 : i32
        %dma_wait3A_28 = tpu.memref_slice %arg5[%mul3A_2, %dma_wait3A] : memref<1280x128xi32, #tpu.memory_space<hbm>> -> memref<80x128xi32, #tpu.memory_space<hbm>>
        %dma_wait3A_29 = arith.constant 0 : i32
        %dma_wait3A_30 = tpu.memref_slice %arg5[%mul3A_2, %dma_wait3A_29] : memref<1280x128xi32, #tpu.memory_space<hbm>> -> memref<80x128xi32, #tpu.memory_space<hbm>>
        tpu.wait_dma2 semaphore(%run_scoped3A : memref<!tpu.dma_semaphore, #tpu.memory_space<semaphore_mem>>) src(%dma_wait3A_30 : memref<80x128xi32, #tpu.memory_space<hbm>>) dst(%arg10 : memref<80x128xi32, #tpu.memory_space<vmem>>)
        tpu.yield
      }) : () -> ()
      %scan3A = arith.constant 0 : i32
      %scan3A_10 = arith.constant 0 : i32
      %scan3A_11 = arith.constant 80 : i32
      %scan3A_12 = arith.addi %scan3A_10, %scan3A_11 : i32
      %scan3A_13 = arith.constant 1 : i32
      scf.for %scan3A_25 = %scan3A_10 to %scan3A_12 step %scan3A_13  : i32 {
        %dma_start3A = arith.constant 0 : i32
        %dma_start3A_26 = tpu.memref_slice %arg9[%scan3A_25, %dma_start3A] : memref<80x128xi32, #tpu.memory_space<vmem>> -> memref<1x128xi32, #tpu.memory_space<vmem>>
        %dma_start3A_27 = tpu.memref_squeeze %dma_start3A_26 : memref<1x128xi32, #tpu.memory_space<vmem>> -> memref<128xi32, #tpu.memory_space<vmem>>
        %dma_start3A_28 = arith.constant 0 : i32
        %dma_start3A_29 = arith.constant 0 : i32
        %dma_start3A_30 = tpu.memref_slice %arg3[%dma_start3A_28, %dma_start3A_29] : memref<10000x128xf32, #tpu.memory_space<hbm>> -> memref<10000x128xf32, #tpu.memory_space<hbm>>
        tpu.enqueue_indirect_dma source(%dma_start3A_30 : memref<10000x128xf32, #tpu.memory_space<hbm>>) target(%arg11 : memref<128x128xf32, #tpu.memory_space<vmem>>) offsets(%dma_start3A_27 : memref<128xi32, #tpu.memory_space<vmem>>) semaphore(%arg13 : memref<!tpu.dma_semaphore, #tpu.memory_space<semaphore_mem>>)
        %dma_wait3A = arith.constant 0 : i32
        %dma_wait3A_31 = tpu.memref_slice %arg9[%scan3A_25, %dma_wait3A] : memref<80x128xi32, #tpu.memory_space<vmem>> -> memref<1x128xi32, #tpu.memory_space<vmem>>
        %dma_wait3A_32 = tpu.memref_squeeze %dma_wait3A_31 : memref<1x128xi32, #tpu.memory_space<vmem>> -> memref<128xi32, #tpu.memory_space<vmem>>
        %dma_wait3A_33 = arith.constant 0 : i32
        %dma_wait3A_34 = arith.constant 0 : i32
        %dma_wait3A_35 = tpu.memref_slice %arg3[%dma_wait3A_33, %dma_wait3A_34] : memref<10000x128xf32, #tpu.memory_space<hbm>> -> memref<10000x128xf32, #tpu.memory_space<hbm>>
        tpu.wait_indirect_dma semaphore(%arg13 : memref<!tpu.dma_semaphore, #tpu.memory_space<semaphore_mem>>) src(%dma_wait3A_35 : memref<10000x128xf32, #tpu.memory_space<hbm>>) dst(%arg11 : memref<128x128xf32, #tpu.memory_space<vmem>>)
        "tpu.region"() ({
          %run_scoped3A = tpu.sem_alloc : memref<!tpu.dma_semaphore, #tpu.memory_space<semaphore_mem>>
          %dma_start3A_36 = arith.constant 0 : i32
          %dma_start3A_37 = tpu.memref_slice %arg10[%scan3A_25, %dma_start3A_36] : memref<80x128xi32, #tpu.memory_space<vmem>> -> memref<1x128xi32, #tpu.memory_space<vmem>>
          %dma_start3A_38 = tpu.memref_squeeze %dma_start3A_37 : memref<1x128xi32, #tpu.memory_space<vmem>> -> memref<128xi32, #tpu.memory_space<vmem>>
          %dma_start3A_39 = arith.constant 0 : i32
          %dma_start3A_40 = arith.constant 0 : i32
          %dma_start3A_41 = tpu.memref_slice %arg12[%dma_start3A_39, %dma_start3A_40] : memref<10112x128xf32, #tpu.memory_space<vmem_shared>> -> memref<10112x128xf32, #tpu.memory_space<vmem_shared>>
          tpu.enqueue_indirect_dma source(%arg11 : memref<128x128xf32, #tpu.memory_space<vmem>>) target(%dma_start3A_41 : memref<10112x128xf32, #tpu.memory_space<vmem_shared>>) offsets(%dma_start3A_38 : memref<128xi32, #tpu.memory_space<vmem>>) semaphore(%run_scoped3A : memref<!tpu.dma_semaphore, #tpu.memory_space<semaphore_mem>>) {add = true}
          %dma_wait3A_42 = arith.constant 0 : i32
          %dma_wait3A_43 = tpu.memref_slice %arg10[%scan3A_25, %dma_wait3A_42] : memref<80x128xi32, #tpu.memory_space<vmem>> -> memref<1x128xi32, #tpu.memory_space<vmem>>
          %dma_wait3A_44 = tpu.memref_squeeze %dma_wait3A_43 : memref<1x128xi32, #tpu.memory_space<vmem>> -> memref<128xi32, #tpu.memory_space<vmem>>
          %dma_wait3A_45 = arith.constant 0 : i32
          %dma_wait3A_46 = arith.constant 0 : i32
          %dma_wait3A_47 = tpu.memref_slice %arg12[%dma_wait3A_45, %dma_wait3A_46] : memref<10112x128xf32, #tpu.memory_space<vmem_shared>> -> memref<10112x128xf32, #tpu.memory_space<vmem_shared>>
          tpu.wait_indirect_dma semaphore(%run_scoped3A : memref<!tpu.dma_semaphore, #tpu.memory_space<semaphore_mem>>) src(%arg11 : memref<128x128xf32, #tpu.memory_space<vmem>>) dst(%dma_wait3A_47 : memref<10112x128xf32, #tpu.memory_space<vmem_shared>>)
          tpu.yield
        }) : () -> ()
      }
      %scan3A_14 = arith.constant 80 : i32
      %barrier3A_15 = arith.constant 0 : index
      tpu.barrier barrier_id(%barrier3A_15)
      %mul3A_16 = arith.constant 624 : i32
      %mul3A_17 = arith.muli %arg1, %mul3A_16 : i32
      %mul3A_18 = arith.constant 624 : i32
      %mul3A_19 = arith.muli %arg1, %mul3A_18 : i32
      "tpu.region"() ({
        %run_scoped3A = tpu.sem_alloc : memref<!tpu.dma_semaphore, #tpu.memory_space<semaphore_mem>>
        %dma_start3A = arith.constant 0 : i32
        %dma_start3A_25 = tpu.memref_slice %arg8[%mul3A_19, %dma_start3A] : memref<10000x128xf32, #tpu.memory_space<hbm>> -> memref<624x128xf32, #tpu.memory_space<hbm>>
        %dma_start3A_26 = arith.constant 0 : i32
        %dma_start3A_27 = tpu.memref_slice %arg12[%mul3A_17, %dma_start3A_26] : memref<10112x128xf32, #tpu.memory_space<vmem_shared>> -> memref<624x128xf32, #tpu.memory_space<vmem_shared>>
        tpu.enqueue_dma source(%dma_start3A_27 : memref<624x128xf32, #tpu.memory_space<vmem_shared>>) target(%dma_start3A_25 : memref<624x128xf32, #tpu.memory_space<hbm>>) target_semaphore(%run_scoped3A : memref<!tpu.dma_semaphore, #tpu.memory_space<semaphore_mem>>)
        %dma_wait3A = arith.constant 0 : i32
        %dma_wait3A_28 = tpu.memref_slice %arg8[%mul3A_19, %dma_wait3A] : memref<10000x128xf32, #tpu.memory_space<hbm>> -> memref<624x128xf32, #tpu.memory_space<hbm>>
        %dma_wait3A_29 = arith.constant 0 : i32
        %dma_wait3A_30 = tpu.memref_slice %arg12[%mul3A_17, %dma_wait3A_29] : memref<10112x128xf32, #tpu.memory_space<vmem_shared>> -> memref<624x128xf32, #tpu.memory_space<vmem_shared>>
        tpu.wait_dma2 semaphore(%run_scoped3A : memref<!tpu.dma_semaphore, #tpu.memory_space<semaphore_mem>>) src(%dma_wait3A_30 : memref<624x128xf32, #tpu.memory_space<vmem_shared>>) dst(%dma_wait3A_28 : memref<624x128xf32, #tpu.memory_space<hbm>>)
        tpu.yield
      }) : () -> ()
      %eq3A_20 = arith.constant 0 : i32
      %eq3A_21 = arith.cmpi eq, %arg1, %eq3A_20 : i32
      %convert_element_type3A_22 = arith.extui %eq3A_21 : i1 to i32
      %cond3A_23 = arith.constant 0 : i32
      %cond3A_24 = arith.cmpi ne, %convert_element_type3A_22, %cond3A_23 : i32
      scf.if %cond3A_24 {
        "tpu.region"() ({
          %run_scoped3A = tpu.sem_alloc : memref<!tpu.dma_semaphore, #tpu.memory_space<semaphore_mem>>
          %dma_start3A = arith.constant 9984 : i32
          %dma_start3A_25 = arith.constant 0 : i32
          %dma_start3A_26 = tpu.memref_slice %arg8[%dma_start3A, %dma_start3A_25] : memref<10000x128xf32, #tpu.memory_space<hbm>> -> memref<16x128xf32, #tpu.memory_space<hbm>>
          %dma_start3A_27 = arith.constant 9984 : i32
          %dma_start3A_28 = arith.constant 0 : i32
          %dma_start3A_29 = tpu.memref_slice %arg12[%dma_start3A_27, %dma_start3A_28] : memref<10112x128xf32, #tpu.memory_space<vmem_shared>> -> memref<16x128xf32, #tpu.memory_space<vmem_shared>>
          tpu.enqueue_dma source(%dma_start3A_29 : memref<16x128xf32, #tpu.memory_space<vmem_shared>>) target(%dma_start3A_26 : memref<16x128xf32, #tpu.memory_space<hbm>>) target_semaphore(%run_scoped3A : memref<!tpu.dma_semaphore, #tpu.memory_space<semaphore_mem>>)
          %dma_wait3A = arith.constant 9984 : i32
          %dma_wait3A_30 = arith.constant 0 : i32
          %dma_wait3A_31 = tpu.memref_slice %arg8[%dma_wait3A, %dma_wait3A_30] : memref<10000x128xf32, #tpu.memory_space<hbm>> -> memref<16x128xf32, #tpu.memory_space<hbm>>
          %dma_wait3A_32 = arith.constant 9984 : i32
          %dma_wait3A_33 = arith.constant 0 : i32
          %dma_wait3A_34 = tpu.memref_slice %arg12[%dma_wait3A_32, %dma_wait3A_33] : memref<10112x128xf32, #tpu.memory_space<vmem_shared>> -> memref<16x128xf32, #tpu.memory_space<vmem_shared>>
          tpu.wait_dma2 semaphore(%run_scoped3A : memref<!tpu.dma_semaphore, #tpu.memory_space<semaphore_mem>>) src(%dma_wait3A_34 : memref<16x128xf32, #tpu.memory_space<vmem_shared>>) dst(%dma_wait3A_31 : memref<16x128xf32, #tpu.memory_space<hbm>>)
          tpu.yield
        }) : () -> ()
      } else {
      }
    } else {
    }
    return
  }
}

#map = affine_map<(d0, d1) -> (0, 0)>
module attributes {stable_mosaic.version = 14 : i64} {
  func.func @segsum(%arg0: i32, %arg1: i32, %arg2: memref<10000x128xf32, #tpu.memory_space<hbm>>, %arg3: memref<10000x128xf32, #tpu.memory_space<hbm>>, %arg4: memref<1280x128xi32, #tpu.memory_space<hbm>>, %arg5: memref<1280x128xi32, #tpu.memory_space<hbm>>, %arg6: memref<632x128xf32, #tpu.memory_space<hbm>>, %arg7: memref<10000x128xf32, #tpu.memory_space<hbm>>, %arg8: memref<10000x128xf32, #tpu.memory_space<hbm>>, %arg9: memref<40x128xi32, #tpu.memory_space<vmem>>, %arg10: memref<40x128xi32, #tpu.memory_space<vmem>>, %arg11: memref<128x128xf32, #tpu.memory_space<vmem>>, %arg12: memref<10112x128xf32, #tpu.memory_space<vmem_shared>>, %arg13: memref<!tpu.dma_semaphore, #tpu.memory_space<semaphore_mem>>) attributes {dimension_semantics = [#tpu.dimension_semantics<core_parallel>, #tpu.dimension_semantics<subcore_parallel>], iteration_bounds = array<i64: 2, 16>, scalar_prefetch = 0 : i64, scratch_operands = 5 : i64, tpu.core_type = #tpu.core_type<sc_vector_subcore>, window_params = [{transform_indices = #map}, {transform_indices = #map}, {transform_indices = #map}, {transform_indices = #map}, {transform_indices = #map}, {transform_indices = #map}, {transform_indices = #map}]} {
    %mul3A = arith.constant 632 : i32
    %mul3A_0 = arith.muli %arg1, %mul3A : i32
    "tpu.region"() ({
      %run_scoped3A = tpu.sem_alloc : memref<!tpu.dma_semaphore, #tpu.memory_space<semaphore_mem>>
      %dma_start3A = arith.constant 0 : i32
      %dma_start3A_12 = tpu.memref_slice %arg12[%mul3A_0, %dma_start3A] : memref<10112x128xf32, #tpu.memory_space<vmem_shared>> -> memref<632x128xf32, #tpu.memory_space<vmem_shared>>
      tpu.enqueue_dma source(%arg6 : memref<632x128xf32, #tpu.memory_space<hbm>>) target(%dma_start3A_12 : memref<632x128xf32, #tpu.memory_space<vmem_shared>>) target_semaphore(%run_scoped3A : memref<!tpu.dma_semaphore, #tpu.memory_space<semaphore_mem>>)
      %dma_wait3A = arith.constant 0 : i32
      %dma_wait3A_13 = tpu.memref_slice %arg12[%mul3A_0, %dma_wait3A] : memref<10112x128xf32, #tpu.memory_space<vmem_shared>> -> memref<632x128xf32, #tpu.memory_space<vmem_shared>>
      tpu.wait_dma2 semaphore(%run_scoped3A : memref<!tpu.dma_semaphore, #tpu.memory_space<semaphore_mem>>) src(%arg6 : memref<632x128xf32, #tpu.memory_space<hbm>>) dst(%dma_wait3A_13 : memref<632x128xf32, #tpu.memory_space<vmem_shared>>)
      tpu.yield
    }) : () -> ()
    %barrier3A = arith.constant 0 : index
    tpu.barrier barrier_id(%barrier3A)
    %mul3A_1 = arith.constant 16 : i32
    %mul3A_2 = arith.muli %arg0, %mul3A_1 : i32
    %add3A = arith.addi %mul3A_2, %arg1 : i32
    %mul3A_3 = arith.constant 40 : i32
    %mul3A_4 = arith.muli %add3A, %mul3A_3 : i32
    %eq3A = arith.constant 0 : i32
    %eq3A_5 = arith.cmpi eq, %arg0, %eq3A : i32
    %convert_element_type3A = arith.extui %eq3A_5 : i1 to i32
    %cond3A = arith.constant 0 : i32
    %cond3A_6 = arith.cmpi ne, %convert_element_type3A, %cond3A : i32
    scf.if %cond3A_6 {
      "tpu.region"() ({
        %run_scoped3A = tpu.sem_alloc : memref<!tpu.dma_semaphore, #tpu.memory_space<semaphore_mem>>
        %dma_start3A = arith.constant 0 : i32
        %dma_start3A_27 = tpu.memref_slice %arg4[%mul3A_4, %dma_start3A] : memref<1280x128xi32, #tpu.memory_space<hbm>> -> memref<40x128xi32, #tpu.memory_space<hbm>>
        %dma_start3A_28 = arith.constant 0 : i32
        %dma_start3A_29 = tpu.memref_slice %arg4[%mul3A_4, %dma_start3A_28] : memref<1280x128xi32, #tpu.memory_space<hbm>> -> memref<40x128xi32, #tpu.memory_space<hbm>>
        tpu.enqueue_dma source(%dma_start3A_29 : memref<40x128xi32, #tpu.memory_space<hbm>>) target(%arg9 : memref<40x128xi32, #tpu.memory_space<vmem>>) target_semaphore(%run_scoped3A : memref<!tpu.dma_semaphore, #tpu.memory_space<semaphore_mem>>)
        %dma_wait3A = arith.constant 0 : i32
        %dma_wait3A_30 = tpu.memref_slice %arg4[%mul3A_4, %dma_wait3A] : memref<1280x128xi32, #tpu.memory_space<hbm>> -> memref<40x128xi32, #tpu.memory_space<hbm>>
        %dma_wait3A_31 = arith.constant 0 : i32
        %dma_wait3A_32 = tpu.memref_slice %arg4[%mul3A_4, %dma_wait3A_31] : memref<1280x128xi32, #tpu.memory_space<hbm>> -> memref<40x128xi32, #tpu.memory_space<hbm>>
        tpu.wait_dma2 semaphore(%run_scoped3A : memref<!tpu.dma_semaphore, #tpu.memory_space<semaphore_mem>>) src(%dma_wait3A_32 : memref<40x128xi32, #tpu.memory_space<hbm>>) dst(%arg9 : memref<40x128xi32, #tpu.memory_space<vmem>>)
        tpu.yield
      }) : () -> ()
      "tpu.region"() ({
        %run_scoped3A = tpu.sem_alloc : memref<!tpu.dma_semaphore, #tpu.memory_space<semaphore_mem>>
        %dma_start3A = arith.constant 0 : i32
        %dma_start3A_27 = tpu.memref_slice %arg5[%mul3A_4, %dma_start3A] : memref<1280x128xi32, #tpu.memory_space<hbm>> -> memref<40x128xi32, #tpu.memory_space<hbm>>
        %dma_start3A_28 = arith.constant 0 : i32
        %dma_start3A_29 = tpu.memref_slice %arg5[%mul3A_4, %dma_start3A_28] : memref<1280x128xi32, #tpu.memory_space<hbm>> -> memref<40x128xi32, #tpu.memory_space<hbm>>
        tpu.enqueue_dma source(%dma_start3A_29 : memref<40x128xi32, #tpu.memory_space<hbm>>) target(%arg10 : memref<40x128xi32, #tpu.memory_space<vmem>>) target_semaphore(%run_scoped3A : memref<!tpu.dma_semaphore, #tpu.memory_space<semaphore_mem>>)
        %dma_wait3A = arith.constant 0 : i32
        %dma_wait3A_30 = tpu.memref_slice %arg5[%mul3A_4, %dma_wait3A] : memref<1280x128xi32, #tpu.memory_space<hbm>> -> memref<40x128xi32, #tpu.memory_space<hbm>>
        %dma_wait3A_31 = arith.constant 0 : i32
        %dma_wait3A_32 = tpu.memref_slice %arg5[%mul3A_4, %dma_wait3A_31] : memref<1280x128xi32, #tpu.memory_space<hbm>> -> memref<40x128xi32, #tpu.memory_space<hbm>>
        tpu.wait_dma2 semaphore(%run_scoped3A : memref<!tpu.dma_semaphore, #tpu.memory_space<semaphore_mem>>) src(%dma_wait3A_32 : memref<40x128xi32, #tpu.memory_space<hbm>>) dst(%arg10 : memref<40x128xi32, #tpu.memory_space<vmem>>)
        tpu.yield
      }) : () -> ()
      %scan3A = arith.constant 0 : i32
      %scan3A_12 = arith.constant 0 : i32
      %scan3A_13 = arith.constant 40 : i32
      %scan3A_14 = arith.addi %scan3A_12, %scan3A_13 : i32
      %scan3A_15 = arith.constant 1 : i32
      scf.for %scan3A_27 = %scan3A_12 to %scan3A_14 step %scan3A_15  : i32 {
        %dma_start3A = arith.constant 0 : i32
        %dma_start3A_28 = tpu.memref_slice %arg9[%scan3A_27, %dma_start3A] : memref<40x128xi32, #tpu.memory_space<vmem>> -> memref<1x128xi32, #tpu.memory_space<vmem>>
        %dma_start3A_29 = tpu.memref_squeeze %dma_start3A_28 : memref<1x128xi32, #tpu.memory_space<vmem>> -> memref<128xi32, #tpu.memory_space<vmem>>
        %dma_start3A_30 = arith.constant 0 : i32
        %dma_start3A_31 = arith.constant 0 : i32
        %dma_start3A_32 = tpu.memref_slice %arg2[%dma_start3A_30, %dma_start3A_31] : memref<10000x128xf32, #tpu.memory_space<hbm>> -> memref<10000x128xf32, #tpu.memory_space<hbm>>
        tpu.enqueue_indirect_dma source(%dma_start3A_32 : memref<10000x128xf32, #tpu.memory_space<hbm>>) target(%arg11 : memref<128x128xf32, #tpu.memory_space<vmem>>) offsets(%dma_start3A_29 : memref<128xi32, #tpu.memory_space<vmem>>) semaphore(%arg13 : memref<!tpu.dma_semaphore, #tpu.memory_space<semaphore_mem>>)
        %dma_wait3A = arith.constant 0 : i32
        %dma_wait3A_33 = tpu.memref_slice %arg9[%scan3A_27, %dma_wait3A] : memref<40x128xi32, #tpu.memory_space<vmem>> -> memref<1x128xi32, #tpu.memory_space<vmem>>
        %dma_wait3A_34 = tpu.memref_squeeze %dma_wait3A_33 : memref<1x128xi32, #tpu.memory_space<vmem>> -> memref<128xi32, #tpu.memory_space<vmem>>
        %dma_wait3A_35 = arith.constant 0 : i32
        %dma_wait3A_36 = arith.constant 0 : i32
        %dma_wait3A_37 = tpu.memref_slice %arg2[%dma_wait3A_35, %dma_wait3A_36] : memref<10000x128xf32, #tpu.memory_space<hbm>> -> memref<10000x128xf32, #tpu.memory_space<hbm>>
        tpu.wait_indirect_dma semaphore(%arg13 : memref<!tpu.dma_semaphore, #tpu.memory_space<semaphore_mem>>) src(%dma_wait3A_37 : memref<10000x128xf32, #tpu.memory_space<hbm>>) dst(%arg11 : memref<128x128xf32, #tpu.memory_space<vmem>>)
        "tpu.region"() ({
          %run_scoped3A = tpu.sem_alloc : memref<!tpu.dma_semaphore, #tpu.memory_space<semaphore_mem>>
          %dma_start3A_38 = arith.constant 0 : i32
          %dma_start3A_39 = tpu.memref_slice %arg10[%scan3A_27, %dma_start3A_38] : memref<40x128xi32, #tpu.memory_space<vmem>> -> memref<1x128xi32, #tpu.memory_space<vmem>>
          %dma_start3A_40 = tpu.memref_squeeze %dma_start3A_39 : memref<1x128xi32, #tpu.memory_space<vmem>> -> memref<128xi32, #tpu.memory_space<vmem>>
          %dma_start3A_41 = arith.constant 0 : i32
          %dma_start3A_42 = arith.constant 0 : i32
          %dma_start3A_43 = tpu.memref_slice %arg12[%dma_start3A_41, %dma_start3A_42] : memref<10112x128xf32, #tpu.memory_space<vmem_shared>> -> memref<10112x128xf32, #tpu.memory_space<vmem_shared>>
          tpu.enqueue_indirect_dma source(%arg11 : memref<128x128xf32, #tpu.memory_space<vmem>>) target(%dma_start3A_43 : memref<10112x128xf32, #tpu.memory_space<vmem_shared>>) offsets(%dma_start3A_40 : memref<128xi32, #tpu.memory_space<vmem>>) semaphore(%run_scoped3A : memref<!tpu.dma_semaphore, #tpu.memory_space<semaphore_mem>>) {add = true}
          %dma_wait3A_44 = arith.constant 0 : i32
          %dma_wait3A_45 = tpu.memref_slice %arg10[%scan3A_27, %dma_wait3A_44] : memref<40x128xi32, #tpu.memory_space<vmem>> -> memref<1x128xi32, #tpu.memory_space<vmem>>
          %dma_wait3A_46 = tpu.memref_squeeze %dma_wait3A_45 : memref<1x128xi32, #tpu.memory_space<vmem>> -> memref<128xi32, #tpu.memory_space<vmem>>
          %dma_wait3A_47 = arith.constant 0 : i32
          %dma_wait3A_48 = arith.constant 0 : i32
          %dma_wait3A_49 = tpu.memref_slice %arg12[%dma_wait3A_47, %dma_wait3A_48] : memref<10112x128xf32, #tpu.memory_space<vmem_shared>> -> memref<10112x128xf32, #tpu.memory_space<vmem_shared>>
          tpu.wait_indirect_dma semaphore(%run_scoped3A : memref<!tpu.dma_semaphore, #tpu.memory_space<semaphore_mem>>) src(%arg11 : memref<128x128xf32, #tpu.memory_space<vmem>>) dst(%dma_wait3A_49 : memref<10112x128xf32, #tpu.memory_space<vmem_shared>>)
          tpu.yield
        }) : () -> ()
      }
      %scan3A_16 = arith.constant 40 : i32
      %barrier3A_17 = arith.constant 0 : index
      tpu.barrier barrier_id(%barrier3A_17)
      %mul3A_18 = arith.constant 624 : i32
      %mul3A_19 = arith.muli %arg1, %mul3A_18 : i32
      %mul3A_20 = arith.constant 624 : i32
      %mul3A_21 = arith.muli %arg1, %mul3A_20 : i32
      "tpu.region"() ({
        %run_scoped3A = tpu.sem_alloc : memref<!tpu.dma_semaphore, #tpu.memory_space<semaphore_mem>>
        %dma_start3A = arith.constant 0 : i32
        %dma_start3A_27 = tpu.memref_slice %arg7[%mul3A_21, %dma_start3A] : memref<10000x128xf32, #tpu.memory_space<hbm>> -> memref<624x128xf32, #tpu.memory_space<hbm>>
        %dma_start3A_28 = arith.constant 0 : i32
        %dma_start3A_29 = tpu.memref_slice %arg12[%mul3A_19, %dma_start3A_28] : memref<10112x128xf32, #tpu.memory_space<vmem_shared>> -> memref<624x128xf32, #tpu.memory_space<vmem_shared>>
        tpu.enqueue_dma source(%dma_start3A_29 : memref<624x128xf32, #tpu.memory_space<vmem_shared>>) target(%dma_start3A_27 : memref<624x128xf32, #tpu.memory_space<hbm>>) target_semaphore(%run_scoped3A : memref<!tpu.dma_semaphore, #tpu.memory_space<semaphore_mem>>)
        %dma_wait3A = arith.constant 0 : i32
        %dma_wait3A_30 = tpu.memref_slice %arg7[%mul3A_21, %dma_wait3A] : memref<10000x128xf32, #tpu.memory_space<hbm>> -> memref<624x128xf32, #tpu.memory_space<hbm>>
        %dma_wait3A_31 = arith.constant 0 : i32
        %dma_wait3A_32 = tpu.memref_slice %arg12[%mul3A_19, %dma_wait3A_31] : memref<10112x128xf32, #tpu.memory_space<vmem_shared>> -> memref<624x128xf32, #tpu.memory_space<vmem_shared>>
        tpu.wait_dma2 semaphore(%run_scoped3A : memref<!tpu.dma_semaphore, #tpu.memory_space<semaphore_mem>>) src(%dma_wait3A_32 : memref<624x128xf32, #tpu.memory_space<vmem_shared>>) dst(%dma_wait3A_30 : memref<624x128xf32, #tpu.memory_space<hbm>>)
        tpu.yield
      }) : () -> ()
      %eq3A_22 = arith.constant 0 : i32
      %eq3A_23 = arith.cmpi eq, %arg1, %eq3A_22 : i32
      %convert_element_type3A_24 = arith.extui %eq3A_23 : i1 to i32
      %cond3A_25 = arith.constant 0 : i32
      %cond3A_26 = arith.cmpi ne, %convert_element_type3A_24, %cond3A_25 : i32
      scf.if %cond3A_26 {
        "tpu.region"() ({
          %run_scoped3A = tpu.sem_alloc : memref<!tpu.dma_semaphore, #tpu.memory_space<semaphore_mem>>
          %dma_start3A = arith.constant 9984 : i32
          %dma_start3A_27 = arith.constant 0 : i32
          %dma_start3A_28 = tpu.memref_slice %arg7[%dma_start3A, %dma_start3A_27] : memref<10000x128xf32, #tpu.memory_space<hbm>> -> memref<16x128xf32, #tpu.memory_space<hbm>>
          %dma_start3A_29 = arith.constant 9984 : i32
          %dma_start3A_30 = arith.constant 0 : i32
          %dma_start3A_31 = tpu.memref_slice %arg12[%dma_start3A_29, %dma_start3A_30] : memref<10112x128xf32, #tpu.memory_space<vmem_shared>> -> memref<16x128xf32, #tpu.memory_space<vmem_shared>>
          tpu.enqueue_dma source(%dma_start3A_31 : memref<16x128xf32, #tpu.memory_space<vmem_shared>>) target(%dma_start3A_28 : memref<16x128xf32, #tpu.memory_space<hbm>>) target_semaphore(%run_scoped3A : memref<!tpu.dma_semaphore, #tpu.memory_space<semaphore_mem>>)
          %dma_wait3A = arith.constant 9984 : i32
          %dma_wait3A_32 = arith.constant 0 : i32
          %dma_wait3A_33 = tpu.memref_slice %arg7[%dma_wait3A, %dma_wait3A_32] : memref<10000x128xf32, #tpu.memory_space<hbm>> -> memref<16x128xf32, #tpu.memory_space<hbm>>
          %dma_wait3A_34 = arith.constant 9984 : i32
          %dma_wait3A_35 = arith.constant 0 : i32
          %dma_wait3A_36 = tpu.memref_slice %arg12[%dma_wait3A_34, %dma_wait3A_35] : memref<10112x128xf32, #tpu.memory_space<vmem_shared>> -> memref<16x128xf32, #tpu.memory_space<vmem_shared>>
          tpu.wait_dma2 semaphore(%run_scoped3A : memref<!tpu.dma_semaphore, #tpu.memory_space<semaphore_mem>>) src(%dma_wait3A_36 : memref<16x128xf32, #tpu.memory_space<vmem_shared>>) dst(%dma_wait3A_33 : memref<16x128xf32, #tpu.memory_space<hbm>>)
          tpu.yield
        }) : () -> ()
      } else {
      }
    } else {
    }
    %eq3A_7 = arith.constant 1 : i32
    %eq3A_8 = arith.cmpi eq, %arg0, %eq3A_7 : i32
    %convert_element_type3A_9 = arith.extui %eq3A_8 : i1 to i32
    %cond3A_10 = arith.constant 0 : i32
    %cond3A_11 = arith.cmpi ne, %convert_element_type3A_9, %cond3A_10 : i32
    scf.if %cond3A_11 {
      "tpu.region"() ({
        %run_scoped3A = tpu.sem_alloc : memref<!tpu.dma_semaphore, #tpu.memory_space<semaphore_mem>>
        %dma_start3A = arith.constant 0 : i32
        %dma_start3A_27 = tpu.memref_slice %arg4[%mul3A_4, %dma_start3A] : memref<1280x128xi32, #tpu.memory_space<hbm>> -> memref<40x128xi32, #tpu.memory_space<hbm>>
        %dma_start3A_28 = arith.constant 0 : i32
        %dma_start3A_29 = tpu.memref_slice %arg4[%mul3A_4, %dma_start3A_28] : memref<1280x128xi32, #tpu.memory_space<hbm>> -> memref<40x128xi32, #tpu.memory_space<hbm>>
        tpu.enqueue_dma source(%dma_start3A_29 : memref<40x128xi32, #tpu.memory_space<hbm>>) target(%arg9 : memref<40x128xi32, #tpu.memory_space<vmem>>) target_semaphore(%run_scoped3A : memref<!tpu.dma_semaphore, #tpu.memory_space<semaphore_mem>>)
        %dma_wait3A = arith.constant 0 : i32
        %dma_wait3A_30 = tpu.memref_slice %arg4[%mul3A_4, %dma_wait3A] : memref<1280x128xi32, #tpu.memory_space<hbm>> -> memref<40x128xi32, #tpu.memory_space<hbm>>
        %dma_wait3A_31 = arith.constant 0 : i32
        %dma_wait3A_32 = tpu.memref_slice %arg4[%mul3A_4, %dma_wait3A_31] : memref<1280x128xi32, #tpu.memory_space<hbm>> -> memref<40x128xi32, #tpu.memory_space<hbm>>
        tpu.wait_dma2 semaphore(%run_scoped3A : memref<!tpu.dma_semaphore, #tpu.memory_space<semaphore_mem>>) src(%dma_wait3A_32 : memref<40x128xi32, #tpu.memory_space<hbm>>) dst(%arg9 : memref<40x128xi32, #tpu.memory_space<vmem>>)
        tpu.yield
      }) : () -> ()
      "tpu.region"() ({
        %run_scoped3A = tpu.sem_alloc : memref<!tpu.dma_semaphore, #tpu.memory_space<semaphore_mem>>
        %dma_start3A = arith.constant 0 : i32
        %dma_start3A_27 = tpu.memref_slice %arg5[%mul3A_4, %dma_start3A] : memref<1280x128xi32, #tpu.memory_space<hbm>> -> memref<40x128xi32, #tpu.memory_space<hbm>>
        %dma_start3A_28 = arith.constant 0 : i32
        %dma_start3A_29 = tpu.memref_slice %arg5[%mul3A_4, %dma_start3A_28] : memref<1280x128xi32, #tpu.memory_space<hbm>> -> memref<40x128xi32, #tpu.memory_space<hbm>>
        tpu.enqueue_dma source(%dma_start3A_29 : memref<40x128xi32, #tpu.memory_space<hbm>>) target(%arg10 : memref<40x128xi32, #tpu.memory_space<vmem>>) target_semaphore(%run_scoped3A : memref<!tpu.dma_semaphore, #tpu.memory_space<semaphore_mem>>)
        %dma_wait3A = arith.constant 0 : i32
        %dma_wait3A_30 = tpu.memref_slice %arg5[%mul3A_4, %dma_wait3A] : memref<1280x128xi32, #tpu.memory_space<hbm>> -> memref<40x128xi32, #tpu.memory_space<hbm>>
        %dma_wait3A_31 = arith.constant 0 : i32
        %dma_wait3A_32 = tpu.memref_slice %arg5[%mul3A_4, %dma_wait3A_31] : memref<1280x128xi32, #tpu.memory_space<hbm>> -> memref<40x128xi32, #tpu.memory_space<hbm>>
        tpu.wait_dma2 semaphore(%run_scoped3A : memref<!tpu.dma_semaphore, #tpu.memory_space<semaphore_mem>>) src(%dma_wait3A_32 : memref<40x128xi32, #tpu.memory_space<hbm>>) dst(%arg10 : memref<40x128xi32, #tpu.memory_space<vmem>>)
        tpu.yield
      }) : () -> ()
      %scan3A = arith.constant 0 : i32
      %scan3A_12 = arith.constant 0 : i32
      %scan3A_13 = arith.constant 40 : i32
      %scan3A_14 = arith.addi %scan3A_12, %scan3A_13 : i32
      %scan3A_15 = arith.constant 1 : i32
      scf.for %scan3A_27 = %scan3A_12 to %scan3A_14 step %scan3A_15  : i32 {
        %dma_start3A = arith.constant 0 : i32
        %dma_start3A_28 = tpu.memref_slice %arg9[%scan3A_27, %dma_start3A] : memref<40x128xi32, #tpu.memory_space<vmem>> -> memref<1x128xi32, #tpu.memory_space<vmem>>
        %dma_start3A_29 = tpu.memref_squeeze %dma_start3A_28 : memref<1x128xi32, #tpu.memory_space<vmem>> -> memref<128xi32, #tpu.memory_space<vmem>>
        %dma_start3A_30 = arith.constant 0 : i32
        %dma_start3A_31 = arith.constant 0 : i32
        %dma_start3A_32 = tpu.memref_slice %arg3[%dma_start3A_30, %dma_start3A_31] : memref<10000x128xf32, #tpu.memory_space<hbm>> -> memref<10000x128xf32, #tpu.memory_space<hbm>>
        tpu.enqueue_indirect_dma source(%dma_start3A_32 : memref<10000x128xf32, #tpu.memory_space<hbm>>) target(%arg11 : memref<128x128xf32, #tpu.memory_space<vmem>>) offsets(%dma_start3A_29 : memref<128xi32, #tpu.memory_space<vmem>>) semaphore(%arg13 : memref<!tpu.dma_semaphore, #tpu.memory_space<semaphore_mem>>)
        %dma_wait3A = arith.constant 0 : i32
        %dma_wait3A_33 = tpu.memref_slice %arg9[%scan3A_27, %dma_wait3A] : memref<40x128xi32, #tpu.memory_space<vmem>> -> memref<1x128xi32, #tpu.memory_space<vmem>>
        %dma_wait3A_34 = tpu.memref_squeeze %dma_wait3A_33 : memref<1x128xi32, #tpu.memory_space<vmem>> -> memref<128xi32, #tpu.memory_space<vmem>>
        %dma_wait3A_35 = arith.constant 0 : i32
        %dma_wait3A_36 = arith.constant 0 : i32
        %dma_wait3A_37 = tpu.memref_slice %arg3[%dma_wait3A_35, %dma_wait3A_36] : memref<10000x128xf32, #tpu.memory_space<hbm>> -> memref<10000x128xf32, #tpu.memory_space<hbm>>
        tpu.wait_indirect_dma semaphore(%arg13 : memref<!tpu.dma_semaphore, #tpu.memory_space<semaphore_mem>>) src(%dma_wait3A_37 : memref<10000x128xf32, #tpu.memory_space<hbm>>) dst(%arg11 : memref<128x128xf32, #tpu.memory_space<vmem>>)
        "tpu.region"() ({
          %run_scoped3A = tpu.sem_alloc : memref<!tpu.dma_semaphore, #tpu.memory_space<semaphore_mem>>
          %dma_start3A_38 = arith.constant 0 : i32
          %dma_start3A_39 = tpu.memref_slice %arg10[%scan3A_27, %dma_start3A_38] : memref<40x128xi32, #tpu.memory_space<vmem>> -> memref<1x128xi32, #tpu.memory_space<vmem>>
          %dma_start3A_40 = tpu.memref_squeeze %dma_start3A_39 : memref<1x128xi32, #tpu.memory_space<vmem>> -> memref<128xi32, #tpu.memory_space<vmem>>
          %dma_start3A_41 = arith.constant 0 : i32
          %dma_start3A_42 = arith.constant 0 : i32
          %dma_start3A_43 = tpu.memref_slice %arg12[%dma_start3A_41, %dma_start3A_42] : memref<10112x128xf32, #tpu.memory_space<vmem_shared>> -> memref<10112x128xf32, #tpu.memory_space<vmem_shared>>
          tpu.enqueue_indirect_dma source(%arg11 : memref<128x128xf32, #tpu.memory_space<vmem>>) target(%dma_start3A_43 : memref<10112x128xf32, #tpu.memory_space<vmem_shared>>) offsets(%dma_start3A_40 : memref<128xi32, #tpu.memory_space<vmem>>) semaphore(%run_scoped3A : memref<!tpu.dma_semaphore, #tpu.memory_space<semaphore_mem>>) {add = true}
          %dma_wait3A_44 = arith.constant 0 : i32
          %dma_wait3A_45 = tpu.memref_slice %arg10[%scan3A_27, %dma_wait3A_44] : memref<40x128xi32, #tpu.memory_space<vmem>> -> memref<1x128xi32, #tpu.memory_space<vmem>>
          %dma_wait3A_46 = tpu.memref_squeeze %dma_wait3A_45 : memref<1x128xi32, #tpu.memory_space<vmem>> -> memref<128xi32, #tpu.memory_space<vmem>>
          %dma_wait3A_47 = arith.constant 0 : i32
          %dma_wait3A_48 = arith.constant 0 : i32
          %dma_wait3A_49 = tpu.memref_slice %arg12[%dma_wait3A_47, %dma_wait3A_48] : memref<10112x128xf32, #tpu.memory_space<vmem_shared>> -> memref<10112x128xf32, #tpu.memory_space<vmem_shared>>
          tpu.wait_indirect_dma semaphore(%run_scoped3A : memref<!tpu.dma_semaphore, #tpu.memory_space<semaphore_mem>>) src(%arg11 : memref<128x128xf32, #tpu.memory_space<vmem>>) dst(%dma_wait3A_49 : memref<10112x128xf32, #tpu.memory_space<vmem_shared>>)
          tpu.yield
        }) : () -> ()
      }
      %scan3A_16 = arith.constant 40 : i32
      %barrier3A_17 = arith.constant 0 : index
      tpu.barrier barrier_id(%barrier3A_17)
      %mul3A_18 = arith.constant 624 : i32
      %mul3A_19 = arith.muli %arg1, %mul3A_18 : i32
      %mul3A_20 = arith.constant 624 : i32
      %mul3A_21 = arith.muli %arg1, %mul3A_20 : i32
      "tpu.region"() ({
        %run_scoped3A = tpu.sem_alloc : memref<!tpu.dma_semaphore, #tpu.memory_space<semaphore_mem>>
        %dma_start3A = arith.constant 0 : i32
        %dma_start3A_27 = tpu.memref_slice %arg8[%mul3A_21, %dma_start3A] : memref<10000x128xf32, #tpu.memory_space<hbm>> -> memref<624x128xf32, #tpu.memory_space<hbm>>
        %dma_start3A_28 = arith.constant 0 : i32
        %dma_start3A_29 = tpu.memref_slice %arg12[%mul3A_19, %dma_start3A_28] : memref<10112x128xf32, #tpu.memory_space<vmem_shared>> -> memref<624x128xf32, #tpu.memory_space<vmem_shared>>
        tpu.enqueue_dma source(%dma_start3A_29 : memref<624x128xf32, #tpu.memory_space<vmem_shared>>) target(%dma_start3A_27 : memref<624x128xf32, #tpu.memory_space<hbm>>) target_semaphore(%run_scoped3A : memref<!tpu.dma_semaphore, #tpu.memory_space<semaphore_mem>>)
        %dma_wait3A = arith.constant 0 : i32
        %dma_wait3A_30 = tpu.memref_slice %arg8[%mul3A_21, %dma_wait3A] : memref<10000x128xf32, #tpu.memory_space<hbm>> -> memref<624x128xf32, #tpu.memory_space<hbm>>
        %dma_wait3A_31 = arith.constant 0 : i32
        %dma_wait3A_32 = tpu.memref_slice %arg12[%mul3A_19, %dma_wait3A_31] : memref<10112x128xf32, #tpu.memory_space<vmem_shared>> -> memref<624x128xf32, #tpu.memory_space<vmem_shared>>
        tpu.wait_dma2 semaphore(%run_scoped3A : memref<!tpu.dma_semaphore, #tpu.memory_space<semaphore_mem>>) src(%dma_wait3A_32 : memref<624x128xf32, #tpu.memory_space<vmem_shared>>) dst(%dma_wait3A_30 : memref<624x128xf32, #tpu.memory_space<hbm>>)
        tpu.yield
      }) : () -> ()
      %eq3A_22 = arith.constant 0 : i32
      %eq3A_23 = arith.cmpi eq, %arg1, %eq3A_22 : i32
      %convert_element_type3A_24 = arith.extui %eq3A_23 : i1 to i32
      %cond3A_25 = arith.constant 0 : i32
      %cond3A_26 = arith.cmpi ne, %convert_element_type3A_24, %cond3A_25 : i32
      scf.if %cond3A_26 {
        "tpu.region"() ({
          %run_scoped3A = tpu.sem_alloc : memref<!tpu.dma_semaphore, #tpu.memory_space<semaphore_mem>>
          %dma_start3A = arith.constant 9984 : i32
          %dma_start3A_27 = arith.constant 0 : i32
          %dma_start3A_28 = tpu.memref_slice %arg8[%dma_start3A, %dma_start3A_27] : memref<10000x128xf32, #tpu.memory_space<hbm>> -> memref<16x128xf32, #tpu.memory_space<hbm>>
          %dma_start3A_29 = arith.constant 9984 : i32
          %dma_start3A_30 = arith.constant 0 : i32
          %dma_start3A_31 = tpu.memref_slice %arg12[%dma_start3A_29, %dma_start3A_30] : memref<10112x128xf32, #tpu.memory_space<vmem_shared>> -> memref<16x128xf32, #tpu.memory_space<vmem_shared>>
          tpu.enqueue_dma source(%dma_start3A_31 : memref<16x128xf32, #tpu.memory_space<vmem_shared>>) target(%dma_start3A_28 : memref<16x128xf32, #tpu.memory_space<hbm>>) target_semaphore(%run_scoped3A : memref<!tpu.dma_semaphore, #tpu.memory_space<semaphore_mem>>)
          %dma_wait3A = arith.constant 9984 : i32
          %dma_wait3A_32 = arith.constant 0 : i32
          %dma_wait3A_33 = tpu.memref_slice %arg8[%dma_wait3A, %dma_wait3A_32] : memref<10000x128xf32, #tpu.memory_space<hbm>> -> memref<16x128xf32, #tpu.memory_space<hbm>>
          %dma_wait3A_34 = arith.constant 9984 : i32
          %dma_wait3A_35 = arith.constant 0 : i32
          %dma_wait3A_36 = tpu.memref_slice %arg12[%dma_wait3A_34, %dma_wait3A_35] : memref<10112x128xf32, #tpu.memory_space<vmem_shared>> -> memref<16x128xf32, #tpu.memory_space<vmem_shared>>
          tpu.wait_dma2 semaphore(%run_scoped3A : memref<!tpu.dma_semaphore, #tpu.memory_space<semaphore_mem>>) src(%dma_wait3A_36 : memref<16x128xf32, #tpu.memory_space<vmem_shared>>) dst(%dma_wait3A_33 : memref<16x128xf32, #tpu.memory_space<hbm>>)
          tpu.yield
        }) : () -> ()
      } else {
      }
    } else {
    }
    return
  }
}

#map = affine_map<(d0, d1) -> (0, 0)>
module attributes {stable_mosaic.version = 14 : i64} {
  func.func @segsum(%arg0: i32, %arg1: i32, %arg2: memref<10000x128xf32, #tpu.memory_space<hbm>>, %arg3: memref<10000x128xf32, #tpu.memory_space<hbm>>, %arg4: memref<1280x128xi32, #tpu.memory_space<hbm>>, %arg5: memref<1280x128xi32, #tpu.memory_space<hbm>>, %arg6: memref<632x128xf32, #tpu.memory_space<hbm>>, %arg7: memref<10000x128xf32, #tpu.memory_space<hbm>>, %arg8: memref<10000x128xf32, #tpu.memory_space<hbm>>, %arg9: memref<80x128xi32, #tpu.memory_space<vmem>>, %arg10: memref<80x128xi32, #tpu.memory_space<vmem>>, %arg11: memref<128x128xf32, #tpu.memory_space<vmem>>, %arg12: memref<10112x128xf32, #tpu.memory_space<vmem_shared>>, %arg13: memref<!tpu.dma_semaphore, #tpu.memory_space<semaphore_mem>>) attributes {dimension_semantics = [#tpu.dimension_semantics<core_parallel>, #tpu.dimension_semantics<subcore_parallel>], iteration_bounds = array<i64: 2, 16>, scalar_prefetch = 0 : i64, scratch_operands = 5 : i64, tpu.core_type = #tpu.core_type<sc_vector_subcore>, window_params = [{transform_indices = #map}, {transform_indices = #map}, {transform_indices = #map}, {transform_indices = #map}, {transform_indices = #map}, {transform_indices = #map}, {transform_indices = #map}]} {
    %mul3A = arith.constant 632 : i32
    %mul3A_0 = arith.muli %arg1, %mul3A : i32
    "tpu.region"() ({
      %run_scoped3A = tpu.sem_alloc : memref<!tpu.dma_semaphore, #tpu.memory_space<semaphore_mem>>
      %dma_start3A = arith.constant 0 : i32
      %dma_start3A_10 = tpu.memref_slice %arg12[%mul3A_0, %dma_start3A] : memref<10112x128xf32, #tpu.memory_space<vmem_shared>> -> memref<632x128xf32, #tpu.memory_space<vmem_shared>>
      tpu.enqueue_dma source(%arg6 : memref<632x128xf32, #tpu.memory_space<hbm>>) target(%dma_start3A_10 : memref<632x128xf32, #tpu.memory_space<vmem_shared>>) target_semaphore(%run_scoped3A : memref<!tpu.dma_semaphore, #tpu.memory_space<semaphore_mem>>)
      %dma_wait3A = arith.constant 0 : i32
      %dma_wait3A_11 = tpu.memref_slice %arg12[%mul3A_0, %dma_wait3A] : memref<10112x128xf32, #tpu.memory_space<vmem_shared>> -> memref<632x128xf32, #tpu.memory_space<vmem_shared>>
      tpu.wait_dma2 semaphore(%run_scoped3A : memref<!tpu.dma_semaphore, #tpu.memory_space<semaphore_mem>>) src(%arg6 : memref<632x128xf32, #tpu.memory_space<hbm>>) dst(%dma_wait3A_11 : memref<632x128xf32, #tpu.memory_space<vmem_shared>>)
      tpu.yield
    }) : () -> ()
    %barrier3A = arith.constant 0 : index
    tpu.barrier barrier_id(%barrier3A)
    %mul3A_1 = arith.constant 80 : i32
    %mul3A_2 = arith.muli %arg1, %mul3A_1 : i32
    %eq3A = arith.constant 0 : i32
    %eq3A_3 = arith.cmpi eq, %arg0, %eq3A : i32
    %convert_element_type3A = arith.extui %eq3A_3 : i1 to i32
    %cond3A = arith.constant 0 : i32
    %cond3A_4 = arith.cmpi ne, %convert_element_type3A, %cond3A : i32
    scf.if %cond3A_4 {
      "tpu.region"() ({
        %run_scoped3A = tpu.sem_alloc : memref<!tpu.dma_semaphore, #tpu.memory_space<semaphore_mem>>
        %dma_start3A = arith.constant 0 : i32
        %dma_start3A_25 = tpu.memref_slice %arg4[%mul3A_2, %dma_start3A] : memref<1280x128xi32, #tpu.memory_space<hbm>> -> memref<80x128xi32, #tpu.memory_space<hbm>>
        %dma_start3A_26 = arith.constant 0 : i32
        %dma_start3A_27 = tpu.memref_slice %arg4[%mul3A_2, %dma_start3A_26] : memref<1280x128xi32, #tpu.memory_space<hbm>> -> memref<80x128xi32, #tpu.memory_space<hbm>>
        tpu.enqueue_dma source(%dma_start3A_27 : memref<80x128xi32, #tpu.memory_space<hbm>>) target(%arg9 : memref<80x128xi32, #tpu.memory_space<vmem>>) target_semaphore(%run_scoped3A : memref<!tpu.dma_semaphore, #tpu.memory_space<semaphore_mem>>)
        %dma_wait3A = arith.constant 0 : i32
        %dma_wait3A_28 = tpu.memref_slice %arg4[%mul3A_2, %dma_wait3A] : memref<1280x128xi32, #tpu.memory_space<hbm>> -> memref<80x128xi32, #tpu.memory_space<hbm>>
        %dma_wait3A_29 = arith.constant 0 : i32
        %dma_wait3A_30 = tpu.memref_slice %arg4[%mul3A_2, %dma_wait3A_29] : memref<1280x128xi32, #tpu.memory_space<hbm>> -> memref<80x128xi32, #tpu.memory_space<hbm>>
        tpu.wait_dma2 semaphore(%run_scoped3A : memref<!tpu.dma_semaphore, #tpu.memory_space<semaphore_mem>>) src(%dma_wait3A_30 : memref<80x128xi32, #tpu.memory_space<hbm>>) dst(%arg9 : memref<80x128xi32, #tpu.memory_space<vmem>>)
        tpu.yield
      }) : () -> ()
      "tpu.region"() ({
        %run_scoped3A = tpu.sem_alloc : memref<!tpu.dma_semaphore, #tpu.memory_space<semaphore_mem>>
        %dma_start3A = arith.constant 0 : i32
        %dma_start3A_25 = tpu.memref_slice %arg5[%mul3A_2, %dma_start3A] : memref<1280x128xi32, #tpu.memory_space<hbm>> -> memref<80x128xi32, #tpu.memory_space<hbm>>
        %dma_start3A_26 = arith.constant 0 : i32
        %dma_start3A_27 = tpu.memref_slice %arg5[%mul3A_2, %dma_start3A_26] : memref<1280x128xi32, #tpu.memory_space<hbm>> -> memref<80x128xi32, #tpu.memory_space<hbm>>
        tpu.enqueue_dma source(%dma_start3A_27 : memref<80x128xi32, #tpu.memory_space<hbm>>) target(%arg10 : memref<80x128xi32, #tpu.memory_space<vmem>>) target_semaphore(%run_scoped3A : memref<!tpu.dma_semaphore, #tpu.memory_space<semaphore_mem>>)
        %dma_wait3A = arith.constant 0 : i32
        %dma_wait3A_28 = tpu.memref_slice %arg5[%mul3A_2, %dma_wait3A] : memref<1280x128xi32, #tpu.memory_space<hbm>> -> memref<80x128xi32, #tpu.memory_space<hbm>>
        %dma_wait3A_29 = arith.constant 0 : i32
        %dma_wait3A_30 = tpu.memref_slice %arg5[%mul3A_2, %dma_wait3A_29] : memref<1280x128xi32, #tpu.memory_space<hbm>> -> memref<80x128xi32, #tpu.memory_space<hbm>>
        tpu.wait_dma2 semaphore(%run_scoped3A : memref<!tpu.dma_semaphore, #tpu.memory_space<semaphore_mem>>) src(%dma_wait3A_30 : memref<80x128xi32, #tpu.memory_space<hbm>>) dst(%arg10 : memref<80x128xi32, #tpu.memory_space<vmem>>)
        tpu.yield
      }) : () -> ()
      %scan3A = arith.constant 0 : i32
      %scan3A_10 = arith.constant 0 : i32
      %scan3A_11 = arith.constant 80 : i32
      %scan3A_12 = arith.addi %scan3A_10, %scan3A_11 : i32
      %scan3A_13 = arith.constant 1 : i32
      scf.for %scan3A_25 = %scan3A_10 to %scan3A_12 step %scan3A_13  : i32 {
        %dma_start3A = arith.constant 0 : i32
        %dma_start3A_26 = tpu.memref_slice %arg9[%scan3A_25, %dma_start3A] : memref<80x128xi32, #tpu.memory_space<vmem>> -> memref<1x128xi32, #tpu.memory_space<vmem>>
        %dma_start3A_27 = tpu.memref_squeeze %dma_start3A_26 : memref<1x128xi32, #tpu.memory_space<vmem>> -> memref<128xi32, #tpu.memory_space<vmem>>
        %dma_start3A_28 = arith.constant 0 : i32
        %dma_start3A_29 = arith.constant 0 : i32
        %dma_start3A_30 = tpu.memref_slice %arg2[%dma_start3A_28, %dma_start3A_29] : memref<10000x128xf32, #tpu.memory_space<hbm>> -> memref<10000x128xf32, #tpu.memory_space<hbm>>
        tpu.enqueue_indirect_dma source(%dma_start3A_30 : memref<10000x128xf32, #tpu.memory_space<hbm>>) target(%arg11 : memref<128x128xf32, #tpu.memory_space<vmem>>) offsets(%dma_start3A_27 : memref<128xi32, #tpu.memory_space<vmem>>) semaphore(%arg13 : memref<!tpu.dma_semaphore, #tpu.memory_space<semaphore_mem>>)
        %dma_wait3A = arith.constant 0 : i32
        %dma_wait3A_31 = tpu.memref_slice %arg9[%scan3A_25, %dma_wait3A] : memref<80x128xi32, #tpu.memory_space<vmem>> -> memref<1x128xi32, #tpu.memory_space<vmem>>
        %dma_wait3A_32 = tpu.memref_squeeze %dma_wait3A_31 : memref<1x128xi32, #tpu.memory_space<vmem>> -> memref<128xi32, #tpu.memory_space<vmem>>
        %dma_wait3A_33 = arith.constant 0 : i32
        %dma_wait3A_34 = arith.constant 0 : i32
        %dma_wait3A_35 = tpu.memref_slice %arg2[%dma_wait3A_33, %dma_wait3A_34] : memref<10000x128xf32, #tpu.memory_space<hbm>> -> memref<10000x128xf32, #tpu.memory_space<hbm>>
        tpu.wait_indirect_dma semaphore(%arg13 : memref<!tpu.dma_semaphore, #tpu.memory_space<semaphore_mem>>) src(%dma_wait3A_35 : memref<10000x128xf32, #tpu.memory_space<hbm>>) dst(%arg11 : memref<128x128xf32, #tpu.memory_space<vmem>>)
        "tpu.region"() ({
          %run_scoped3A = tpu.sem_alloc : memref<!tpu.dma_semaphore, #tpu.memory_space<semaphore_mem>>
          %dma_start3A_36 = arith.constant 0 : i32
          %dma_start3A_37 = tpu.memref_slice %arg10[%scan3A_25, %dma_start3A_36] : memref<80x128xi32, #tpu.memory_space<vmem>> -> memref<1x128xi32, #tpu.memory_space<vmem>>
          %dma_start3A_38 = tpu.memref_squeeze %dma_start3A_37 : memref<1x128xi32, #tpu.memory_space<vmem>> -> memref<128xi32, #tpu.memory_space<vmem>>
          %dma_start3A_39 = arith.constant 0 : i32
          %dma_start3A_40 = arith.constant 0 : i32
          %dma_start3A_41 = tpu.memref_slice %arg12[%dma_start3A_39, %dma_start3A_40] : memref<10112x128xf32, #tpu.memory_space<vmem_shared>> -> memref<10112x128xf32, #tpu.memory_space<vmem_shared>>
          tpu.enqueue_indirect_dma source(%arg11 : memref<128x128xf32, #tpu.memory_space<vmem>>) target(%dma_start3A_41 : memref<10112x128xf32, #tpu.memory_space<vmem_shared>>) offsets(%dma_start3A_38 : memref<128xi32, #tpu.memory_space<vmem>>) semaphore(%run_scoped3A : memref<!tpu.dma_semaphore, #tpu.memory_space<semaphore_mem>>) {add = true}
          %dma_wait3A_42 = arith.constant 0 : i32
          %dma_wait3A_43 = tpu.memref_slice %arg10[%scan3A_25, %dma_wait3A_42] : memref<80x128xi32, #tpu.memory_space<vmem>> -> memref<1x128xi32, #tpu.memory_space<vmem>>
          %dma_wait3A_44 = tpu.memref_squeeze %dma_wait3A_43 : memref<1x128xi32, #tpu.memory_space<vmem>> -> memref<128xi32, #tpu.memory_space<vmem>>
          %dma_wait3A_45 = arith.constant 0 : i32
          %dma_wait3A_46 = arith.constant 0 : i32
          %dma_wait3A_47 = tpu.memref_slice %arg12[%dma_wait3A_45, %dma_wait3A_46] : memref<10112x128xf32, #tpu.memory_space<vmem_shared>> -> memref<10112x128xf32, #tpu.memory_space<vmem_shared>>
          tpu.wait_indirect_dma semaphore(%run_scoped3A : memref<!tpu.dma_semaphore, #tpu.memory_space<semaphore_mem>>) src(%arg11 : memref<128x128xf32, #tpu.memory_space<vmem>>) dst(%dma_wait3A_47 : memref<10112x128xf32, #tpu.memory_space<vmem_shared>>)
          tpu.yield
        }) : () -> ()
      }
      %scan3A_14 = arith.constant 80 : i32
      %barrier3A_15 = arith.constant 0 : index
      tpu.barrier barrier_id(%barrier3A_15)
      %mul3A_16 = arith.constant 624 : i32
      %mul3A_17 = arith.muli %arg1, %mul3A_16 : i32
      %mul3A_18 = arith.constant 624 : i32
      %mul3A_19 = arith.muli %arg1, %mul3A_18 : i32
      "tpu.region"() ({
        %run_scoped3A = tpu.sem_alloc : memref<!tpu.dma_semaphore, #tpu.memory_space<semaphore_mem>>
        %dma_start3A = arith.constant 0 : i32
        %dma_start3A_25 = tpu.memref_slice %arg7[%mul3A_19, %dma_start3A] : memref<10000x128xf32, #tpu.memory_space<hbm>> -> memref<624x128xf32, #tpu.memory_space<hbm>>
        %dma_start3A_26 = arith.constant 0 : i32
        %dma_start3A_27 = tpu.memref_slice %arg12[%mul3A_17, %dma_start3A_26] : memref<10112x128xf32, #tpu.memory_space<vmem_shared>> -> memref<624x128xf32, #tpu.memory_space<vmem_shared>>
        tpu.enqueue_dma source(%dma_start3A_27 : memref<624x128xf32, #tpu.memory_space<vmem_shared>>) target(%dma_start3A_25 : memref<624x128xf32, #tpu.memory_space<hbm>>) target_semaphore(%run_scoped3A : memref<!tpu.dma_semaphore, #tpu.memory_space<semaphore_mem>>)
        %dma_wait3A = arith.constant 0 : i32
        %dma_wait3A_28 = tpu.memref_slice %arg7[%mul3A_19, %dma_wait3A] : memref<10000x128xf32, #tpu.memory_space<hbm>> -> memref<624x128xf32, #tpu.memory_space<hbm>>
        %dma_wait3A_29 = arith.constant 0 : i32
        %dma_wait3A_30 = tpu.memref_slice %arg12[%mul3A_17, %dma_wait3A_29] : memref<10112x128xf32, #tpu.memory_space<vmem_shared>> -> memref<624x128xf32, #tpu.memory_space<vmem_shared>>
        tpu.wait_dma2 semaphore(%run_scoped3A : memref<!tpu.dma_semaphore, #tpu.memory_space<semaphore_mem>>) src(%dma_wait3A_30 : memref<624x128xf32, #tpu.memory_space<vmem_shared>>) dst(%dma_wait3A_28 : memref<624x128xf32, #tpu.memory_space<hbm>>)
        tpu.yield
      }) : () -> ()
      %eq3A_20 = arith.constant 0 : i32
      %eq3A_21 = arith.cmpi eq, %arg1, %eq3A_20 : i32
      %convert_element_type3A_22 = arith.extui %eq3A_21 : i1 to i32
      %cond3A_23 = arith.constant 0 : i32
      %cond3A_24 = arith.cmpi ne, %convert_element_type3A_22, %cond3A_23 : i32
      scf.if %cond3A_24 {
        "tpu.region"() ({
          %run_scoped3A = tpu.sem_alloc : memref<!tpu.dma_semaphore, #tpu.memory_space<semaphore_mem>>
          %dma_start3A = arith.constant 9984 : i32
          %dma_start3A_25 = arith.constant 0 : i32
          %dma_start3A_26 = tpu.memref_slice %arg7[%dma_start3A, %dma_start3A_25] : memref<10000x128xf32, #tpu.memory_space<hbm>> -> memref<16x128xf32, #tpu.memory_space<hbm>>
          %dma_start3A_27 = arith.constant 9984 : i32
          %dma_start3A_28 = arith.constant 0 : i32
          %dma_start3A_29 = tpu.memref_slice %arg12[%dma_start3A_27, %dma_start3A_28] : memref<10112x128xf32, #tpu.memory_space<vmem_shared>> -> memref<16x128xf32, #tpu.memory_space<vmem_shared>>
          tpu.enqueue_dma source(%dma_start3A_29 : memref<16x128xf32, #tpu.memory_space<vmem_shared>>) target(%dma_start3A_26 : memref<16x128xf32, #tpu.memory_space<hbm>>) target_semaphore(%run_scoped3A : memref<!tpu.dma_semaphore, #tpu.memory_space<semaphore_mem>>)
          %dma_wait3A = arith.constant 9984 : i32
          %dma_wait3A_30 = arith.constant 0 : i32
          %dma_wait3A_31 = tpu.memref_slice %arg7[%dma_wait3A, %dma_wait3A_30] : memref<10000x128xf32, #tpu.memory_space<hbm>> -> memref<16x128xf32, #tpu.memory_space<hbm>>
          %dma_wait3A_32 = arith.constant 9984 : i32
          %dma_wait3A_33 = arith.constant 0 : i32
          %dma_wait3A_34 = tpu.memref_slice %arg12[%dma_wait3A_32, %dma_wait3A_33] : memref<10112x128xf32, #tpu.memory_space<vmem_shared>> -> memref<16x128xf32, #tpu.memory_space<vmem_shared>>
          tpu.wait_dma2 semaphore(%run_scoped3A : memref<!tpu.dma_semaphore, #tpu.memory_space<semaphore_mem>>) src(%dma_wait3A_34 : memref<16x128xf32, #tpu.memory_space<vmem_shared>>) dst(%dma_wait3A_31 : memref<16x128xf32, #tpu.memory_space<hbm>>)
          tpu.yield
        }) : () -> ()
      } else {
      }
    } else {
    }
    %eq3A_5 = arith.constant 1 : i32
    %eq3A_6 = arith.cmpi eq, %arg0, %eq3A_5 : i32
    %convert_element_type3A_7 = arith.extui %eq3A_6 : i1 to i32
    %cond3A_8 = arith.constant 0 : i32
    %cond3A_9 = arith.cmpi ne, %convert_element_type3A_7, %cond3A_8 : i32
    scf.if %cond3A_9 {
      "tpu.region"() ({
        %run_scoped3A = tpu.sem_alloc : memref<!tpu.dma_semaphore, #tpu.memory_space<semaphore_mem>>
        %dma_start3A = arith.constant 0 : i32
        %dma_start3A_25 = tpu.memref_slice %arg4[%mul3A_2, %dma_start3A] : memref<1280x128xi32, #tpu.memory_space<hbm>> -> memref<80x128xi32, #tpu.memory_space<hbm>>
        %dma_start3A_26 = arith.constant 0 : i32
        %dma_start3A_27 = tpu.memref_slice %arg4[%mul3A_2, %dma_start3A_26] : memref<1280x128xi32, #tpu.memory_space<hbm>> -> memref<80x128xi32, #tpu.memory_space<hbm>>
        tpu.enqueue_dma source(%dma_start3A_27 : memref<80x128xi32, #tpu.memory_space<hbm>>) target(%arg9 : memref<80x128xi32, #tpu.memory_space<vmem>>) target_semaphore(%run_scoped3A : memref<!tpu.dma_semaphore, #tpu.memory_space<semaphore_mem>>)
        %dma_wait3A = arith.constant 0 : i32
        %dma_wait3A_28 = tpu.memref_slice %arg4[%mul3A_2, %dma_wait3A] : memref<1280x128xi32, #tpu.memory_space<hbm>> -> memref<80x128xi32, #tpu.memory_space<hbm>>
        %dma_wait3A_29 = arith.constant 0 : i32
        %dma_wait3A_30 = tpu.memref_slice %arg4[%mul3A_2, %dma_wait3A_29] : memref<1280x128xi32, #tpu.memory_space<hbm>> -> memref<80x128xi32, #tpu.memory_space<hbm>>
        tpu.wait_dma2 semaphore(%run_scoped3A : memref<!tpu.dma_semaphore, #tpu.memory_space<semaphore_mem>>) src(%dma_wait3A_30 : memref<80x128xi32, #tpu.memory_space<hbm>>) dst(%arg9 : memref<80x128xi32, #tpu.memory_space<vmem>>)
        tpu.yield
      }) : () -> ()
      "tpu.region"() ({
        %run_scoped3A = tpu.sem_alloc : memref<!tpu.dma_semaphore, #tpu.memory_space<semaphore_mem>>
        %dma_start3A = arith.constant 0 : i32
        %dma_start3A_25 = tpu.memref_slice %arg5[%mul3A_2, %dma_start3A] : memref<1280x128xi32, #tpu.memory_space<hbm>> -> memref<80x128xi32, #tpu.memory_space<hbm>>
        %dma_start3A_26 = arith.constant 0 : i32
        %dma_start3A_27 = tpu.memref_slice %arg5[%mul3A_2, %dma_start3A_26] : memref<1280x128xi32, #tpu.memory_space<hbm>> -> memref<80x128xi32, #tpu.memory_space<hbm>>
        tpu.enqueue_dma source(%dma_start3A_27 : memref<80x128xi32, #tpu.memory_space<hbm>>) target(%arg10 : memref<80x128xi32, #tpu.memory_space<vmem>>) target_semaphore(%run_scoped3A : memref<!tpu.dma_semaphore, #tpu.memory_space<semaphore_mem>>)
        %dma_wait3A = arith.constant 0 : i32
        %dma_wait3A_28 = tpu.memref_slice %arg5[%mul3A_2, %dma_wait3A] : memref<1280x128xi32, #tpu.memory_space<hbm>> -> memref<80x128xi32, #tpu.memory_space<hbm>>
        %dma_wait3A_29 = arith.constant 0 : i32
        %dma_wait3A_30 = tpu.memref_slice %arg5[%mul3A_2, %dma_wait3A_29] : memref<1280x128xi32, #tpu.memory_space<hbm>> -> memref<80x128xi32, #tpu.memory_space<hbm>>
        tpu.wait_dma2 semaphore(%run_scoped3A : memref<!tpu.dma_semaphore, #tpu.memory_space<semaphore_mem>>) src(%dma_wait3A_30 : memref<80x128xi32, #tpu.memory_space<hbm>>) dst(%arg10 : memref<80x128xi32, #tpu.memory_space<vmem>>)
        tpu.yield
      }) : () -> ()
      %scan3A = arith.constant 0 : i32
      %scan3A_10 = arith.constant 0 : i32
      %scan3A_11 = arith.constant 80 : i32
      %scan3A_12 = arith.addi %scan3A_10, %scan3A_11 : i32
      %scan3A_13 = arith.constant 1 : i32
      scf.for %scan3A_25 = %scan3A_10 to %scan3A_12 step %scan3A_13  : i32 {
        %dma_start3A = arith.constant 0 : i32
        %dma_start3A_26 = tpu.memref_slice %arg9[%scan3A_25, %dma_start3A] : memref<80x128xi32, #tpu.memory_space<vmem>> -> memref<1x128xi32, #tpu.memory_space<vmem>>
        %dma_start3A_27 = tpu.memref_squeeze %dma_start3A_26 : memref<1x128xi32, #tpu.memory_space<vmem>> -> memref<128xi32, #tpu.memory_space<vmem>>
        %dma_start3A_28 = arith.constant 0 : i32
        %dma_start3A_29 = arith.constant 0 : i32
        %dma_start3A_30 = tpu.memref_slice %arg3[%dma_start3A_28, %dma_start3A_29] : memref<10000x128xf32, #tpu.memory_space<hbm>> -> memref<10000x128xf32, #tpu.memory_space<hbm>>
        tpu.enqueue_indirect_dma source(%dma_start3A_30 : memref<10000x128xf32, #tpu.memory_space<hbm>>) target(%arg11 : memref<128x128xf32, #tpu.memory_space<vmem>>) offsets(%dma_start3A_27 : memref<128xi32, #tpu.memory_space<vmem>>) semaphore(%arg13 : memref<!tpu.dma_semaphore, #tpu.memory_space<semaphore_mem>>)
        %dma_wait3A = arith.constant 0 : i32
        %dma_wait3A_31 = tpu.memref_slice %arg9[%scan3A_25, %dma_wait3A] : memref<80x128xi32, #tpu.memory_space<vmem>> -> memref<1x128xi32, #tpu.memory_space<vmem>>
        %dma_wait3A_32 = tpu.memref_squeeze %dma_wait3A_31 : memref<1x128xi32, #tpu.memory_space<vmem>> -> memref<128xi32, #tpu.memory_space<vmem>>
        %dma_wait3A_33 = arith.constant 0 : i32
        %dma_wait3A_34 = arith.constant 0 : i32
        %dma_wait3A_35 = tpu.memref_slice %arg3[%dma_wait3A_33, %dma_wait3A_34] : memref<10000x128xf32, #tpu.memory_space<hbm>> -> memref<10000x128xf32, #tpu.memory_space<hbm>>
        tpu.wait_indirect_dma semaphore(%arg13 : memref<!tpu.dma_semaphore, #tpu.memory_space<semaphore_mem>>) src(%dma_wait3A_35 : memref<10000x128xf32, #tpu.memory_space<hbm>>) dst(%arg11 : memref<128x128xf32, #tpu.memory_space<vmem>>)
        "tpu.region"() ({
          %run_scoped3A = tpu.sem_alloc : memref<!tpu.dma_semaphore, #tpu.memory_space<semaphore_mem>>
          %dma_start3A_36 = arith.constant 0 : i32
          %dma_start3A_37 = tpu.memref_slice %arg10[%scan3A_25, %dma_start3A_36] : memref<80x128xi32, #tpu.memory_space<vmem>> -> memref<1x128xi32, #tpu.memory_space<vmem>>
          %dma_start3A_38 = tpu.memref_squeeze %dma_start3A_37 : memref<1x128xi32, #tpu.memory_space<vmem>> -> memref<128xi32, #tpu.memory_space<vmem>>
          %dma_start3A_39 = arith.constant 0 : i32
          %dma_start3A_40 = arith.constant 0 : i32
          %dma_start3A_41 = tpu.memref_slice %arg12[%dma_start3A_39, %dma_start3A_40] : memref<10112x128xf32, #tpu.memory_space<vmem_shared>> -> memref<10112x128xf32, #tpu.memory_space<vmem_shared>>
          tpu.enqueue_indirect_dma source(%arg11 : memref<128x128xf32, #tpu.memory_space<vmem>>) target(%dma_start3A_41 : memref<10112x128xf32, #tpu.memory_space<vmem_shared>>) offsets(%dma_start3A_38 : memref<128xi32, #tpu.memory_space<vmem>>) semaphore(%run_scoped3A : memref<!tpu.dma_semaphore, #tpu.memory_space<semaphore_mem>>) {add = true}
          %dma_wait3A_42 = arith.constant 0 : i32
          %dma_wait3A_43 = tpu.memref_slice %arg10[%scan3A_25, %dma_wait3A_42] : memref<80x128xi32, #tpu.memory_space<vmem>> -> memref<1x128xi32, #tpu.memory_space<vmem>>
          %dma_wait3A_44 = tpu.memref_squeeze %dma_wait3A_43 : memref<1x128xi32, #tpu.memory_space<vmem>> -> memref<128xi32, #tpu.memory_space<vmem>>
          %dma_wait3A_45 = arith.constant 0 : i32
          %dma_wait3A_46 = arith.constant 0 : i32
          %dma_wait3A_47 = tpu.memref_slice %arg12[%dma_wait3A_45, %dma_wait3A_46] : memref<10112x128xf32, #tpu.memory_space<vmem_shared>> -> memref<10112x128xf32, #tpu.memory_space<vmem_shared>>
          tpu.wait_indirect_dma semaphore(%run_scoped3A : memref<!tpu.dma_semaphore, #tpu.memory_space<semaphore_mem>>) src(%arg11 : memref<128x128xf32, #tpu.memory_space<vmem>>) dst(%dma_wait3A_47 : memref<10112x128xf32, #tpu.memory_space<vmem_shared>>)
          tpu.yield
        }) : () -> ()
      }
      %scan3A_14 = arith.constant 80 : i32
      %barrier3A_15 = arith.constant 0 : index
      tpu.barrier barrier_id(%barrier3A_15)
      %mul3A_16 = arith.constant 624 : i32
      %mul3A_17 = arith.muli %arg1, %mul3A_16 : i32
      %mul3A_18 = arith.constant 624 : i32
      %mul3A_19 = arith.muli %arg1, %mul3A_18 : i32
      "tpu.region"() ({
        %run_scoped3A = tpu.sem_alloc : memref<!tpu.dma_semaphore, #tpu.memory_space<semaphore_mem>>
        %dma_start3A = arith.constant 0 : i32
        %dma_start3A_25 = tpu.memref_slice %arg8[%mul3A_19, %dma_start3A] : memref<10000x128xf32, #tpu.memory_space<hbm>> -> memref<624x128xf32, #tpu.memory_space<hbm>>
        %dma_start3A_26 = arith.constant 0 : i32
        %dma_start3A_27 = tpu.memref_slice %arg12[%mul3A_17, %dma_start3A_26] : memref<10112x128xf32, #tpu.memory_space<vmem_shared>> -> memref<624x128xf32, #tpu.memory_space<vmem_shared>>
        tpu.enqueue_dma source(%dma_start3A_27 : memref<624x128xf32, #tpu.memory_space<vmem_shared>>) target(%dma_start3A_25 : memref<624x128xf32, #tpu.memory_space<hbm>>) target_semaphore(%run_scoped3A : memref<!tpu.dma_semaphore, #tpu.memory_space<semaphore_mem>>)
        %dma_wait3A = arith.constant 0 : i32
        %dma_wait3A_28 = tpu.memref_slice %arg8[%mul3A_19, %dma_wait3A] : memref<10000x128xf32, #tpu.memory_space<hbm>> -> memref<624x128xf32, #tpu.memory_space<hbm>>
        %dma_wait3A_29 = arith.constant 0 : i32
        %dma_wait3A_30 = tpu.memref_slice %arg12[%mul3A_17, %dma_wait3A_29] : memref<10112x128xf32, #tpu.memory_space<vmem_shared>> -> memref<624x128xf32, #tpu.memory_space<vmem_shared>>
        tpu.wait_dma2 semaphore(%run_scoped3A : memref<!tpu.dma_semaphore, #tpu.memory_space<semaphore_mem>>) src(%dma_wait3A_30 : memref<624x128xf32, #tpu.memory_space<vmem_shared>>) dst(%dma_wait3A_28 : memref<624x128xf32, #tpu.memory_space<hbm>>)
        tpu.yield
      }) : () -> ()
      %eq3A_20 = arith.constant 0 : i32
      %eq3A_21 = arith.cmpi eq, %arg1, %eq3A_20 : i32
      %convert_element_type3A_22 = arith.extui %eq3A_21 : i1 to i32
      %cond3A_23 = arith.constant 0 : i32
      %cond3A_24 = arith.cmpi ne, %convert_element_type3A_22, %cond3A_23 : i32
      scf.if %cond3A_24 {
        "tpu.region"() ({
          %run_scoped3A = tpu.sem_alloc : memref<!tpu.dma_semaphore, #tpu.memory_space<semaphore_mem>>
          %dma_start3A = arith.constant 9984 : i32
          %dma_start3A_25 = arith.constant 0 : i32
          %dma_start3A_26 = tpu.memref_slice %arg8[%dma_start3A, %dma_start3A_25] : memref<10000x128xf32, #tpu.memory_space<hbm>> -> memref<16x128xf32, #tpu.memory_space<hbm>>
          %dma_start3A_27 = arith.constant 9984 : i32
          %dma_start3A_28 = arith.constant 0 : i32
          %dma_start3A_29 = tpu.memref_slice %arg12[%dma_start3A_27, %dma_start3A_28] : memref<10112x128xf32, #tpu.memory_space<vmem_shared>> -> memref<16x128xf32, #tpu.memory_space<vmem_shared>>
          tpu.enqueue_dma source(%dma_start3A_29 : memref<16x128xf32, #tpu.memory_space<vmem_shared>>) target(%dma_start3A_26 : memref<16x128xf32, #tpu.memory_space<hbm>>) target_semaphore(%run_scoped3A : memref<!tpu.dma_semaphore, #tpu.memory_space<semaphore_mem>>)
          %dma_wait3A = arith.constant 9984 : i32
          %dma_wait3A_30 = arith.constant 0 : i32
          %dma_wait3A_31 = tpu.memref_slice %arg8[%dma_wait3A, %dma_wait3A_30] : memref<10000x128xf32, #tpu.memory_space<hbm>> -> memref<16x128xf32, #tpu.memory_space<hbm>>
          %dma_wait3A_32 = arith.constant 9984 : i32
          %dma_wait3A_33 = arith.constant 0 : i32
          %dma_wait3A_34 = tpu.memref_slice %arg12[%dma_wait3A_32, %dma_wait3A_33] : memref<10112x128xf32, #tpu.memory_space<vmem_shared>> -> memref<16x128xf32, #tpu.memory_space<vmem_shared>>
          tpu.wait_dma2 semaphore(%run_scoped3A : memref<!tpu.dma_semaphore, #tpu.memory_space<semaphore_mem>>) src(%dma_wait3A_34 : memref<16x128xf32, #tpu.memory_space<vmem_shared>>) dst(%dma_wait3A_31 : memref<16x128xf32, #tpu.memory_space<hbm>>)
          tpu.yield
        }) : () -> ()
      } else {
      }
    } else {
    }
    return
  }
}

#map = affine_map<(d0, d1) -> (0, 0)>
module attributes {stable_mosaic.version = 14 : i64} {
  func.func @segsum(%arg0: i32, %arg1: i32, %arg2: memref<10000x128xf32, #tpu.memory_space<hbm>>, %arg3: memref<10000x128xf32, #tpu.memory_space<hbm>>, %arg4: memref<1280x128xi32, #tpu.memory_space<hbm>>, %arg5: memref<1280x128xi32, #tpu.memory_space<hbm>>, %arg6: memref<632x128xf32, #tpu.memory_space<hbm>>, %arg7: memref<10000x128xf32, #tpu.memory_space<hbm>>, %arg8: memref<10000x128xf32, #tpu.memory_space<hbm>>, %arg9: memref<80x128xi32, #tpu.memory_space<vmem>>, %arg10: memref<80x128xi32, #tpu.memory_space<vmem>>, %arg11: memref<128x128xf32, #tpu.memory_space<vmem>>, %arg12: memref<10112x128xf32, #tpu.memory_space<vmem_shared>>, %arg13: memref<!tpu.dma_semaphore, #tpu.memory_space<semaphore_mem>>) attributes {dimension_semantics = [#tpu.dimension_semantics<core_parallel>, #tpu.dimension_semantics<subcore_parallel>], iteration_bounds = array<i64: 2, 16>, scalar_prefetch = 0 : i64, scratch_operands = 5 : i64, tpu.core_type = #tpu.core_type<sc_vector_subcore>, window_params = [{transform_indices = #map}, {transform_indices = #map}, {transform_indices = #map}, {transform_indices = #map}, {transform_indices = #map}, {transform_indices = #map}, {transform_indices = #map}]} {
    %mul3A = arith.constant 632 : i32
    %mul3A_0 = arith.muli %arg1, %mul3A : i32
    "tpu.region"() ({
      %run_scoped3A = tpu.sem_alloc : memref<!tpu.dma_semaphore, #tpu.memory_space<semaphore_mem>>
      %dma_start3A = arith.constant 0 : i32
      %dma_start3A_10 = tpu.memref_slice %arg12[%mul3A_0, %dma_start3A] : memref<10112x128xf32, #tpu.memory_space<vmem_shared>> -> memref<632x128xf32, #tpu.memory_space<vmem_shared>>
      tpu.enqueue_dma source(%arg6 : memref<632x128xf32, #tpu.memory_space<hbm>>) target(%dma_start3A_10 : memref<632x128xf32, #tpu.memory_space<vmem_shared>>) target_semaphore(%run_scoped3A : memref<!tpu.dma_semaphore, #tpu.memory_space<semaphore_mem>>)
      %dma_wait3A = arith.constant 0 : i32
      %dma_wait3A_11 = tpu.memref_slice %arg12[%mul3A_0, %dma_wait3A] : memref<10112x128xf32, #tpu.memory_space<vmem_shared>> -> memref<632x128xf32, #tpu.memory_space<vmem_shared>>
      tpu.wait_dma2 semaphore(%run_scoped3A : memref<!tpu.dma_semaphore, #tpu.memory_space<semaphore_mem>>) src(%arg6 : memref<632x128xf32, #tpu.memory_space<hbm>>) dst(%dma_wait3A_11 : memref<632x128xf32, #tpu.memory_space<vmem_shared>>)
      tpu.yield
    }) : () -> ()
    %barrier3A = arith.constant 0 : index
    tpu.barrier barrier_id(%barrier3A)
    %mul3A_1 = arith.constant 80 : i32
    %mul3A_2 = arith.muli %arg1, %mul3A_1 : i32
    %eq3A = arith.constant 0 : i32
    %eq3A_3 = arith.cmpi eq, %arg0, %eq3A : i32
    %convert_element_type3A = arith.extui %eq3A_3 : i1 to i32
    %cond3A = arith.constant 0 : i32
    %cond3A_4 = arith.cmpi ne, %convert_element_type3A, %cond3A : i32
    scf.if %cond3A_4 {
      "tpu.region"() ({
        %run_scoped3A = tpu.sem_alloc : memref<!tpu.dma_semaphore, #tpu.memory_space<semaphore_mem>>
        %dma_start3A = arith.constant 0 : i32
        %dma_start3A_25 = tpu.memref_slice %arg4[%mul3A_2, %dma_start3A] : memref<1280x128xi32, #tpu.memory_space<hbm>> -> memref<80x128xi32, #tpu.memory_space<hbm>>
        %dma_start3A_26 = arith.constant 0 : i32
        %dma_start3A_27 = tpu.memref_slice %arg4[%mul3A_2, %dma_start3A_26] : memref<1280x128xi32, #tpu.memory_space<hbm>> -> memref<80x128xi32, #tpu.memory_space<hbm>>
        tpu.enqueue_dma source(%dma_start3A_27 : memref<80x128xi32, #tpu.memory_space<hbm>>) target(%arg9 : memref<80x128xi32, #tpu.memory_space<vmem>>) target_semaphore(%run_scoped3A : memref<!tpu.dma_semaphore, #tpu.memory_space<semaphore_mem>>)
        %dma_wait3A = arith.constant 0 : i32
        %dma_wait3A_28 = tpu.memref_slice %arg4[%mul3A_2, %dma_wait3A] : memref<1280x128xi32, #tpu.memory_space<hbm>> -> memref<80x128xi32, #tpu.memory_space<hbm>>
        %dma_wait3A_29 = arith.constant 0 : i32
        %dma_wait3A_30 = tpu.memref_slice %arg4[%mul3A_2, %dma_wait3A_29] : memref<1280x128xi32, #tpu.memory_space<hbm>> -> memref<80x128xi32, #tpu.memory_space<hbm>>
        tpu.wait_dma2 semaphore(%run_scoped3A : memref<!tpu.dma_semaphore, #tpu.memory_space<semaphore_mem>>) src(%dma_wait3A_30 : memref<80x128xi32, #tpu.memory_space<hbm>>) dst(%arg9 : memref<80x128xi32, #tpu.memory_space<vmem>>)
        tpu.yield
      }) : () -> ()
      "tpu.region"() ({
        %run_scoped3A = tpu.sem_alloc : memref<!tpu.dma_semaphore, #tpu.memory_space<semaphore_mem>>
        %dma_start3A = arith.constant 0 : i32
        %dma_start3A_25 = tpu.memref_slice %arg5[%mul3A_2, %dma_start3A] : memref<1280x128xi32, #tpu.memory_space<hbm>> -> memref<80x128xi32, #tpu.memory_space<hbm>>
        %dma_start3A_26 = arith.constant 0 : i32
        %dma_start3A_27 = tpu.memref_slice %arg5[%mul3A_2, %dma_start3A_26] : memref<1280x128xi32, #tpu.memory_space<hbm>> -> memref<80x128xi32, #tpu.memory_space<hbm>>
        tpu.enqueue_dma source(%dma_start3A_27 : memref<80x128xi32, #tpu.memory_space<hbm>>) target(%arg10 : memref<80x128xi32, #tpu.memory_space<vmem>>) target_semaphore(%run_scoped3A : memref<!tpu.dma_semaphore, #tpu.memory_space<semaphore_mem>>)
        %dma_wait3A = arith.constant 0 : i32
        %dma_wait3A_28 = tpu.memref_slice %arg5[%mul3A_2, %dma_wait3A] : memref<1280x128xi32, #tpu.memory_space<hbm>> -> memref<80x128xi32, #tpu.memory_space<hbm>>
        %dma_wait3A_29 = arith.constant 0 : i32
        %dma_wait3A_30 = tpu.memref_slice %arg5[%mul3A_2, %dma_wait3A_29] : memref<1280x128xi32, #tpu.memory_space<hbm>> -> memref<80x128xi32, #tpu.memory_space<hbm>>
        tpu.wait_dma2 semaphore(%run_scoped3A : memref<!tpu.dma_semaphore, #tpu.memory_space<semaphore_mem>>) src(%dma_wait3A_30 : memref<80x128xi32, #tpu.memory_space<hbm>>) dst(%arg10 : memref<80x128xi32, #tpu.memory_space<vmem>>)
        tpu.yield
      }) : () -> ()
      %scan3A = arith.constant 0 : i32
      %scan3A_10 = arith.constant 0 : i32
      %scan3A_11 = arith.constant 80 : i32
      %scan3A_12 = arith.addi %scan3A_10, %scan3A_11 : i32
      %scan3A_13 = arith.constant 1 : i32
      scf.for %scan3A_25 = %scan3A_10 to %scan3A_12 step %scan3A_13  : i32 {
        %dma_start3A = arith.constant 0 : i32
        %dma_start3A_26 = tpu.memref_slice %arg9[%scan3A_25, %dma_start3A] : memref<80x128xi32, #tpu.memory_space<vmem>> -> memref<1x128xi32, #tpu.memory_space<vmem>>
        %dma_start3A_27 = tpu.memref_squeeze %dma_start3A_26 : memref<1x128xi32, #tpu.memory_space<vmem>> -> memref<128xi32, #tpu.memory_space<vmem>>
        %dma_start3A_28 = arith.constant 0 : i32
        %dma_start3A_29 = arith.constant 0 : i32
        %dma_start3A_30 = tpu.memref_slice %arg2[%dma_start3A_28, %dma_start3A_29] : memref<10000x128xf32, #tpu.memory_space<hbm>> -> memref<10000x128xf32, #tpu.memory_space<hbm>>
        tpu.enqueue_indirect_dma source(%dma_start3A_30 : memref<10000x128xf32, #tpu.memory_space<hbm>>) target(%arg11 : memref<128x128xf32, #tpu.memory_space<vmem>>) offsets(%dma_start3A_27 : memref<128xi32, #tpu.memory_space<vmem>>) semaphore(%arg13 : memref<!tpu.dma_semaphore, #tpu.memory_space<semaphore_mem>>)
        %dma_wait3A = arith.constant 0 : i32
        %dma_wait3A_31 = tpu.memref_slice %arg9[%scan3A_25, %dma_wait3A] : memref<80x128xi32, #tpu.memory_space<vmem>> -> memref<1x128xi32, #tpu.memory_space<vmem>>
        %dma_wait3A_32 = tpu.memref_squeeze %dma_wait3A_31 : memref<1x128xi32, #tpu.memory_space<vmem>> -> memref<128xi32, #tpu.memory_space<vmem>>
        %dma_wait3A_33 = arith.constant 0 : i32
        %dma_wait3A_34 = arith.constant 0 : i32
        %dma_wait3A_35 = tpu.memref_slice %arg2[%dma_wait3A_33, %dma_wait3A_34] : memref<10000x128xf32, #tpu.memory_space<hbm>> -> memref<10000x128xf32, #tpu.memory_space<hbm>>
        tpu.wait_indirect_dma semaphore(%arg13 : memref<!tpu.dma_semaphore, #tpu.memory_space<semaphore_mem>>) src(%dma_wait3A_35 : memref<10000x128xf32, #tpu.memory_space<hbm>>) dst(%arg11 : memref<128x128xf32, #tpu.memory_space<vmem>>)
        "tpu.region"() ({
          %run_scoped3A = tpu.sem_alloc : memref<!tpu.dma_semaphore, #tpu.memory_space<semaphore_mem>>
          %dma_start3A_36 = arith.constant 0 : i32
          %dma_start3A_37 = tpu.memref_slice %arg10[%scan3A_25, %dma_start3A_36] : memref<80x128xi32, #tpu.memory_space<vmem>> -> memref<1x128xi32, #tpu.memory_space<vmem>>
          %dma_start3A_38 = tpu.memref_squeeze %dma_start3A_37 : memref<1x128xi32, #tpu.memory_space<vmem>> -> memref<128xi32, #tpu.memory_space<vmem>>
          %dma_start3A_39 = arith.constant 0 : i32
          %dma_start3A_40 = arith.constant 0 : i32
          %dma_start3A_41 = tpu.memref_slice %arg12[%dma_start3A_39, %dma_start3A_40] : memref<10112x128xf32, #tpu.memory_space<vmem_shared>> -> memref<10112x128xf32, #tpu.memory_space<vmem_shared>>
          tpu.enqueue_indirect_dma source(%arg11 : memref<128x128xf32, #tpu.memory_space<vmem>>) target(%dma_start3A_41 : memref<10112x128xf32, #tpu.memory_space<vmem_shared>>) offsets(%dma_start3A_38 : memref<128xi32, #tpu.memory_space<vmem>>) semaphore(%run_scoped3A : memref<!tpu.dma_semaphore, #tpu.memory_space<semaphore_mem>>) {add = true}
          %dma_wait3A_42 = arith.constant 0 : i32
          %dma_wait3A_43 = tpu.memref_slice %arg10[%scan3A_25, %dma_wait3A_42] : memref<80x128xi32, #tpu.memory_space<vmem>> -> memref<1x128xi32, #tpu.memory_space<vmem>>
          %dma_wait3A_44 = tpu.memref_squeeze %dma_wait3A_43 : memref<1x128xi32, #tpu.memory_space<vmem>> -> memref<128xi32, #tpu.memory_space<vmem>>
          %dma_wait3A_45 = arith.constant 0 : i32
          %dma_wait3A_46 = arith.constant 0 : i32
          %dma_wait3A_47 = tpu.memref_slice %arg12[%dma_wait3A_45, %dma_wait3A_46] : memref<10112x128xf32, #tpu.memory_space<vmem_shared>> -> memref<10112x128xf32, #tpu.memory_space<vmem_shared>>
          tpu.wait_indirect_dma semaphore(%run_scoped3A : memref<!tpu.dma_semaphore, #tpu.memory_space<semaphore_mem>>) src(%arg11 : memref<128x128xf32, #tpu.memory_space<vmem>>) dst(%dma_wait3A_47 : memref<10112x128xf32, #tpu.memory_space<vmem_shared>>)
          tpu.yield
        }) : () -> ()
      }
      %scan3A_14 = arith.constant 80 : i32
      %barrier3A_15 = arith.constant 0 : index
      tpu.barrier barrier_id(%barrier3A_15)
      %mul3A_16 = arith.constant 624 : i32
      %mul3A_17 = arith.muli %arg1, %mul3A_16 : i32
      %mul3A_18 = arith.constant 624 : i32
      %mul3A_19 = arith.muli %arg1, %mul3A_18 : i32
      "tpu.region"() ({
        %run_scoped3A = tpu.sem_alloc : memref<!tpu.dma_semaphore, #tpu.memory_space<semaphore_mem>>
        %dma_start3A = arith.constant 0 : i32
        %dma_start3A_25 = tpu.memref_slice %arg7[%mul3A_19, %dma_start3A] : memref<10000x128xf32, #tpu.memory_space<hbm>> -> memref<624x128xf32, #tpu.memory_space<hbm>>
        %dma_start3A_26 = arith.constant 0 : i32
        %dma_start3A_27 = tpu.memref_slice %arg12[%mul3A_17, %dma_start3A_26] : memref<10112x128xf32, #tpu.memory_space<vmem_shared>> -> memref<624x128xf32, #tpu.memory_space<vmem_shared>>
        tpu.enqueue_dma source(%dma_start3A_27 : memref<624x128xf32, #tpu.memory_space<vmem_shared>>) target(%dma_start3A_25 : memref<624x128xf32, #tpu.memory_space<hbm>>) target_semaphore(%run_scoped3A : memref<!tpu.dma_semaphore, #tpu.memory_space<semaphore_mem>>)
        %dma_wait3A = arith.constant 0 : i32
        %dma_wait3A_28 = tpu.memref_slice %arg7[%mul3A_19, %dma_wait3A] : memref<10000x128xf32, #tpu.memory_space<hbm>> -> memref<624x128xf32, #tpu.memory_space<hbm>>
        %dma_wait3A_29 = arith.constant 0 : i32
        %dma_wait3A_30 = tpu.memref_slice %arg12[%mul3A_17, %dma_wait3A_29] : memref<10112x128xf32, #tpu.memory_space<vmem_shared>> -> memref<624x128xf32, #tpu.memory_space<vmem_shared>>
        tpu.wait_dma2 semaphore(%run_scoped3A : memref<!tpu.dma_semaphore, #tpu.memory_space<semaphore_mem>>) src(%dma_wait3A_30 : memref<624x128xf32, #tpu.memory_space<vmem_shared>>) dst(%dma_wait3A_28 : memref<624x128xf32, #tpu.memory_space<hbm>>)
        tpu.yield
      }) : () -> ()
      %eq3A_20 = arith.constant 0 : i32
      %eq3A_21 = arith.cmpi eq, %arg1, %eq3A_20 : i32
      %convert_element_type3A_22 = arith.extui %eq3A_21 : i1 to i32
      %cond3A_23 = arith.constant 0 : i32
      %cond3A_24 = arith.cmpi ne, %convert_element_type3A_22, %cond3A_23 : i32
      scf.if %cond3A_24 {
        "tpu.region"() ({
          %run_scoped3A = tpu.sem_alloc : memref<!tpu.dma_semaphore, #tpu.memory_space<semaphore_mem>>
          %dma_start3A = arith.constant 9984 : i32
          %dma_start3A_25 = arith.constant 0 : i32
          %dma_start3A_26 = tpu.memref_slice %arg7[%dma_start3A, %dma_start3A_25] : memref<10000x128xf32, #tpu.memory_space<hbm>> -> memref<16x128xf32, #tpu.memory_space<hbm>>
          %dma_start3A_27 = arith.constant 9984 : i32
          %dma_start3A_28 = arith.constant 0 : i32
          %dma_start3A_29 = tpu.memref_slice %arg12[%dma_start3A_27, %dma_start3A_28] : memref<10112x128xf32, #tpu.memory_space<vmem_shared>> -> memref<16x128xf32, #tpu.memory_space<vmem_shared>>
          tpu.enqueue_dma source(%dma_start3A_29 : memref<16x128xf32, #tpu.memory_space<vmem_shared>>) target(%dma_start3A_26 : memref<16x128xf32, #tpu.memory_space<hbm>>) target_semaphore(%run_scoped3A : memref<!tpu.dma_semaphore, #tpu.memory_space<semaphore_mem>>)
          %dma_wait3A = arith.constant 9984 : i32
          %dma_wait3A_30 = arith.constant 0 : i32
          %dma_wait3A_31 = tpu.memref_slice %arg7[%dma_wait3A, %dma_wait3A_30] : memref<10000x128xf32, #tpu.memory_space<hbm>> -> memref<16x128xf32, #tpu.memory_space<hbm>>
          %dma_wait3A_32 = arith.constant 9984 : i32
          %dma_wait3A_33 = arith.constant 0 : i32
          %dma_wait3A_34 = tpu.memref_slice %arg12[%dma_wait3A_32, %dma_wait3A_33] : memref<10112x128xf32, #tpu.memory_space<vmem_shared>> -> memref<16x128xf32, #tpu.memory_space<vmem_shared>>
          tpu.wait_dma2 semaphore(%run_scoped3A : memref<!tpu.dma_semaphore, #tpu.memory_space<semaphore_mem>>) src(%dma_wait3A_34 : memref<16x128xf32, #tpu.memory_space<vmem_shared>>) dst(%dma_wait3A_31 : memref<16x128xf32, #tpu.memory_space<hbm>>)
          tpu.yield
        }) : () -> ()
      } else {
      }
    } else {
    }
    %eq3A_5 = arith.constant 1 : i32
    %eq3A_6 = arith.cmpi eq, %arg0, %eq3A_5 : i32
    %convert_element_type3A_7 = arith.extui %eq3A_6 : i1 to i32
    %cond3A_8 = arith.constant 0 : i32
    %cond3A_9 = arith.cmpi ne, %convert_element_type3A_7, %cond3A_8 : i32
    scf.if %cond3A_9 {
      "tpu.region"() ({
        %run_scoped3A = tpu.sem_alloc : memref<!tpu.dma_semaphore, #tpu.memory_space<semaphore_mem>>
        %dma_start3A = arith.constant 0 : i32
        %dma_start3A_25 = tpu.memref_slice %arg4[%mul3A_2, %dma_start3A] : memref<1280x128xi32, #tpu.memory_space<hbm>> -> memref<80x128xi32, #tpu.memory_space<hbm>>
        %dma_start3A_26 = arith.constant 0 : i32
        %dma_start3A_27 = tpu.memref_slice %arg4[%mul3A_2, %dma_start3A_26] : memref<1280x128xi32, #tpu.memory_space<hbm>> -> memref<80x128xi32, #tpu.memory_space<hbm>>
        tpu.enqueue_dma source(%dma_start3A_27 : memref<80x128xi32, #tpu.memory_space<hbm>>) target(%arg9 : memref<80x128xi32, #tpu.memory_space<vmem>>) target_semaphore(%run_scoped3A : memref<!tpu.dma_semaphore, #tpu.memory_space<semaphore_mem>>)
        %dma_wait3A = arith.constant 0 : i32
        %dma_wait3A_28 = tpu.memref_slice %arg4[%mul3A_2, %dma_wait3A] : memref<1280x128xi32, #tpu.memory_space<hbm>> -> memref<80x128xi32, #tpu.memory_space<hbm>>
        %dma_wait3A_29 = arith.constant 0 : i32
        %dma_wait3A_30 = tpu.memref_slice %arg4[%mul3A_2, %dma_wait3A_29] : memref<1280x128xi32, #tpu.memory_space<hbm>> -> memref<80x128xi32, #tpu.memory_space<hbm>>
        tpu.wait_dma2 semaphore(%run_scoped3A : memref<!tpu.dma_semaphore, #tpu.memory_space<semaphore_mem>>) src(%dma_wait3A_30 : memref<80x128xi32, #tpu.memory_space<hbm>>) dst(%arg9 : memref<80x128xi32, #tpu.memory_space<vmem>>)
        tpu.yield
      }) : () -> ()
      "tpu.region"() ({
        %run_scoped3A = tpu.sem_alloc : memref<!tpu.dma_semaphore, #tpu.memory_space<semaphore_mem>>
        %dma_start3A = arith.constant 0 : i32
        %dma_start3A_25 = tpu.memref_slice %arg5[%mul3A_2, %dma_start3A] : memref<1280x128xi32, #tpu.memory_space<hbm>> -> memref<80x128xi32, #tpu.memory_space<hbm>>
        %dma_start3A_26 = arith.constant 0 : i32
        %dma_start3A_27 = tpu.memref_slice %arg5[%mul3A_2, %dma_start3A_26] : memref<1280x128xi32, #tpu.memory_space<hbm>> -> memref<80x128xi32, #tpu.memory_space<hbm>>
        tpu.enqueue_dma source(%dma_start3A_27 : memref<80x128xi32, #tpu.memory_space<hbm>>) target(%arg10 : memref<80x128xi32, #tpu.memory_space<vmem>>) target_semaphore(%run_scoped3A : memref<!tpu.dma_semaphore, #tpu.memory_space<semaphore_mem>>)
        %dma_wait3A = arith.constant 0 : i32
        %dma_wait3A_28 = tpu.memref_slice %arg5[%mul3A_2, %dma_wait3A] : memref<1280x128xi32, #tpu.memory_space<hbm>> -> memref<80x128xi32, #tpu.memory_space<hbm>>
        %dma_wait3A_29 = arith.constant 0 : i32
        %dma_wait3A_30 = tpu.memref_slice %arg5[%mul3A_2, %dma_wait3A_29] : memref<1280x128xi32, #tpu.memory_space<hbm>> -> memref<80x128xi32, #tpu.memory_space<hbm>>
        tpu.wait_dma2 semaphore(%run_scoped3A : memref<!tpu.dma_semaphore, #tpu.memory_space<semaphore_mem>>) src(%dma_wait3A_30 : memref<80x128xi32, #tpu.memory_space<hbm>>) dst(%arg10 : memref<80x128xi32, #tpu.memory_space<vmem>>)
        tpu.yield
      }) : () -> ()
      %scan3A = arith.constant 0 : i32
      %scan3A_10 = arith.constant 0 : i32
      %scan3A_11 = arith.constant 80 : i32
      %scan3A_12 = arith.addi %scan3A_10, %scan3A_11 : i32
      %scan3A_13 = arith.constant 1 : i32
      scf.for %scan3A_25 = %scan3A_10 to %scan3A_12 step %scan3A_13  : i32 {
        %dma_start3A = arith.constant 0 : i32
        %dma_start3A_26 = tpu.memref_slice %arg9[%scan3A_25, %dma_start3A] : memref<80x128xi32, #tpu.memory_space<vmem>> -> memref<1x128xi32, #tpu.memory_space<vmem>>
        %dma_start3A_27 = tpu.memref_squeeze %dma_start3A_26 : memref<1x128xi32, #tpu.memory_space<vmem>> -> memref<128xi32, #tpu.memory_space<vmem>>
        %dma_start3A_28 = arith.constant 0 : i32
        %dma_start3A_29 = arith.constant 0 : i32
        %dma_start3A_30 = tpu.memref_slice %arg3[%dma_start3A_28, %dma_start3A_29] : memref<10000x128xf32, #tpu.memory_space<hbm>> -> memref<10000x128xf32, #tpu.memory_space<hbm>>
        tpu.enqueue_indirect_dma source(%dma_start3A_30 : memref<10000x128xf32, #tpu.memory_space<hbm>>) target(%arg11 : memref<128x128xf32, #tpu.memory_space<vmem>>) offsets(%dma_start3A_27 : memref<128xi32, #tpu.memory_space<vmem>>) semaphore(%arg13 : memref<!tpu.dma_semaphore, #tpu.memory_space<semaphore_mem>>)
        %dma_wait3A = arith.constant 0 : i32
        %dma_wait3A_31 = tpu.memref_slice %arg9[%scan3A_25, %dma_wait3A] : memref<80x128xi32, #tpu.memory_space<vmem>> -> memref<1x128xi32, #tpu.memory_space<vmem>>
        %dma_wait3A_32 = tpu.memref_squeeze %dma_wait3A_31 : memref<1x128xi32, #tpu.memory_space<vmem>> -> memref<128xi32, #tpu.memory_space<vmem>>
        %dma_wait3A_33 = arith.constant 0 : i32
        %dma_wait3A_34 = arith.constant 0 : i32
        %dma_wait3A_35 = tpu.memref_slice %arg3[%dma_wait3A_33, %dma_wait3A_34] : memref<10000x128xf32, #tpu.memory_space<hbm>> -> memref<10000x128xf32, #tpu.memory_space<hbm>>
        tpu.wait_indirect_dma semaphore(%arg13 : memref<!tpu.dma_semaphore, #tpu.memory_space<semaphore_mem>>) src(%dma_wait3A_35 : memref<10000x128xf32, #tpu.memory_space<hbm>>) dst(%arg11 : memref<128x128xf32, #tpu.memory_space<vmem>>)
        "tpu.region"() ({
          %run_scoped3A = tpu.sem_alloc : memref<!tpu.dma_semaphore, #tpu.memory_space<semaphore_mem>>
          %dma_start3A_36 = arith.constant 0 : i32
          %dma_start3A_37 = tpu.memref_slice %arg10[%scan3A_25, %dma_start3A_36] : memref<80x128xi32, #tpu.memory_space<vmem>> -> memref<1x128xi32, #tpu.memory_space<vmem>>
          %dma_start3A_38 = tpu.memref_squeeze %dma_start3A_37 : memref<1x128xi32, #tpu.memory_space<vmem>> -> memref<128xi32, #tpu.memory_space<vmem>>
          %dma_start3A_39 = arith.constant 0 : i32
          %dma_start3A_40 = arith.constant 0 : i32
          %dma_start3A_41 = tpu.memref_slice %arg12[%dma_start3A_39, %dma_start3A_40] : memref<10112x128xf32, #tpu.memory_space<vmem_shared>> -> memref<10112x128xf32, #tpu.memory_space<vmem_shared>>
          tpu.enqueue_indirect_dma source(%arg11 : memref<128x128xf32, #tpu.memory_space<vmem>>) target(%dma_start3A_41 : memref<10112x128xf32, #tpu.memory_space<vmem_shared>>) offsets(%dma_start3A_38 : memref<128xi32, #tpu.memory_space<vmem>>) semaphore(%run_scoped3A : memref<!tpu.dma_semaphore, #tpu.memory_space<semaphore_mem>>) {add = true}
          %dma_wait3A_42 = arith.constant 0 : i32
          %dma_wait3A_43 = tpu.memref_slice %arg10[%scan3A_25, %dma_wait3A_42] : memref<80x128xi32, #tpu.memory_space<vmem>> -> memref<1x128xi32, #tpu.memory_space<vmem>>
          %dma_wait3A_44 = tpu.memref_squeeze %dma_wait3A_43 : memref<1x128xi32, #tpu.memory_space<vmem>> -> memref<128xi32, #tpu.memory_space<vmem>>
          %dma_wait3A_45 = arith.constant 0 : i32
          %dma_wait3A_46 = arith.constant 0 : i32
          %dma_wait3A_47 = tpu.memref_slice %arg12[%dma_wait3A_45, %dma_wait3A_46] : memref<10112x128xf32, #tpu.memory_space<vmem_shared>> -> memref<10112x128xf32, #tpu.memory_space<vmem_shared>>
          tpu.wait_indirect_dma semaphore(%run_scoped3A : memref<!tpu.dma_semaphore, #tpu.memory_space<semaphore_mem>>) src(%arg11 : memref<128x128xf32, #tpu.memory_space<vmem>>) dst(%dma_wait3A_47 : memref<10112x128xf32, #tpu.memory_space<vmem_shared>>)
          tpu.yield
        }) : () -> ()
      }
      %scan3A_14 = arith.constant 80 : i32
      %barrier3A_15 = arith.constant 0 : index
      tpu.barrier barrier_id(%barrier3A_15)
      %mul3A_16 = arith.constant 624 : i32
      %mul3A_17 = arith.muli %arg1, %mul3A_16 : i32
      %mul3A_18 = arith.constant 624 : i32
      %mul3A_19 = arith.muli %arg1, %mul3A_18 : i32
      "tpu.region"() ({
        %run_scoped3A = tpu.sem_alloc : memref<!tpu.dma_semaphore, #tpu.memory_space<semaphore_mem>>
        %dma_start3A = arith.constant 0 : i32
        %dma_start3A_25 = tpu.memref_slice %arg8[%mul3A_19, %dma_start3A] : memref<10000x128xf32, #tpu.memory_space<hbm>> -> memref<624x128xf32, #tpu.memory_space<hbm>>
        %dma_start3A_26 = arith.constant 0 : i32
        %dma_start3A_27 = tpu.memref_slice %arg12[%mul3A_17, %dma_start3A_26] : memref<10112x128xf32, #tpu.memory_space<vmem_shared>> -> memref<624x128xf32, #tpu.memory_space<vmem_shared>>
        tpu.enqueue_dma source(%dma_start3A_27 : memref<624x128xf32, #tpu.memory_space<vmem_shared>>) target(%dma_start3A_25 : memref<624x128xf32, #tpu.memory_space<hbm>>) target_semaphore(%run_scoped3A : memref<!tpu.dma_semaphore, #tpu.memory_space<semaphore_mem>>)
        %dma_wait3A = arith.constant 0 : i32
        %dma_wait3A_28 = tpu.memref_slice %arg8[%mul3A_19, %dma_wait3A] : memref<10000x128xf32, #tpu.memory_space<hbm>> -> memref<624x128xf32, #tpu.memory_space<hbm>>
        %dma_wait3A_29 = arith.constant 0 : i32
        %dma_wait3A_30 = tpu.memref_slice %arg12[%mul3A_17, %dma_wait3A_29] : memref<10112x128xf32, #tpu.memory_space<vmem_shared>> -> memref<624x128xf32, #tpu.memory_space<vmem_shared>>
        tpu.wait_dma2 semaphore(%run_scoped3A : memref<!tpu.dma_semaphore, #tpu.memory_space<semaphore_mem>>) src(%dma_wait3A_30 : memref<624x128xf32, #tpu.memory_space<vmem_shared>>) dst(%dma_wait3A_28 : memref<624x128xf32, #tpu.memory_space<hbm>>)
        tpu.yield
      }) : () -> ()
      %eq3A_20 = arith.constant 0 : i32
      %eq3A_21 = arith.cmpi eq, %arg1, %eq3A_20 : i32
      %convert_element_type3A_22 = arith.extui %eq3A_21 : i1 to i32
      %cond3A_23 = arith.constant 0 : i32
      %cond3A_24 = arith.cmpi ne, %convert_element_type3A_22, %cond3A_23 : i32
      scf.if %cond3A_24 {
        "tpu.region"() ({
          %run_scoped3A = tpu.sem_alloc : memref<!tpu.dma_semaphore, #tpu.memory_space<semaphore_mem>>
          %dma_start3A = arith.constant 9984 : i32
          %dma_start3A_25 = arith.constant 0 : i32
          %dma_start3A_26 = tpu.memref_slice %arg8[%dma_start3A, %dma_start3A_25] : memref<10000x128xf32, #tpu.memory_space<hbm>> -> memref<16x128xf32, #tpu.memory_space<hbm>>
          %dma_start3A_27 = arith.constant 9984 : i32
          %dma_start3A_28 = arith.constant 0 : i32
          %dma_start3A_29 = tpu.memref_slice %arg12[%dma_start3A_27, %dma_start3A_28] : memref<10112x128xf32, #tpu.memory_space<vmem_shared>> -> memref<16x128xf32, #tpu.memory_space<vmem_shared>>
          tpu.enqueue_dma source(%dma_start3A_29 : memref<16x128xf32, #tpu.memory_space<vmem_shared>>) target(%dma_start3A_26 : memref<16x128xf32, #tpu.memory_space<hbm>>) target_semaphore(%run_scoped3A : memref<!tpu.dma_semaphore, #tpu.memory_space<semaphore_mem>>)
          %dma_wait3A = arith.constant 9984 : i32
          %dma_wait3A_30 = arith.constant 0 : i32
          %dma_wait3A_31 = tpu.memref_slice %arg8[%dma_wait3A, %dma_wait3A_30] : memref<10000x128xf32, #tpu.memory_space<hbm>> -> memref<16x128xf32, #tpu.memory_space<hbm>>
          %dma_wait3A_32 = arith.constant 9984 : i32
          %dma_wait3A_33 = arith.constant 0 : i32
          %dma_wait3A_34 = tpu.memref_slice %arg12[%dma_wait3A_32, %dma_wait3A_33] : memref<10112x128xf32, #tpu.memory_space<vmem_shared>> -> memref<16x128xf32, #tpu.memory_space<vmem_shared>>
          tpu.wait_dma2 semaphore(%run_scoped3A : memref<!tpu.dma_semaphore, #tpu.memory_space<semaphore_mem>>) src(%dma_wait3A_34 : memref<16x128xf32, #tpu.memory_space<vmem_shared>>) dst(%dma_wait3A_31 : memref<16x128xf32, #tpu.memory_space<hbm>>)
          tpu.yield
        }) : () -> ()
      } else {
      }
    } else {
    }
    return
  }
}

module attributes {stable_mosaic.version = 14 : i64} {
  func.func @_gin_body_l1(%arg0: i32, %arg1: memref<512x128xf32, #tpu.memory_space<vmem>>, %arg2: memref<512x128xf32, #tpu.memory_space<vmem>>, %arg3: memref<512x128xf32, #tpu.memory_space<vmem>>, %arg4: memref<128x256xf32, #tpu.memory_space<vmem>>, %arg5: memref<1x256xf32, #tpu.memory_space<vmem>>, %arg6: memref<256x256xf32, #tpu.memory_space<vmem>>, %arg7: memref<1x256xf32, #tpu.memory_space<vmem>>, %arg8: memref<1x1xf32, #tpu.memory_space<vmem>>, %arg9: memref<512x256xf32, #tpu.memory_space<vmem>>, %arg10: memref<2x256xf32, #tpu.memory_space<vmem>>) attributes {dimension_semantics = [#tpu.dimension_semantics<arbitrary>], iteration_bounds = array<i64: 20>, scalar_prefetch = 0 : i64, scratch_operands = 0 : i64, tpu.core_type = #tpu.core_type<tc>, window_params = [{transform_indices = @transform_0, window_bounds = array<i64: 512, 128>}, {transform_indices = @transform_1, window_bounds = array<i64: 512, 128>}, {transform_indices = @transform_2, window_bounds = array<i64: 512, 128>}, {pipeline_mode = #tpu.pipeline_mode<synchronous>, transform_indices = @transform_3, window_bounds = array<i64: 128, 256>}, {pipeline_mode = #tpu.pipeline_mode<synchronous>, transform_indices = @transform_4, window_bounds = array<i64: 1, 256>}, {pipeline_mode = #tpu.pipeline_mode<synchronous>, transform_indices = @transform_5, window_bounds = array<i64: 256, 256>}, {pipeline_mode = #tpu.pipeline_mode<synchronous>, transform_indices = @transform_6, window_bounds = array<i64: 1, 256>}, {pipeline_mode = #tpu.pipeline_mode<synchronous>, transform_indices = @transform_7, window_bounds = array<i64: 1, 1>}, {transform_indices = @transform_8, window_bounds = array<i64: 512, 256>}, {pipeline_mode = #tpu.pipeline_mode<synchronous>, transform_indices = @transform_9, window_bounds = array<i64: 2, 256>}]} {
    %get3A = arith.constant 0 : index
    %get3A_0 = arith.constant 0 : index
    %get3A_1 = vector.load %arg8[%get3A, %get3A_0] : memref<1x1xf32, #tpu.memory_space<vmem>>, vector<1x1xf32>
    %get3A_2 = vector.extract %get3A_1[0, 0] : f32 from vector<1x1xf32>
    %add3A = arith.constant 1.000000e+00 : f32
    %add3A_3 = arith.addf %add3A, %get3A_2 : f32
    %get3A_4 = arith.constant 0 : index
    %get3A_5 = arith.constant 0 : index
    %get3A_6 = vector.load %arg1[%get3A_4, %get3A_5] : memref<512x128xf32, #tpu.memory_space<vmem>>, vector<512x128xf32>
    %mul3A = vector.broadcast %add3A_3 : f32 to vector<512x128xf32>
    %mul3A_7 = arith.mulf %mul3A, %get3A_6 : vector<512x128xf32>
    %get3A_8 = arith.constant 0 : index
    %get3A_9 = arith.constant 0 : index
    %get3A_10 = vector.load %arg2[%get3A_8, %get3A_9] : memref<512x128xf32, #tpu.memory_space<vmem>>, vector<512x128xf32>
    %add3A_11 = arith.addf %mul3A_7, %get3A_10 : vector<512x128xf32>
    %get3A_12 = arith.constant 0 : index
    %get3A_13 = arith.constant 0 : index
    %get3A_14 = vector.load %arg3[%get3A_12, %get3A_13] : memref<512x128xf32, #tpu.memory_space<vmem>>, vector<512x128xf32>
    %add3A_15 = arith.addf %add3A_11, %get3A_14 : vector<512x128xf32>
    %get3A_16 = arith.constant 0 : index
    %get3A_17 = arith.constant 0 : index
    %get3A_18 = vector.load %arg4[%get3A_16, %get3A_17] : memref<128x256xf32, #tpu.memory_space<vmem>>, vector<128x256xf32>
    %dot_general3A = arith.constant dense<0.000000e+00> : vector<512x256xf32>
    %dot_general3A_19 = tpu.matmul %add3A_15, %get3A_18, %dot_general3A {dimension_numbers = #tpu.dot_dimension_numbers<[1], [0], [0], [1], [0, 0, 1, 1], [], []>, transpose_lhs_hint = false} : vector<512x128xf32>, vector<128x256xf32>, vector<512x256xf32> -> vector<512x256xf32>
    %get3A_20 = arith.constant 0 : index
    %get3A_21 = arith.constant 0 : index
    %get3A_22 = vector.load %arg5[%get3A_20, %get3A_21] : memref<1x256xf32, #tpu.memory_space<vmem>>, vector<1x256xf32>
    %add3A_23 = vector.broadcast %get3A_22 : vector<1x256xf32> to vector<512x256xf32>
    %add3A_24 = arith.addf %dot_general3A_19, %add3A_23 : vector<512x256xf32>
    %max3A = arith.constant 0.000000e+00 : f32
    %max3A_25 = vector.broadcast %max3A : f32 to vector<512x256xf32>
    %max3A_26 = arith.maximumf %add3A_24, %max3A_25 : vector<512x256xf32>
    %get3A_27 = arith.constant 0 : index
    %get3A_28 = arith.constant 0 : index
    %get3A_29 = vector.load %arg6[%get3A_27, %get3A_28] : memref<256x256xf32, #tpu.memory_space<vmem>>, vector<256x256xf32>
    %dot_general3A_30 = arith.constant dense<0.000000e+00> : vector<512x256xf32>
    %dot_general3A_31 = tpu.matmul %max3A_26, %get3A_29, %dot_general3A_30 {dimension_numbers = #tpu.dot_dimension_numbers<[1], [0], [0], [1], [0, 0, 1, 1], [], []>, transpose_lhs_hint = false} : vector<512x256xf32>, vector<256x256xf32>, vector<512x256xf32> -> vector<512x256xf32>
    %get3A_32 = arith.constant 0 : index
    %get3A_33 = arith.constant 0 : index
    %get3A_34 = vector.load %arg7[%get3A_32, %get3A_33] : memref<1x256xf32, #tpu.memory_space<vmem>>, vector<1x256xf32>
    %add3A_35 = vector.broadcast %get3A_34 : vector<1x256xf32> to vector<512x256xf32>
    %add3A_36 = arith.addf %dot_general3A_31, %add3A_35 : vector<512x256xf32>
    %mul3A_37 = arith.constant 512 : i32
    %mul3A_38 = arith.muli %arg0, %mul3A_37 : i32
    %iota3A = tpu.iota {dimensions = array<i32: 0>} : vector<512x1xi32>
    %add3A_39 = vector.broadcast %mul3A_38 : i32 to vector<512x1xi32>
    %add3A_40 = arith.addi %add3A_39, %iota3A : vector<512x1xi32>
    %lt3A = arith.constant 10000 : i32
    %lt3A_41 = vector.broadcast %lt3A : i32 to vector<512x1xi32>
    %lt3A_42 = arith.cmpi slt, %add3A_40, %lt3A_41 : vector<512x1xi32>
    %jit3A = arith.constant 0.000000e+00 : f32
    %broadcast_in_dim3A = vector.shape_cast %lt3A_42 : vector<512x1xi1> to vector<512x1xi1>
    %broadcast_in_dim3A_43 = vector.broadcast %broadcast_in_dim3A : vector<512x1xi1> to vector<512x256xi1>
    %broadcast_in_dim3A_44 = vector.broadcast %jit3A : f32 to vector<512x256xf32>
    %select_n3A = arith.select %broadcast_in_dim3A_43, %add3A_36, %broadcast_in_dim3A_44 : vector<512x256xi1>, vector<512x256xf32>
    %swap3A = arith.constant 0 : index
    %swap3A_45 = arith.constant 0 : index
    %swap3A_46 = vector.load %arg9[%swap3A, %swap3A_45] : memref<512x256xf32, #tpu.memory_space<vmem>>, vector<512x256xf32>
    tpu.vector_store %arg9[%swap3A, %swap3A_45], %select_n3A {strides = array<i32>} : memref<512x256xf32, #tpu.memory_space<vmem>>, vector<512x256xf32>,
    %reduce_sum3A = arith.constant dense<0.000000e+00> : vector<256xf32>
    %reduce_sum3A_47 = vector.multi_reduction <add>, %select_n3A, %reduce_sum3A [0] : vector<512x256xf32> to vector<256xf32>
    %broadcast_in_dim3A_48 = vector.shape_cast %reduce_sum3A_47 : vector<256xf32> to vector<1x256xf32>
    %mul3A_49 = arith.mulf %select_n3A, %select_n3A : vector<512x256xf32>
    %reduce_sum3A_50 = arith.constant dense<0.000000e+00> : vector<256xf32>
    %reduce_sum3A_51 = vector.multi_reduction <add>, %mul3A_49, %reduce_sum3A_50 [0] : vector<512x256xf32> to vector<256xf32>
    %broadcast_in_dim3A_52 = vector.shape_cast %reduce_sum3A_51 : vector<256xf32> to vector<1x256xf32>
    %concatenate3A = tpu.concatenate %broadcast_in_dim3A_48, %broadcast_in_dim3A_52 in 0 : vector<1x256xf32>, vector<1x256xf32> -> vector<2x256xf32>
    %eq3A = arith.constant 0 : i32
    %eq3A_53 = arith.cmpi eq, %arg0, %eq3A : i32
    %convert_element_type3A = arith.extui %eq3A_53 : i1 to i32
    %cond3A = arith.constant 0 : i32
    %cond3A_54 = arith.cmpi ne, %convert_element_type3A, %cond3A : i32
    scf.if %cond3A_54 {
      %swap3A_59 = arith.constant 0 : index
      %swap3A_60 = arith.constant 0 : index
      %swap3A_61 = vector.load %arg10[%swap3A_59, %swap3A_60] : memref<2x256xf32, #tpu.memory_space<vmem>>, vector<2x256xf32>
      tpu.vector_store %arg10[%swap3A_59, %swap3A_60], %concatenate3A {strides = array<i32>} : memref<2x256xf32, #tpu.memory_space<vmem>>, vector<2x256xf32>,
    } else {
    }
    %gt3A = arith.constant 0 : i32
    %gt3A_55 = arith.cmpi sgt, %arg0, %gt3A : i32
    %convert_element_type3A_56 = arith.extui %gt3A_55 : i1 to i32
    %cond3A_57 = arith.constant 0 : i32
    %cond3A_58 = arith.cmpi ne, %convert_element_type3A_56, %cond3A_57 : i32
    scf.if %cond3A_58 {
      %get3A_59 = arith.constant 0 : index
      %get3A_60 = arith.constant 0 : index
      %get3A_61 = vector.load %arg10[%get3A_59, %get3A_60] : memref<2x256xf32, #tpu.memory_space<vmem>>, vector<2x256xf32>
      %add3A_62 = arith.addf %get3A_61, %concatenate3A : vector<2x256xf32>
      %swap3A_63 = arith.constant 0 : index
      %swap3A_64 = arith.constant 0 : index
      %swap3A_65 = vector.load %arg10[%swap3A_63, %swap3A_64] : memref<2x256xf32, #tpu.memory_space<vmem>>, vector<2x256xf32>
      tpu.vector_store %arg10[%swap3A_63, %swap3A_64], %add3A_62 {strides = array<i32>} : memref<2x256xf32, #tpu.memory_space<vmem>>, vector<2x256xf32>,
    } else {
    }
    return
  }
  func.func @transform_0(%arg0: i32) -> (i32, i32) {
    %c0_i32 = arith.constant 0 : i32
    %c0_i32_0 = arith.constant 0 : i32
    return %arg0, %c0_i32 : i32, i32
  }
  func.func @transform_1(%arg0: i32) -> (i32, i32) {
    %c0_i32 = arith.constant 0 : i32
    %c0_i32_0 = arith.constant 0 : i32
    return %arg0, %c0_i32 : i32, i32
  }
  func.func @transform_2(%arg0: i32) -> (i32, i32) {
    %c0_i32 = arith.constant 0 : i32
    %c0_i32_0 = arith.constant 0 : i32
    return %arg0, %c0_i32 : i32, i32
  }
  func.func @transform_3(%arg0: i32) -> (i32, i32) {
    %c0_i32 = arith.constant 0 : i32
    %c0_i32_0 = arith.constant 0 : i32
    %c0_i32_1 = arith.constant 0 : i32
    return %c0_i32, %c0_i32_0 : i32, i32
  }
  func.func @transform_4(%arg0: i32) -> (i32, i32) {
    %c0_i32 = arith.constant 0 : i32
    %c0_i32_0 = arith.constant 0 : i32
    %c0_i32_1 = arith.constant 0 : i32
    return %c0_i32, %c0_i32_0 : i32, i32
  }
  func.func @transform_5(%arg0: i32) -> (i32, i32) {
    %c0_i32 = arith.constant 0 : i32
    %c0_i32_0 = arith.constant 0 : i32
    %c0_i32_1 = arith.constant 0 : i32
    return %c0_i32, %c0_i32_0 : i32, i32
  }
  func.func @transform_6(%arg0: i32) -> (i32, i32) {
    %c0_i32 = arith.constant 0 : i32
    %c0_i32_0 = arith.constant 0 : i32
    %c0_i32_1 = arith.constant 0 : i32
    return %c0_i32, %c0_i32_0 : i32, i32
  }
  func.func @transform_7(%arg0: i32) -> (i32, i32) {
    %c0_i32 = arith.constant 0 : i32
    %c0_i32_0 = arith.constant 0 : i32
    %c0_i32_1 = arith.constant 0 : i32
    return %c0_i32, %c0_i32_0 : i32, i32
  }
  func.func @transform_8(%arg0: i32) -> (i32, i32) {
    %c0_i32 = arith.constant 0 : i32
    %c0_i32_0 = arith.constant 0 : i32
    return %arg0, %c0_i32 : i32, i32
  }
  func.func @transform_9(%arg0: i32) -> (i32, i32) {
    %c0_i32 = arith.constant 0 : i32
    %c0_i32_0 = arith.constant 0 : i32
    %c0_i32_1 = arith.constant 0 : i32
    return %c0_i32, %c0_i32_0 : i32, i32
  }
}

module attributes {stable_mosaic.version = 14 : i64} {
  func.func @_norm_body(%arg0: i32, %arg1: memref<512x256xf32, #tpu.memory_space<vmem>>, %arg2: memref<2x256xf32, #tpu.memory_space<vmem>>, %arg3: memref<1x256xf32, #tpu.memory_space<vmem>>, %arg4: memref<1x256xf32, #tpu.memory_space<vmem>>, %arg5: memref<512x128xf32, #tpu.memory_space<vmem>>, %arg6: memref<512x128xf32, #tpu.memory_space<vmem>>) attributes {dimension_semantics = [#tpu.dimension_semantics<arbitrary>], iteration_bounds = array<i64: 20>, scalar_prefetch = 0 : i64, scratch_operands = 0 : i64, tpu.core_type = #tpu.core_type<tc>, window_params = [{transform_indices = @transform_0, window_bounds = array<i64: 512, 256>}, {pipeline_mode = #tpu.pipeline_mode<synchronous>, transform_indices = @transform_1, window_bounds = array<i64: 2, 256>}, {pipeline_mode = #tpu.pipeline_mode<synchronous>, transform_indices = @transform_2, window_bounds = array<i64: 1, 256>}, {pipeline_mode = #tpu.pipeline_mode<synchronous>, transform_indices = @transform_3, window_bounds = array<i64: 1, 256>}, {transform_indices = @transform_4, window_bounds = array<i64: 512, 128>}, {transform_indices = @transform_5, window_bounds = array<i64: 512, 128>}]} {
    %get3A = arith.constant 0 : index
    %get3A_0 = arith.constant 0 : index
    %get3A_1 = vector.load %arg2[%get3A, %get3A_0] : memref<2x256xf32, #tpu.memory_space<vmem>>, vector<1x256xf32>
    %div3A = arith.constant 1.000000e+04 : f32
    %div3A_2 = vector.broadcast %div3A : f32 to vector<1x256xf32>
    %div3A_3 = arith.divf %get3A_1, %div3A_2 : vector<1x256xf32>
    %get3A_4 = arith.constant 1 : index
    %get3A_5 = arith.constant 0 : index
    %get3A_6 = vector.load %arg2[%get3A_4, %get3A_5] : memref<2x256xf32, #tpu.memory_space<vmem>>, vector<1x256xf32>
    %div3A_7 = arith.constant 1.000000e+04 : f32
    %div3A_8 = vector.broadcast %div3A_7 : f32 to vector<1x256xf32>
    %div3A_9 = arith.divf %get3A_6, %div3A_8 : vector<1x256xf32>
    %mul3A = arith.mulf %div3A_3, %div3A_3 : vector<1x256xf32>
    %sub3A = arith.subf %div3A_9, %mul3A : vector<1x256xf32>
    %add3A = arith.constant 9.99999974E-6 : f32
    %add3A_10 = vector.broadcast %add3A : f32 to vector<1x256xf32>
    %add3A_11 = arith.addf %sub3A, %add3A_10 : vector<1x256xf32>
    %rsqrt3A = math.rsqrt %add3A_11 : vector<1x256xf32>
    %get3A_12 = arith.constant 0 : index
    %get3A_13 = arith.constant 0 : index
    %get3A_14 = vector.load %arg1[%get3A_12, %get3A_13] : memref<512x256xf32, #tpu.memory_space<vmem>>, vector<512x256xf32>
    %sub3A_15 = vector.broadcast %div3A_3 : vector<1x256xf32> to vector<512x256xf32>
    %sub3A_16 = arith.subf %get3A_14, %sub3A_15 : vector<512x256xf32>
    %mul3A_17 = vector.broadcast %rsqrt3A : vector<1x256xf32> to vector<512x256xf32>
    %mul3A_18 = arith.mulf %sub3A_16, %mul3A_17 : vector<512x256xf32>
    %get3A_19 = arith.constant 0 : index
    %get3A_20 = arith.constant 0 : index
    %get3A_21 = vector.load %arg3[%get3A_19, %get3A_20] : memref<1x256xf32, #tpu.memory_space<vmem>>, vector<1x256xf32>
    %mul3A_22 = vector.broadcast %get3A_21 : vector<1x256xf32> to vector<512x256xf32>
    %mul3A_23 = arith.mulf %mul3A_18, %mul3A_22 : vector<512x256xf32>
    %get3A_24 = arith.constant 0 : index
    %get3A_25 = arith.constant 0 : index
    %get3A_26 = vector.load %arg4[%get3A_24, %get3A_25] : memref<1x256xf32, #tpu.memory_space<vmem>>, vector<1x256xf32>
    %add3A_27 = vector.broadcast %get3A_26 : vector<1x256xf32> to vector<512x256xf32>
    %add3A_28 = arith.addf %mul3A_23, %add3A_27 : vector<512x256xf32>
    %max3A = arith.constant 0.000000e+00 : f32
    %max3A_29 = vector.broadcast %max3A : f32 to vector<512x256xf32>
    %max3A_30 = arith.maximumf %add3A_28, %max3A_29 : vector<512x256xf32>
    %slice3A = vector.extract_strided_slice %max3A_30 {offsets = [0, 0], sizes = [512, 128], strides = [1, 1]} : vector<512x256xf32> to vector<512x128xf32>
    %swap3A = arith.constant 0 : index
    %swap3A_31 = arith.constant 0 : index
    %swap3A_32 = vector.load %arg5[%swap3A, %swap3A_31] : memref<512x128xf32, #tpu.memory_space<vmem>>, vector<512x128xf32>
    tpu.vector_store %arg5[%swap3A, %swap3A_31], %slice3A {strides = array<i32>} : memref<512x128xf32, #tpu.memory_space<vmem>>, vector<512x128xf32>,
    %slice3A_33 = vector.extract_strided_slice %max3A_30 {offsets = [0, 128], sizes = [512, 128], strides = [1, 1]} : vector<512x256xf32> to vector<512x128xf32>
    %swap3A_34 = arith.constant 0 : index
    %swap3A_35 = arith.constant 0 : index
    %swap3A_36 = vector.load %arg6[%swap3A_34, %swap3A_35] : memref<512x128xf32, #tpu.memory_space<vmem>>, vector<512x128xf32>
    tpu.vector_store %arg6[%swap3A_34, %swap3A_35], %slice3A_33 {strides = array<i32>} : memref<512x128xf32, #tpu.memory_space<vmem>>, vector<512x128xf32>,
    return
  }
  func.func @transform_0(%arg0: i32) -> (i32, i32) {
    %c0_i32 = arith.constant 0 : i32
    %c0_i32_0 = arith.constant 0 : i32
    return %arg0, %c0_i32 : i32, i32
  }
  func.func @transform_1(%arg0: i32) -> (i32, i32) {
    %c0_i32 = arith.constant 0 : i32
    %c0_i32_0 = arith.constant 0 : i32
    %c0_i32_1 = arith.constant 0 : i32
    return %c0_i32, %c0_i32_0 : i32, i32
  }
  func.func @transform_2(%arg0: i32) -> (i32, i32) {
    %c0_i32 = arith.constant 0 : i32
    %c0_i32_0 = arith.constant 0 : i32
    %c0_i32_1 = arith.constant 0 : i32
    return %c0_i32, %c0_i32_0 : i32, i32
  }
  func.func @transform_3(%arg0: i32) -> (i32, i32) {
    %c0_i32 = arith.constant 0 : i32
    %c0_i32_0 = arith.constant 0 : i32
    %c0_i32_1 = arith.constant 0 : i32
    return %c0_i32, %c0_i32_0 : i32, i32
  }
  func.func @transform_4(%arg0: i32) -> (i32, i32) {
    %c0_i32 = arith.constant 0 : i32
    %c0_i32_0 = arith.constant 0 : i32
    return %arg0, %c0_i32 : i32, i32
  }
  func.func @transform_5(%arg0: i32) -> (i32, i32) {
    %c0_i32 = arith.constant 0 : i32
    %c0_i32_0 = arith.constant 0 : i32
    return %arg0, %c0_i32 : i32, i32
  }
}

module attributes {stable_mosaic.version = 14 : i64} {
  func.func @_gin_body_l23(%arg0: i32, %arg1: memref<512x128xf32, #tpu.memory_space<vmem>>, %arg2: memref<512x128xf32, #tpu.memory_space<vmem>>, %arg3: memref<512x128xf32, #tpu.memory_space<vmem>>, %arg4: memref<512x128xf32, #tpu.memory_space<vmem>>, %arg5: memref<256x256xf32, #tpu.memory_space<vmem>>, %arg6: memref<1x256xf32, #tpu.memory_space<vmem>>, %arg7: memref<256x256xf32, #tpu.memory_space<vmem>>, %arg8: memref<1x256xf32, #tpu.memory_space<vmem>>, %arg9: memref<1x1xf32, #tpu.memory_space<vmem>>, %arg10: memref<512x256xf32, #tpu.memory_space<vmem>>, %arg11: memref<2x256xf32, #tpu.memory_space<vmem>>) attributes {dimension_semantics = [#tpu.dimension_semantics<arbitrary>], iteration_bounds = array<i64: 20>, scalar_prefetch = 0 : i64, scratch_operands = 0 : i64, tpu.core_type = #tpu.core_type<tc>, window_params = [{transform_indices = @transform_0, window_bounds = array<i64: 512, 128>}, {transform_indices = @transform_1, window_bounds = array<i64: 512, 128>}, {transform_indices = @transform_2, window_bounds = array<i64: 512, 128>}, {transform_indices = @transform_3, window_bounds = array<i64: 512, 128>}, {pipeline_mode = #tpu.pipeline_mode<synchronous>, transform_indices = @transform_4, window_bounds = array<i64: 256, 256>}, {pipeline_mode = #tpu.pipeline_mode<synchronous>, transform_indices = @transform_5, window_bounds = array<i64: 1, 256>}, {pipeline_mode = #tpu.pipeline_mode<synchronous>, transform_indices = @transform_6, window_bounds = array<i64: 256, 256>}, {pipeline_mode = #tpu.pipeline_mode<synchronous>, transform_indices = @transform_7, window_bounds = array<i64: 1, 256>}, {pipeline_mode = #tpu.pipeline_mode<synchronous>, transform_indices = @transform_8, window_bounds = array<i64: 1, 1>}, {transform_indices = @transform_9, window_bounds = array<i64: 512, 256>}, {pipeline_mode = #tpu.pipeline_mode<synchronous>, transform_indices = @transform_10, window_bounds = array<i64: 2, 256>}]} {
    %get3A = arith.constant 0 : index
    %get3A_0 = arith.constant 0 : index
    %get3A_1 = vector.load %arg1[%get3A, %get3A_0] : memref<512x128xf32, #tpu.memory_space<vmem>>, vector<512x128xf32>
    %get3A_2 = arith.constant 0 : index
    %get3A_3 = arith.constant 0 : index
    %get3A_4 = vector.load %arg2[%get3A_2, %get3A_3] : memref<512x128xf32, #tpu.memory_space<vmem>>, vector<512x128xf32>
    %concatenate3A = tpu.concatenate %get3A_1, %get3A_4 in 1 : vector<512x128xf32>, vector<512x128xf32> -> vector<512x256xf32>
    %get3A_5 = arith.constant 0 : index
    %get3A_6 = arith.constant 0 : index
    %get3A_7 = vector.load %arg3[%get3A_5, %get3A_6] : memref<512x128xf32, #tpu.memory_space<vmem>>, vector<512x128xf32>
    %get3A_8 = arith.constant 0 : index
    %get3A_9 = arith.constant 0 : index
    %get3A_10 = vector.load %arg4[%get3A_8, %get3A_9] : memref<512x128xf32, #tpu.memory_space<vmem>>, vector<512x128xf32>
    %concatenate3A_11 = tpu.concatenate %get3A_7, %get3A_10 in 1 : vector<512x128xf32>, vector<512x128xf32> -> vector<512x256xf32>
    %get3A_12 = arith.constant 0 : index
    %get3A_13 = arith.constant 0 : index
    %get3A_14 = vector.load %arg9[%get3A_12, %get3A_13] : memref<1x1xf32, #tpu.memory_space<vmem>>, vector<1x1xf32>
    %get3A_15 = vector.extract %get3A_14[0, 0] : f32 from vector<1x1xf32>
    %add3A = arith.constant 1.000000e+00 : f32
    %add3A_16 = arith.addf %add3A, %get3A_15 : f32
    %mul3A = vector.broadcast %add3A_16 : f32 to vector<512x256xf32>
    %mul3A_17 = arith.mulf %mul3A, %concatenate3A : vector<512x256xf32>
    %add3A_18 = arith.addf %mul3A_17, %concatenate3A_11 : vector<512x256xf32>
    %get3A_19 = arith.constant 0 : index
    %get3A_20 = arith.constant 0 : index
    %get3A_21 = vector.load %arg5[%get3A_19, %get3A_20] : memref<256x256xf32, #tpu.memory_space<vmem>>, vector<256x256xf32>
    %dot_general3A = arith.constant dense<0.000000e+00> : vector<512x256xf32>
    %dot_general3A_22 = tpu.matmul %add3A_18, %get3A_21, %dot_general3A {dimension_numbers = #tpu.dot_dimension_numbers<[1], [0], [0], [1], [0, 0, 1, 1], [], []>, transpose_lhs_hint = false} : vector<512x256xf32>, vector<256x256xf32>, vector<512x256xf32> -> vector<512x256xf32>
    %get3A_23 = arith.constant 0 : index
    %get3A_24 = arith.constant 0 : index
    %get3A_25 = vector.load %arg6[%get3A_23, %get3A_24] : memref<1x256xf32, #tpu.memory_space<vmem>>, vector<1x256xf32>
    %add3A_26 = vector.broadcast %get3A_25 : vector<1x256xf32> to vector<512x256xf32>
    %add3A_27 = arith.addf %dot_general3A_22, %add3A_26 : vector<512x256xf32>
    %max3A = arith.constant 0.000000e+00 : f32
    %max3A_28 = vector.broadcast %max3A : f32 to vector<512x256xf32>
    %max3A_29 = arith.maximumf %add3A_27, %max3A_28 : vector<512x256xf32>
    %get3A_30 = arith.constant 0 : index
    %get3A_31 = arith.constant 0 : index
    %get3A_32 = vector.load %arg7[%get3A_30, %get3A_31] : memref<256x256xf32, #tpu.memory_space<vmem>>, vector<256x256xf32>
    %dot_general3A_33 = arith.constant dense<0.000000e+00> : vector<512x256xf32>
    %dot_general3A_34 = tpu.matmul %max3A_29, %get3A_32, %dot_general3A_33 {dimension_numbers = #tpu.dot_dimension_numbers<[1], [0], [0], [1], [0, 0, 1, 1], [], []>, transpose_lhs_hint = false} : vector<512x256xf32>, vector<256x256xf32>, vector<512x256xf32> -> vector<512x256xf32>
    %get3A_35 = arith.constant 0 : index
    %get3A_36 = arith.constant 0 : index
    %get3A_37 = vector.load %arg8[%get3A_35, %get3A_36] : memref<1x256xf32, #tpu.memory_space<vmem>>, vector<1x256xf32>
    %add3A_38 = vector.broadcast %get3A_37 : vector<1x256xf32> to vector<512x256xf32>
    %add3A_39 = arith.addf %dot_general3A_34, %add3A_38 : vector<512x256xf32>
    %mul3A_40 = arith.constant 512 : i32
    %mul3A_41 = arith.muli %arg0, %mul3A_40 : i32
    %iota3A = tpu.iota {dimensions = array<i32: 0>} : vector<512x1xi32>
    %add3A_42 = vector.broadcast %mul3A_41 : i32 to vector<512x1xi32>
    %add3A_43 = arith.addi %add3A_42, %iota3A : vector<512x1xi32>
    %lt3A = arith.constant 10000 : i32
    %lt3A_44 = vector.broadcast %lt3A : i32 to vector<512x1xi32>
    %lt3A_45 = arith.cmpi slt, %add3A_43, %lt3A_44 : vector<512x1xi32>
    %jit3A = arith.constant 0.000000e+00 : f32
    %broadcast_in_dim3A = vector.shape_cast %lt3A_45 : vector<512x1xi1> to vector<512x1xi1>
    %broadcast_in_dim3A_46 = vector.broadcast %broadcast_in_dim3A : vector<512x1xi1> to vector<512x256xi1>
    %broadcast_in_dim3A_47 = vector.broadcast %jit3A : f32 to vector<512x256xf32>
    %select_n3A = arith.select %broadcast_in_dim3A_46, %add3A_39, %broadcast_in_dim3A_47 : vector<512x256xi1>, vector<512x256xf32>
    %swap3A = arith.constant 0 : index
    %swap3A_48 = arith.constant 0 : index
    %swap3A_49 = vector.load %arg10[%swap3A, %swap3A_48] : memref<512x256xf32, #tpu.memory_space<vmem>>, vector<512x256xf32>
    tpu.vector_store %arg10[%swap3A, %swap3A_48], %select_n3A {strides = array<i32>} : memref<512x256xf32, #tpu.memory_space<vmem>>, vector<512x256xf32>,
    %reduce_sum3A = arith.constant dense<0.000000e+00> : vector<256xf32>
    %reduce_sum3A_50 = vector.multi_reduction <add>, %select_n3A, %reduce_sum3A [0] : vector<512x256xf32> to vector<256xf32>
    %broadcast_in_dim3A_51 = vector.shape_cast %reduce_sum3A_50 : vector<256xf32> to vector<1x256xf32>
    %mul3A_52 = arith.mulf %select_n3A, %select_n3A : vector<512x256xf32>
    %reduce_sum3A_53 = arith.constant dense<0.000000e+00> : vector<256xf32>
    %reduce_sum3A_54 = vector.multi_reduction <add>, %mul3A_52, %reduce_sum3A_53 [0] : vector<512x256xf32> to vector<256xf32>
    %broadcast_in_dim3A_55 = vector.shape_cast %reduce_sum3A_54 : vector<256xf32> to vector<1x256xf32>
    %concatenate3A_56 = tpu.concatenate %broadcast_in_dim3A_51, %broadcast_in_dim3A_55 in 0 : vector<1x256xf32>, vector<1x256xf32> -> vector<2x256xf32>
    %eq3A = arith.constant 0 : i32
    %eq3A_57 = arith.cmpi eq, %arg0, %eq3A : i32
    %convert_element_type3A = arith.extui %eq3A_57 : i1 to i32
    %cond3A = arith.constant 0 : i32
    %cond3A_58 = arith.cmpi ne, %convert_element_type3A, %cond3A : i32
    scf.if %cond3A_58 {
      %swap3A_63 = arith.constant 0 : index
      %swap3A_64 = arith.constant 0 : index
      %swap3A_65 = vector.load %arg11[%swap3A_63, %swap3A_64] : memref<2x256xf32, #tpu.memory_space<vmem>>, vector<2x256xf32>
      tpu.vector_store %arg11[%swap3A_63, %swap3A_64], %concatenate3A_56 {strides = array<i32>} : memref<2x256xf32, #tpu.memory_space<vmem>>, vector<2x256xf32>,
    } else {
    }
    %gt3A = arith.constant 0 : i32
    %gt3A_59 = arith.cmpi sgt, %arg0, %gt3A : i32
    %convert_element_type3A_60 = arith.extui %gt3A_59 : i1 to i32
    %cond3A_61 = arith.constant 0 : i32
    %cond3A_62 = arith.cmpi ne, %convert_element_type3A_60, %cond3A_61 : i32
    scf.if %cond3A_62 {
      %get3A_63 = arith.constant 0 : index
      %get3A_64 = arith.constant 0 : index
      %get3A_65 = vector.load %arg11[%get3A_63, %get3A_64] : memref<2x256xf32, #tpu.memory_space<vmem>>, vector<2x256xf32>
      %add3A_66 = arith.addf %get3A_65, %concatenate3A_56 : vector<2x256xf32>
      %swap3A_67 = arith.constant 0 : index
      %swap3A_68 = arith.constant 0 : index
      %swap3A_69 = vector.load %arg11[%swap3A_67, %swap3A_68] : memref<2x256xf32, #tpu.memory_space<vmem>>, vector<2x256xf32>
      tpu.vector_store %arg11[%swap3A_67, %swap3A_68], %add3A_66 {strides = array<i32>} : memref<2x256xf32, #tpu.memory_space<vmem>>, vector<2x256xf32>,
    } else {
    }
    return
  }
  func.func @transform_0(%arg0: i32) -> (i32, i32) {
    %c0_i32 = arith.constant 0 : i32
    %c0_i32_0 = arith.constant 0 : i32
    return %arg0, %c0_i32 : i32, i32
  }
  func.func @transform_1(%arg0: i32) -> (i32, i32) {
    %c0_i32 = arith.constant 0 : i32
    %c0_i32_0 = arith.constant 0 : i32
    return %arg0, %c0_i32 : i32, i32
  }
  func.func @transform_2(%arg0: i32) -> (i32, i32) {
    %c0_i32 = arith.constant 0 : i32
    %c0_i32_0 = arith.constant 0 : i32
    return %arg0, %c0_i32 : i32, i32
  }
  func.func @transform_3(%arg0: i32) -> (i32, i32) {
    %c0_i32 = arith.constant 0 : i32
    %c0_i32_0 = arith.constant 0 : i32
    return %arg0, %c0_i32 : i32, i32
  }
  func.func @transform_4(%arg0: i32) -> (i32, i32) {
    %c0_i32 = arith.constant 0 : i32
    %c0_i32_0 = arith.constant 0 : i32
    %c0_i32_1 = arith.constant 0 : i32
    return %c0_i32, %c0_i32_0 : i32, i32
  }
  func.func @transform_5(%arg0: i32) -> (i32, i32) {
    %c0_i32 = arith.constant 0 : i32
    %c0_i32_0 = arith.constant 0 : i32
    %c0_i32_1 = arith.constant 0 : i32
    return %c0_i32, %c0_i32_0 : i32, i32
  }
  func.func @transform_6(%arg0: i32) -> (i32, i32) {
    %c0_i32 = arith.constant 0 : i32
    %c0_i32_0 = arith.constant 0 : i32
    %c0_i32_1 = arith.constant 0 : i32
    return %c0_i32, %c0_i32_0 : i32, i32
  }
  func.func @transform_7(%arg0: i32) -> (i32, i32) {
    %c0_i32 = arith.constant 0 : i32
    %c0_i32_0 = arith.constant 0 : i32
    %c0_i32_1 = arith.constant 0 : i32
    return %c0_i32, %c0_i32_0 : i32, i32
  }
  func.func @transform_8(%arg0: i32) -> (i32, i32) {
    %c0_i32 = arith.constant 0 : i32
    %c0_i32_0 = arith.constant 0 : i32
    %c0_i32_1 = arith.constant 0 : i32
    return %c0_i32, %c0_i32_0 : i32, i32
  }
  func.func @transform_9(%arg0: i32) -> (i32, i32) {
    %c0_i32 = arith.constant 0 : i32
    %c0_i32_0 = arith.constant 0 : i32
    return %arg0, %c0_i32 : i32, i32
  }
  func.func @transform_10(%arg0: i32) -> (i32, i32) {
    %c0_i32 = arith.constant 0 : i32
    %c0_i32_0 = arith.constant 0 : i32
    %c0_i32_1 = arith.constant 0 : i32
    return %c0_i32, %c0_i32_0 : i32, i32
  }
}

module attributes {stable_mosaic.version = 14 : i64} {
  func.func @_att1_body(%arg0: i32, %arg1: memref<512x128xf32, #tpu.memory_space<vmem>>, %arg2: memref<512x128xf32, #tpu.memory_space<vmem>>, %arg3: memref<1x1x512xi32, #tpu.memory_space<vmem>>, %arg4: memref<256x64xf32, #tpu.memory_space<vmem>>, %arg5: memref<1x64xf32, #tpu.memory_space<vmem>>, %arg6: memref<64x256xf32, #tpu.memory_space<vmem>>, %arg7: memref<1x256xf32, #tpu.memory_space<vmem>>, %arg8: memref<512x256xf32, #tpu.memory_space<vmem>>, %arg9: memref<128x256xf32, #tpu.memory_space<vmem>>, %arg10: memref<128x128xf32, #tpu.memory_space<vmem>>) attributes {dimension_semantics = [#tpu.dimension_semantics<arbitrary>], iteration_bounds = array<i64: 20>, scalar_prefetch = 0 : i64, scratch_operands = 0 : i64, tpu.core_type = #tpu.core_type<tc>, window_params = [{transform_indices = @transform_0, window_bounds = array<i64: 512, 128>}, {transform_indices = @transform_1, window_bounds = array<i64: 512, 128>}, {transform_indices = @transform_2, window_bounds = array<i64: 1, 1, 512>}, {pipeline_mode = #tpu.pipeline_mode<synchronous>, transform_indices = @transform_3, window_bounds = array<i64: 256, 64>}, {pipeline_mode = #tpu.pipeline_mode<synchronous>, transform_indices = @transform_4, window_bounds = array<i64: 1, 64>}, {pipeline_mode = #tpu.pipeline_mode<synchronous>, transform_indices = @transform_5, window_bounds = array<i64: 64, 256>}, {pipeline_mode = #tpu.pipeline_mode<synchronous>, transform_indices = @transform_6, window_bounds = array<i64: 1, 256>}, {transform_indices = @transform_7, window_bounds = array<i64: 512, 256>}, {pipeline_mode = #tpu.pipeline_mode<synchronous>, transform_indices = @transform_8, window_bounds = array<i64: 128, 256>}, {pipeline_mode = #tpu.pipeline_mode<synchronous>, transform_indices = @transform_9, window_bounds = array<i64: 128, 128>}]} {
    %get3A = arith.constant 0 : index
    %get3A_0 = arith.constant 0 : index
    %get3A_1 = vector.load %arg1[%get3A, %get3A_0] : memref<512x128xf32, #tpu.memory_space<vmem>>, vector<512x128xf32>
    %get3A_2 = arith.constant 0 : index
    %get3A_3 = arith.constant 0 : index
    %get3A_4 = vector.load %arg2[%get3A_2, %get3A_3] : memref<512x128xf32, #tpu.memory_space<vmem>>, vector<512x128xf32>
    %concatenate3A = tpu.concatenate %get3A_1, %get3A_4 in 1 : vector<512x128xf32>, vector<512x128xf32> -> vector<512x256xf32>
    %get3A_5 = arith.constant 0 : index
    %get3A_6 = arith.constant 0 : index
    %get3A_7 = vector.load %arg4[%get3A_5, %get3A_6] : memref<256x64xf32, #tpu.memory_space<vmem>>, vector<256x64xf32>
    %dot_general3A = arith.constant dense<0.000000e+00> : vector<512x64xf32>
    %dot_general3A_8 = tpu.matmul %concatenate3A, %get3A_7, %dot_general3A {dimension_numbers = #tpu.dot_dimension_numbers<[1], [0], [0], [1], [0, 0, 1, 1], [], []>, transpose_lhs_hint = false} : vector<512x256xf32>, vector<256x64xf32>, vector<512x64xf32> -> vector<512x64xf32>
    %get3A_9 = arith.constant 0 : index
    %get3A_10 = arith.constant 0 : index
    %get3A_11 = vector.load %arg5[%get3A_9, %get3A_10] : memref<1x64xf32, #tpu.memory_space<vmem>>, vector<1x64xf32>
    %add3A = vector.broadcast %get3A_11 : vector<1x64xf32> to vector<512x64xf32>
    %add3A_12 = arith.addf %dot_general3A_8, %add3A : vector<512x64xf32>
    %max3A = arith.constant 0.000000e+00 : f32
    %max3A_13 = vector.broadcast %max3A : f32 to vector<512x64xf32>
    %max3A_14 = arith.maximumf %add3A_12, %max3A_13 : vector<512x64xf32>
    %get3A_15 = arith.constant 0 : index
    %get3A_16 = arith.constant 0 : index
    %get3A_17 = vector.load %arg6[%get3A_15, %get3A_16] : memref<64x256xf32, #tpu.memory_space<vmem>>, vector<64x256xf32>
    %dot_general3A_18 = arith.constant dense<0.000000e+00> : vector<512x256xf32>
    %dot_general3A_19 = tpu.matmul %max3A_14, %get3A_17, %dot_general3A_18 {dimension_numbers = #tpu.dot_dimension_numbers<[1], [0], [0], [1], [0, 0, 1, 1], [], []>, transpose_lhs_hint = false} : vector<512x64xf32>, vector<64x256xf32>, vector<512x256xf32> -> vector<512x256xf32>
    %get3A_20 = arith.constant 0 : index
    %get3A_21 = arith.constant 0 : index
    %get3A_22 = vector.load %arg7[%get3A_20, %get3A_21] : memref<1x256xf32, #tpu.memory_space<vmem>>, vector<1x256xf32>
    %add3A_23 = vector.broadcast %get3A_22 : vector<1x256xf32> to vector<512x256xf32>
    %add3A_24 = arith.addf %dot_general3A_19, %add3A_23 : vector<512x256xf32>
    %tanh3A = math.tanh %add3A_24 : vector<512x256xf32>
    %add3A_25 = arith.constant 1.000000e+00 : f32
    %add3A_26 = vector.broadcast %add3A_25 : f32 to vector<512x256xf32>
    %add3A_27 = arith.addf %add3A_26, %tanh3A : vector<512x256xf32>
    %mul3A = arith.mulf %concatenate3A, %add3A_27 : vector<512x256xf32>
    %mul3A_28 = arith.constant 512 : i32
    %mul3A_29 = arith.muli %arg0, %mul3A_28 : i32
    %iota3A = tpu.iota {dimensions = array<i32: 0>} : vector<512x1xi32>
    %add3A_30 = vector.broadcast %mul3A_29 : i32 to vector<512x1xi32>
    %add3A_31 = arith.addi %add3A_30, %iota3A : vector<512x1xi32>
    %lt3A = arith.constant 10000 : i32
    %lt3A_32 = vector.broadcast %lt3A : i32 to vector<512x1xi32>
    %lt3A_33 = arith.cmpi slt, %add3A_31, %lt3A_32 : vector<512x1xi32>
    %jit3A = arith.constant 0.000000e+00 : f32
    %broadcast_in_dim3A = vector.shape_cast %lt3A_33 : vector<512x1xi1> to vector<512x1xi1>
    %broadcast_in_dim3A_34 = vector.broadcast %broadcast_in_dim3A : vector<512x1xi1> to vector<512x256xi1>
    %broadcast_in_dim3A_35 = vector.broadcast %jit3A : f32 to vector<512x256xf32>
    %select_n3A = arith.select %broadcast_in_dim3A_34, %mul3A, %broadcast_in_dim3A_35 : vector<512x256xi1>, vector<512x256xf32>
    %swap3A = arith.constant 0 : index
    %swap3A_36 = arith.constant 0 : index
    %swap3A_37 = vector.load %arg8[%swap3A, %swap3A_36] : memref<512x256xf32, #tpu.memory_space<vmem>>, vector<512x256xf32>
    tpu.vector_store %arg8[%swap3A, %swap3A_36], %select_n3A {strides = array<i32>} : memref<512x256xf32, #tpu.memory_space<vmem>>, vector<512x256xf32>,
    %get3A_38 = arith.constant 0 : index
    %get3A_39 = arith.constant 0 : index
    %get3A_40 = arith.constant 0 : index
    %get3A_41 = vector.load %arg3[%get3A_38, %get3A_39, %get3A_40] : memref<1x1x512xi32, #tpu.memory_space<vmem>>, vector<1x1x512xi32>
    %reshape3A = vector.shape_cast %get3A_41 : vector<1x1x512xi32> to vector<1x512xi32>
    %iota3A_42 = tpu.iota {dimensions = array<i32: 0>} : vector<128x512xi32>
    %eq3A = vector.broadcast %reshape3A : vector<1x512xi32> to vector<128x512xi32>
    %eq3A_43 = arith.cmpi eq, %iota3A_42, %eq3A : vector<128x512xi32>
    %jit3A_44 = arith.constant 1.000000e+00 : f32
    %jit3A_45 = arith.constant 0.000000e+00 : f32
    %broadcast_in_dim3A_46 = vector.broadcast %jit3A_44 : f32 to vector<128x512xf32>
    %broadcast_in_dim3A_47 = vector.broadcast %jit3A_45 : f32 to vector<128x512xf32>
    %select_n3A_48 = arith.select %eq3A_43, %broadcast_in_dim3A_46, %broadcast_in_dim3A_47 : vector<128x512xi1>, vector<128x512xf32>
    %dot_general3A_49 = arith.constant dense<0.000000e+00> : vector<128x256xf32>
    %dot_general3A_50 = tpu.matmul %select_n3A_48, %select_n3A, %dot_general3A_49 {dimension_numbers = #tpu.dot_dimension_numbers<[1], [0], [0], [1], [0, 0, 1, 1], [], []>, transpose_lhs_hint = false} : vector<128x512xf32>, vector<512x256xf32>, vector<128x256xf32> -> vector<128x256xf32>
    %reduce_sum3A = arith.constant dense<0.000000e+00> : vector<128xf32>
    %reduce_sum3A_51 = vector.multi_reduction <add>, %select_n3A_48, %reduce_sum3A [1] : vector<128x512xf32> to vector<128xf32>
    %broadcast_in_dim3A_52 = vector.shape_cast %reduce_sum3A_51 : vector<128xf32> to vector<128x1xf32>
    %broadcast_in_dim3A_53 = vector.shape_cast %broadcast_in_dim3A_52 : vector<128x1xf32> to vector<128x1xf32>
    %broadcast_in_dim3A_54 = vector.broadcast %broadcast_in_dim3A_53 : vector<128x1xf32> to vector<128x128xf32>
    %eq3A_55 = arith.constant 0 : i32
    %eq3A_56 = arith.cmpi eq, %arg0, %eq3A_55 : i32
    %convert_element_type3A = arith.extui %eq3A_56 : i1 to i32
    %cond3A = arith.constant 0 : i32
    %cond3A_57 = arith.cmpi ne, %convert_element_type3A, %cond3A : i32
    scf.if %cond3A_57 {
      %swap3A_62 = arith.constant 0 : index
      %swap3A_63 = arith.constant 0 : index
      %swap3A_64 = vector.load %arg9[%swap3A_62, %swap3A_63] : memref<128x256xf32, #tpu.memory_space<vmem>>, vector<128x256xf32>
      tpu.vector_store %arg9[%swap3A_62, %swap3A_63], %dot_general3A_50 {strides = array<i32>} : memref<128x256xf32, #tpu.memory_space<vmem>>, vector<128x256xf32>,
      %swap3A_65 = arith.constant 0 : index
      %swap3A_66 = arith.constant 0 : index
      %swap3A_67 = vector.load %arg10[%swap3A_65, %swap3A_66] : memref<128x128xf32, #tpu.memory_space<vmem>>, vector<128x128xf32>
      tpu.vector_store %arg10[%swap3A_65, %swap3A_66], %broadcast_in_dim3A_54 {strides = array<i32>} : memref<128x128xf32, #tpu.memory_space<vmem>>, vector<128x128xf32>,
    } else {
    }
    %gt3A = arith.constant 0 : i32
    %gt3A_58 = arith.cmpi sgt, %arg0, %gt3A : i32
    %convert_element_type3A_59 = arith.extui %gt3A_58 : i1 to i32
    %cond3A_60 = arith.constant 0 : i32
    %cond3A_61 = arith.cmpi ne, %convert_element_type3A_59, %cond3A_60 : i32
    scf.if %cond3A_61 {
      %get3A_62 = arith.constant 0 : index
      %get3A_63 = arith.constant 0 : index
      %get3A_64 = vector.load %arg9[%get3A_62, %get3A_63] : memref<128x256xf32, #tpu.memory_space<vmem>>, vector<128x256xf32>
      %add3A_65 = arith.addf %get3A_64, %dot_general3A_50 : vector<128x256xf32>
      %swap3A_66 = arith.constant 0 : index
      %swap3A_67 = arith.constant 0 : index
      %swap3A_68 = vector.load %arg9[%swap3A_66, %swap3A_67] : memref<128x256xf32, #tpu.memory_space<vmem>>, vector<128x256xf32>
      tpu.vector_store %arg9[%swap3A_66, %swap3A_67], %add3A_65 {strides = array<i32>} : memref<128x256xf32, #tpu.memory_space<vmem>>, vector<128x256xf32>,
      %get3A_69 = arith.constant 0 : index
      %get3A_70 = arith.constant 0 : index
      %get3A_71 = vector.load %arg10[%get3A_69, %get3A_70] : memref<128x128xf32, #tpu.memory_space<vmem>>, vector<128x128xf32>
      %add3A_72 = arith.addf %get3A_71, %broadcast_in_dim3A_54 : vector<128x128xf32>
      %swap3A_73 = arith.constant 0 : index
      %swap3A_74 = arith.constant 0 : index
      %swap3A_75 = vector.load %arg10[%swap3A_73, %swap3A_74] : memref<128x128xf32, #tpu.memory_space<vmem>>, vector<128x128xf32>
      tpu.vector_store %arg10[%swap3A_73, %swap3A_74], %add3A_72 {strides = array<i32>} : memref<128x128xf32, #tpu.memory_space<vmem>>, vector<128x128xf32>,
    } else {
    }
    return
  }
  func.func @transform_0(%arg0: i32) -> (i32, i32) {
    %c0_i32 = arith.constant 0 : i32
    %c0_i32_0 = arith.constant 0 : i32
    return %arg0, %c0_i32 : i32, i32
  }
  func.func @transform_1(%arg0: i32) -> (i32, i32) {
    %c0_i32 = arith.constant 0 : i32
    %c0_i32_0 = arith.constant 0 : i32
    return %arg0, %c0_i32 : i32, i32
  }
  func.func @transform_2(%arg0: i32) -> (i32, i32, i32) {
    %c0_i32 = arith.constant 0 : i32
    %c0_i32_0 = arith.constant 0 : i32
    %c0_i32_1 = arith.constant 0 : i32
    return %arg0, %c0_i32, %c0_i32_0 : i32, i32, i32
  }
  func.func @transform_3(%arg0: i32) -> (i32, i32) {
    %c0_i32 = arith.constant 0 : i32
    %c0_i32_0 = arith.constant 0 : i32
    %c0_i32_1 = arith.constant 0 : i32
    return %c0_i32, %c0_i32_0 : i32, i32
  }
  func.func @transform_4(%arg0: i32) -> (i32, i32) {
    %c0_i32 = arith.constant 0 : i32
    %c0_i32_0 = arith.constant 0 : i32
    %c0_i32_1 = arith.constant 0 : i32
    return %c0_i32, %c0_i32_0 : i32, i32
  }
  func.func @transform_5(%arg0: i32) -> (i32, i32) {
    %c0_i32 = arith.constant 0 : i32
    %c0_i32_0 = arith.constant 0 : i32
    %c0_i32_1 = arith.constant 0 : i32
    return %c0_i32, %c0_i32_0 : i32, i32
  }
  func.func @transform_6(%arg0: i32) -> (i32, i32) {
    %c0_i32 = arith.constant 0 : i32
    %c0_i32_0 = arith.constant 0 : i32
    %c0_i32_1 = arith.constant 0 : i32
    return %c0_i32, %c0_i32_0 : i32, i32
  }
  func.func @transform_7(%arg0: i32) -> (i32, i32) {
    %c0_i32 = arith.constant 0 : i32
    %c0_i32_0 = arith.constant 0 : i32
    return %arg0, %c0_i32 : i32, i32
  }
  func.func @transform_8(%arg0: i32) -> (i32, i32) {
    %c0_i32 = arith.constant 0 : i32
    %c0_i32_0 = arith.constant 0 : i32
    %c0_i32_1 = arith.constant 0 : i32
    return %c0_i32, %c0_i32_0 : i32, i32
  }
  func.func @transform_9(%arg0: i32) -> (i32, i32) {
    %c0_i32 = arith.constant 0 : i32
    %c0_i32_0 = arith.constant 0 : i32
    %c0_i32_1 = arith.constant 0 : i32
    return %c0_i32, %c0_i32_0 : i32, i32
  }
}

module attributes {stable_mosaic.version = 14 : i64} {
  func.func @_att2_body(%arg0: memref<128x256xf32, #tpu.memory_space<vmem>>, %arg1: memref<128x128xf32, #tpu.memory_space<vmem>>, %arg2: memref<256x256xf32, #tpu.memory_space<vmem>>, %arg3: memref<128x256xf32, #tpu.memory_space<vmem>>) attributes {dimension_semantics = [], scalar_prefetch = 0 : i64, scratch_operands = 0 : i64, tpu.core_type = #tpu.core_type<tc>} {
    %get3A = arith.constant 0 : index
    %get3A_0 = arith.constant 0 : index
    %get3A_1 = vector.load %arg1[%get3A, %get3A_0] : memref<128x128xf32, #tpu.memory_space<vmem>>, vector<128x1xf32>
    %gt3A = arith.constant 0.000000e+00 : f32
    %gt3A_2 = vector.broadcast %gt3A : f32 to vector<128x1xf32>
    %gt3A_3 = arith.cmpf ogt, %get3A_1, %gt3A_2 : vector<128x1xf32>
    %get3A_4 = arith.constant 0 : index
    %get3A_5 = arith.constant 0 : index
    %get3A_6 = vector.load %arg0[%get3A_4, %get3A_5] : memref<128x256xf32, #tpu.memory_space<vmem>>, vector<128x256xf32>
    %max3A = arith.constant 1.000000e+00 : f32
    %max3A_7 = vector.broadcast %max3A : f32 to vector<128x1xf32>
    %max3A_8 = arith.maximumf %get3A_1, %max3A_7 : vector<128x1xf32>
    %div3A = vector.broadcast %max3A_8 : vector<128x1xf32> to vector<128x256xf32>
    %div3A_9 = arith.divf %get3A_6, %div3A : vector<128x256xf32>
    %jit3A = arith.constant 0.000000e+00 : f32
    %broadcast_in_dim3A = vector.shape_cast %gt3A_3 : vector<128x1xi1> to vector<128x1xi1>
    %broadcast_in_dim3A_10 = vector.broadcast %broadcast_in_dim3A : vector<128x1xi1> to vector<128x256xi1>
    %broadcast_in_dim3A_11 = vector.broadcast %jit3A : f32 to vector<128x256xf32>
    %select_n3A = arith.select %broadcast_in_dim3A_10, %div3A_9, %broadcast_in_dim3A_11 : vector<128x256xi1>, vector<128x256xf32>
    %get3A_12 = arith.constant 0 : index
    %get3A_13 = arith.constant 0 : index
    %get3A_14 = vector.load %arg2[%get3A_12, %get3A_13] : memref<256x256xf32, #tpu.memory_space<vmem>>, vector<256x256xf32>
    %dot_general3A = arith.constant dense<0.000000e+00> : vector<128x256xf32>
    %dot_general3A_15 = tpu.matmul %select_n3A, %get3A_14, %dot_general3A {dimension_numbers = #tpu.dot_dimension_numbers<[1], [0], [0], [1], [0, 0, 1, 1], [], []>, transpose_lhs_hint = false} : vector<128x256xf32>, vector<256x256xf32>, vector<128x256xf32> -> vector<128x256xf32>
    %tanh3A = math.tanh %dot_general3A_15 : vector<128x256xf32>
    %swap3A = arith.constant 0 : index
    %swap3A_16 = arith.constant 0 : index
    %swap3A_17 = vector.load %arg3[%swap3A, %swap3A_16] : memref<128x256xf32, #tpu.memory_space<vmem>>, vector<128x256xf32>
    tpu.vector_store %arg3[%swap3A, %swap3A_16], %tanh3A {strides = array<i32>} : memref<128x256xf32, #tpu.memory_space<vmem>>, vector<128x256xf32>,
    return
  }
}

module attributes {stable_mosaic.version = 14 : i64} {
  func.func @_att3_body(%arg0: i32, %arg1: memref<512x256xf32, #tpu.memory_space<vmem>>, %arg2: memref<1x1x512xi32, #tpu.memory_space<vmem>>, %arg3: memref<128x256xf32, #tpu.memory_space<vmem>>, %arg4: memref<128x256xf32, #tpu.memory_space<vmem>>) attributes {dimension_semantics = [#tpu.dimension_semantics<arbitrary>], iteration_bounds = array<i64: 20>, scalar_prefetch = 0 : i64, scratch_operands = 0 : i64, tpu.core_type = #tpu.core_type<tc>, window_params = [{transform_indices = @transform_0, window_bounds = array<i64: 512, 256>}, {transform_indices = @transform_1, window_bounds = array<i64: 1, 1, 512>}, {pipeline_mode = #tpu.pipeline_mode<synchronous>, transform_indices = @transform_2, window_bounds = array<i64: 128, 256>}, {pipeline_mode = #tpu.pipeline_mode<synchronous>, transform_indices = @transform_3, window_bounds = array<i64: 128, 256>}]} {
    %mul3A = arith.constant 512 : i32
    %mul3A_0 = arith.muli %arg0, %mul3A : i32
    %iota3A = tpu.iota {dimensions = array<i32: 0>} : vector<512x1xi32>
    %add3A = vector.broadcast %mul3A_0 : i32 to vector<512x1xi32>
    %add3A_1 = arith.addi %add3A, %iota3A : vector<512x1xi32>
    %lt3A = arith.constant 10000 : i32
    %lt3A_2 = vector.broadcast %lt3A : i32 to vector<512x1xi32>
    %lt3A_3 = arith.cmpi slt, %add3A_1, %lt3A_2 : vector<512x1xi32>
    %get3A = arith.constant 0 : index
    %get3A_4 = arith.constant 0 : index
    %get3A_5 = vector.load %arg1[%get3A, %get3A_4] : memref<512x256xf32, #tpu.memory_space<vmem>>, vector<512x256xf32>
    %jit3A = arith.constant 0.000000e+00 : f32
    %broadcast_in_dim3A = vector.shape_cast %lt3A_3 : vector<512x1xi1> to vector<512x1xi1>
    %broadcast_in_dim3A_6 = vector.broadcast %broadcast_in_dim3A : vector<512x1xi1> to vector<512x256xi1>
    %broadcast_in_dim3A_7 = vector.broadcast %jit3A : f32 to vector<512x256xf32>
    %select_n3A = arith.select %broadcast_in_dim3A_6, %get3A_5, %broadcast_in_dim3A_7 : vector<512x256xi1>, vector<512x256xf32>
    %get3A_8 = arith.constant 0 : index
    %get3A_9 = arith.constant 0 : index
    %get3A_10 = arith.constant 0 : index
    %get3A_11 = vector.load %arg2[%get3A_8, %get3A_9, %get3A_10] : memref<1x1x512xi32, #tpu.memory_space<vmem>>, vector<1x1x512xi32>
    %reshape3A = vector.shape_cast %get3A_11 : vector<1x1x512xi32> to vector<1x512xi32>
    %iota3A_12 = tpu.iota {dimensions = array<i32: 0>} : vector<128x512xi32>
    %eq3A = vector.broadcast %reshape3A : vector<1x512xi32> to vector<128x512xi32>
    %eq3A_13 = arith.cmpi eq, %iota3A_12, %eq3A : vector<128x512xi32>
    %jit3A_14 = arith.constant 1.000000e+00 : f32
    %jit3A_15 = arith.constant 0.000000e+00 : f32
    %broadcast_in_dim3A_16 = vector.broadcast %jit3A_14 : f32 to vector<128x512xf32>
    %broadcast_in_dim3A_17 = vector.broadcast %jit3A_15 : f32 to vector<128x512xf32>
    %select_n3A_18 = arith.select %eq3A_13, %broadcast_in_dim3A_16, %broadcast_in_dim3A_17 : vector<128x512xi1>, vector<128x512xf32>
    %get3A_19 = arith.constant 0 : index
    %get3A_20 = arith.constant 0 : index
    %get3A_21 = vector.load %arg3[%get3A_19, %get3A_20] : memref<128x256xf32, #tpu.memory_space<vmem>>, vector<128x256xf32>
    %dot_general3A = arith.constant dense<0.000000e+00> : vector<512x256xf32>
    %dot_general3A_22 = tpu.matmul %select_n3A_18, %get3A_21, %dot_general3A {dimension_numbers = #tpu.dot_dimension_numbers<[0], [0], [1], [1], [0, 1, 1, 1], [], []>, transpose_lhs_hint = false} : vector<128x512xf32>, vector<128x256xf32>, vector<512x256xf32> -> vector<512x256xf32>
    %mul3A_23 = arith.mulf %select_n3A, %dot_general3A_22 : vector<512x256xf32>
    %reduce_sum3A = arith.constant dense<0.000000e+00> : vector<512xf32>
    %reduce_sum3A_24 = vector.multi_reduction <add>, %mul3A_23, %reduce_sum3A [1] : vector<512x256xf32> to vector<512xf32>
    %broadcast_in_dim3A_25 = vector.shape_cast %reduce_sum3A_24 : vector<512xf32> to vector<512x1xf32>
    %neg3A = arith.constant 0.000000e+00 : f32
    %neg3A_26 = vector.broadcast %neg3A : f32 to vector<512x1xf32>
    %neg3A_27 = arith.subf %neg3A_26, %broadcast_in_dim3A_25 : vector<512x1xf32>
    %exp3A = math.exp %neg3A_27 : vector<512x1xf32>
    %add3A_28 = arith.constant 1.000000e+00 : f32
    %add3A_29 = vector.broadcast %add3A_28 : f32 to vector<512x1xf32>
    %add3A_30 = arith.addf %add3A_29, %exp3A : vector<512x1xf32>
    %div3A = arith.constant 1.000000e+00 : f32
    %div3A_31 = vector.broadcast %div3A : f32 to vector<512x1xf32>
    %div3A_32 = arith.divf %div3A_31, %add3A_30 : vector<512x1xf32>
    %mul3A_33 = vector.broadcast %div3A_32 : vector<512x1xf32> to vector<512x256xf32>
    %mul3A_34 = arith.mulf %mul3A_33, %select_n3A : vector<512x256xf32>
    %dot_general3A_35 = arith.constant dense<0.000000e+00> : vector<128x256xf32>
    %dot_general3A_36 = tpu.matmul %select_n3A_18, %mul3A_34, %dot_general3A_35 {dimension_numbers = #tpu.dot_dimension_numbers<[1], [0], [0], [1], [0, 0, 1, 1], [], []>, transpose_lhs_hint = false} : vector<128x512xf32>, vector<512x256xf32>, vector<128x256xf32> -> vector<128x256xf32>
    %eq3A_37 = arith.constant 0 : i32
    %eq3A_38 = arith.cmpi eq, %arg0, %eq3A_37 : i32
    %convert_element_type3A = arith.extui %eq3A_38 : i1 to i32
    %cond3A = arith.constant 0 : i32
    %cond3A_39 = arith.cmpi ne, %convert_element_type3A, %cond3A : i32
    scf.if %cond3A_39 {
      %swap3A = arith.constant 0 : index
      %swap3A_44 = arith.constant 0 : index
      %swap3A_45 = vector.load %arg4[%swap3A, %swap3A_44] : memref<128x256xf32, #tpu.memory_space<vmem>>, vector<128x256xf32>
      tpu.vector_store %arg4[%swap3A, %swap3A_44], %dot_general3A_36 {strides = array<i32>} : memref<128x256xf32, #tpu.memory_space<vmem>>, vector<128x256xf32>,
    } else {
    }
    %gt3A = arith.constant 0 : i32
    %gt3A_40 = arith.cmpi sgt, %arg0, %gt3A : i32
    %convert_element_type3A_41 = arith.extui %gt3A_40 : i1 to i32
    %cond3A_42 = arith.constant 0 : i32
    %cond3A_43 = arith.cmpi ne, %convert_element_type3A_41, %cond3A_42 : i32
    scf.if %cond3A_43 {
      %get3A_44 = arith.constant 0 : index
      %get3A_45 = arith.constant 0 : index
      %get3A_46 = vector.load %arg4[%get3A_44, %get3A_45] : memref<128x256xf32, #tpu.memory_space<vmem>>, vector<128x256xf32>
      %add3A_47 = arith.addf %get3A_46, %dot_general3A_36 : vector<128x256xf32>
      %swap3A = arith.constant 0 : index
      %swap3A_48 = arith.constant 0 : index
      %swap3A_49 = vector.load %arg4[%swap3A, %swap3A_48] : memref<128x256xf32, #tpu.memory_space<vmem>>, vector<128x256xf32>
      tpu.vector_store %arg4[%swap3A, %swap3A_48], %add3A_47 {strides = array<i32>} : memref<128x256xf32, #tpu.memory_space<vmem>>, vector<128x256xf32>,
    } else {
    }
    return
  }
  func.func @transform_0(%arg0: i32) -> (i32, i32) {
    %c0_i32 = arith.constant 0 : i32
    %c0_i32_0 = arith.constant 0 : i32
    return %arg0, %c0_i32 : i32, i32
  }
  func.func @transform_1(%arg0: i32) -> (i32, i32, i32) {
    %c0_i32 = arith.constant 0 : i32
    %c0_i32_0 = arith.constant 0 : i32
    %c0_i32_1 = arith.constant 0 : i32
    return %arg0, %c0_i32, %c0_i32_0 : i32, i32, i32
  }
  func.func @transform_2(%arg0: i32) -> (i32, i32) {
    %c0_i32 = arith.constant 0 : i32
    %c0_i32_0 = arith.constant 0 : i32
    %c0_i32_1 = arith.constant 0 : i32
    return %c0_i32, %c0_i32_0 : i32, i32
  }
  func.func @transform_3(%arg0: i32) -> (i32, i32) {
    %c0_i32 = arith.constant 0 : i32
    %c0_i32_0 = arith.constant 0 : i32
    %c0_i32_1 = arith.constant 0 : i32
    return %c0_i32, %c0_i32_0 : i32, i32
  }
}

module attributes {stable_mosaic.version = 14 : i64} {
  func.func @_head_body(%arg0: memref<128x256xf32, #tpu.memory_space<vmem>>, %arg1: memref<128x256xf32, #tpu.memory_space<vmem>>, %arg2: memref<128x256xf32, #tpu.memory_space<vmem>>, %arg3: memref<128x256xf32, #tpu.memory_space<vmem>>, %arg4: memref<128x256xf32, #tpu.memory_space<vmem>>, %arg5: memref<128x256xf32, #tpu.memory_space<vmem>>, %arg6: memref<512x128xf32, #tpu.memory_space<vmem>>, %arg7: memref<1x128xf32, #tpu.memory_space<vmem>>, %arg8: memref<128x512xf32, #tpu.memory_space<vmem>>, %arg9: memref<1x512xf32, #tpu.memory_space<vmem>>, %arg10: memref<512x512xf32, #tpu.memory_space<vmem>>, %arg11: memref<1x512xf32, #tpu.memory_space<vmem>>, %arg12: memref<512x128xf32, #tpu.memory_space<vmem>>, %arg13: memref<1x128xf32, #tpu.memory_space<vmem>>, %arg14: memref<512x128xf32, #tpu.memory_space<vmem>>, %arg15: memref<1x128xf32, #tpu.memory_space<vmem>>, %arg16: memref<128x512xf32, #tpu.memory_space<vmem>>, %arg17: memref<1x512xf32, #tpu.memory_space<vmem>>, %arg18: memref<512x512xf32, #tpu.memory_space<vmem>>, %arg19: memref<1x512xf32, #tpu.memory_space<vmem>>, %arg20: memref<512x128xf32, #tpu.memory_space<vmem>>, %arg21: memref<1x128xf32, #tpu.memory_space<vmem>>, %arg22: memref<512x128xf32, #tpu.memory_space<vmem>>, %arg23: memref<1x128xf32, #tpu.memory_space<vmem>>, %arg24: memref<128x512xf32, #tpu.memory_space<vmem>>, %arg25: memref<1x512xf32, #tpu.memory_space<vmem>>, %arg26: memref<512x512xf32, #tpu.memory_space<vmem>>, %arg27: memref<1x512xf32, #tpu.memory_space<vmem>>, %arg28: memref<512x128xf32, #tpu.memory_space<vmem>>, %arg29: memref<1x128xf32, #tpu.memory_space<vmem>>, %arg30: memref<384x96xf32, #tpu.memory_space<vmem>>, %arg31: memref<1x96xf32, #tpu.memory_space<vmem>>, %arg32: memref<96x384xf32, #tpu.memory_space<vmem>>, %arg33: memref<1x384xf32, #tpu.memory_space<vmem>>, %arg34: memref<384x128xf32, #tpu.memory_space<vmem>>, %arg35: memref<1x128xf32, #tpu.memory_space<vmem>>, %arg36: memref<128x128xf32, #tpu.memory_space<vmem>>) attributes {dimension_semantics = [], scalar_prefetch = 0 : i64, scratch_operands = 0 : i64, tpu.core_type = #tpu.core_type<tc>} {
    %get3A = arith.constant 0 : index
    %get3A_0 = arith.constant 0 : index
    %get3A_1 = vector.load %arg0[%get3A, %get3A_0] : memref<128x256xf32, #tpu.memory_space<vmem>>, vector<128x256xf32>
    %get3A_2 = arith.constant 0 : index
    %get3A_3 = arith.constant 0 : index
    %get3A_4 = vector.load %arg1[%get3A_2, %get3A_3] : memref<128x256xf32, #tpu.memory_space<vmem>>, vector<128x256xf32>
    %concatenate3A = tpu.concatenate %get3A_1, %get3A_4 in 1 : vector<128x256xf32>, vector<128x256xf32> -> vector<128x512xf32>
    %get3A_5 = arith.constant 0 : index
    %get3A_6 = arith.constant 0 : index
    %get3A_7 = vector.load %arg6[%get3A_5, %get3A_6] : memref<512x128xf32, #tpu.memory_space<vmem>>, vector<512x128xf32>
    %dot_general3A = arith.constant dense<0.000000e+00> : vector<128x128xf32>
    %dot_general3A_8 = tpu.matmul %concatenate3A, %get3A_7, %dot_general3A {dimension_numbers = #tpu.dot_dimension_numbers<[1], [0], [0], [1], [0, 0, 1, 1], [], []>, transpose_lhs_hint = false} : vector<128x512xf32>, vector<512x128xf32>, vector<128x128xf32> -> vector<128x128xf32>
    %get3A_9 = arith.constant 0 : index
    %get3A_10 = arith.constant 0 : index
    %get3A_11 = vector.load %arg7[%get3A_9, %get3A_10] : memref<1x128xf32, #tpu.memory_space<vmem>>, vector<1x128xf32>
    %add3A = vector.broadcast %get3A_11 : vector<1x128xf32> to vector<128x128xf32>
    %add3A_12 = arith.addf %dot_general3A_8, %add3A : vector<128x128xf32>
    %max3A = arith.constant 0.000000e+00 : f32
    %max3A_13 = vector.broadcast %max3A : f32 to vector<128x128xf32>
    %max3A_14 = arith.maximumf %add3A_12, %max3A_13 : vector<128x128xf32>
    %get3A_15 = arith.constant 0 : index
    %get3A_16 = arith.constant 0 : index
    %get3A_17 = vector.load %arg8[%get3A_15, %get3A_16] : memref<128x512xf32, #tpu.memory_space<vmem>>, vector<128x512xf32>
    %dot_general3A_18 = arith.constant dense<0.000000e+00> : vector<128x512xf32>
    %dot_general3A_19 = tpu.matmul %max3A_14, %get3A_17, %dot_general3A_18 {dimension_numbers = #tpu.dot_dimension_numbers<[1], [0], [0], [1], [0, 0, 1, 1], [], []>, transpose_lhs_hint = false} : vector<128x128xf32>, vector<128x512xf32>, vector<128x512xf32> -> vector<128x512xf32>
    %get3A_20 = arith.constant 0 : index
    %get3A_21 = arith.constant 0 : index
    %get3A_22 = vector.load %arg9[%get3A_20, %get3A_21] : memref<1x512xf32, #tpu.memory_space<vmem>>, vector<1x512xf32>
    %add3A_23 = vector.broadcast %get3A_22 : vector<1x512xf32> to vector<128x512xf32>
    %add3A_24 = arith.addf %dot_general3A_19, %add3A_23 : vector<128x512xf32>
    %neg3A = arith.constant 0.000000e+00 : f32
    %neg3A_25 = vector.broadcast %neg3A : f32 to vector<128x512xf32>
    %neg3A_26 = arith.subf %neg3A_25, %add3A_24 : vector<128x512xf32>
    %exp3A = math.exp %neg3A_26 : vector<128x512xf32>
    %add3A_27 = arith.constant 1.000000e+00 : f32
    %add3A_28 = vector.broadcast %add3A_27 : f32 to vector<128x512xf32>
    %add3A_29 = arith.addf %add3A_28, %exp3A : vector<128x512xf32>
    %div3A = arith.constant 1.000000e+00 : f32
    %div3A_30 = vector.broadcast %div3A : f32 to vector<128x512xf32>
    %div3A_31 = arith.divf %div3A_30, %add3A_29 : vector<128x512xf32>
    %mul3A = arith.mulf %div3A_31, %concatenate3A : vector<128x512xf32>
    %add3A_32 = arith.addf %mul3A, %concatenate3A : vector<128x512xf32>
    %get3A_33 = arith.constant 0 : index
    %get3A_34 = arith.constant 0 : index
    %get3A_35 = vector.load %arg10[%get3A_33, %get3A_34] : memref<512x512xf32, #tpu.memory_space<vmem>>, vector<512x512xf32>
    %dot_general3A_36 = arith.constant dense<0.000000e+00> : vector<128x512xf32>
    %dot_general3A_37 = tpu.matmul %add3A_32, %get3A_35, %dot_general3A_36 {dimension_numbers = #tpu.dot_dimension_numbers<[1], [0], [0], [1], [0, 0, 1, 1], [], []>, transpose_lhs_hint = false} : vector<128x512xf32>, vector<512x512xf32>, vector<128x512xf32> -> vector<128x512xf32>
    %get3A_38 = arith.constant 0 : index
    %get3A_39 = arith.constant 0 : index
    %get3A_40 = vector.load %arg11[%get3A_38, %get3A_39] : memref<1x512xf32, #tpu.memory_space<vmem>>, vector<1x512xf32>
    %add3A_41 = vector.broadcast %get3A_40 : vector<1x512xf32> to vector<128x512xf32>
    %add3A_42 = arith.addf %dot_general3A_37, %add3A_41 : vector<128x512xf32>
    %max3A_43 = arith.constant 0.000000e+00 : f32
    %max3A_44 = vector.broadcast %max3A_43 : f32 to vector<128x512xf32>
    %max3A_45 = arith.maximumf %add3A_42, %max3A_44 : vector<128x512xf32>
    %get3A_46 = arith.constant 0 : index
    %get3A_47 = arith.constant 0 : index
    %get3A_48 = vector.load %arg12[%get3A_46, %get3A_47] : memref<512x128xf32, #tpu.memory_space<vmem>>, vector<512x128xf32>
    %dot_general3A_49 = arith.constant dense<0.000000e+00> : vector<128x128xf32>
    %dot_general3A_50 = tpu.matmul %max3A_45, %get3A_48, %dot_general3A_49 {dimension_numbers = #tpu.dot_dimension_numbers<[1], [0], [0], [1], [0, 0, 1, 1], [], []>, transpose_lhs_hint = false} : vector<128x512xf32>, vector<512x128xf32>, vector<128x128xf32> -> vector<128x128xf32>
    %get3A_51 = arith.constant 0 : index
    %get3A_52 = arith.constant 0 : index
    %get3A_53 = vector.load %arg13[%get3A_51, %get3A_52] : memref<1x128xf32, #tpu.memory_space<vmem>>, vector<1x128xf32>
    %add3A_54 = vector.broadcast %get3A_53 : vector<1x128xf32> to vector<128x128xf32>
    %add3A_55 = arith.addf %dot_general3A_50, %add3A_54 : vector<128x128xf32>
    %max3A_56 = arith.constant 0.000000e+00 : f32
    %max3A_57 = vector.broadcast %max3A_56 : f32 to vector<128x128xf32>
    %max3A_58 = arith.maximumf %add3A_55, %max3A_57 : vector<128x128xf32>
    %get3A_59 = arith.constant 0 : index
    %get3A_60 = arith.constant 0 : index
    %get3A_61 = vector.load %arg2[%get3A_59, %get3A_60] : memref<128x256xf32, #tpu.memory_space<vmem>>, vector<128x256xf32>
    %get3A_62 = arith.constant 0 : index
    %get3A_63 = arith.constant 0 : index
    %get3A_64 = vector.load %arg3[%get3A_62, %get3A_63] : memref<128x256xf32, #tpu.memory_space<vmem>>, vector<128x256xf32>
    %concatenate3A_65 = tpu.concatenate %get3A_61, %get3A_64 in 1 : vector<128x256xf32>, vector<128x256xf32> -> vector<128x512xf32>
    %get3A_66 = arith.constant 0 : index
    %get3A_67 = arith.constant 0 : index
    %get3A_68 = vector.load %arg14[%get3A_66, %get3A_67] : memref<512x128xf32, #tpu.memory_space<vmem>>, vector<512x128xf32>
    %dot_general3A_69 = arith.constant dense<0.000000e+00> : vector<128x128xf32>
    %dot_general3A_70 = tpu.matmul %concatenate3A_65, %get3A_68, %dot_general3A_69 {dimension_numbers = #tpu.dot_dimension_numbers<[1], [0], [0], [1], [0, 0, 1, 1], [], []>, transpose_lhs_hint = false} : vector<128x512xf32>, vector<512x128xf32>, vector<128x128xf32> -> vector<128x128xf32>
    %get3A_71 = arith.constant 0 : index
    %get3A_72 = arith.constant 0 : index
    %get3A_73 = vector.load %arg15[%get3A_71, %get3A_72] : memref<1x128xf32, #tpu.memory_space<vmem>>, vector<1x128xf32>
    %add3A_74 = vector.broadcast %get3A_73 : vector<1x128xf32> to vector<128x128xf32>
    %add3A_75 = arith.addf %dot_general3A_70, %add3A_74 : vector<128x128xf32>
    %max3A_76 = arith.constant 0.000000e+00 : f32
    %max3A_77 = vector.broadcast %max3A_76 : f32 to vector<128x128xf32>
    %max3A_78 = arith.maximumf %add3A_75, %max3A_77 : vector<128x128xf32>
    %get3A_79 = arith.constant 0 : index
    %get3A_80 = arith.constant 0 : index
    %get3A_81 = vector.load %arg16[%get3A_79, %get3A_80] : memref<128x512xf32, #tpu.memory_space<vmem>>, vector<128x512xf32>
    %dot_general3A_82 = arith.constant dense<0.000000e+00> : vector<128x512xf32>
    %dot_general3A_83 = tpu.matmul %max3A_78, %get3A_81, %dot_general3A_82 {dimension_numbers = #tpu.dot_dimension_numbers<[1], [0], [0], [1], [0, 0, 1, 1], [], []>, transpose_lhs_hint = false} : vector<128x128xf32>, vector<128x512xf32>, vector<128x512xf32> -> vector<128x512xf32>
    %get3A_84 = arith.constant 0 : index
    %get3A_85 = arith.constant 0 : index
    %get3A_86 = vector.load %arg17[%get3A_84, %get3A_85] : memref<1x512xf32, #tpu.memory_space<vmem>>, vector<1x512xf32>
    %add3A_87 = vector.broadcast %get3A_86 : vector<1x512xf32> to vector<128x512xf32>
    %add3A_88 = arith.addf %dot_general3A_83, %add3A_87 : vector<128x512xf32>
    %neg3A_89 = arith.constant 0.000000e+00 : f32
    %neg3A_90 = vector.broadcast %neg3A_89 : f32 to vector<128x512xf32>
    %neg3A_91 = arith.subf %neg3A_90, %add3A_88 : vector<128x512xf32>
    %exp3A_92 = math.exp %neg3A_91 : vector<128x512xf32>
    %add3A_93 = arith.constant 1.000000e+00 : f32
    %add3A_94 = vector.broadcast %add3A_93 : f32 to vector<128x512xf32>
    %add3A_95 = arith.addf %add3A_94, %exp3A_92 : vector<128x512xf32>
    %div3A_96 = arith.constant 1.000000e+00 : f32
    %div3A_97 = vector.broadcast %div3A_96 : f32 to vector<128x512xf32>
    %div3A_98 = arith.divf %div3A_97, %add3A_95 : vector<128x512xf32>
    %mul3A_99 = arith.mulf %div3A_98, %concatenate3A_65 : vector<128x512xf32>
    %add3A_100 = arith.addf %mul3A_99, %concatenate3A_65 : vector<128x512xf32>
    %get3A_101 = arith.constant 0 : index
    %get3A_102 = arith.constant 0 : index
    %get3A_103 = vector.load %arg18[%get3A_101, %get3A_102] : memref<512x512xf32, #tpu.memory_space<vmem>>, vector<512x512xf32>
    %dot_general3A_104 = arith.constant dense<0.000000e+00> : vector<128x512xf32>
    %dot_general3A_105 = tpu.matmul %add3A_100, %get3A_103, %dot_general3A_104 {dimension_numbers = #tpu.dot_dimension_numbers<[1], [0], [0], [1], [0, 0, 1, 1], [], []>, transpose_lhs_hint = false} : vector<128x512xf32>, vector<512x512xf32>, vector<128x512xf32> -> vector<128x512xf32>
    %get3A_106 = arith.constant 0 : index
    %get3A_107 = arith.constant 0 : index
    %get3A_108 = vector.load %arg19[%get3A_106, %get3A_107] : memref<1x512xf32, #tpu.memory_space<vmem>>, vector<1x512xf32>
    %add3A_109 = vector.broadcast %get3A_108 : vector<1x512xf32> to vector<128x512xf32>
    %add3A_110 = arith.addf %dot_general3A_105, %add3A_109 : vector<128x512xf32>
    %max3A_111 = arith.constant 0.000000e+00 : f32
    %max3A_112 = vector.broadcast %max3A_111 : f32 to vector<128x512xf32>
    %max3A_113 = arith.maximumf %add3A_110, %max3A_112 : vector<128x512xf32>
    %get3A_114 = arith.constant 0 : index
    %get3A_115 = arith.constant 0 : index
    %get3A_116 = vector.load %arg20[%get3A_114, %get3A_115] : memref<512x128xf32, #tpu.memory_space<vmem>>, vector<512x128xf32>
    %dot_general3A_117 = arith.constant dense<0.000000e+00> : vector<128x128xf32>
    %dot_general3A_118 = tpu.matmul %max3A_113, %get3A_116, %dot_general3A_117 {dimension_numbers = #tpu.dot_dimension_numbers<[1], [0], [0], [1], [0, 0, 1, 1], [], []>, transpose_lhs_hint = false} : vector<128x512xf32>, vector<512x128xf32>, vector<128x128xf32> -> vector<128x128xf32>
    %get3A_119 = arith.constant 0 : index
    %get3A_120 = arith.constant 0 : index
    %get3A_121 = vector.load %arg21[%get3A_119, %get3A_120] : memref<1x128xf32, #tpu.memory_space<vmem>>, vector<1x128xf32>
    %add3A_122 = vector.broadcast %get3A_121 : vector<1x128xf32> to vector<128x128xf32>
    %add3A_123 = arith.addf %dot_general3A_118, %add3A_122 : vector<128x128xf32>
    %max3A_124 = arith.constant 0.000000e+00 : f32
    %max3A_125 = vector.broadcast %max3A_124 : f32 to vector<128x128xf32>
    %max3A_126 = arith.maximumf %add3A_123, %max3A_125 : vector<128x128xf32>
    %get3A_127 = arith.constant 0 : index
    %get3A_128 = arith.constant 0 : index
    %get3A_129 = vector.load %arg4[%get3A_127, %get3A_128] : memref<128x256xf32, #tpu.memory_space<vmem>>, vector<128x256xf32>
    %get3A_130 = arith.constant 0 : index
    %get3A_131 = arith.constant 0 : index
    %get3A_132 = vector.load %arg5[%get3A_130, %get3A_131] : memref<128x256xf32, #tpu.memory_space<vmem>>, vector<128x256xf32>
    %concatenate3A_133 = tpu.concatenate %get3A_129, %get3A_132 in 1 : vector<128x256xf32>, vector<128x256xf32> -> vector<128x512xf32>
    %get3A_134 = arith.constant 0 : index
    %get3A_135 = arith.constant 0 : index
    %get3A_136 = vector.load %arg22[%get3A_134, %get3A_135] : memref<512x128xf32, #tpu.memory_space<vmem>>, vector<512x128xf32>
    %dot_general3A_137 = arith.constant dense<0.000000e+00> : vector<128x128xf32>
    %dot_general3A_138 = tpu.matmul %concatenate3A_133, %get3A_136, %dot_general3A_137 {dimension_numbers = #tpu.dot_dimension_numbers<[1], [0], [0], [1], [0, 0, 1, 1], [], []>, transpose_lhs_hint = false} : vector<128x512xf32>, vector<512x128xf32>, vector<128x128xf32> -> vector<128x128xf32>
    %get3A_139 = arith.constant 0 : index
    %get3A_140 = arith.constant 0 : index
    %get3A_141 = vector.load %arg23[%get3A_139, %get3A_140] : memref<1x128xf32, #tpu.memory_space<vmem>>, vector<1x128xf32>
    %add3A_142 = vector.broadcast %get3A_141 : vector<1x128xf32> to vector<128x128xf32>
    %add3A_143 = arith.addf %dot_general3A_138, %add3A_142 : vector<128x128xf32>
    %max3A_144 = arith.constant 0.000000e+00 : f32
    %max3A_145 = vector.broadcast %max3A_144 : f32 to vector<128x128xf32>
    %max3A_146 = arith.maximumf %add3A_143, %max3A_145 : vector<128x128xf32>
    %get3A_147 = arith.constant 0 : index
    %get3A_148 = arith.constant 0 : index
    %get3A_149 = vector.load %arg24[%get3A_147, %get3A_148] : memref<128x512xf32, #tpu.memory_space<vmem>>, vector<128x512xf32>
    %dot_general3A_150 = arith.constant dense<0.000000e+00> : vector<128x512xf32>
    %dot_general3A_151 = tpu.matmul %max3A_146, %get3A_149, %dot_general3A_150 {dimension_numbers = #tpu.dot_dimension_numbers<[1], [0], [0], [1], [0, 0, 1, 1], [], []>, transpose_lhs_hint = false} : vector<128x128xf32>, vector<128x512xf32>, vector<128x512xf32> -> vector<128x512xf32>
    %get3A_152 = arith.constant 0 : index
    %get3A_153 = arith.constant 0 : index
    %get3A_154 = vector.load %arg25[%get3A_152, %get3A_153] : memref<1x512xf32, #tpu.memory_space<vmem>>, vector<1x512xf32>
    %add3A_155 = vector.broadcast %get3A_154 : vector<1x512xf32> to vector<128x512xf32>
    %add3A_156 = arith.addf %dot_general3A_151, %add3A_155 : vector<128x512xf32>
    %neg3A_157 = arith.constant 0.000000e+00 : f32
    %neg3A_158 = vector.broadcast %neg3A_157 : f32 to vector<128x512xf32>
    %neg3A_159 = arith.subf %neg3A_158, %add3A_156 : vector<128x512xf32>
    %exp3A_160 = math.exp %neg3A_159 : vector<128x512xf32>
    %add3A_161 = arith.constant 1.000000e+00 : f32
    %add3A_162 = vector.broadcast %add3A_161 : f32 to vector<128x512xf32>
    %add3A_163 = arith.addf %add3A_162, %exp3A_160 : vector<128x512xf32>
    %div3A_164 = arith.constant 1.000000e+00 : f32
    %div3A_165 = vector.broadcast %div3A_164 : f32 to vector<128x512xf32>
    %div3A_166 = arith.divf %div3A_165, %add3A_163 : vector<128x512xf32>
    %mul3A_167 = arith.mulf %div3A_166, %concatenate3A_133 : vector<128x512xf32>
    %add3A_168 = arith.addf %mul3A_167, %concatenate3A_133 : vector<128x512xf32>
    %get3A_169 = arith.constant 0 : index
    %get3A_170 = arith.constant 0 : index
    %get3A_171 = vector.load %arg26[%get3A_169, %get3A_170] : memref<512x512xf32, #tpu.memory_space<vmem>>, vector<512x512xf32>
    %dot_general3A_172 = arith.constant dense<0.000000e+00> : vector<128x512xf32>
    %dot_general3A_173 = tpu.matmul %add3A_168, %get3A_171, %dot_general3A_172 {dimension_numbers = #tpu.dot_dimension_numbers<[1], [0], [0], [1], [0, 0, 1, 1], [], []>, transpose_lhs_hint = false} : vector<128x512xf32>, vector<512x512xf32>, vector<128x512xf32> -> vector<128x512xf32>
    %get3A_174 = arith.constant 0 : index
    %get3A_175 = arith.constant 0 : index
    %get3A_176 = vector.load %arg27[%get3A_174, %get3A_175] : memref<1x512xf32, #tpu.memory_space<vmem>>, vector<1x512xf32>
    %add3A_177 = vector.broadcast %get3A_176 : vector<1x512xf32> to vector<128x512xf32>
    %add3A_178 = arith.addf %dot_general3A_173, %add3A_177 : vector<128x512xf32>
    %max3A_179 = arith.constant 0.000000e+00 : f32
    %max3A_180 = vector.broadcast %max3A_179 : f32 to vector<128x512xf32>
    %max3A_181 = arith.maximumf %add3A_178, %max3A_180 : vector<128x512xf32>
    %get3A_182 = arith.constant 0 : index
    %get3A_183 = arith.constant 0 : index
    %get3A_184 = vector.load %arg28[%get3A_182, %get3A_183] : memref<512x128xf32, #tpu.memory_space<vmem>>, vector<512x128xf32>
    %dot_general3A_185 = arith.constant dense<0.000000e+00> : vector<128x128xf32>
    %dot_general3A_186 = tpu.matmul %max3A_181, %get3A_184, %dot_general3A_185 {dimension_numbers = #tpu.dot_dimension_numbers<[1], [0], [0], [1], [0, 0, 1, 1], [], []>, transpose_lhs_hint = false} : vector<128x512xf32>, vector<512x128xf32>, vector<128x128xf32> -> vector<128x128xf32>
    %get3A_187 = arith.constant 0 : index
    %get3A_188 = arith.constant 0 : index
    %get3A_189 = vector.load %arg29[%get3A_187, %get3A_188] : memref<1x128xf32, #tpu.memory_space<vmem>>, vector<1x128xf32>
    %add3A_190 = vector.broadcast %get3A_189 : vector<1x128xf32> to vector<128x128xf32>
    %add3A_191 = arith.addf %dot_general3A_186, %add3A_190 : vector<128x128xf32>
    %max3A_192 = arith.constant 0.000000e+00 : f32
    %max3A_193 = vector.broadcast %max3A_192 : f32 to vector<128x128xf32>
    %max3A_194 = arith.maximumf %add3A_191, %max3A_193 : vector<128x128xf32>
    %concatenate3A_195 = tpu.concatenate %max3A_194, %max3A_126, %max3A_58 in 1 : vector<128x128xf32>, vector<128x128xf32>, vector<128x128xf32> -> vector<128x384xf32>
    %get3A_196 = arith.constant 0 : index
    %get3A_197 = arith.constant 0 : index
    %get3A_198 = vector.load %arg30[%get3A_196, %get3A_197] : memref<384x96xf32, #tpu.memory_space<vmem>>, vector<384x96xf32>
    %dot_general3A_199 = arith.constant dense<0.000000e+00> : vector<128x96xf32>
    %dot_general3A_200 = tpu.matmul %concatenate3A_195, %get3A_198, %dot_general3A_199 {dimension_numbers = #tpu.dot_dimension_numbers<[1], [0], [0], [1], [0, 0, 1, 1], [], []>, transpose_lhs_hint = false} : vector<128x384xf32>, vector<384x96xf32>, vector<128x96xf32> -> vector<128x96xf32>
    %get3A_201 = arith.constant 0 : index
    %get3A_202 = arith.constant 0 : index
    %get3A_203 = vector.load %arg31[%get3A_201, %get3A_202] : memref<1x96xf32, #tpu.memory_space<vmem>>, vector<1x96xf32>
    %add3A_204 = vector.broadcast %get3A_203 : vector<1x96xf32> to vector<128x96xf32>
    %add3A_205 = arith.addf %dot_general3A_200, %add3A_204 : vector<128x96xf32>
    %max3A_206 = arith.constant 0.000000e+00 : f32
    %max3A_207 = vector.broadcast %max3A_206 : f32 to vector<128x96xf32>
    %max3A_208 = arith.maximumf %add3A_205, %max3A_207 : vector<128x96xf32>
    %get3A_209 = arith.constant 0 : index
    %get3A_210 = arith.constant 0 : index
    %get3A_211 = vector.load %arg32[%get3A_209, %get3A_210] : memref<96x384xf32, #tpu.memory_space<vmem>>, vector<96x384xf32>
    %dot_general3A_212 = arith.constant dense<0.000000e+00> : vector<128x384xf32>
    %dot_general3A_213 = tpu.matmul %max3A_208, %get3A_211, %dot_general3A_212 {dimension_numbers = #tpu.dot_dimension_numbers<[1], [0], [0], [1], [0, 0, 1, 1], [], []>, transpose_lhs_hint = false} : vector<128x96xf32>, vector<96x384xf32>, vector<128x384xf32> -> vector<128x384xf32>
    %get3A_214 = arith.constant 0 : index
    %get3A_215 = arith.constant 0 : index
    %get3A_216 = vector.load %arg33[%get3A_214, %get3A_215] : memref<1x384xf32, #tpu.memory_space<vmem>>, vector<1x384xf32>
    %add3A_217 = vector.broadcast %get3A_216 : vector<1x384xf32> to vector<128x384xf32>
    %add3A_218 = arith.addf %dot_general3A_213, %add3A_217 : vector<128x384xf32>
    %neg3A_219 = arith.constant 0.000000e+00 : f32
    %neg3A_220 = vector.broadcast %neg3A_219 : f32 to vector<128x384xf32>
    %neg3A_221 = arith.subf %neg3A_220, %add3A_218 : vector<128x384xf32>
    %exp3A_222 = math.exp %neg3A_221 : vector<128x384xf32>
    %add3A_223 = arith.constant 1.000000e+00 : f32
    %add3A_224 = vector.broadcast %add3A_223 : f32 to vector<128x384xf32>
    %add3A_225 = arith.addf %add3A_224, %exp3A_222 : vector<128x384xf32>
    %div3A_226 = arith.constant 1.000000e+00 : f32
    %div3A_227 = vector.broadcast %div3A_226 : f32 to vector<128x384xf32>
    %div3A_228 = arith.divf %div3A_227, %add3A_225 : vector<128x384xf32>
    %mul3A_229 = arith.mulf %div3A_228, %concatenate3A_195 : vector<128x384xf32>
    %add3A_230 = arith.addf %mul3A_229, %concatenate3A_195 : vector<128x384xf32>
    %get3A_231 = arith.constant 0 : index
    %get3A_232 = arith.constant 0 : index
    %get3A_233 = vector.load %arg34[%get3A_231, %get3A_232] : memref<384x128xf32, #tpu.memory_space<vmem>>, vector<384x128xf32>
    %dot_general3A_234 = arith.constant dense<0.000000e+00> : vector<128x128xf32>
    %dot_general3A_235 = tpu.matmul %add3A_230, %get3A_233, %dot_general3A_234 {dimension_numbers = #tpu.dot_dimension_numbers<[1], [0], [0], [1], [0, 0, 1, 1], [], []>, transpose_lhs_hint = false} : vector<128x384xf32>, vector<384x128xf32>, vector<128x128xf32> -> vector<128x128xf32>
    %get3A_236 = arith.constant 0 : index
    %get3A_237 = arith.constant 0 : index
    %get3A_238 = vector.load %arg35[%get3A_236, %get3A_237] : memref<1x128xf32, #tpu.memory_space<vmem>>, vector<1x128xf32>
    %add3A_239 = vector.broadcast %get3A_238 : vector<1x128xf32> to vector<128x128xf32>
    %add3A_240 = arith.addf %dot_general3A_235, %add3A_239 : vector<128x128xf32>
    %max3A_241 = arith.constant 0.000000e+00 : f32
    %max3A_242 = vector.broadcast %max3A_241 : f32 to vector<128x128xf32>
    %max3A_243 = arith.maximumf %add3A_240, %max3A_242 : vector<128x128xf32>
    %swap3A = arith.constant 0 : index
    %swap3A_244 = arith.constant 0 : index
    %swap3A_245 = vector.load %arg36[%swap3A, %swap3A_244] : memref<128x128xf32, #tpu.memory_space<vmem>>, vector<128x128xf32>
    tpu.vector_store %arg36[%swap3A, %swap3A_244], %max3A_243 {strides = array<i32>} : memref<128x128xf32, #tpu.memory_space<vmem>>, vector<128x128xf32>,
    return
  }
}

</mosaic_0001>

<sc_bundles>
// kernel: kernel.39.cloned.1.call-start
scs
__scs_entry_jumppad:
0x0: {  	(pc) =	sbr.rel $0x88, $3  }
0x1: {  	(tag) =	ssettag $0x0;
	lr =	simm.s32 $0x1  }
0x2: {  	[smem:$0x3F59] =	sst lr;
	_ =	strace $0xD0000000  }
0x3: {  	_ = 	snop  }
0x4: {  	_ = 	snop  }
0x5: {  	_ = 	snop  }
0x6: {  	_ = 	snop  }
0x7: {  	_ = 	snop  }
__scs_overlays_trampoline_lowered:
0x8: {  	[smem:$0x3F68] =	sst s0  }
0x9: {  	[smem:$0x3F69] =	sst s1  }
0xa: {  	[smem:$0x3F6A] =	sst s2  }
0xb: {  	[smem:$0x3F6B] =	sst s3  }
0xc: {  	[smem:$0x3F6C] =	sst s4  }
0xd: {  	[smem:$0x3F6D] =	sst s5  }
0xe: {  	[smem:$0x3F6E] =	sst s6  }
0xf: {  	[smem:$0x3F6F] =	sst s7  }
0x10: {  	[smem:$0x3F70] =	sst s8  }
0x11: {  	[smem:$0x3F71] =	sst s9;
	s0 =	simm.s32 @!p0 $0x0  }
0x12: {  	s1 =	sld [smem:$0x3F57];
	s0 =	simm.s32 @p0 $0x1  }
0x13: {  	[smem:$0x3F72] =	sst s0;
	s0 =	simm.s32 @!p1 $0x0  }
0x14: {  	s2 =	sld [smem:$0x3F56];
	s0 =	simm.s32 @p1 $0x1  }
0x15: {  	[smem:$0x3F73] =	sst s0;
	s0 =	simm.s32 @!p2 $0x0  }
0x16: {  	s3 =	sld [smem:$0x3FDB];
	s0 =	simm.s32 @p2 $0x1  }
0x17: {  	s4 =	simm.s32 $0x1BF5;
	[smem:$0x3F75] =	sst s0  }
0x18: {  	s0 =	sld [smem:$0x3F58];
	_ =	swait.ge [sflag:s4], $0x0  }
0x19: {  	s7 =	sld [smem:$0x3F59]  }
0x1a: {  	s8 =	sadd.s32 $0xFFFFE003, lr  }
0x1b: {  	s9 =	sadd.s32 $0xFFFFFEF7, lr;
	s5 =	simm.s32 $0xFFFFFFFF;
	p2 =	slt.u32 s8, $0xFFFFF086  }
0x1c: {  	p1 =	slt.u32 s9, $0xF7A;
	s5 =	simm.s32 @!p2 $0x0  }
0x1d: {  	s5 =	simm.s32 @p1 $0x1;
	p0 =	seq.s32 s7, s2  }
0x1e: {  	s7 =	smul.u32 @!p0 $0xF7A, s2;
	p2 =	seq.s32 @!p0 s5, $0x0  }
0x1f: {  	s9 =	smul.u32 $0xF7A, s1;
	s8 =	simm.s32 @!p0 $0x1BF5;
	p2 =	por !p2, p0  }
0x20: {  	[sflag:s8] =	ssyncset.s32 @!p0 $0xFFFFF086;
	s6 =	sadd.s32 @!p0 s3, s7;
	s7 =	simm.s32 @!p0 $0x108  }
0x21: {  	s3 =	sadd.s32 s3, s9;
	s6 =	sadd.s32 @!p0 $0x88, s6;
	s7 =	simm.s32 @p2 $0x1082  }
0x22: {  	[simem:s7], [sflag:s8] =	dma.local @!p0 [hbm:s6], $0xF7A  }
0x23: {  	s9 =	sor.u32 $0xD0000000, s2;
	s6 =	simm.s32 $0x108;
	_ =	swait.ge @!p0 [sflag:s8], $0x0  }
0x24: {  	s3 =	sadd.s32 $0x88, s3;
	s6 =	simm.s32 @!p1 $0x1082;
	[sflag:s4] =	ssyncset.s32 $0xFFFFF086  }
0x25: {  	[simem:s6], [sflag:s4] =	dma.local [hbm:s3], $0xF7A  }
0x26: {  	[smem:$0x3F59] =	sst s1;
	(tag) =	ssettag s2;
	_ =	strace s9  }
0x27: {  	s1 =	sld [smem:$0x3F69]  }
0x28: {  	s2 =	sld [smem:$0x3F6A]  }
0x29: {  	s4 =	sld [smem:$0x3F6C]  }
0x2a: {  	p0 =	seq.s32 s5, $0x0;
	s5 =	sld [smem:$0x3F6D]  }
0x2b: {  	s6 =	sld [smem:$0x3F6E]  }
0x2c: {  	s7 =	sld [smem:$0x3F6F]  }
0x2d: {  	s3 =	simm.s32 $0x108;
	s8 =	sld [smem:$0x3F70]  }
0x2e: {  	s3 =	simm.s32 @!p0 $0x1082;
	s9 =	sld [smem:$0x3F71]  }
0x2f: {  	lr =	sadd.s32 s0, s3;
	s0 =	sld [smem:$0x3F68]  }
0x30: {  	s3 =	sld [smem:$0x3F6B]  }
0x31: {  	[smem:$0x3F74] =	sst s10  }
0x32: {  	s10 =	sld [smem:$0x3F72];
	_ =	sdelay $0x3  }
0x33: {  	p0 =	seq.s32 s10, $0x1;
	s10 =	sld [smem:$0x3F74];
	_ =	sdelay $0x3  }
0x34: {  	[smem:$0x3F74] =	sst s10  }
0x35: {  	s10 =	sld [smem:$0x3F73];
	_ =	sdelay $0x3  }
0x36: {  	p1 =	seq.s32 s10, $0x1;
	s10 =	sld [smem:$0x3F74];
	_ =	sdelay $0x3  }
0x37: {  	[smem:$0x3F74] =	sst s10  }
0x38: {  	s10 =	sld [smem:$0x3F75]  }
0x39: {  	_ = 	snop;
	(pc) =	sbr.ind lr, $3  }
0x3a: {  	_ = 	snop  }
0x3b: {  	_ = 	snop  }
0x3c: {  	p2 =	seq.s32 s10, $0x1;
	s10 =	sld [smem:$0x3F74]  }
0x3d: {  	_ =	shalt  }
0x3e: {  	_ =	shalt  }
0x3f: {  	_ =	shalt  }
0x40: {  	_ =	shalt  }
0x41: {  	_ =	shalt  }
0x42: {  	_ =	shalt  }
0x43: {  	_ =	shalt  }
0x44: {  	_ =	shalt  }
0x45: {  	_ =	shalt  }
0x46: {  	_ =	shalt  }
0x47: {  	_ =	shalt  }
0x48: {  	_ =	shalt  }
0x49: {  	_ =	shalt  }
0x4a: {  	_ =	shalt  }
0x4b: {  	_ =	shalt  }
0x4c: {  	_ =	shalt  }
0x4d: {  	_ =	shalt  }
0x4e: {  	_ =	shalt  }
0x4f: {  	_ =	shalt  }
0x50: {  	_ =	shalt  }
0x51: {  	_ =	shalt  }
0x52: {  	_ =	shalt  }
0x53: {  	_ =	shalt  }
0x54: {  	_ =	shalt  }
0x55: {  	_ =	shalt  }
0x56: {  	_ =	shalt  }
0x57: {  	_ =	shalt  }
0x58: {  	_ =	shalt  }
0x59: {  	_ =	shalt  }
0x5a: {  	_ =	shalt  }
0x5b: {  	_ =	shalt  }
0x5c: {  	_ =	shalt  }
0x5d: {  	_ =	shalt  }
0x5e: {  	_ =	shalt  }
0x5f: {  	_ =	shalt  }
0x60: {  	_ =	shalt  }
0x61: {  	_ =	shalt  }
0x62: {  	_ =	shalt  }
0x63: {  	_ =	shalt  }
0x64: {  	_ =	shalt  }
0x65: {  	_ =	shalt  }
0x66: {  	_ =	shalt  }
0x67: {  	_ =	shalt  }
0x68: {  	_ =	shalt  }
0x69: {  	_ =	shalt  }
0x6a: {  	_ =	shalt  }
0x6b: {  	_ =	shalt  }
0x6c: {  	_ =	shalt  }
0x6d: {  	_ =	shalt  }
0x6e: {  	_ =	shalt  }
0x6f: {  	_ =	shalt  }
0x70: {  	_ =	shalt  }
0x71: {  	_ =	shalt  }
0x72: {  	_ =	shalt  }
0x73: {  	_ =	shalt  }
0x74: {  	_ =	shalt  }
0x75: {  	_ =	shalt  }
0x76: {  	_ =	shalt  }
0x77: {  	_ =	shalt  }
0x78: {  	_ =	shalt  }
0x79: {  	_ =	shalt  }
0x7a: {  	_ =	shalt  }
0x7b: {  	_ =	shalt  }
0x7c: {  	_ =	shalt  }
0x7d: {  	_ =	shalt  }
0x7e: {  	_ =	shalt  }
0x7f: {  	_ =	shalt  }
0x80: {  	_ =	shalt  }
0x81: {  	_ =	shalt  }
0x82: {  	_ =	shalt  }
0x83: {  	_ =	shalt  }
0x84: {  	_ =	shalt  }
0x85: {  	_ =	shalt  }
0x86: {  	_ =	shalt  }
0x87: {  	_ =	shalt  }
.Lfunc_end0:
.L_simem_size_0:
called_computation_lowered:
.L_overlay_start_0:
0x88: {  	s2 =	sld [smem:$0x3FD9]  }
0x89: {  	s3 =	sld [smem:$0x3FFE];
	_ =	sdelay $0x1  }
0x8a: {  	s1 =	srdreg.scid  }
0x8b: {  	s0 =	sand.u32 $0x1, s1  }
0x8c: {  	s17 =	sshll.u32 s0, $0xA;
	s2 =	sadd.s32 s3, s2  }
0x8d: {  	s2 =	sadd.s32 s2, s17  }
0x8e: {  	[smem:$0x3F80] =	sst s2  }
0x8f: {  	_ = 	snop  }
0x90: {  	s18 =	sld [smem:$0x3FC9];
	(tm) =	ssettm $0x1  }
0x91: {  	s19 =	sld [smem:$0x3FFB];
	_ =	sdelay $0x3  }
0x92: {  	_ =	strace s19  }
0x93: {  	s2 =	sld [smem:$0x3FFC];
	_ =	sdelay $0x3  }
0x94: {  	_ =	strace s2  }
0x95: {  	s2 =	sld [smem:$0x3FFD];
	_ =	sdelay $0x3  }
0x96: {  	_ =	strace s2  }
0x97: {  	_ =	strace $0x8FFFFFFF  }
0x98: {  	s20 =	sld [smem:$0x3FDB];
	_ =	sdelay $0x1  }
0x99: {  	s4 =	simm.s32 $_scs_section_size  }
0x9a: {  	s5 =	simm.s32 $_size__tile_overlayer_lowered;
	s6 =	simm.s32 $_tile_overlayer_lowered  }
0x9b: {  	s7 =	simm.s32 $0x1BFF;
	s21 =	sshll.u32 s6, $0x1;
	s4 =	sadd.s32 s4, s20  }
0x9c: {  	s22 =	simm.s32 $0x0;
	s5 =	sshll.u32 s5, $0x1;
	s6 =	sadd.s32 s21, s4  }
0x9d: {  	[timem:s22], [sflag:s7] =	dma.local [hbm:s6], s5  }
0x9e: {  	_ =	swait.ge [sflag:s7], s5  }
0x9f: {  	s5 =	ssub.s32 $0x0, s5;
	[sflag:s7] =	ssyncset.done $0x0  }
0xa0: {  	[sflag:s7] =	ssyncadd.s32 s5;
	_ =	sdelay $0x1  }
0xa1: {  	s23 =	simm.s32 $0x1B8B  }
0xa2: {  	_ =	swait.ge [sflag:s23], $0x1  }
0xa3: {  	[sflag:s23] =	ssyncset.done $0x0  }
0xa4: {  	[sflag:s23] =	ssyncadd.s32 $0xFFFFFFFF  }
0xa5: {  	s5 =	sld [smem:$0x0]  }
0xa6: {  	s6 =	sand.u32 $0xFFFFFFFE, s1  }
0xa7: {  	p0 =	sne.s32 s1, s6  }
0xa8: {  	s6 =	sshll.u32 @p0 s6, $0xE  }
0xa9: {  	s6 =	sadd.s32 @p0 $0x11B8D, s6;
	s7 =	sshll.u32 @p0 s5, $0x11  }
0xaa: {  	s6 =	sor.u32 @p0 s7, s6  }
0xab: {  	[sflag:s6] =	ssyncadd.remote.s32 @p0 $0x1;
	_ =	sdelay $0x1  }
0xac: {  	s6 =	simm.s32 @p0 $0x1B8D  }
0xad: {  	_ =	swait.eq @p0 [sflag:s6], $0x1  }
0xae: {  	[sflag:s6] =	ssyncadd.s32 @p0 $0xFFFFFFFF  }
0xaf: {  	s7 =	sshll.u32 @!p0 s1, $0xE  }
0xb0: {  	s7 =	sor.u32 @!p0 $0x4000, s7;
	s6 =	simm.s32 @!p0 $0x1B8D  }
0xb1: {  	s5 =	sshll.u32 @!p0 s5, $0x11;
	s7 =	sadd.s32 @!p0 $0x11B8D, s7;
	_ =	swait.eq @!p0 [sflag:s6], $0x1  }
0xb2: {  	s5 =	sor.u32 @!p0 s5, s7;
	[sflag:s6] =	ssyncadd.s32 @!p0 $0xFFFFFFFF  }
0xb3: {  	s25 =	simm.s32 $0x1B8E;
	s24 =	sld [smem:$0x3FFE];
	[sflag:s5] =	ssyncadd.remote.s32 @!p0 $0x1  }
0xb4: {  	s26 =	simm.s32 $execute0_lowered;
	[smem:$0x3FD2] =	sst s25  }
0xb5: {  	s6 =	sshll.u32 s26, $0x1;
	_ =	strace $0x80000049;
	[dreg:$0x1] =	wrdreg $0xFFFFFFFF  }
0xb6: {  	s28 =	simm.s32 $_size_execute0_lowered;
	s4 =	sadd.s32 s4, s6;
	[dreg:$0x0] =	wrdreg $0x0  }
0xb7: {  	s6 =	sshll.u32 s28, $0x1;
	[dreg:$0x2] =	wrdreg s4  }
0xb8: {  	[dreg:$0x3] =	wrdreg s6  }
0xb9: {  	[dreg:$0x4] =	wrdreg $0xC0  }
0xba: {  	_ =	task [dreg:s22], $0x5FFFF  }
0xbb: {  	[dreg:$0x1] =	wrdreg $0xFFFFFFFF  }
0xbc: {  	[dreg:$0x0] =	wrdreg $0x60  }
0xbd: {  	[dreg:$0x2] =	wrdreg s18  }
0xbe: {  	[dreg:$0x3] =	wrdreg s24  }
0xbf: {  	[dreg:$0x4] =	wrdreg $0x68000  }
0xc0: {  	[dreg:$0x5] =	wrdreg $0x9  }
0xc1: {  	_ =	task.clear_ibuf [dreg:s22], $0x6FFFF;
	_ =	strace $0x90000049  }
0xc2: {  	s29 =	simm.s32 $0x9;
	_ =	strace $0x8000004B  }
0xc3: {  	_ =	swait.ge [sflag:s29], $0x1  }
0xc4: {  	[sflag:s29] =	ssyncadd.s32 $0xFFFFFFFF  }
0xc5: {  	_ =	strace $0x9000004B  }
0xc6: {  	_ =	sfence  }
0xc7: {  	s30 =	sld [smem:$0x0];
	_ =	sdelay $0x2  }
0xc8: {  	s31 =	sshll.u32 s1, $0xD;
	s1 =	sshrl.u32 s1, $0x2  }
0xc9: {  	s4 =	sand.u32 $0x4000, s31;
	s1 =	sadd.s32 s1, s30  }
0xca: {  	s0 =	sor.u32 s4, s0;
	s1 =	sshll.u32 s1, $0x11  }
0xcb: {  	s0 =	sor.u32 s1, s0  }
0xcc: {  	s0 =	sadd.s32 $0x8F2B, s0  }
0xcd: {  	[sflag:s0] =	ssyncadd.remote.s32 $0x1  }
0xce: {  	_ =	sfence.sel $0xFFFF  }
0xcf: {  	[dreg:$0x0] =	wrdreg $0xFFFFFFFF;
	(pc) =	sbr.abs _section_cstart, $3  }
0xd0: {  	[dreg:$0x1] =	wrdreg $0xFFFFFFFF  }
0xd1: {  	_ =	task.clear_ibuf [dreg:s22], $0x2FFFF;
	_ =	strace $0x9FFFFFFF  }
0xd2: {  	(tm) =	ssettm $0x7FFFFFFF  }
0xd3: {  	_ =	shalt  }
tec
execute0_lowered:
.L_overlay_start_1:
0x0: {  	(tag) =	ssettag $0x1  }
0x1: {  	s0 =	rddreg [dreg:$0x0]  }
0x2: {  	s1 =	srdreg.scid;
	s6 =	rddreg [dreg:$0x1]  }
0x3: {  	s21 =	stileid.u32;
	s2 =	rddreg [dreg:$0x2];
	s3 =	simm.s32 $0x0  }
0x4: {  	s16 =	simm.s32 $0x80;
	s17 =	simm.s32 $0x2800;
	s18 =	simm.s32 $0x1  }
0x5: {  	s8 =	sand.u32 $0x1, s1;
	[smem:$0x7FF] =	sst s3;
	s10 =	smul.u32 $0x4F000, s21  }
0x6: {  	s5 =	sadd.s32 $0x7B600, s6;
	s12 =	sshll.u32 s21, $0x6;
	s13 =	smul.u32 $0x4E000, s21  }
0x7: {  	s31 =	smul.u32 $0x2700, s21;
	s20 =	sadd.s32 $0x138000, s2;
	p1 =	sne.s32 s21, $0x0  }
0x8: {  	p2 =	seq.s32 s21, $0x0;
	s1 =	sshll.u32 s8, $0x4;
	s7 =	ssub.s32 $0x2, s8  }
0x9: {  	p0 =	seq.s32 s8, $0x1;
	s20 =	sshrl.u32 s20, $0x3;
	s4 =	sor.u32 s21, s1  }
0xa: {  	s1 =	rddreg [dreg:$0x3];
	_ =	strace $0x8000004A;
	s11 =	sshrl.u32 s7, $0x1  }
0xb: {  	s10 =	sshrl.u32 s10, $0x2;
	s30 =	sshrl.u32 s13, $0x2;
	s21 =	simm.s32 $0x0  }
0xc: {  	s4 =	smul.u32 $0x280, s4;
	s14 =	ssub.s32 s7, s11;
	s15 =	sadd.s32 s10, s2  }
.Ltmp0:
0xd: {  	s7 =	sor.u32 $0x1C02, s12;
	s19 =	sadd.s32 s30, s2;
	(pc) =	sbr.rel .LBB2_1-.Ltmp0, $4  }
0xe: {  	s10 =	sadd.s32 s5, s31;
	s12 =	smax.u32 s14, $0x1;
	s13 =	sshrl.u32 s15, $0x3  }
0xf: {  	s14 =	simm.s32 $0x2;
	s15 =	simm.s32 $0x1400;
	s19 =	sshrl.u32 s19, $0x3  }
0x10: {  	s9 =	sadd.s32 s4, s6;
	s4 =	sadd.s32 $0x20A00, s6;
	s6 =	sadd.s32 $0xA2800, s6  }
0x11: {  	s8 =	sadd.s32 $0x76600, s9;
	s9 =	sadd.s32 $0x71600, s9;
	s11 =	sadd.s32 s6, s31  }
.LBB2_8:
0x12: {  	s22 =	sadd.s32 $0x27000, s22  }
0x13: {  	[hbm:s22], [sflag:s7] =	dma.local [spmem:s20], $0x100  }
0x14: {  	_ =	swait.ge [sflag:s14], $0x100  }
0x15: {  	[sflag:s14] =	ssyncset.done $0x0  }
0x16: {  	[sflag:s14] =	ssyncadd.s32 $0xFFFFFF00  }
.LBB2_9:
0x17: {  	s21 =	sadd.s32 $0x1, s21  }
0x18: {  	p3 =	sne.s32 s21, s12  }
.Ltmp1:
0x19: {  	_ = 	snop;
	(pc) =	sbr.rel @!p3 .LBB2_10-.Ltmp1, $1  }
0x1a: {  	_ =	sdelay $0x3  }
.LBB2_1:
0x1b: {  	[spmem:s13], [sflag:s7] =	dma.local [hbm:s4], $0x2780  }
0x1c: {  	_ =	swait.ge [sflag:s14], $0x2780  }
0x1d: {  	[sflag:s14] =	ssyncset.done $0x0  }
0x1e: {  	[sflag:s14] =	ssyncadd.s32 $0xFFFFD880  }
0x1f: {  	[bflag:$0x0] =	sbarrier.arrive $0xFFFF  }
0x20: {  	[tilespmem:s3], [sflag:$0x2] =	stream.linear.gather [hbm4b:s8+s3], $0x1400, $0x38;
	[tilespmem:$0x1A400] =	vst v63  }
0x21: {  	_ =	swait.ge [sflag:s14], $0x1400  }
0x22: {  	[sflag:s14] =	ssyncset.done $0x0  }
.Ltmp2:
0x23: {  	[sflag:s14] =	ssyncadd.s32 $0xFFFFEC00;
	(pc) =	sbr.rel @!p0 .LBB2_2-.Ltmp2, $4  }
0x24: {  	[tilespmem:s15], [sflag:$0x2] =	stream.linear.gather [hbm4b:s9+s3], $0x1400, $0x38;
	[tilespmem:$0x1A400] =	vst v63  }
0x25: {  	_ =	swait.ge [sflag:s14], $0x1400  }
0x26: {  	[sflag:s14] =	ssyncset.done $0x0  }
0x27: {  	s22 =	simm.s32 $0x0;
	[sflag:s14] =	ssyncadd.s32 $0xFFFFEC00  }
0x28: {  	[tilespmem:s17], [sflag:$0x1] =	stream.indirect.gather [hbm4b:s0+s16], $0x80, s22, s16, $0xb8;
	[tilespmem:$0x1A400] =	vst v63  }
0x29: {  	_ =	swait.ge [sflag:s18], $0x4000  }
0x2a: {  	[sflag:s18] =	ssyncset.done $0x0  }
0x2b: {  	s31 =	simm.s32 $0x1400;
	[sflag:s18] =	ssyncadd.s32 $0xFFFFC000  }
0x2c: {  	[spmem:s2] =	stream.indirect.scatter.add.f32 [tilespmem:s17], [sflag:$0x2], $0x80, s31, s16, $0xb8;
	[tilespmem:$0x1A400] =	vst v63  }
0x2d: {  	_ =	swait.ge [sflag:s14], $0x4000  }
0x2e: {  	s22 =	simm.s32 $0x200;
	s23 =	simm.s32 $0x400;
	[sflag:s14] =	ssyncset.done $0x0  }
.LBB2_6:
0x2f: {  	s24 =	sshra.s32 s22, $0x2  }
0x30: {  	[sflag:s14] =	ssyncadd.s32 $0xFFFFC000;
	s22 =	smov.u32 s23;
	s25 =	sadd.s32 $0x200, s23  }
0x31: {  	[tilespmem:s17], [sflag:$0x1] =	stream.indirect.gather [hbm4b:s0+s16], $0x80, s24, s16, $0xb8;
	[tilespmem:$0x1A400] =	vst v63  }
0x32: {  	p3 =	sne.s32 s23, $0x4E00;
	_ =	swait.ge [sflag:s18], $0x4000  }
.Ltmp3:
0x33: {  	[sflag:s18] =	ssyncset.done $0x0;
	(pc) =	sbr.rel @p3 .LBB2_6-.Ltmp3, $4  }
0x34: {  	s23 =	sadd.s32 $0x1400, s24;
	[sflag:s18] =	ssyncadd.s32 $0xFFFFC000  }
0x35: {  	[spmem:s2] =	stream.indirect.scatter.add.f32 [tilespmem:s17], [sflag:$0x2], $0x80, s23, s16, $0xb8;
	[tilespmem:$0x1A400] =	vst v63  }
0x36: {  	_ =	swait.ge [sflag:s14], $0x4000  }
0x37: {  	s23 =	smov.u32 s25;
	[sflag:s14] =	ssyncset.done $0x0  }
0x38: {  	s22 =	sshra.s32 s22, $0x2;
	[sflag:s14] =	ssyncadd.s32 $0xFFFFC000  }
0x39: {  	[tilespmem:s17], [sflag:$0x1] =	stream.indirect.gather [hbm4b:s0+s16], $0x80, s22, s16, $0xb8;
	[tilespmem:$0x1A400] =	vst v63  }
0x3a: {  	_ =	swait.ge [sflag:s18], $0x4000  }
0x3b: {  	[sflag:s18] =	ssyncset.done $0x0  }
0x3c: {  	s22 =	sadd.s32 $0x1400, s22;
	[sflag:s18] =	ssyncadd.s32 $0xFFFFC000  }
0x3d: {  	[spmem:s2] =	stream.indirect.scatter.add.f32 [tilespmem:s17], [sflag:$0x2], $0x80, s22, s16, $0xb8;
	[tilespmem:$0x1A400] =	vst v63  }
0x3e: {  	_ =	swait.ge [sflag:s14], $0x4000  }
0x3f: {  	[sflag:s14] =	ssyncset.done $0x0  }
0x40: {  	[sflag:s14] =	ssyncadd.s32 $0xFFFFC000  }
0x41: {  	[bflag:$0x0] =	sbarrier.arrive $0xFFFF  }
0x42: {  	[hbm:s11], [sflag:s7] =	dma.local [spmem:s19], $0x2700  }
.Ltmp4:
0x43: {  	_ = 	snop;
	(pc) =	sbr.rel @p1 .LBB2_9-.Ltmp4, $4  }
.Ltmp5:
0x44: {  	_ = 	snop;
	(pc) =	sbr.rel @!p1 .LBB2_8-.Ltmp5, $4  }
0x45: {  	_ =	swait.ge [sflag:s14], $0x2700  }
0x46: {  	[sflag:s14] =	ssyncset.done $0x0  }
0x47: {  	s22 =	smov.u32 s6;
	[sflag:s14] =	ssyncadd.s32 $0xFFFFD900  }
0x48: {  	_ = 	snop  }
.LBB2_2:
0x49: {  	[tilespmem:s17], [sflag:$0x1] =	stream.indirect.gather [hbm4b:s0+s16], $0x80, s22, s16, $0xb8;
	[tilespmem:$0x1A400] =	vst v63  }
0x4a: {  	_ =	swait.ge [sflag:s18], $0x4000  }
0x4b: {  	[sflag:s18] =	ssyncset.done $0x0  }
0x4c: {  	s31 =	simm.s32 $0x1400;
	[sflag:s18] =	ssyncadd.s32 $0xFFFFC000  }
0x4d: {  	[spmem:s2] =	stream.indirect.scatter.add.f32 [tilespmem:s17], [sflag:$0x2], $0x80, s31, s16, $0xb8;
	[tilespmem:$0x1A400] =	vst v63  }
0x4e: {  	_ =	swait.ge [sflag:s14], $0x4000  }
0x4f: {  	s22 =	simm.s32 $0x200;
	s23 =	simm.s32 $0x400;
	[sflag:s14] =	ssyncset.done $0x0  }
.LBB2_3:
0x50: {  	s24 =	sshra.s32 s22, $0x2  }
0x51: {  	[sflag:s14] =	ssyncadd.s32 $0xFFFFC000;
	s22 =	smov.u32 s23;
	s25 =	sadd.s32 $0x200, s23  }
0x52: {  	[tilespmem:s17], [sflag:$0x1] =	stream.indirect.gather [hbm4b:s0+s16], $0x80, s24, s16, $0xb8;
	[tilespmem:$0x1A400] =	vst v63  }
0x53: {  	p3 =	sne.s32 s23, $0x4E00;
	_ =	swait.ge [sflag:s18], $0x4000  }
.Ltmp6:
0x54: {  	[sflag:s18] =	ssyncset.done $0x0;
	(pc) =	sbr.rel @p3 .LBB2_3-.Ltmp6, $4  }
0x55: {  	s23 =	sadd.s32 $0x1400, s24;
	[sflag:s18] =	ssyncadd.s32 $0xFFFFC000  }
0x56: {  	[spmem:s2] =	stream.indirect.scatter.add.f32 [tilespmem:s17], [sflag:$0x2], $0x80, s23, s16, $0xb8;
	[tilespmem:$0x1A400] =	vst v63  }
0x57: {  	_ =	swait.ge [sflag:s14], $0x4000  }
0x58: {  	s23 =	smov.u32 s25;
	[sflag:s14] =	ssyncset.done $0x0  }
0x59: {  	s22 =	sshra.s32 s22, $0x2;
	[sflag:s14] =	ssyncadd.s32 $0xFFFFC000  }
0x5a: {  	[tilespmem:s17], [sflag:$0x1] =	stream.indirect.gather [hbm4b:s0+s16], $0x80, s22, s16, $0xb8;
	[tilespmem:$0x1A400] =	vst v63  }
0x5b: {  	_ =	swait.ge [sflag:s18], $0x4000  }
0x5c: {  	[sflag:s18] =	ssyncset.done $0x0  }
0x5d: {  	s22 =	sadd.s32 $0x1400, s22;
	[sflag:s18] =	ssyncadd.s32 $0xFFFFC000  }
0x5e: {  	[spmem:s2] =	stream.indirect.scatter.add.f32 [tilespmem:s17], [sflag:$0x2], $0x80, s22, s16, $0xb8;
	[tilespmem:$0x1A400] =	vst v63  }
0x5f: {  	_ =	swait.ge [sflag:s14], $0x4000  }
0x60: {  	[sflag:s14] =	ssyncset.done $0x0  }
0x61: {  	[sflag:s14] =	ssyncadd.s32 $0xFFFFC000  }
0x62: {  	[bflag:$0x0] =	sbarrier.arrive $0xFFFF  }
0x63: {  	[hbm:s10], [sflag:s7] =	dma.local [spmem:s19], $0x2700  }
.Ltmp7:
0x64: {  	_ = 	snop;
	(pc) =	sbr.rel @!p2 .LBB2_9-.Ltmp7, $4  }
.Ltmp8:
0x65: {  	_ = 	snop;
	(pc) =	sbr.rel @p2 .LBB2_8-.Ltmp8, $4  }
0x66: {  	_ =	swait.ge [sflag:s14], $0x2700  }
0x67: {  	[sflag:s14] =	ssyncset.done $0x0  }
0x68: {  	s22 =	smov.u32 s5;
	[sflag:s14] =	ssyncadd.s32 $0xFFFFD900  }
0x69: {  	_ = 	snop  }
.LBB2_10:
0x6a: {  	_ =	sfence.sel $0x180000  }
0x6b: {  	[bflag:$0x0] =	sbarrier.arrive $0xFFFF  }
0x6c: {  	_ =	strace $0x9000004A  }
0x6d: {  	s0 =	sadd.s32 @!p1 $0x100000, s1;
	[bflag:$0x2] =	sbarrier.arrive $0xFFFF  }
0x6e: {  	[sflag:s0] =	ssyncadd.tile.s32 @!p1 $0x1;
	_ =	shalt  }
.Lfunc_end2:
_tile_overlayer_lowered:
.L_overlay_start_2:
0x6f: {  	(tag) =	ssettag $0x2  }
0x70: {  	s0 =	rddreg [dreg:$0x0];
	s2 =	stileid.u32  }
0x71: {  	s1 =	rddreg [dreg:$0x1];
	p0 =	sne.s32 s2, $0x0  }
0x72: {  	s3 =	rddreg [dreg:$0x2];
	[bflag:$0x3] =	sbarrier.arrive $0xFFFF;
	s2 =	simm.s32 @!p0 $0x1C02  }
0x73: {  	[timem:s3], [sflag:s2] =	dma.local @!p0 [hbm:s0], s1  }
0x74: {  	s0 =	simm.s32 @!p0 $0x2  }
0x75: {  	_ =	swait.ge @!p0 [sflag:s0], s1  }
0x76: {  	s1 =	ssub.s32 @!p0 $0x0, s1;
	[sflag:s0] =	ssyncset.done @!p0 $0x0  }
0x77: {  	[sflag:s0] =	ssyncadd.s32 @!p0 s1  }
0x78: {  	[bflag:$0x3] =	sbarrier.arrive $0xFFFF  }
0x79: {  	_ =	shalt  }

// kernel: kernel.42.cloned.1.call-start
scs
__scs_entry_jumppad:
0x0: {  	(pc) =	sbr.rel $0x88, $3  }
0x1: {  	(tag) =	ssettag $0x0;
	lr =	simm.s32 $0x1  }
0x2: {  	[smem:$0x3F59] =	sst lr;
	_ =	strace $0xD0000000  }
0x3: {  	_ = 	snop  }
0x4: {  	_ = 	snop  }
0x5: {  	_ = 	snop  }
0x6: {  	_ = 	snop  }
0x7: {  	_ = 	snop  }
__scs_overlays_trampoline_lowered:
0x8: {  	[smem:$0x3F68] =	sst s0  }
0x9: {  	[smem:$0x3F69] =	sst s1  }
0xa: {  	[smem:$0x3F6A] =	sst s2  }
0xb: {  	[smem:$0x3F6B] =	sst s3  }
0xc: {  	[smem:$0x3F6C] =	sst s4  }
0xd: {  	[smem:$0x3F6D] =	sst s5  }
0xe: {  	[smem:$0x3F6E] =	sst s6  }
0xf: {  	[smem:$0x3F6F] =	sst s7  }
0x10: {  	[smem:$0x3F70] =	sst s8  }
0x11: {  	[smem:$0x3F71] =	sst s9;
	s0 =	simm.s32 @!p0 $0x0  }
0x12: {  	s1 =	sld [smem:$0x3F57];
	s0 =	simm.s32 @p0 $0x1  }
0x13: {  	[smem:$0x3F72] =	sst s0;
	s0 =	simm.s32 @!p1 $0x0  }
0x14: {  	s2 =	sld [smem:$0x3F56];
	s0 =	simm.s32 @p1 $0x1  }
0x15: {  	[smem:$0x3F73] =	sst s0;
	s0 =	simm.s32 @!p2 $0x0  }
0x16: {  	s3 =	sld [smem:$0x3FDB];
	s0 =	simm.s32 @p2 $0x1  }
0x17: {  	s4 =	simm.s32 $0x1BF5;
	[smem:$0x3F75] =	sst s0  }
0x18: {  	s0 =	sld [smem:$0x3F58];
	_ =	swait.ge [sflag:s4], $0x0  }
0x19: {  	s7 =	sld [smem:$0x3F59]  }
0x1a: {  	s8 =	sadd.s32 $0xFFFFE003, lr  }
0x1b: {  	s9 =	sadd.s32 $0xFFFFFEF7, lr;
	s5 =	simm.s32 $0xFFFFFFFF;
	p2 =	slt.u32 s8, $0xFFFFF086  }
0x1c: {  	p1 =	slt.u32 s9, $0xF7A;
	s5 =	simm.s32 @!p2 $0x0  }
0x1d: {  	s5 =	simm.s32 @p1 $0x1;
	p0 =	seq.s32 s7, s2  }
0x1e: {  	s7 =	smul.u32 @!p0 $0xF7A, s2;
	p2 =	seq.s32 @!p0 s5, $0x0  }
0x1f: {  	s9 =	smul.u32 $0xF7A, s1;
	s8 =	simm.s32 @!p0 $0x1BF5;
	p2 =	por !p2, p0  }
0x20: {  	[sflag:s8] =	ssyncset.s32 @!p0 $0xFFFFF086;
	s6 =	sadd.s32 @!p0 s3, s7;
	s7 =	simm.s32 @!p0 $0x108  }
0x21: {  	s3 =	sadd.s32 s3, s9;
	s6 =	sadd.s32 @!p0 $0x88, s6;
	s7 =	simm.s32 @p2 $0x1082  }
0x22: {  	[simem:s7], [sflag:s8] =	dma.local @!p0 [hbm:s6], $0xF7A  }
0x23: {  	s9 =	sor.u32 $0xD0000000, s2;
	s6 =	simm.s32 $0x108;
	_ =	swait.ge @!p0 [sflag:s8], $0x0  }
0x24: {  	s3 =	sadd.s32 $0x88, s3;
	s6 =	simm.s32 @!p1 $0x1082;
	[sflag:s4] =	ssyncset.s32 $0xFFFFF086  }
0x25: {  	[simem:s6], [sflag:s4] =	dma.local [hbm:s3], $0xF7A  }
0x26: {  	[smem:$0x3F59] =	sst s1;
	(tag) =	ssettag s2;
	_ =	strace s9  }
0x27: {  	s1 =	sld [smem:$0x3F69]  }
0x28: {  	s2 =	sld [smem:$0x3F6A]  }
0x29: {  	s4 =	sld [smem:$0x3F6C]  }
0x2a: {  	p0 =	seq.s32 s5, $0x0;
	s5 =	sld [smem:$0x3F6D]  }
0x2b: {  	s6 =	sld [smem:$0x3F6E]  }
0x2c: {  	s7 =	sld [smem:$0x3F6F]  }
0x2d: {  	s3 =	simm.s32 $0x108;
	s8 =	sld [smem:$0x3F70]  }
0x2e: {  	s3 =	simm.s32 @!p0 $0x1082;
	s9 =	sld [smem:$0x3F71]  }
0x2f: {  	lr =	sadd.s32 s0, s3;
	s0 =	sld [smem:$0x3F68]  }
0x30: {  	s3 =	sld [smem:$0x3F6B]  }
0x31: {  	[smem:$0x3F74] =	sst s10  }
0x32: {  	s10 =	sld [smem:$0x3F72];
	_ =	sdelay $0x3  }
0x33: {  	p0 =	seq.s32 s10, $0x1;
	s10 =	sld [smem:$0x3F74];
	_ =	sdelay $0x3  }
0x34: {  	[smem:$0x3F74] =	sst s10  }
0x35: {  	s10 =	sld [smem:$0x3F73];
	_ =	sdelay $0x3  }
0x36: {  	p1 =	seq.s32 s10, $0x1;
	s10 =	sld [smem:$0x3F74];
	_ =	sdelay $0x3  }
0x37: {  	[smem:$0x3F74] =	sst s10  }
0x38: {  	s10 =	sld [smem:$0x3F75]  }
0x39: {  	_ = 	snop;
	(pc) =	sbr.ind lr, $3  }
0x3a: {  	_ = 	snop  }
0x3b: {  	_ = 	snop  }
0x3c: {  	p2 =	seq.s32 s10, $0x1;
	s10 =	sld [smem:$0x3F74]  }
0x3d: {  	_ =	shalt  }
0x3e: {  	_ =	shalt  }
0x3f: {  	_ =	shalt  }
0x40: {  	_ =	shalt  }
0x41: {  	_ =	shalt  }
0x42: {  	_ =	shalt  }
0x43: {  	_ =	shalt  }
0x44: {  	_ =	shalt  }
0x45: {  	_ =	shalt  }
0x46: {  	_ =	shalt  }
0x47: {  	_ =	shalt  }
0x48: {  	_ =	shalt  }
0x49: {  	_ =	shalt  }
0x4a: {  	_ =	shalt  }
0x4b: {  	_ =	shalt  }
0x4c: {  	_ =	shalt  }
0x4d: {  	_ =	shalt  }
0x4e: {  	_ =	shalt  }
0x4f: {  	_ =	shalt  }
0x50: {  	_ =	shalt  }
0x51: {  	_ =	shalt  }
0x52: {  	_ =	shalt  }
0x53: {  	_ =	shalt  }
0x54: {  	_ =	shalt  }
0x55: {  	_ =	shalt  }
0x56: {  	_ =	shalt  }
0x57: {  	_ =	shalt  }
0x58: {  	_ =	shalt  }
0x59: {  	_ =	shalt  }
0x5a: {  	_ =	shalt  }
0x5b: {  	_ =	shalt  }
0x5c: {  	_ =	shalt  }
0x5d: {  	_ =	shalt  }
0x5e: {  	_ =	shalt  }
0x5f: {  	_ =	shalt  }
0x60: {  	_ =	shalt  }
0x61: {  	_ =	shalt  }
0x62: {  	_ =	shalt  }
0x63: {  	_ =	shalt  }
0x64: {  	_ =	shalt  }
0x65: {  	_ =	shalt  }
0x66: {  	_ =	shalt  }
0x67: {  	_ =	shalt  }
0x68: {  	_ =	shalt  }
0x69: {  	_ =	shalt  }
0x6a: {  	_ =	shalt  }
0x6b: {  	_ =	shalt  }
0x6c: {  	_ =	shalt  }
0x6d: {  	_ =	shalt  }
0x6e: {  	_ =	shalt  }
0x6f: {  	_ =	shalt  }
0x70: {  	_ =	shalt  }
0x71: {  	_ =	shalt  }
0x72: {  	_ =	shalt  }
0x73: {  	_ =	shalt  }
0x74: {  	_ =	shalt  }
0x75: {  	_ =	shalt  }
0x76: {  	_ =	shalt  }
0x77: {  	_ =	shalt  }
0x78: {  	_ =	shalt  }
0x79: {  	_ =	shalt  }
0x7a: {  	_ =	shalt  }
0x7b: {  	_ =	shalt  }
0x7c: {  	_ =	shalt  }
0x7d: {  	_ =	shalt  }
0x7e: {  	_ =	shalt  }
0x7f: {  	_ =	shalt  }
0x80: {  	_ =	shalt  }
0x81: {  	_ =	shalt  }
0x82: {  	_ =	shalt  }
0x83: {  	_ =	shalt  }
0x84: {  	_ =	shalt  }
0x85: {  	_ =	shalt  }
0x86: {  	_ =	shalt  }
0x87: {  	_ =	shalt  }
.Lfunc_end0:
.L_simem_size_0:
called_computation.1_lowered:
.L_overlay_start_0:
0x88: {  	s2 =	sld [smem:$0x3FD9]  }
0x89: {  	s3 =	sld [smem:$0x3FFE];
	_ =	sdelay $0x1  }
0x8a: {  	s1 =	srdreg.scid  }
0x8b: {  	s0 =	sand.u32 $0x1, s1  }
0x8c: {  	s17 =	sshll.u32 s0, $0xA;
	s2 =	sadd.s32 s3, s2  }
0x8d: {  	s2 =	sadd.s32 s2, s17  }
0x8e: {  	[smem:$0x3F80] =	sst s2  }
0x8f: {  	_ = 	snop  }
0x90: {  	(tm) =	ssettm $0x1  }
0x91: {  	s18 =	sld [smem:$0x3FFB];
	_ =	sdelay $0x3  }
0x92: {  	_ =	strace s18  }
0x93: {  	s2 =	sld [smem:$0x3FFC];
	_ =	sdelay $0x3  }
0x94: {  	_ =	strace s2  }
0x95: {  	s2 =	sld [smem:$0x3FFD];
	_ =	sdelay $0x3  }
0x96: {  	_ =	strace s2  }
0x97: {  	_ =	strace $0x8FFFFFFF  }
0x98: {  	s19 =	sld [smem:$0x3FDB];
	_ =	sdelay $0x1  }
0x99: {  	s20 =	simm.s32 $_scs_section_size  }
0x9a: {  	s4 =	simm.s32 $_size__tile_overlayer_lowered;
	s5 =	simm.s32 $_tile_overlayer_lowered  }
0x9b: {  	s6 =	simm.s32 $0x1BFF;
	s21 =	sshll.u32 s5, $0x1;
	s3 =	sadd.s32 s20, s19  }
0x9c: {  	s22 =	simm.s32 $0x0;
	s4 =	sshll.u32 s4, $0x1;
	s5 =	sadd.s32 s21, s3  }
0x9d: {  	[timem:s22], [sflag:s6] =	dma.local [hbm:s5], s4  }
0x9e: {  	_ =	swait.ge [sflag:s6], s4  }
0x9f: {  	s4 =	ssub.s32 $0x0, s4;
	[sflag:s6] =	ssyncset.done $0x0  }
0xa0: {  	[sflag:s6] =	ssyncadd.s32 s4;
	_ =	sdelay $0x1  }
0xa1: {  	s23 =	simm.s32 $0x1B8B  }
0xa2: {  	_ =	swait.ge [sflag:s23], $0x1  }
0xa3: {  	[sflag:s23] =	ssyncset.done $0x0  }
0xa4: {  	[sflag:s23] =	ssyncadd.s32 $0xFFFFFFFF  }
0xa5: {  	s4 =	sld [smem:$0x0]  }
0xa6: {  	s5 =	sand.u32 $0xFFFFFFFE, s1  }
0xa7: {  	p0 =	sne.s32 s1, s5  }
0xa8: {  	s5 =	sshll.u32 @p0 s5, $0xE  }
0xa9: {  	s5 =	sadd.s32 @p0 $0x11B8D, s5;
	s6 =	sshll.u32 @p0 s4, $0x11  }
0xaa: {  	s5 =	sor.u32 @p0 s6, s5  }
0xab: {  	[sflag:s5] =	ssyncadd.remote.s32 @p0 $0x1;
	_ =	sdelay $0x1  }
0xac: {  	s5 =	simm.s32 @p0 $0x1B8D  }
0xad: {  	_ =	swait.eq @p0 [sflag:s5], $0x1  }
0xae: {  	[sflag:s5] =	ssyncadd.s32 @p0 $0xFFFFFFFF  }
0xaf: {  	s6 =	sshll.u32 @!p0 s1, $0xE  }
0xb0: {  	s6 =	sor.u32 @!p0 $0x4000, s6;
	s5 =	simm.s32 @!p0 $0x1B8D  }
0xb1: {  	s4 =	sshll.u32 @!p0 s4, $0x11;
	s6 =	sadd.s32 @!p0 $0x11B8D, s6;
	_ =	swait.eq @!p0 [sflag:s5], $0x1  }
0xb2: {  	s4 =	sor.u32 @!p0 s4, s6;
	[sflag:s5] =	ssyncadd.s32 @!p0 $0xFFFFFFFF  }
0xb3: {  	s25 =	simm.s32 $0x1B8E;
	s24 =	sld [smem:$0x3FFE];
	[sflag:s4] =	ssyncadd.remote.s32 @!p0 $0x1  }
0xb4: {  	s26 =	simm.s32 $execute0_lowered;
	[smem:$0x3FD2] =	sst s25  }
0xb5: {  	s5 =	sshll.u32 s26, $0x1;
	_ =	strace $0x8000004F;
	[dreg:$0x1] =	wrdreg $0xFFFFFFFF  }
0xb6: {  	s28 =	simm.s32 $_size_execute0_lowered;
	s3 =	sadd.s32 s3, s5;
	[dreg:$0x0] =	wrdreg $0x0  }
0xb7: {  	s5 =	sshll.u32 s28, $0x1;
	[dreg:$0x2] =	wrdreg s3  }
0xb8: {  	[dreg:$0x3] =	wrdreg s5  }
0xb9: {  	[dreg:$0x4] =	wrdreg $0xC0  }
0xba: {  	_ =	task [dreg:s22], $0x5FFFF  }
0xbb: {  	[dreg:$0x1] =	wrdreg $0xFFFFFFFF  }
0xbc: {  	[dreg:$0x0] =	wrdreg $0x60  }
0xbd: {  	[dreg:$0x2] =	wrdreg s24  }
0xbe: {  	[dreg:$0x3] =	wrdreg $0x90000  }
0xbf: {  	[dreg:$0x4] =	wrdreg $0x9  }
0xc0: {  	_ =	task.clear_ibuf [dreg:s22], $0x5FFFF;
	_ =	strace $0x9000004F  }
0xc1: {  	s29 =	simm.s32 $0x9;
	_ =	strace $0x80000051  }
0xc2: {  	_ =	swait.ge [sflag:s29], $0x1  }
0xc3: {  	[sflag:s29] =	ssyncadd.s32 $0xFFFFFFFF  }
0xc4: {  	_ =	strace $0x90000051  }
0xc5: {  	_ =	sfence  }
0xc6: {  	s30 =	sld [smem:$0x0];
	_ =	sdelay $0x2  }
0xc7: {  	s31 =	sshll.u32 s1, $0xD;
	s1 =	sshrl.u32 s1, $0x2  }
0xc8: {  	s4 =	sand.u32 $0x4000, s31;
	s1 =	sadd.s32 s1, s30  }
0xc9: {  	s0 =	sor.u32 s4, s0;
	s1 =	sshll.u32 s1, $0x11  }
0xca: {  	s0 =	sor.u32 s1, s0  }
0xcb: {  	s0 =	sadd.s32 $0x8F2B, s0  }
0xcc: {  	[sflag:s0] =	ssyncadd.remote.s32 $0x1  }
0xcd: {  	_ =	sfence.sel $0xFFFF  }
0xce: {  	[dreg:$0x0] =	wrdreg $0xFFFFFFFF;
	(pc) =	sbr.abs _section_cstart, $3  }
0xcf: {  	[dreg:$0x1] =	wrdreg $0xFFFFFFFF  }
0xd0: {  	_ =	task.clear_ibuf [dreg:s22], $0x2FFFF;
	_ =	strace $0x9FFFFFFF  }
0xd1: {  	(tm) =	ssettm $0x7FFFFFFF  }
tec
execute0_lowered:
.L_overlay_start_1:
0x0: {  	(tag) =	ssettag $0x1  }
0x1: {  	s7 =	rddreg [dreg:$0x0]  }
0x2: {  	s1 =	rddreg [dreg:$0x1]  }
0x3: {  	s0 =	rddreg [dreg:$0x2];
	s2 =	simm.s32 $0x0;
	s22 =	stileid.u32  }
0x4: {  	s6 =	srdreg.scid;
	s17 =	simm.s32 $0x80;
	s18 =	simm.s32 $0x5000  }
0x5: {  	s19 =	simm.s32 $0x1;
	[smem:$0x7FF] =	sst s2;
	s5 =	smul.u32 $0x500, s22  }
0x6: {  	s3 =	sadd.s32 $0x7B600, s7;
	s4 =	sadd.s32 $0xA2800, s7;
	s11 =	smul.u32 $0x4F000, s22  }
0x7: {  	s9 =	sand.u32 $0x1, s6;
	s6 =	sadd.s32 $0x117E00, s7;
	s14 =	smul.u32 $0x4E000, s22  }
0x8: {  	s13 =	sshll.u32 s22, $0x6;
	s31 =	smul.u32 $0x2700, s22;
	s21 =	sadd.s32 $0x138000, s1  }
0x9: {  	p1 =	sne.s32 s22, $0x0;
	p2 =	seq.s32 s22, $0x0;
	s22 =	simm.s32 $0x0  }
0xa: {  	_ =	strace $0x80000050;
	s8 =	ssub.s32 $0x2, s9;
	p0 =	seq.s32 s9, $0x1  }
0xb: {  	s21 =	sshrl.u32 s21, $0x3;
	s10 =	sadd.s32 s5, s7;
	s5 =	sadd.s32 $0x20A00, s7  }
0xc: {  	s7 =	sadd.s32 $0x13F000, s7;
	s12 =	sshrl.u32 s8, $0x1;
	s11 =	sshrl.u32 s11, $0x2  }
.Ltmp0:
0xd: {  	s30 =	sshrl.u32 s14, $0x2;
	s15 =	ssub.s32 s8, s12;
	(pc) =	sbr.rel .LBB2_1-.Ltmp0, $4  }
0xe: {  	s16 =	sadd.s32 s11, s1;
	s8 =	sor.u32 $0x1C02, s13;
	s9 =	sadd.s32 $0x76600, s10  }
0xf: {  	s10 =	sadd.s32 $0x71600, s10;
	s20 =	sadd.s32 s30, s1;
	s11 =	sadd.s32 s6, s31  }
0x10: {  	s12 =	sadd.s32 s7, s31;
	s13 =	smax.u32 s15, $0x1;
	s14 =	sshrl.u32 s16, $0x3  }
0x11: {  	s15 =	simm.s32 $0x2;
	s16 =	simm.s32 $0x2800;
	s20 =	sshrl.u32 s20, $0x3  }
.LBB2_8:
0x12: {  	s23 =	sadd.s32 $0x27000, s23  }
0x13: {  	[hbm:s23], [sflag:s8] =	dma.local [spmem:s21], $0x100  }
0x14: {  	_ =	swait.ge [sflag:s15], $0x100  }
0x15: {  	[sflag:s15] =	ssyncset.done $0x0  }
0x16: {  	[sflag:s15] =	ssyncadd.s32 $0xFFFFFF00  }
.LBB2_9:
0x17: {  	s22 =	sadd.s32 $0x1, s22  }
0x18: {  	p3 =	sne.s32 s22, s13  }
.Ltmp1:
0x19: {  	_ = 	snop;
	(pc) =	sbr.rel @!p3 .LBB2_10-.Ltmp1, $1  }
0x1a: {  	_ =	sdelay $0x3  }
.LBB2_1:
0x1b: {  	[spmem:s14], [sflag:s8] =	dma.local [hbm:s5], $0x2780  }
0x1c: {  	_ =	swait.ge [sflag:s15], $0x2780  }
0x1d: {  	[sflag:s15] =	ssyncset.done $0x0  }
0x1e: {  	[sflag:s15] =	ssyncadd.s32 $0xFFFFD880  }
0x1f: {  	[bflag:$0x0] =	sbarrier.arrive $0xFFFF  }
0x20: {  	[tilespmem:s2], [sflag:$0x2] =	stream.linear.gather [hbm4b:s9+s2], $0x2800, $0x38;
	[tilespmem:$0x1CC00] =	vst v63  }
0x21: {  	_ =	swait.ge [sflag:s15], $0x2800  }
0x22: {  	[sflag:s15] =	ssyncset.done $0x0  }
.Ltmp2:
0x23: {  	[sflag:s15] =	ssyncadd.s32 $0xFFFFD800;
	(pc) =	sbr.rel @!p0 .LBB2_2-.Ltmp2, $4  }
0x24: {  	[tilespmem:s16], [sflag:$0x2] =	stream.linear.gather [hbm4b:s10+s2], $0x2800, $0x38;
	[tilespmem:$0x1CC00] =	vst v63  }
0x25: {  	_ =	swait.ge [sflag:s15], $0x2800  }
0x26: {  	[sflag:s15] =	ssyncset.done $0x0  }
0x27: {  	s23 =	simm.s32 $0x0;
	[sflag:s15] =	ssyncadd.s32 $0xFFFFD800  }
0x28: {  	[tilespmem:s18], [sflag:$0x1] =	stream.indirect.gather [hbm4b:s4+s17], $0x80, s23, s17, $0xb8;
	[tilespmem:$0x1CC00] =	vst v63  }
0x29: {  	_ =	swait.ge [sflag:s19], $0x4000  }
0x2a: {  	[sflag:s19] =	ssyncset.done $0x0  }
0x2b: {  	s31 =	simm.s32 $0x2800;
	[sflag:s19] =	ssyncadd.s32 $0xFFFFC000  }
0x2c: {  	[spmem:s1] =	stream.indirect.scatter.add.f32 [tilespmem:s18], [sflag:$0x2], $0x80, s31, s17, $0xb8;
	[tilespmem:$0x1CC00] =	vst v63  }
0x2d: {  	_ =	swait.ge [sflag:s15], $0x4000  }
0x2e: {  	s23 =	simm.s32 $0x200;
	s24 =	simm.s32 $0x400;
	[sflag:s15] =	ssyncset.done $0x0  }
.LBB2_6:
0x2f: {  	s25 =	sshra.s32 s23, $0x2  }
0x30: {  	[sflag:s15] =	ssyncadd.s32 $0xFFFFC000;
	s23 =	smov.u32 s24;
	s26 =	sadd.s32 $0x200, s24  }
0x31: {  	[tilespmem:s18], [sflag:$0x1] =	stream.indirect.gather [hbm4b:s4+s17], $0x80, s25, s17, $0xb8;
	[tilespmem:$0x1CC00] =	vst v63  }
0x32: {  	p3 =	sne.s32 s24, $0x9E00;
	_ =	swait.ge [sflag:s19], $0x4000  }
.Ltmp3:
0x33: {  	[sflag:s19] =	ssyncset.done $0x0;
	(pc) =	sbr.rel @p3 .LBB2_6-.Ltmp3, $4  }
0x34: {  	s24 =	sadd.s32 $0x2800, s25;
	[sflag:s19] =	ssyncadd.s32 $0xFFFFC000  }
0x35: {  	[spmem:s1] =	stream.indirect.scatter.add.f32 [tilespmem:s18], [sflag:$0x2], $0x80, s24, s17, $0xb8;
	[tilespmem:$0x1CC00] =	vst v63  }
0x36: {  	_ =	swait.ge [sflag:s15], $0x4000  }
0x37: {  	s24 =	smov.u32 s26;
	[sflag:s15] =	ssyncset.done $0x0  }
0x38: {  	s23 =	sshra.s32 s23, $0x2;
	[sflag:s15] =	ssyncadd.s32 $0xFFFFC000  }
0x39: {  	[tilespmem:s18], [sflag:$0x1] =	stream.indirect.gather [hbm4b:s4+s17], $0x80, s23, s17, $0xb8;
	[tilespmem:$0x1CC00] =	vst v63  }
0x3a: {  	_ =	swait.ge [sflag:s19], $0x4000  }
0x3b: {  	[sflag:s19] =	ssyncset.done $0x0  }
0x3c: {  	s23 =	sadd.s32 $0x2800, s23;
	[sflag:s19] =	ssyncadd.s32 $0xFFFFC000  }
0x3d: {  	[spmem:s1] =	stream.indirect.scatter.add.f32 [tilespmem:s18], [sflag:$0x2], $0x80, s23, s17, $0xb8;
	[tilespmem:$0x1CC00] =	vst v63  }
0x3e: {  	_ =	swait.ge [sflag:s15], $0x4000  }
0x3f: {  	[sflag:s15] =	ssyncset.done $0x0  }
0x40: {  	[sflag:s15] =	ssyncadd.s32 $0xFFFFC000  }
0x41: {  	[bflag:$0x0] =	sbarrier.arrive $0xFFFF  }
0x42: {  	[hbm:s12], [sflag:s8] =	dma.local [spmem:s20], $0x2700  }
.Ltmp4:
0x43: {  	_ = 	snop;
	(pc) =	sbr.rel @p1 .LBB2_9-.Ltmp4, $4  }
.Ltmp5:
0x44: {  	_ = 	snop;
	(pc) =	sbr.rel @!p1 .LBB2_8-.Ltmp5, $4  }
0x45: {  	_ =	swait.ge [sflag:s15], $0x2700  }
0x46: {  	[sflag:s15] =	ssyncset.done $0x0  }
0x47: {  	s23 =	smov.u32 s7;
	[sflag:s15] =	ssyncadd.s32 $0xFFFFD900  }
0x48: {  	_ = 	snop  }
.LBB2_2:
0x49: {  	[tilespmem:s18], [sflag:$0x1] =	stream.indirect.gather [hbm4b:s3+s17], $0x80, s23, s17, $0xb8;
	[tilespmem:$0x1CC00] =	vst v63  }
0x4a: {  	_ =	swait.ge [sflag:s19], $0x4000  }
0x4b: {  	[sflag:s19] =	ssyncset.done $0x0  }
0x4c: {  	s31 =	simm.s32 $0x2800;
	[sflag:s19] =	ssyncadd.s32 $0xFFFFC000  }
0x4d: {  	[spmem:s1] =	stream.indirect.scatter.add.f32 [tilespmem:s18], [sflag:$0x2], $0x80, s31, s17, $0xb8;
	[tilespmem:$0x1CC00] =	vst v63  }
0x4e: {  	_ =	swait.ge [sflag:s15], $0x4000  }
0x4f: {  	s23 =	simm.s32 $0x200;
	s24 =	simm.s32 $0x400;
	[sflag:s15] =	ssyncset.done $0x0  }
.LBB2_3:
0x50: {  	s25 =	sshra.s32 s23, $0x2  }
0x51: {  	[sflag:s15] =	ssyncadd.s32 $0xFFFFC000;
	s23 =	smov.u32 s24;
	s26 =	sadd.s32 $0x200, s24  }
0x52: {  	[tilespmem:s18], [sflag:$0x1] =	stream.indirect.gather [hbm4b:s3+s17], $0x80, s25, s17, $0xb8;
	[tilespmem:$0x1CC00] =	vst v63  }
0x53: {  	p3 =	sne.s32 s24, $0x9E00;
	_ =	swait.ge [sflag:s19], $0x4000  }
.Ltmp6:
0x54: {  	[sflag:s19] =	ssyncset.done $0x0;
	(pc) =	sbr.rel @p3 .LBB2_3-.Ltmp6, $4  }
0x55: {  	s24 =	sadd.s32 $0x2800, s25;
	[sflag:s19] =	ssyncadd.s32 $0xFFFFC000  }
0x56: {  	[spmem:s1] =	stream.indirect.scatter.add.f32 [tilespmem:s18], [sflag:$0x2], $0x80, s24, s17, $0xb8;
	[tilespmem:$0x1CC00] =	vst v63  }
0x57: {  	_ =	swait.ge [sflag:s15], $0x4000  }
0x58: {  	s24 =	smov.u32 s26;
	[sflag:s15] =	ssyncset.done $0x0  }
0x59: {  	s23 =	sshra.s32 s23, $0x2;
	[sflag:s15] =	ssyncadd.s32 $0xFFFFC000  }
0x5a: {  	[tilespmem:s18], [sflag:$0x1] =	stream.indirect.gather [hbm4b:s3+s17], $0x80, s23, s17, $0xb8;
	[tilespmem:$0x1CC00] =	vst v63  }
0x5b: {  	_ =	swait.ge [sflag:s19], $0x4000  }
0x5c: {  	[sflag:s19] =	ssyncset.done $0x0  }
0x5d: {  	s23 =	sadd.s32 $0x2800, s23;
	[sflag:s19] =	ssyncadd.s32 $0xFFFFC000  }
0x5e: {  	[spmem:s1] =	stream.indirect.scatter.add.f32 [tilespmem:s18], [sflag:$0x2], $0x80, s23, s17, $0xb8;
	[tilespmem:$0x1CC00] =	vst v63  }
0x5f: {  	_ =	swait.ge [sflag:s15], $0x4000  }
0x60: {  	[sflag:s15] =	ssyncset.done $0x0  }
0x61: {  	[sflag:s15] =	ssyncadd.s32 $0xFFFFC000  }
0x62: {  	[bflag:$0x0] =	sbarrier.arrive $0xFFFF  }
0x63: {  	[hbm:s11], [sflag:s8] =	dma.local [spmem:s20], $0x2700  }
.Ltmp7:
0x64: {  	_ = 	snop;
	(pc) =	sbr.rel @!p2 .LBB2_9-.Ltmp7, $4  }
.Ltmp8:
0x65: {  	_ = 	snop;
	(pc) =	sbr.rel @p2 .LBB2_8-.Ltmp8, $4  }
0x66: {  	_ =	swait.ge [sflag:s15], $0x2700  }
0x67: {  	[sflag:s15] =	ssyncset.done $0x0  }
0x68: {  	s23 =	smov.u32 s6;
	[sflag:s15] =	ssyncadd.s32 $0xFFFFD900  }
0x69: {  	_ = 	snop  }
.LBB2_10:
0x6a: {  	_ =	sfence.sel $0x180000  }
0x6b: {  	[bflag:$0x0] =	sbarrier.arrive $0xFFFF  }
0x6c: {  	_ =	strace $0x90000050  }
0x6d: {  	s0 =	sadd.s32 @!p1 $0x100000, s0;
	[bflag:$0x2] =	sbarrier.arrive $0xFFFF  }
0x6e: {  	[sflag:s0] =	ssyncadd.tile.s32 @!p1 $0x1;
	_ =	shalt  }
.Lfunc_end2:
_tile_overlayer_lowered:
.L_overlay_start_2:
0x6f: {  	(tag) =	ssettag $0x2  }
0x70: {  	s0 =	rddreg [dreg:$0x0];
	s2 =	stileid.u32  }
0x71: {  	s1 =	rddreg [dreg:$0x1];
	p0 =	sne.s32 s2, $0x0  }
0x72: {  	s3 =	rddreg [dreg:$0x2];
	[bflag:$0x3] =	sbarrier.arrive $0xFFFF;
	s2 =	simm.s32 @!p0 $0x1C02  }
0x73: {  	[timem:s3], [sflag:s2] =	dma.local @!p0 [hbm:s0], s1  }
0x74: {  	s0 =	simm.s32 @!p0 $0x2  }
0x75: {  	_ =	swait.ge @!p0 [sflag:s0], s1  }
0x76: {  	s1 =	ssub.s32 @!p0 $0x0, s1;
	[sflag:s0] =	ssyncset.done @!p0 $0x0  }
0x77: {  	[sflag:s0] =	ssyncadd.s32 @!p0 s1  }
0x78: {  	[bflag:$0x3] =	sbarrier.arrive $0xFFFF  }
0x79: {  	_ =	shalt  }

// kernel: kernel.45.cloned.1.call-start
scs
__scs_entry_jumppad:
0x0: {  	(pc) =	sbr.rel $0x88, $3  }
0x1: {  	(tag) =	ssettag $0x0;
	lr =	simm.s32 $0x1  }
0x2: {  	[smem:$0x3F59] =	sst lr;
	_ =	strace $0xD0000000  }
0x3: {  	_ = 	snop  }
0x4: {  	_ = 	snop  }
0x5: {  	_ = 	snop  }
0x6: {  	_ = 	snop  }
0x7: {  	_ = 	snop  }
__scs_overlays_trampoline_lowered:
0x8: {  	[smem:$0x3F68] =	sst s0  }
0x9: {  	[smem:$0x3F69] =	sst s1  }
0xa: {  	[smem:$0x3F6A] =	sst s2  }
0xb: {  	[smem:$0x3F6B] =	sst s3  }
0xc: {  	[smem:$0x3F6C] =	sst s4  }
0xd: {  	[smem:$0x3F6D] =	sst s5  }
0xe: {  	[smem:$0x3F6E] =	sst s6  }
0xf: {  	[smem:$0x3F6F] =	sst s7  }
0x10: {  	[smem:$0x3F70] =	sst s8  }
0x11: {  	[smem:$0x3F71] =	sst s9;
	s0 =	simm.s32 @!p0 $0x0  }
0x12: {  	s1 =	sld [smem:$0x3F57];
	s0 =	simm.s32 @p0 $0x1  }
0x13: {  	[smem:$0x3F72] =	sst s0;
	s0 =	simm.s32 @!p1 $0x0  }
0x14: {  	s2 =	sld [smem:$0x3F56];
	s0 =	simm.s32 @p1 $0x1  }
0x15: {  	[smem:$0x3F73] =	sst s0;
	s0 =	simm.s32 @!p2 $0x0  }
0x16: {  	s3 =	sld [smem:$0x3FDB];
	s0 =	simm.s32 @p2 $0x1  }
0x17: {  	s4 =	simm.s32 $0x1BF5;
	[smem:$0x3F75] =	sst s0  }
0x18: {  	s0 =	sld [smem:$0x3F58];
	_ =	swait.ge [sflag:s4], $0x0  }
0x19: {  	s7 =	sld [smem:$0x3F59]  }
0x1a: {  	s8 =	sadd.s32 $0xFFFFE003, lr  }
0x1b: {  	s9 =	sadd.s32 $0xFFFFFEF7, lr;
	s5 =	simm.s32 $0xFFFFFFFF;
	p2 =	slt.u32 s8, $0xFFFFF086  }
0x1c: {  	p1 =	slt.u32 s9, $0xF7A;
	s5 =	simm.s32 @!p2 $0x0  }
0x1d: {  	s5 =	simm.s32 @p1 $0x1;
	p0 =	seq.s32 s7, s2  }
0x1e: {  	s7 =	smul.u32 @!p0 $0xF7A, s2;
	p2 =	seq.s32 @!p0 s5, $0x0  }
0x1f: {  	s9 =	smul.u32 $0xF7A, s1;
	s8 =	simm.s32 @!p0 $0x1BF5;
	p2 =	por !p2, p0  }
0x20: {  	[sflag:s8] =	ssyncset.s32 @!p0 $0xFFFFF086;
	s6 =	sadd.s32 @!p0 s3, s7;
	s7 =	simm.s32 @!p0 $0x108  }
0x21: {  	s3 =	sadd.s32 s3, s9;
	s6 =	sadd.s32 @!p0 $0x88, s6;
	s7 =	simm.s32 @p2 $0x1082  }
0x22: {  	[simem:s7], [sflag:s8] =	dma.local @!p0 [hbm:s6], $0xF7A  }
0x23: {  	s9 =	sor.u32 $0xD0000000, s2;
	s6 =	simm.s32 $0x108;
	_ =	swait.ge @!p0 [sflag:s8], $0x0  }
0x24: {  	s3 =	sadd.s32 $0x88, s3;
	s6 =	simm.s32 @!p1 $0x1082;
	[sflag:s4] =	ssyncset.s32 $0xFFFFF086  }
0x25: {  	[simem:s6], [sflag:s4] =	dma.local [hbm:s3], $0xF7A  }
0x26: {  	[smem:$0x3F59] =	sst s1;
	(tag) =	ssettag s2;
	_ =	strace s9  }
0x27: {  	s1 =	sld [smem:$0x3F69]  }
0x28: {  	s2 =	sld [smem:$0x3F6A]  }
0x29: {  	s4 =	sld [smem:$0x3F6C]  }
0x2a: {  	p0 =	seq.s32 s5, $0x0;
	s5 =	sld [smem:$0x3F6D]  }
0x2b: {  	s6 =	sld [smem:$0x3F6E]  }
0x2c: {  	s7 =	sld [smem:$0x3F6F]  }
0x2d: {  	s3 =	simm.s32 $0x108;
	s8 =	sld [smem:$0x3F70]  }
0x2e: {  	s3 =	simm.s32 @!p0 $0x1082;
	s9 =	sld [smem:$0x3F71]  }
0x2f: {  	lr =	sadd.s32 s0, s3;
	s0 =	sld [smem:$0x3F68]  }
0x30: {  	s3 =	sld [smem:$0x3F6B]  }
0x31: {  	[smem:$0x3F74] =	sst s10  }
0x32: {  	s10 =	sld [smem:$0x3F72];
	_ =	sdelay $0x3  }
0x33: {  	p0 =	seq.s32 s10, $0x1;
	s10 =	sld [smem:$0x3F74];
	_ =	sdelay $0x3  }
0x34: {  	[smem:$0x3F74] =	sst s10  }
0x35: {  	s10 =	sld [smem:$0x3F73];
	_ =	sdelay $0x3  }
0x36: {  	p1 =	seq.s32 s10, $0x1;
	s10 =	sld [smem:$0x3F74];
	_ =	sdelay $0x3  }
0x37: {  	[smem:$0x3F74] =	sst s10  }
0x38: {  	s10 =	sld [smem:$0x3F75]  }
0x39: {  	_ = 	snop;
	(pc) =	sbr.ind lr, $3  }
0x3a: {  	_ = 	snop  }
0x3b: {  	_ = 	snop  }
0x3c: {  	p2 =	seq.s32 s10, $0x1;
	s10 =	sld [smem:$0x3F74]  }
0x3d: {  	_ =	shalt  }
0x3e: {  	_ =	shalt  }
0x3f: {  	_ =	shalt  }
0x40: {  	_ =	shalt  }
0x41: {  	_ =	shalt  }
0x42: {  	_ =	shalt  }
0x43: {  	_ =	shalt  }
0x44: {  	_ =	shalt  }
0x45: {  	_ =	shalt  }
0x46: {  	_ =	shalt  }
0x47: {  	_ =	shalt  }
0x48: {  	_ =	shalt  }
0x49: {  	_ =	shalt  }
0x4a: {  	_ =	shalt  }
0x4b: {  	_ =	shalt  }
0x4c: {  	_ =	shalt  }
0x4d: {  	_ =	shalt  }
0x4e: {  	_ =	shalt  }
0x4f: {  	_ =	shalt  }
0x50: {  	_ =	shalt  }
0x51: {  	_ =	shalt  }
0x52: {  	_ =	shalt  }
0x53: {  	_ =	shalt  }
0x54: {  	_ =	shalt  }
0x55: {  	_ =	shalt  }
0x56: {  	_ =	shalt  }
0x57: {  	_ =	shalt  }
0x58: {  	_ =	shalt  }
0x59: {  	_ =	shalt  }
0x5a: {  	_ =	shalt  }
0x5b: {  	_ =	shalt  }
0x5c: {  	_ =	shalt  }
0x5d: {  	_ =	shalt  }
0x5e: {  	_ =	shalt  }
0x5f: {  	_ =	shalt  }
0x60: {  	_ =	shalt  }
0x61: {  	_ =	shalt  }
0x62: {  	_ =	shalt  }
0x63: {  	_ =	shalt  }
0x64: {  	_ =	shalt  }
0x65: {  	_ =	shalt  }
0x66: {  	_ =	shalt  }
0x67: {  	_ =	shalt  }
0x68: {  	_ =	shalt  }
0x69: {  	_ =	shalt  }
0x6a: {  	_ =	shalt  }
0x6b: {  	_ =	shalt  }
0x6c: {  	_ =	shalt  }
0x6d: {  	_ =	shalt  }
0x6e: {  	_ =	shalt  }
0x6f: {  	_ =	shalt  }
0x70: {  	_ =	shalt  }
0x71: {  	_ =	shalt  }
0x72: {  	_ =	shalt  }
0x73: {  	_ =	shalt  }
0x74: {  	_ =	shalt  }
0x75: {  	_ =	shalt  }
0x76: {  	_ =	shalt  }
0x77: {  	_ =	shalt  }
0x78: {  	_ =	shalt  }
0x79: {  	_ =	shalt  }
0x7a: {  	_ =	shalt  }
0x7b: {  	_ =	shalt  }
0x7c: {  	_ =	shalt  }
0x7d: {  	_ =	shalt  }
0x7e: {  	_ =	shalt  }
0x7f: {  	_ =	shalt  }
0x80: {  	_ =	shalt  }
0x81: {  	_ =	shalt  }
0x82: {  	_ =	shalt  }
0x83: {  	_ =	shalt  }
0x84: {  	_ =	shalt  }
0x85: {  	_ =	shalt  }
0x86: {  	_ =	shalt  }
0x87: {  	_ =	shalt  }
.Lfunc_end0:
.L_simem_size_0:
called_computation.2_lowered:
.L_overlay_start_0:
0x88: {  	s2 =	sld [smem:$0x3FD9]  }
0x89: {  	s3 =	sld [smem:$0x3FFE];
	_ =	sdelay $0x1  }
0x8a: {  	s1 =	srdreg.scid  }
0x8b: {  	s0 =	sand.u32 $0x1, s1  }
0x8c: {  	s17 =	sshll.u32 s0, $0xA;
	s2 =	sadd.s32 s3, s2  }
0x8d: {  	s2 =	sadd.s32 s2, s17  }
0x8e: {  	[smem:$0x3F80] =	sst s2  }
0x8f: {  	_ = 	snop  }
0x90: {  	(tm) =	ssettm $0x1  }
0x91: {  	s18 =	sld [smem:$0x3FFB];
	_ =	sdelay $0x3  }
0x92: {  	_ =	strace s18  }
0x93: {  	s2 =	sld [smem:$0x3FFC];
	_ =	sdelay $0x3  }
0x94: {  	_ =	strace s2  }
0x95: {  	s2 =	sld [smem:$0x3FFD];
	_ =	sdelay $0x3  }
0x96: {  	_ =	strace s2  }
0x97: {  	_ =	strace $0x8FFFFFFF  }
0x98: {  	s19 =	sld [smem:$0x3FDB];
	_ =	sdelay $0x1  }
0x99: {  	s20 =	simm.s32 $_scs_section_size  }
0x9a: {  	s4 =	simm.s32 $_size__tile_overlayer_lowered;
	s5 =	simm.s32 $_tile_overlayer_lowered  }
0x9b: {  	s6 =	simm.s32 $0x1BFF;
	s21 =	sshll.u32 s5, $0x1;
	s3 =	sadd.s32 s20, s19  }
0x9c: {  	s22 =	simm.s32 $0x0;
	s4 =	sshll.u32 s4, $0x1;
	s5 =	sadd.s32 s21, s3  }
0x9d: {  	[timem:s22], [sflag:s6] =	dma.local [hbm:s5], s4  }
0x9e: {  	_ =	swait.ge [sflag:s6], s4  }
0x9f: {  	s4 =	ssub.s32 $0x0, s4;
	[sflag:s6] =	ssyncset.done $0x0  }
0xa0: {  	[sflag:s6] =	ssyncadd.s32 s4;
	_ =	sdelay $0x1  }
0xa1: {  	s23 =	simm.s32 $0x1B8B  }
0xa2: {  	_ =	swait.ge [sflag:s23], $0x1  }
0xa3: {  	[sflag:s23] =	ssyncset.done $0x0  }
0xa4: {  	[sflag:s23] =	ssyncadd.s32 $0xFFFFFFFF  }
0xa5: {  	s4 =	sld [smem:$0x0]  }
0xa6: {  	s5 =	sand.u32 $0xFFFFFFFE, s1  }
0xa7: {  	p0 =	sne.s32 s1, s5  }
0xa8: {  	s5 =	sshll.u32 @p0 s5, $0xE  }
0xa9: {  	s5 =	sadd.s32 @p0 $0x11B8D, s5;
	s6 =	sshll.u32 @p0 s4, $0x11  }
0xaa: {  	s5 =	sor.u32 @p0 s6, s5  }
0xab: {  	[sflag:s5] =	ssyncadd.remote.s32 @p0 $0x1;
	_ =	sdelay $0x1  }
0xac: {  	s5 =	simm.s32 @p0 $0x1B8D  }
0xad: {  	_ =	swait.eq @p0 [sflag:s5], $0x1  }
0xae: {  	[sflag:s5] =	ssyncadd.s32 @p0 $0xFFFFFFFF  }
0xaf: {  	s6 =	sshll.u32 @!p0 s1, $0xE  }
0xb0: {  	s6 =	sor.u32 @!p0 $0x4000, s6;
	s5 =	simm.s32 @!p0 $0x1B8D  }
0xb1: {  	s4 =	sshll.u32 @!p0 s4, $0x11;
	s6 =	sadd.s32 @!p0 $0x11B8D, s6;
	_ =	swait.eq @!p0 [sflag:s5], $0x1  }
0xb2: {  	s4 =	sor.u32 @!p0 s4, s6;
	[sflag:s5] =	ssyncadd.s32 @!p0 $0xFFFFFFFF  }
0xb3: {  	s25 =	simm.s32 $0x1B8E;
	s24 =	sld [smem:$0x3FFE];
	[sflag:s4] =	ssyncadd.remote.s32 @!p0 $0x1  }
0xb4: {  	s26 =	simm.s32 $execute0_lowered;
	[smem:$0x3FD2] =	sst s25  }
0xb5: {  	s5 =	sshll.u32 s26, $0x1;
	_ =	strace $0x80000055;
	[dreg:$0x1] =	wrdreg $0xFFFFFFFF  }
0xb6: {  	s28 =	simm.s32 $_size_execute0_lowered;
	s3 =	sadd.s32 s3, s5;
	[dreg:$0x0] =	wrdreg $0x0  }
0xb7: {  	s5 =	sshll.u32 s28, $0x1;
	[dreg:$0x2] =	wrdreg s3  }
0xb8: {  	[dreg:$0x3] =	wrdreg s5  }
0xb9: {  	[dreg:$0x4] =	wrdreg $0xC0  }
0xba: {  	_ =	task [dreg:s22], $0x5FFFF  }
0xbb: {  	[dreg:$0x1] =	wrdreg $0xFFFFFFFF  }
0xbc: {  	[dreg:$0x0] =	wrdreg $0x60  }
0xbd: {  	[dreg:$0x2] =	wrdreg s24  }
0xbe: {  	[dreg:$0x3] =	wrdreg $0x90000  }
0xbf: {  	[dreg:$0x4] =	wrdreg $0x9  }
0xc0: {  	_ =	task.clear_ibuf [dreg:s22], $0x5FFFF;
	_ =	strace $0x90000055  }
0xc1: {  	s29 =	simm.s32 $0x9;
	_ =	strace $0x80000057  }
0xc2: {  	_ =	swait.ge [sflag:s29], $0x1  }
0xc3: {  	[sflag:s29] =	ssyncadd.s32 $0xFFFFFFFF  }
0xc4: {  	_ =	strace $0x90000057  }
0xc5: {  	_ =	sfence  }
0xc6: {  	s30 =	sld [smem:$0x0];
	_ =	sdelay $0x2  }
0xc7: {  	s31 =	sshll.u32 s1, $0xD;
	s1 =	sshrl.u32 s1, $0x2  }
0xc8: {  	s4 =	sand.u32 $0x4000, s31;
	s1 =	sadd.s32 s1, s30  }
0xc9: {  	s0 =	sor.u32 s4, s0;
	s1 =	sshll.u32 s1, $0x11  }
0xca: {  	s0 =	sor.u32 s1, s0  }
0xcb: {  	s0 =	sadd.s32 $0x8F2B, s0  }
0xcc: {  	[sflag:s0] =	ssyncadd.remote.s32 $0x1  }
0xcd: {  	_ =	sfence.sel $0xFFFF  }
0xce: {  	[dreg:$0x0] =	wrdreg $0xFFFFFFFF;
	(pc) =	sbr.abs _section_cstart, $3  }
0xcf: {  	[dreg:$0x1] =	wrdreg $0xFFFFFFFF  }
0xd0: {  	_ =	task.clear_ibuf [dreg:s22], $0x2FFFF;
	_ =	strace $0x9FFFFFFF  }
0xd1: {  	(tm) =	ssettm $0x7FFFFFFF  }
tec
execute0_lowered:
.L_overlay_start_1:
0x0: {  	(tag) =	ssettag $0x1  }
0x1: {  	s7 =	rddreg [dreg:$0x0]  }
0x2: {  	s1 =	rddreg [dreg:$0x1]  }
0x3: {  	s0 =	rddreg [dreg:$0x2];
	s2 =	simm.s32 $0x0;
	s22 =	stileid.u32  }
0x4: {  	s6 =	srdreg.scid;
	s17 =	simm.s32 $0x80;
	s18 =	simm.s32 $0x5000  }
0x5: {  	s19 =	simm.s32 $0x1;
	[smem:$0x7FF] =	sst s2;
	s5 =	smul.u32 $0x500, s22  }
0x6: {  	s3 =	sadd.s32 $0x7B600, s7;
	s4 =	sadd.s32 $0x117E00, s7;
	s11 =	smul.u32 $0x4F000, s22  }
0x7: {  	s9 =	sand.u32 $0x1, s6;
	s6 =	sadd.s32 $0x13F000, s7;
	s14 =	smul.u32 $0x4E000, s22  }
0x8: {  	s13 =	sshll.u32 s22, $0x6;
	s31 =	smul.u32 $0x2700, s22;
	s21 =	sadd.s32 $0x138000, s1  }
0x9: {  	p1 =	sne.s32 s22, $0x0;
	p2 =	seq.s32 s22, $0x0;
	s22 =	simm.s32 $0x0  }
0xa: {  	_ =	strace $0x80000056;
	s8 =	ssub.s32 $0x2, s9;
	p0 =	seq.s32 s9, $0x1  }
0xb: {  	s21 =	sshrl.u32 s21, $0x3;
	s10 =	sadd.s32 s5, s7;
	s5 =	sadd.s32 $0x20A00, s7  }
0xc: {  	s7 =	sadd.s32 $0x18D400, s7;
	s12 =	sshrl.u32 s8, $0x1;
	s11 =	sshrl.u32 s11, $0x2  }
.Ltmp0:
0xd: {  	s30 =	sshrl.u32 s14, $0x2;
	s15 =	ssub.s32 s8, s12;
	(pc) =	sbr.rel .LBB2_1-.Ltmp0, $4  }
0xe: {  	s16 =	sadd.s32 s11, s1;
	s8 =	sor.u32 $0x1C02, s13;
	s9 =	sadd.s32 $0x76600, s10  }
0xf: {  	s10 =	sadd.s32 $0x71600, s10;
	s20 =	sadd.s32 s30, s1;
	s11 =	sadd.s32 s6, s31  }
0x10: {  	s12 =	sadd.s32 s7, s31;
	s13 =	smax.u32 s15, $0x1;
	s14 =	sshrl.u32 s16, $0x3  }
0x11: {  	s15 =	simm.s32 $0x2;
	s16 =	simm.s32 $0x2800;
	s20 =	sshrl.u32 s20, $0x3  }
.LBB2_8:
0x12: {  	s23 =	sadd.s32 $0x27000, s23  }
0x13: {  	[hbm:s23], [sflag:s8] =	dma.local [spmem:s21], $0x100  }
0x14: {  	_ =	swait.ge [sflag:s15], $0x100  }
0x15: {  	[sflag:s15] =	ssyncset.done $0x0  }
0x16: {  	[sflag:s15] =	ssyncadd.s32 $0xFFFFFF00  }
.LBB2_9:
0x17: {  	s22 =	sadd.s32 $0x1, s22  }
0x18: {  	p3 =	sne.s32 s22, s13  }
.Ltmp1:
0x19: {  	_ = 	snop;
	(pc) =	sbr.rel @!p3 .LBB2_10-.Ltmp1, $1  }
0x1a: {  	_ =	sdelay $0x3  }
.LBB2_1:
0x1b: {  	[spmem:s14], [sflag:s8] =	dma.local [hbm:s5], $0x2780  }
0x1c: {  	_ =	swait.ge [sflag:s15], $0x2780  }
0x1d: {  	[sflag:s15] =	ssyncset.done $0x0  }
0x1e: {  	[sflag:s15] =	ssyncadd.s32 $0xFFFFD880  }
0x1f: {  	[bflag:$0x0] =	sbarrier.arrive $0xFFFF  }
0x20: {  	[tilespmem:s2], [sflag:$0x2] =	stream.linear.gather [hbm4b:s9+s2], $0x2800, $0x38;
	[tilespmem:$0x1CC00] =	vst v63  }
0x21: {  	_ =	swait.ge [sflag:s15], $0x2800  }
0x22: {  	[sflag:s15] =	ssyncset.done $0x0  }
.Ltmp2:
0x23: {  	[sflag:s15] =	ssyncadd.s32 $0xFFFFD800;
	(pc) =	sbr.rel @!p0 .LBB2_2-.Ltmp2, $4  }
0x24: {  	[tilespmem:s16], [sflag:$0x2] =	stream.linear.gather [hbm4b:s10+s2], $0x2800, $0x38;
	[tilespmem:$0x1CC00] =	vst v63  }
0x25: {  	_ =	swait.ge [sflag:s15], $0x2800  }
0x26: {  	[sflag:s15] =	ssyncset.done $0x0  }
0x27: {  	s23 =	simm.s32 $0x0;
	[sflag:s15] =	ssyncadd.s32 $0xFFFFD800  }
0x28: {  	[tilespmem:s18], [sflag:$0x1] =	stream.indirect.gather [hbm4b:s4+s17], $0x80, s23, s17, $0xb8;
	[tilespmem:$0x1CC00] =	vst v63  }
0x29: {  	_ =	swait.ge [sflag:s19], $0x4000  }
0x2a: {  	[sflag:s19] =	ssyncset.done $0x0  }
0x2b: {  	s31 =	simm.s32 $0x2800;
	[sflag:s19] =	ssyncadd.s32 $0xFFFFC000  }
0x2c: {  	[spmem:s1] =	stream.indirect.scatter.add.f32 [tilespmem:s18], [sflag:$0x2], $0x80, s31, s17, $0xb8;
	[tilespmem:$0x1CC00] =	vst v63  }
0x2d: {  	_ =	swait.ge [sflag:s15], $0x4000  }
0x2e: {  	s23 =	simm.s32 $0x200;
	s24 =	simm.s32 $0x400;
	[sflag:s15] =	ssyncset.done $0x0  }
.LBB2_6:
0x2f: {  	s25 =	sshra.s32 s23, $0x2  }
0x30: {  	[sflag:s15] =	ssyncadd.s32 $0xFFFFC000;
	s23 =	smov.u32 s24;
	s26 =	sadd.s32 $0x200, s24  }
0x31: {  	[tilespmem:s18], [sflag:$0x1] =	stream.indirect.gather [hbm4b:s4+s17], $0x80, s25, s17, $0xb8;
	[tilespmem:$0x1CC00] =	vst v63  }
0x32: {  	p3 =	sne.s32 s24, $0x9E00;
	_ =	swait.ge [sflag:s19], $0x4000  }
.Ltmp3:
0x33: {  	[sflag:s19] =	ssyncset.done $0x0;
	(pc) =	sbr.rel @p3 .LBB2_6-.Ltmp3, $4  }
0x34: {  	s24 =	sadd.s32 $0x2800, s25;
	[sflag:s19] =	ssyncadd.s32 $0xFFFFC000  }
0x35: {  	[spmem:s1] =	stream.indirect.scatter.add.f32 [tilespmem:s18], [sflag:$0x2], $0x80, s24, s17, $0xb8;
	[tilespmem:$0x1CC00] =	vst v63  }
0x36: {  	_ =	swait.ge [sflag:s15], $0x4000  }
0x37: {  	s24 =	smov.u32 s26;
	[sflag:s15] =	ssyncset.done $0x0  }
0x38: {  	s23 =	sshra.s32 s23, $0x2;
	[sflag:s15] =	ssyncadd.s32 $0xFFFFC000  }
0x39: {  	[tilespmem:s18], [sflag:$0x1] =	stream.indirect.gather [hbm4b:s4+s17], $0x80, s23, s17, $0xb8;
	[tilespmem:$0x1CC00] =	vst v63  }
0x3a: {  	_ =	swait.ge [sflag:s19], $0x4000  }
0x3b: {  	[sflag:s19] =	ssyncset.done $0x0  }
0x3c: {  	s23 =	sadd.s32 $0x2800, s23;
	[sflag:s19] =	ssyncadd.s32 $0xFFFFC000  }
0x3d: {  	[spmem:s1] =	stream.indirect.scatter.add.f32 [tilespmem:s18], [sflag:$0x2], $0x80, s23, s17, $0xb8;
	[tilespmem:$0x1CC00] =	vst v63  }
0x3e: {  	_ =	swait.ge [sflag:s15], $0x4000  }
0x3f: {  	[sflag:s15] =	ssyncset.done $0x0  }
0x40: {  	[sflag:s15] =	ssyncadd.s32 $0xFFFFC000  }
0x41: {  	[bflag:$0x0] =	sbarrier.arrive $0xFFFF  }
0x42: {  	[hbm:s12], [sflag:s8] =	dma.local [spmem:s20], $0x2700  }
.Ltmp4:
0x43: {  	_ = 	snop;
	(pc) =	sbr.rel @p1 .LBB2_9-.Ltmp4, $4  }
.Ltmp5:
0x44: {  	_ = 	snop;
	(pc) =	sbr.rel @!p1 .LBB2_8-.Ltmp5, $4  }
0x45: {  	_ =	swait.ge [sflag:s15], $0x2700  }
0x46: {  	[sflag:s15] =	ssyncset.done $0x0  }
0x47: {  	s23 =	smov.u32 s7;
	[sflag:s15] =	ssyncadd.s32 $0xFFFFD900  }
0x48: {  	_ = 	snop  }
.LBB2_2:
0x49: {  	[tilespmem:s18], [sflag:$0x1] =	stream.indirect.gather [hbm4b:s3+s17], $0x80, s23, s17, $0xb8;
	[tilespmem:$0x1CC00] =	vst v63  }
0x4a: {  	_ =	swait.ge [sflag:s19], $0x4000  }
0x4b: {  	[sflag:s19] =	ssyncset.done $0x0  }
0x4c: {  	s31 =	simm.s32 $0x2800;
	[sflag:s19] =	ssyncadd.s32 $0xFFFFC000  }
0x4d: {  	[spmem:s1] =	stream.indirect.scatter.add.f32 [tilespmem:s18], [sflag:$0x2], $0x80, s31, s17, $0xb8;
	[tilespmem:$0x1CC00] =	vst v63  }
0x4e: {  	_ =	swait.ge [sflag:s15], $0x4000  }
0x4f: {  	s23 =	simm.s32 $0x200;
	s24 =	simm.s32 $0x400;
	[sflag:s15] =	ssyncset.done $0x0  }
.LBB2_3:
0x50: {  	s25 =	sshra.s32 s23, $0x2  }
0x51: {  	[sflag:s15] =	ssyncadd.s32 $0xFFFFC000;
	s23 =	smov.u32 s24;
	s26 =	sadd.s32 $0x200, s24  }
0x52: {  	[tilespmem:s18], [sflag:$0x1] =	stream.indirect.gather [hbm4b:s3+s17], $0x80, s25, s17, $0xb8;
	[tilespmem:$0x1CC00] =	vst v63  }
0x53: {  	p3 =	sne.s32 s24, $0x9E00;
	_ =	swait.ge [sflag:s19], $0x4000  }
.Ltmp6:
0x54: {  	[sflag:s19] =	ssyncset.done $0x0;
	(pc) =	sbr.rel @p3 .LBB2_3-.Ltmp6, $4  }
0x55: {  	s24 =	sadd.s32 $0x2800, s25;
	[sflag:s19] =	ssyncadd.s32 $0xFFFFC000  }
0x56: {  	[spmem:s1] =	stream.indirect.scatter.add.f32 [tilespmem:s18], [sflag:$0x2], $0x80, s24, s17, $0xb8;
	[tilespmem:$0x1CC00] =	vst v63  }
0x57: {  	_ =	swait.ge [sflag:s15], $0x4000  }
0x58: {  	s24 =	smov.u32 s26;
	[sflag:s15] =	ssyncset.done $0x0  }
0x59: {  	s23 =	sshra.s32 s23, $0x2;
	[sflag:s15] =	ssyncadd.s32 $0xFFFFC000  }
0x5a: {  	[tilespmem:s18], [sflag:$0x1] =	stream.indirect.gather [hbm4b:s3+s17], $0x80, s23, s17, $0xb8;
	[tilespmem:$0x1CC00] =	vst v63  }
0x5b: {  	_ =	swait.ge [sflag:s19], $0x4000  }
0x5c: {  	[sflag:s19] =	ssyncset.done $0x0  }
0x5d: {  	s23 =	sadd.s32 $0x2800, s23;
	[sflag:s19] =	ssyncadd.s32 $0xFFFFC000  }
0x5e: {  	[spmem:s1] =	stream.indirect.scatter.add.f32 [tilespmem:s18], [sflag:$0x2], $0x80, s23, s17, $0xb8;
	[tilespmem:$0x1CC00] =	vst v63  }
0x5f: {  	_ =	swait.ge [sflag:s15], $0x4000  }
0x60: {  	[sflag:s15] =	ssyncset.done $0x0  }
0x61: {  	[sflag:s15] =	ssyncadd.s32 $0xFFFFC000  }
0x62: {  	[bflag:$0x0] =	sbarrier.arrive $0xFFFF  }
0x63: {  	[hbm:s11], [sflag:s8] =	dma.local [spmem:s20], $0x2700  }
.Ltmp7:
0x64: {  	_ = 	snop;
	(pc) =	sbr.rel @!p2 .LBB2_9-.Ltmp7, $4  }
.Ltmp8:
0x65: {  	_ = 	snop;
	(pc) =	sbr.rel @p2 .LBB2_8-.Ltmp8, $4  }
0x66: {  	_ =	swait.ge [sflag:s15], $0x2700  }
0x67: {  	[sflag:s15] =	ssyncset.done $0x0  }
0x68: {  	s23 =	smov.u32 s6;
	[sflag:s15] =	ssyncadd.s32 $0xFFFFD900  }
0x69: {  	_ = 	snop  }
.LBB2_10:
0x6a: {  	_ =	sfence.sel $0x180000  }
0x6b: {  	[bflag:$0x0] =	sbarrier.arrive $0xFFFF  }
0x6c: {  	_ =	strace $0x90000056  }
0x6d: {  	s0 =	sadd.s32 @!p1 $0x100000, s0;
	[bflag:$0x2] =	sbarrier.arrive $0xFFFF  }
0x6e: {  	[sflag:s0] =	ssyncadd.tile.s32 @!p1 $0x1;
	_ =	shalt  }
.Lfunc_end2:
_tile_overlayer_lowered:
.L_overlay_start_2:
0x6f: {  	(tag) =	ssettag $0x2  }
0x70: {  	s0 =	rddreg [dreg:$0x0];
	s2 =	stileid.u32  }
0x71: {  	s1 =	rddreg [dreg:$0x1];
	p0 =	sne.s32 s2, $0x0  }
0x72: {  	s3 =	rddreg [dreg:$0x2];
	[bflag:$0x3] =	sbarrier.arrive $0xFFFF;
	s2 =	simm.s32 @!p0 $0x1C02  }
0x73: {  	[timem:s3], [sflag:s2] =	dma.local @!p0 [hbm:s0], s1  }
0x74: {  	s0 =	simm.s32 @!p0 $0x2  }
0x75: {  	_ =	swait.ge @!p0 [sflag:s0], s1  }
0x76: {  	s1 =	ssub.s32 @!p0 $0x0, s1;
	[sflag:s0] =	ssyncset.done @!p0 $0x0  }
0x77: {  	[sflag:s0] =	ssyncadd.s32 @!p0 s1  }
0x78: {  	[bflag:$0x3] =	sbarrier.arrive $0xFFFF  }
0x79: {  	_ =	shalt  }

// kernel: kernel.48.cloned.1.call-start
scs
__scs_entry_jumppad:
0x0: {  	(pc) =	sbr.rel $0x88, $3  }
0x1: {  	(tag) =	ssettag $0x0;
	lr =	simm.s32 $0x1  }
0x2: {  	[smem:$0x3F59] =	sst lr;
	_ =	strace $0xD0000000  }
0x3: {  	_ = 	snop  }
0x4: {  	_ = 	snop  }
0x5: {  	_ = 	snop  }
0x6: {  	_ = 	snop  }
0x7: {  	_ = 	snop  }
__scs_overlays_trampoline_lowered:
0x8: {  	[smem:$0x3F68] =	sst s0  }
0x9: {  	[smem:$0x3F69] =	sst s1  }
0xa: {  	[smem:$0x3F6A] =	sst s2  }
0xb: {  	[smem:$0x3F6B] =	sst s3  }
0xc: {  	[smem:$0x3F6C] =	sst s4  }
0xd: {  	[smem:$0x3F6D] =	sst s5  }
0xe: {  	[smem:$0x3F6E] =	sst s6  }
0xf: {  	[smem:$0x3F6F] =	sst s7  }
0x10: {  	[smem:$0x3F70] =	sst s8  }
0x11: {  	[smem:$0x3F71] =	sst s9;
	s0 =	simm.s32 @!p0 $0x0  }
0x12: {  	s1 =	sld [smem:$0x3F57];
	s0 =	simm.s32 @p0 $0x1  }
0x13: {  	[smem:$0x3F72] =	sst s0;
	s0 =	simm.s32 @!p1 $0x0  }
0x14: {  	s2 =	sld [smem:$0x3F56];
	s0 =	simm.s32 @p1 $0x1  }
0x15: {  	[smem:$0x3F73] =	sst s0;
	s0 =	simm.s32 @!p2 $0x0  }
0x16: {  	s3 =	sld [smem:$0x3FDB];
	s0 =	simm.s32 @p2 $0x1  }
0x17: {  	s4 =	simm.s32 $0x1BF5;
	[smem:$0x3F75] =	sst s0  }
0x18: {  	s0 =	sld [smem:$0x3F58];
	_ =	swait.ge [sflag:s4], $0x0  }
0x19: {  	s7 =	sld [smem:$0x3F59]  }
0x1a: {  	s8 =	sadd.s32 $0xFFFFE003, lr  }
0x1b: {  	s9 =	sadd.s32 $0xFFFFFEF7, lr;
	s5 =	simm.s32 $0xFFFFFFFF;
	p2 =	slt.u32 s8, $0xFFFFF086  }
0x1c: {  	p1 =	slt.u32 s9, $0xF7A;
	s5 =	simm.s32 @!p2 $0x0  }
0x1d: {  	s5 =	simm.s32 @p1 $0x1;
	p0 =	seq.s32 s7, s2  }
0x1e: {  	s7 =	smul.u32 @!p0 $0xF7A, s2;
	p2 =	seq.s32 @!p0 s5, $0x0  }
0x1f: {  	s9 =	smul.u32 $0xF7A, s1;
	s8 =	simm.s32 @!p0 $0x1BF5;
	p2 =	por !p2, p0  }
0x20: {  	[sflag:s8] =	ssyncset.s32 @!p0 $0xFFFFF086;
	s6 =	sadd.s32 @!p0 s3, s7;
	s7 =	simm.s32 @!p0 $0x108  }
0x21: {  	s3 =	sadd.s32 s3, s9;
	s6 =	sadd.s32 @!p0 $0x88, s6;
	s7 =	simm.s32 @p2 $0x1082  }
0x22: {  	[simem:s7], [sflag:s8] =	dma.local @!p0 [hbm:s6], $0xF7A  }
0x23: {  	s9 =	sor.u32 $0xD0000000, s2;
	s6 =	simm.s32 $0x108;
	_ =	swait.ge @!p0 [sflag:s8], $0x0  }
0x24: {  	s3 =	sadd.s32 $0x88, s3;
	s6 =	simm.s32 @!p1 $0x1082;
	[sflag:s4] =	ssyncset.s32 $0xFFFFF086  }
0x25: {  	[simem:s6], [sflag:s4] =	dma.local [hbm:s3], $0xF7A  }
0x26: {  	[smem:$0x3F59] =	sst s1;
	(tag) =	ssettag s2;
	_ =	strace s9  }
0x27: {  	s1 =	sld [smem:$0x3F69]  }
0x28: {  	s2 =	sld [smem:$0x3F6A]  }
0x29: {  	s4 =	sld [smem:$0x3F6C]  }
0x2a: {  	p0 =	seq.s32 s5, $0x0;
	s5 =	sld [smem:$0x3F6D]  }
0x2b: {  	s6 =	sld [smem:$0x3F6E]  }
0x2c: {  	s7 =	sld [smem:$0x3F6F]  }
0x2d: {  	s3 =	simm.s32 $0x108;
	s8 =	sld [smem:$0x3F70]  }
0x2e: {  	s3 =	simm.s32 @!p0 $0x1082;
	s9 =	sld [smem:$0x3F71]  }
0x2f: {  	lr =	sadd.s32 s0, s3;
	s0 =	sld [smem:$0x3F68]  }
0x30: {  	s3 =	sld [smem:$0x3F6B]  }
0x31: {  	[smem:$0x3F74] =	sst s10  }
0x32: {  	s10 =	sld [smem:$0x3F72];
	_ =	sdelay $0x3  }
0x33: {  	p0 =	seq.s32 s10, $0x1;
	s10 =	sld [smem:$0x3F74];
	_ =	sdelay $0x3  }
0x34: {  	[smem:$0x3F74] =	sst s10  }
0x35: {  	s10 =	sld [smem:$0x3F73];
	_ =	sdelay $0x3  }
0x36: {  	p1 =	seq.s32 s10, $0x1;
	s10 =	sld [smem:$0x3F74];
	_ =	sdelay $0x3  }
0x37: {  	[smem:$0x3F74] =	sst s10  }
0x38: {  	s10 =	sld [smem:$0x3F75]  }
0x39: {  	_ = 	snop;
	(pc) =	sbr.ind lr, $3  }
0x3a: {  	_ = 	snop  }
0x3b: {  	_ = 	snop  }
0x3c: {  	p2 =	seq.s32 s10, $0x1;
	s10 =	sld [smem:$0x3F74]  }
0x3d: {  	_ =	shalt  }
0x3e: {  	_ =	shalt  }
0x3f: {  	_ =	shalt  }
0x40: {  	_ =	shalt  }
0x41: {  	_ =	shalt  }
0x42: {  	_ =	shalt  }
0x43: {  	_ =	shalt  }
0x44: {  	_ =	shalt  }
0x45: {  	_ =	shalt  }
0x46: {  	_ =	shalt  }
0x47: {  	_ =	shalt  }
0x48: {  	_ =	shalt  }
0x49: {  	_ =	shalt  }
0x4a: {  	_ =	shalt  }
0x4b: {  	_ =	shalt  }
0x4c: {  	_ =	shalt  }
0x4d: {  	_ =	shalt  }
0x4e: {  	_ =	shalt  }
0x4f: {  	_ =	shalt  }
0x50: {  	_ =	shalt  }
0x51: {  	_ =	shalt  }
0x52: {  	_ =	shalt  }
0x53: {  	_ =	shalt  }
0x54: {  	_ =	shalt  }
0x55: {  	_ =	shalt  }
0x56: {  	_ =	shalt  }
0x57: {  	_ =	shalt  }
0x58: {  	_ =	shalt  }
0x59: {  	_ =	shalt  }
0x5a: {  	_ =	shalt  }
0x5b: {  	_ =	shalt  }
0x5c: {  	_ =	shalt  }
0x5d: {  	_ =	shalt  }
0x5e: {  	_ =	shalt  }
0x5f: {  	_ =	shalt  }
0x60: {  	_ =	shalt  }
0x61: {  	_ =	shalt  }
0x62: {  	_ =	shalt  }
0x63: {  	_ =	shalt  }
0x64: {  	_ =	shalt  }
0x65: {  	_ =	shalt  }
0x66: {  	_ =	shalt  }
0x67: {  	_ =	shalt  }
0x68: {  	_ =	shalt  }
0x69: {  	_ =	shalt  }
0x6a: {  	_ =	shalt  }
0x6b: {  	_ =	shalt  }
0x6c: {  	_ =	shalt  }
0x6d: {  	_ =	shalt  }
0x6e: {  	_ =	shalt  }
0x6f: {  	_ =	shalt  }
0x70: {  	_ =	shalt  }
0x71: {  	_ =	shalt  }
0x72: {  	_ =	shalt  }
0x73: {  	_ =	shalt  }
0x74: {  	_ =	shalt  }
0x75: {  	_ =	shalt  }
0x76: {  	_ =	shalt  }
0x77: {  	_ =	shalt  }
0x78: {  	_ =	shalt  }
0x79: {  	_ =	shalt  }
0x7a: {  	_ =	shalt  }
0x7b: {  	_ =	shalt  }
0x7c: {  	_ =	shalt  }
0x7d: {  	_ =	shalt  }
0x7e: {  	_ =	shalt  }
0x7f: {  	_ =	shalt  }
0x80: {  	_ =	shalt  }
0x81: {  	_ =	shalt  }
0x82: {  	_ =	shalt  }
0x83: {  	_ =	shalt  }
0x84: {  	_ =	shalt  }
0x85: {  	_ =	shalt  }
0x86: {  	_ =	shalt  }
0x87: {  	_ =	shalt  }
.Lfunc_end0:
.L_simem_size_0:
called_computation.3_lowered:
.L_overlay_start_0:
0x88: {  	s2 =	sld [smem:$0x3FD9]  }
0x89: {  	s3 =	sld [smem:$0x3FFE];
	_ =	sdelay $0x1  }
0x8a: {  	s1 =	srdreg.scid  }
0x8b: {  	s0 =	sand.u32 $0x1, s1  }
0x8c: {  	s17 =	sshll.u32 s0, $0xA;
	s2 =	sadd.s32 s3, s2  }
0x8d: {  	s2 =	sadd.s32 s2, s17  }
0x8e: {  	[smem:$0x3F80] =	sst s2  }
0x8f: {  	_ = 	snop  }
0x90: {  	s2 =	sld [smem:$0x3FC6];
	(tm) =	ssettm $0x1  }
0x91: {  	s18 =	sld [smem:$0x3FFB];
	_ =	sdelay $0x3  }
0x92: {  	_ =	strace s18  }
0x93: {  	s3 =	sld [smem:$0x3FFC];
	_ =	sdelay $0x3  }
0x94: {  	_ =	strace s3  }
0x95: {  	s3 =	sld [smem:$0x3FFD];
	_ =	sdelay $0x3  }
0x96: {  	_ =	strace s3  }
0x97: {  	_ =	strace $0x8FFFFFFF  }
0x98: {  	s19 =	sld [smem:$0x3FDB];
	_ =	sdelay $0x1  }
0x99: {  	s4 =	simm.s32 $_scs_section_size  }
0x9a: {  	s5 =	simm.s32 $_size__tile_overlayer_lowered;
	s6 =	simm.s32 $_tile_overlayer_lowered  }
0x9b: {  	s22 =	simm.s32 $0x1BFF;
	s21 =	sshll.u32 s6, $0x1;
	s3 =	sadd.s32 s4, s19  }
0x9c: {  	s7 =	simm.s32 $0x0;
	s20 =	sshll.u32 s5, $0x1;
	s5 =	sadd.s32 s21, s3  }
0x9d: {  	[timem:s7], [sflag:s22] =	dma.local [hbm:s5], s20  }
0x9e: {  	_ =	swait.ge [sflag:s22], s20  }
0x9f: {  	s4 =	ssub.s32 $0x0, s20;
	[sflag:s22] =	ssyncset.done $0x0  }
0xa0: {  	[sflag:s22] =	ssyncadd.s32 s4;
	_ =	sdelay $0x1  }
0xa1: {  	s23 =	simm.s32 $0x1B8B  }
0xa2: {  	_ =	swait.ge [sflag:s23], $0x1  }
0xa3: {  	[sflag:s23] =	ssyncset.done $0x0  }
0xa4: {  	s25 =	simm.s32 $0x1B8E;
	s24 =	sld [smem:$0x3FFE];
	[sflag:s23] =	ssyncadd.s32 $0xFFFFFFFF  }
0xa5: {  	s26 =	simm.s32 $execute0_lowered;
	[smem:$0x3FD2] =	sst s25  }
0xa6: {  	s5 =	sshll.u32 s26, $0x1;
	_ =	strace $0x80000046;
	[dreg:$0x1] =	wrdreg $0xFFFFFFFF  }
0xa7: {  	s28 =	simm.s32 $_size_execute0_lowered;
	s3 =	sadd.s32 s3, s5;
	[dreg:$0x0] =	wrdreg $0x0  }
0xa8: {  	s5 =	sshll.u32 s28, $0x1;
	[dreg:$0x2] =	wrdreg s3  }
0xa9: {  	[dreg:$0x3] =	wrdreg s5  }
0xaa: {  	[dreg:$0x4] =	wrdreg $0xC0  }
0xab: {  	_ =	task [dreg:s7], $0x5FFFF  }
0xac: {  	[dreg:$0x1] =	wrdreg $0xFFFFFFFF  }
0xad: {  	[dreg:$0x0] =	wrdreg $0x60  }
0xae: {  	[dreg:$0x2] =	wrdreg s2  }
0xaf: {  	[dreg:$0x3] =	wrdreg s24  }
0xb0: {  	[dreg:$0x4] =	wrdreg $0x68000  }
0xb1: {  	[dreg:$0x5] =	wrdreg $0xA  }
0xb2: {  	_ =	task.clear_ibuf [dreg:s7], $0x6FFFF;
	_ =	strace $0x90000046  }
0xb3: {  	s29 =	simm.s32 $0xA;
	_ =	strace $0x80000048  }
0xb4: {  	_ =	swait.ge [sflag:s29], $0x1  }
0xb5: {  	[sflag:s29] =	ssyncadd.s32 $0xFFFFFFFF  }
0xb6: {  	_ =	strace $0x90000048  }
0xb7: {  	_ =	sfence  }
0xb8: {  	s30 =	sld [smem:$0x0];
	_ =	sdelay $0x2  }
0xb9: {  	s31 =	sshll.u32 s1, $0xD;
	s1 =	sshrl.u32 s1, $0x2  }
0xba: {  	s3 =	sand.u32 $0x4000, s31;
	s1 =	sadd.s32 s1, s30  }
0xbb: {  	s0 =	sor.u32 s3, s0;
	s1 =	sshll.u32 s1, $0x11  }
0xbc: {  	s0 =	sor.u32 s1, s0  }
0xbd: {  	s0 =	sadd.s32 $0x8F2B, s0  }
0xbe: {  	[sflag:s0] =	ssyncadd.remote.s32 $0x1  }
0xbf: {  	_ =	sfence.sel $0xFFFF  }
0xc0: {  	[dreg:$0x0] =	wrdreg $0xFFFFFFFF;
	(pc) =	sbr.abs _section_cstart, $3  }
0xc1: {  	[dreg:$0x1] =	wrdreg $0xFFFFFFFF  }
0xc2: {  	_ =	task.clear_ibuf [dreg:s7], $0x2FFFF;
	_ =	strace $0x9FFFFFFF  }
0xc3: {  	(tm) =	ssettm $0x7FFFFFFF  }
tec
execute0_lowered:
.L_overlay_start_1:
0x0: {  	(tag) =	ssettag $0x1  }
0x1: {  	s0 =	rddreg [dreg:$0x0]  }
0x2: {  	s1 =	srdreg.scid;
	s6 =	rddreg [dreg:$0x1]  }
0x3: {  	s21 =	stileid.u32;
	s2 =	rddreg [dreg:$0x2];
	s3 =	simm.s32 $0x0  }
0x4: {  	s16 =	simm.s32 $0x80;
	s17 =	simm.s32 $0x2800;
	s18 =	simm.s32 $0x1  }
0x5: {  	s8 =	sand.u32 $0x1, s1;
	[smem:$0x7FF] =	sst s3;
	s10 =	smul.u32 $0x4F000, s21  }
0x6: {  	s5 =	sadd.s32 $0x23200, s6;
	s12 =	sshll.u32 s21, $0x6;
	s13 =	smul.u32 $0x4E000, s21  }
0x7: {  	s31 =	smul.u32 $0x2700, s21;
	s20 =	sadd.s32 $0x138000, s2;
	p1 =	sne.s32 s21, $0x0  }
0x8: {  	p2 =	seq.s32 s21, $0x0;
	s1 =	sshll.u32 s8, $0x4;
	s7 =	ssub.s32 $0x2, s8  }
0x9: {  	p0 =	seq.s32 s8, $0x1;
	s20 =	sshrl.u32 s20, $0x3;
	s4 =	sor.u32 s21, s1  }
0xa: {  	s1 =	rddreg [dreg:$0x3];
	_ =	strace $0x80000047;
	s11 =	sshrl.u32 s7, $0x1  }
0xb: {  	s10 =	sshrl.u32 s10, $0x2;
	s30 =	sshrl.u32 s13, $0x2;
	s21 =	simm.s32 $0x0  }
0xc: {  	s4 =	smul.u32 $0x280, s4;
	s14 =	ssub.s32 s7, s11;
	s15 =	sadd.s32 s10, s2  }
.Ltmp0:
0xd: {  	s7 =	sor.u32 $0x1C02, s12;
	s19 =	sadd.s32 s30, s2;
	(pc) =	sbr.rel .LBB2_1-.Ltmp0, $4  }
0xe: {  	s10 =	sadd.s32 s5, s31;
	s12 =	smax.u32 s14, $0x1;
	s13 =	sshrl.u32 s15, $0x3  }
0xf: {  	s14 =	simm.s32 $0x2;
	s15 =	simm.s32 $0x1400;
	s19 =	sshrl.u32 s19, $0x3  }
0x10: {  	s9 =	sadd.s32 s4, s6;
	s4 =	sadd.s32 $0x20A00, s6;
	s6 =	sadd.s32 $0x4A400, s6  }
0x11: {  	s8 =	sadd.s32 $0x1BA00, s9;
	s9 =	sadd.s32 $0x16A00, s9;
	s11 =	sadd.s32 s6, s31  }
.LBB2_8:
0x12: {  	s22 =	sadd.s32 $0x27000, s22  }
0x13: {  	[hbm:s22], [sflag:s7] =	dma.local [spmem:s20], $0x100  }
0x14: {  	_ =	swait.ge [sflag:s14], $0x100  }
0x15: {  	[sflag:s14] =	ssyncset.done $0x0  }
0x16: {  	[sflag:s14] =	ssyncadd.s32 $0xFFFFFF00  }
.LBB2_9:
0x17: {  	s21 =	sadd.s32 $0x1, s21  }
0x18: {  	p3 =	sne.s32 s21, s12  }
.Ltmp1:
0x19: {  	_ = 	snop;
	(pc) =	sbr.rel @!p3 .LBB2_10-.Ltmp1, $1  }
0x1a: {  	_ =	sdelay $0x3  }
.LBB2_1:
0x1b: {  	[spmem:s13], [sflag:s7] =	dma.local [hbm:s4], $0x2780  }
0x1c: {  	_ =	swait.ge [sflag:s14], $0x2780  }
0x1d: {  	[sflag:s14] =	ssyncset.done $0x0  }
0x1e: {  	[sflag:s14] =	ssyncadd.s32 $0xFFFFD880  }
0x1f: {  	[bflag:$0x0] =	sbarrier.arrive $0xFFFF  }
0x20: {  	[tilespmem:s3], [sflag:$0x2] =	stream.linear.gather [hbm4b:s8+s3], $0x1400, $0x38;
	[tilespmem:$0x1A400] =	vst v63  }
0x21: {  	_ =	swait.ge [sflag:s14], $0x1400  }
0x22: {  	[sflag:s14] =	ssyncset.done $0x0  }
.Ltmp2:
0x23: {  	[sflag:s14] =	ssyncadd.s32 $0xFFFFEC00;
	(pc) =	sbr.rel @!p0 .LBB2_2-.Ltmp2, $4  }
0x24: {  	[tilespmem:s15], [sflag:$0x2] =	stream.linear.gather [hbm4b:s9+s3], $0x1400, $0x38;
	[tilespmem:$0x1A400] =	vst v63  }
0x25: {  	_ =	swait.ge [sflag:s14], $0x1400  }
0x26: {  	[sflag:s14] =	ssyncset.done $0x0  }
0x27: {  	s22 =	simm.s32 $0x0;
	[sflag:s14] =	ssyncadd.s32 $0xFFFFEC00  }
0x28: {  	[tilespmem:s17], [sflag:$0x1] =	stream.indirect.gather [hbm4b:s0+s16], $0x80, s22, s16, $0xb8;
	[tilespmem:$0x1A400] =	vst v63  }
0x29: {  	_ =	swait.ge [sflag:s18], $0x4000  }
0x2a: {  	[sflag:s18] =	ssyncset.done $0x0  }
0x2b: {  	s31 =	simm.s32 $0x1400;
	[sflag:s18] =	ssyncadd.s32 $0xFFFFC000  }
0x2c: {  	[spmem:s2] =	stream.indirect.scatter.add.f32 [tilespmem:s17], [sflag:$0x2], $0x80, s31, s16, $0xb8;
	[tilespmem:$0x1A400] =	vst v63  }
0x2d: {  	_ =	swait.ge [sflag:s14], $0x4000  }
0x2e: {  	s22 =	simm.s32 $0x200;
	s23 =	simm.s32 $0x400;
	[sflag:s14] =	ssyncset.done $0x0  }
.LBB2_6:
0x2f: {  	s24 =	sshra.s32 s22, $0x2  }
0x30: {  	[sflag:s14] =	ssyncadd.s32 $0xFFFFC000;
	s22 =	smov.u32 s23;
	s25 =	sadd.s32 $0x200, s23  }
0x31: {  	[tilespmem:s17], [sflag:$0x1] =	stream.indirect.gather [hbm4b:s0+s16], $0x80, s24, s16, $0xb8;
	[tilespmem:$0x1A400] =	vst v63  }
0x32: {  	p3 =	sne.s32 s23, $0x4E00;
	_ =	swait.ge [sflag:s18], $0x4000  }
.Ltmp3:
0x33: {  	[sflag:s18] =	ssyncset.done $0x0;
	(pc) =	sbr.rel @p3 .LBB2_6-.Ltmp3, $4  }
0x34: {  	s23 =	sadd.s32 $0x1400, s24;
	[sflag:s18] =	ssyncadd.s32 $0xFFFFC000  }
0x35: {  	[spmem:s2] =	stream.indirect.scatter.add.f32 [tilespmem:s17], [sflag:$0x2], $0x80, s23, s16, $0xb8;
	[tilespmem:$0x1A400] =	vst v63  }
0x36: {  	_ =	swait.ge [sflag:s14], $0x4000  }
0x37: {  	s23 =	smov.u32 s25;
	[sflag:s14] =	ssyncset.done $0x0  }
0x38: {  	s22 =	sshra.s32 s22, $0x2;
	[sflag:s14] =	ssyncadd.s32 $0xFFFFC000  }
0x39: {  	[tilespmem:s17], [sflag:$0x1] =	stream.indirect.gather [hbm4b:s0+s16], $0x80, s22, s16, $0xb8;
	[tilespmem:$0x1A400] =	vst v63  }
0x3a: {  	_ =	swait.ge [sflag:s18], $0x4000  }
0x3b: {  	[sflag:s18] =	ssyncset.done $0x0  }
0x3c: {  	s22 =	sadd.s32 $0x1400, s22;
	[sflag:s18] =	ssyncadd.s32 $0xFFFFC000  }
0x3d: {  	[spmem:s2] =	stream.indirect.scatter.add.f32 [tilespmem:s17], [sflag:$0x2], $0x80, s22, s16, $0xb8;
	[tilespmem:$0x1A400] =	vst v63  }
0x3e: {  	_ =	swait.ge [sflag:s14], $0x4000  }
0x3f: {  	[sflag:s14] =	ssyncset.done $0x0  }
0x40: {  	[sflag:s14] =	ssyncadd.s32 $0xFFFFC000  }
0x41: {  	[bflag:$0x0] =	sbarrier.arrive $0xFFFF  }
0x42: {  	[hbm:s11], [sflag:s7] =	dma.local [spmem:s19], $0x2700  }
.Ltmp4:
0x43: {  	_ = 	snop;
	(pc) =	sbr.rel @p1 .LBB2_9-.Ltmp4, $4  }
.Ltmp5:
0x44: {  	_ = 	snop;
	(pc) =	sbr.rel @!p1 .LBB2_8-.Ltmp5, $4  }
0x45: {  	_ =	swait.ge [sflag:s14], $0x2700  }
0x46: {  	[sflag:s14] =	ssyncset.done $0x0  }
0x47: {  	s22 =	smov.u32 s6;
	[sflag:s14] =	ssyncadd.s32 $0xFFFFD900  }
0x48: {  	_ = 	snop  }
.LBB2_2:
0x49: {  	[tilespmem:s17], [sflag:$0x1] =	stream.indirect.gather [hbm4b:s0+s16], $0x80, s22, s16, $0xb8;
	[tilespmem:$0x1A400] =	vst v63  }
0x4a: {  	_ =	swait.ge [sflag:s18], $0x4000  }
0x4b: {  	[sflag:s18] =	ssyncset.done $0x0  }
0x4c: {  	s31 =	simm.s32 $0x1400;
	[sflag:s18] =	ssyncadd.s32 $0xFFFFC000  }
0x4d: {  	[spmem:s2] =	stream.indirect.scatter.add.f32 [tilespmem:s17], [sflag:$0x2], $0x80, s31, s16, $0xb8;
	[tilespmem:$0x1A400] =	vst v63  }
0x4e: {  	_ =	swait.ge [sflag:s14], $0x4000  }
0x4f: {  	s22 =	simm.s32 $0x200;
	s23 =	simm.s32 $0x400;
	[sflag:s14] =	ssyncset.done $0x0  }
.LBB2_3:
0x50: {  	s24 =	sshra.s32 s22, $0x2  }
0x51: {  	[sflag:s14] =	ssyncadd.s32 $0xFFFFC000;
	s22 =	smov.u32 s23;
	s25 =	sadd.s32 $0x200, s23  }
0x52: {  	[tilespmem:s17], [sflag:$0x1] =	stream.indirect.gather [hbm4b:s0+s16], $0x80, s24, s16, $0xb8;
	[tilespmem:$0x1A400] =	vst v63  }
0x53: {  	p3 =	sne.s32 s23, $0x4E00;
	_ =	swait.ge [sflag:s18], $0x4000  }
.Ltmp6:
0x54: {  	[sflag:s18] =	ssyncset.done $0x0;
	(pc) =	sbr.rel @p3 .LBB2_3-.Ltmp6, $4  }
0x55: {  	s23 =	sadd.s32 $0x1400, s24;
	[sflag:s18] =	ssyncadd.s32 $0xFFFFC000  }
0x56: {  	[spmem:s2] =	stream.indirect.scatter.add.f32 [tilespmem:s17], [sflag:$0x2], $0x80, s23, s16, $0xb8;
	[tilespmem:$0x1A400] =	vst v63  }
0x57: {  	_ =	swait.ge [sflag:s14], $0x4000  }
0x58: {  	s23 =	smov.u32 s25;
	[sflag:s14] =	ssyncset.done $0x0  }
0x59: {  	s22 =	sshra.s32 s22, $0x2;
	[sflag:s14] =	ssyncadd.s32 $0xFFFFC000  }
0x5a: {  	[tilespmem:s17], [sflag:$0x1] =	stream.indirect.gather [hbm4b:s0+s16], $0x80, s22, s16, $0xb8;
	[tilespmem:$0x1A400] =	vst v63  }
0x5b: {  	_ =	swait.ge [sflag:s18], $0x4000  }
0x5c: {  	[sflag:s18] =	ssyncset.done $0x0  }
0x5d: {  	s22 =	sadd.s32 $0x1400, s22;
	[sflag:s18] =	ssyncadd.s32 $0xFFFFC000  }
0x5e: {  	[spmem:s2] =	stream.indirect.scatter.add.f32 [tilespmem:s17], [sflag:$0x2], $0x80, s22, s16, $0xb8;
	[tilespmem:$0x1A400] =	vst v63  }
0x5f: {  	_ =	swait.ge [sflag:s14], $0x4000  }
0x60: {  	[sflag:s14] =	ssyncset.done $0x0  }
0x61: {  	[sflag:s14] =	ssyncadd.s32 $0xFFFFC000  }
0x62: {  	[bflag:$0x0] =	sbarrier.arrive $0xFFFF  }
0x63: {  	[hbm:s10], [sflag:s7] =	dma.local [spmem:s19], $0x2700  }
.Ltmp7:
0x64: {  	_ = 	snop;
	(pc) =	sbr.rel @!p2 .LBB2_9-.Ltmp7, $4  }
.Ltmp8:
0x65: {  	_ = 	snop;
	(pc) =	sbr.rel @p2 .LBB2_8-.Ltmp8, $4  }
0x66: {  	_ =	swait.ge [sflag:s14], $0x2700  }
0x67: {  	[sflag:s14] =	ssyncset.done $0x0  }
0x68: {  	s22 =	smov.u32 s5;
	[sflag:s14] =	ssyncadd.s32 $0xFFFFD900  }
0x69: {  	_ = 	snop  }
.LBB2_10:
0x6a: {  	_ =	sfence.sel $0x180000  }
0x6b: {  	[bflag:$0x0] =	sbarrier.arrive $0xFFFF  }
0x6c: {  	_ =	strace $0x90000047  }
0x6d: {  	s0 =	sadd.s32 @!p1 $0x100000, s1;
	[bflag:$0x2] =	sbarrier.arrive $0xFFFF  }
0x6e: {  	[sflag:s0] =	ssyncadd.tile.s32 @!p1 $0x1;
	_ =	shalt  }
.Lfunc_end2:
_tile_overlayer_lowered:
.L_overlay_start_2:
0x6f: {  	(tag) =	ssettag $0x2  }
0x70: {  	s0 =	rddreg [dreg:$0x0];
	s2 =	stileid.u32  }
0x71: {  	s1 =	rddreg [dreg:$0x1];
	p0 =	sne.s32 s2, $0x0  }
0x72: {  	s3 =	rddreg [dreg:$0x2];
	[bflag:$0x3] =	sbarrier.arrive $0xFFFF;
	s2 =	simm.s32 @!p0 $0x1C02  }
0x73: {  	[timem:s3], [sflag:s2] =	dma.local @!p0 [hbm:s0], s1  }
0x74: {  	s0 =	simm.s32 @!p0 $0x2  }
0x75: {  	_ =	swait.ge @!p0 [sflag:s0], s1  }
0x76: {  	s1 =	ssub.s32 @!p0 $0x0, s1;
	[sflag:s0] =	ssyncset.done @!p0 $0x0  }
0x77: {  	[sflag:s0] =	ssyncadd.s32 @!p0 s1  }
0x78: {  	[bflag:$0x3] =	sbarrier.arrive $0xFFFF  }
0x79: {  	_ =	shalt  }

// kernel: kernel.51.cloned.1.call-start
scs
__scs_entry_jumppad:
0x0: {  	(pc) =	sbr.rel $0x88, $3  }
0x1: {  	(tag) =	ssettag $0x0;
	lr =	simm.s32 $0x1  }
0x2: {  	[smem:$0x3F59] =	sst lr;
	_ =	strace $0xD0000000  }
0x3: {  	_ = 	snop  }
0x4: {  	_ = 	snop  }
0x5: {  	_ = 	snop  }
0x6: {  	_ = 	snop  }
0x7: {  	_ = 	snop  }
__scs_overlays_trampoline_lowered:
0x8: {  	[smem:$0x3F68] =	sst s0  }
0x9: {  	[smem:$0x3F69] =	sst s1  }
0xa: {  	[smem:$0x3F6A] =	sst s2  }
0xb: {  	[smem:$0x3F6B] =	sst s3  }
0xc: {  	[smem:$0x3F6C] =	sst s4  }
0xd: {  	[smem:$0x3F6D] =	sst s5  }
0xe: {  	[smem:$0x3F6E] =	sst s6  }
0xf: {  	[smem:$0x3F6F] =	sst s7  }
0x10: {  	[smem:$0x3F70] =	sst s8  }
0x11: {  	[smem:$0x3F71] =	sst s9;
	s0 =	simm.s32 @!p0 $0x0  }
0x12: {  	s1 =	sld [smem:$0x3F57];
	s0 =	simm.s32 @p0 $0x1  }
0x13: {  	[smem:$0x3F72] =	sst s0;
	s0 =	simm.s32 @!p1 $0x0  }
0x14: {  	s2 =	sld [smem:$0x3F56];
	s0 =	simm.s32 @p1 $0x1  }
0x15: {  	[smem:$0x3F73] =	sst s0;
	s0 =	simm.s32 @!p2 $0x0  }
0x16: {  	s3 =	sld [smem:$0x3FDB];
	s0 =	simm.s32 @p2 $0x1  }
0x17: {  	s4 =	simm.s32 $0x1BF5;
	[smem:$0x3F75] =	sst s0  }
0x18: {  	s0 =	sld [smem:$0x3F58];
	_ =	swait.ge [sflag:s4], $0x0  }
0x19: {  	s7 =	sld [smem:$0x3F59]  }
0x1a: {  	s8 =	sadd.s32 $0xFFFFE003, lr  }
0x1b: {  	s9 =	sadd.s32 $0xFFFFFEF7, lr;
	s5 =	simm.s32 $0xFFFFFFFF;
	p2 =	slt.u32 s8, $0xFFFFF086  }
0x1c: {  	p1 =	slt.u32 s9, $0xF7A;
	s5 =	simm.s32 @!p2 $0x0  }
0x1d: {  	s5 =	simm.s32 @p1 $0x1;
	p0 =	seq.s32 s7, s2  }
0x1e: {  	s7 =	smul.u32 @!p0 $0xF7A, s2;
	p2 =	seq.s32 @!p0 s5, $0x0  }
0x1f: {  	s9 =	smul.u32 $0xF7A, s1;
	s8 =	simm.s32 @!p0 $0x1BF5;
	p2 =	por !p2, p0  }
0x20: {  	[sflag:s8] =	ssyncset.s32 @!p0 $0xFFFFF086;
	s6 =	sadd.s32 @!p0 s3, s7;
	s7 =	simm.s32 @!p0 $0x108  }
0x21: {  	s3 =	sadd.s32 s3, s9;
	s6 =	sadd.s32 @!p0 $0x88, s6;
	s7 =	simm.s32 @p2 $0x1082  }
0x22: {  	[simem:s7], [sflag:s8] =	dma.local @!p0 [hbm:s6], $0xF7A  }
0x23: {  	s9 =	sor.u32 $0xD0000000, s2;
	s6 =	simm.s32 $0x108;
	_ =	swait.ge @!p0 [sflag:s8], $0x0  }
0x24: {  	s3 =	sadd.s32 $0x88, s3;
	s6 =	simm.s32 @!p1 $0x1082;
	[sflag:s4] =	ssyncset.s32 $0xFFFFF086  }
0x25: {  	[simem:s6], [sflag:s4] =	dma.local [hbm:s3], $0xF7A  }
0x26: {  	[smem:$0x3F59] =	sst s1;
	(tag) =	ssettag s2;
	_ =	strace s9  }
0x27: {  	s1 =	sld [smem:$0x3F69]  }
0x28: {  	s2 =	sld [smem:$0x3F6A]  }
0x29: {  	s4 =	sld [smem:$0x3F6C]  }
0x2a: {  	p0 =	seq.s32 s5, $0x0;
	s5 =	sld [smem:$0x3F6D]  }
0x2b: {  	s6 =	sld [smem:$0x3F6E]  }
0x2c: {  	s7 =	sld [smem:$0x3F6F]  }
0x2d: {  	s3 =	simm.s32 $0x108;
	s8 =	sld [smem:$0x3F70]  }
0x2e: {  	s3 =	simm.s32 @!p0 $0x1082;
	s9 =	sld [smem:$0x3F71]  }
0x2f: {  	lr =	sadd.s32 s0, s3;
	s0 =	sld [smem:$0x3F68]  }
0x30: {  	s3 =	sld [smem:$0x3F6B]  }
0x31: {  	[smem:$0x3F74] =	sst s10  }
0x32: {  	s10 =	sld [smem:$0x3F72];
	_ =	sdelay $0x3  }
0x33: {  	p0 =	seq.s32 s10, $0x1;
	s10 =	sld [smem:$0x3F74];
	_ =	sdelay $0x3  }
0x34: {  	[smem:$0x3F74] =	sst s10  }
0x35: {  	s10 =	sld [smem:$0x3F73];
	_ =	sdelay $0x3  }
0x36: {  	p1 =	seq.s32 s10, $0x1;
	s10 =	sld [smem:$0x3F74];
	_ =	sdelay $0x3  }
0x37: {  	[smem:$0x3F74] =	sst s10  }
0x38: {  	s10 =	sld [smem:$0x3F75]  }
0x39: {  	_ = 	snop;
	(pc) =	sbr.ind lr, $3  }
0x3a: {  	_ = 	snop  }
0x3b: {  	_ = 	snop  }
0x3c: {  	p2 =	seq.s32 s10, $0x1;
	s10 =	sld [smem:$0x3F74]  }
0x3d: {  	_ =	shalt  }
0x3e: {  	_ =	shalt  }
0x3f: {  	_ =	shalt  }
0x40: {  	_ =	shalt  }
0x41: {  	_ =	shalt  }
0x42: {  	_ =	shalt  }
0x43: {  	_ =	shalt  }
0x44: {  	_ =	shalt  }
0x45: {  	_ =	shalt  }
0x46: {  	_ =	shalt  }
0x47: {  	_ =	shalt  }
0x48: {  	_ =	shalt  }
0x49: {  	_ =	shalt  }
0x4a: {  	_ =	shalt  }
0x4b: {  	_ =	shalt  }
0x4c: {  	_ =	shalt  }
0x4d: {  	_ =	shalt  }
0x4e: {  	_ =	shalt  }
0x4f: {  	_ =	shalt  }
0x50: {  	_ =	shalt  }
0x51: {  	_ =	shalt  }
0x52: {  	_ =	shalt  }
0x53: {  	_ =	shalt  }
0x54: {  	_ =	shalt  }
0x55: {  	_ =	shalt  }
0x56: {  	_ =	shalt  }
0x57: {  	_ =	shalt  }
0x58: {  	_ =	shalt  }
0x59: {  	_ =	shalt  }
0x5a: {  	_ =	shalt  }
0x5b: {  	_ =	shalt  }
0x5c: {  	_ =	shalt  }
0x5d: {  	_ =	shalt  }
0x5e: {  	_ =	shalt  }
0x5f: {  	_ =	shalt  }
0x60: {  	_ =	shalt  }
0x61: {  	_ =	shalt  }
0x62: {  	_ =	shalt  }
0x63: {  	_ =	shalt  }
0x64: {  	_ =	shalt  }
0x65: {  	_ =	shalt  }
0x66: {  	_ =	shalt  }
0x67: {  	_ =	shalt  }
0x68: {  	_ =	shalt  }
0x69: {  	_ =	shalt  }
0x6a: {  	_ =	shalt  }
0x6b: {  	_ =	shalt  }
0x6c: {  	_ =	shalt  }
0x6d: {  	_ =	shalt  }
0x6e: {  	_ =	shalt  }
0x6f: {  	_ =	shalt  }
0x70: {  	_ =	shalt  }
0x71: {  	_ =	shalt  }
0x72: {  	_ =	shalt  }
0x73: {  	_ =	shalt  }
0x74: {  	_ =	shalt  }
0x75: {  	_ =	shalt  }
0x76: {  	_ =	shalt  }
0x77: {  	_ =	shalt  }
0x78: {  	_ =	shalt  }
0x79: {  	_ =	shalt  }
0x7a: {  	_ =	shalt  }
0x7b: {  	_ =	shalt  }
0x7c: {  	_ =	shalt  }
0x7d: {  	_ =	shalt  }
0x7e: {  	_ =	shalt  }
0x7f: {  	_ =	shalt  }
0x80: {  	_ =	shalt  }
0x81: {  	_ =	shalt  }
0x82: {  	_ =	shalt  }
0x83: {  	_ =	shalt  }
0x84: {  	_ =	shalt  }
0x85: {  	_ =	shalt  }
0x86: {  	_ =	shalt  }
0x87: {  	_ =	shalt  }
.Lfunc_end0:
.L_simem_size_0:
called_computation.4_lowered:
.L_overlay_start_0:
0x88: {  	s2 =	sld [smem:$0x3FD9]  }
0x89: {  	s3 =	sld [smem:$0x3FFE];
	_ =	sdelay $0x1  }
0x8a: {  	s1 =	srdreg.scid  }
0x8b: {  	s0 =	sand.u32 $0x1, s1  }
0x8c: {  	s17 =	sshll.u32 s0, $0xA;
	s2 =	sadd.s32 s3, s2  }
0x8d: {  	s2 =	sadd.s32 s2, s17  }
0x8e: {  	[smem:$0x3F80] =	sst s2  }
0x8f: {  	_ = 	snop  }
0x90: {  	(tm) =	ssettm $0x1  }
0x91: {  	s18 =	sld [smem:$0x3FFB];
	_ =	sdelay $0x3  }
0x92: {  	_ =	strace s18  }
0x93: {  	s2 =	sld [smem:$0x3FFC];
	_ =	sdelay $0x3  }
0x94: {  	_ =	strace s2  }
0x95: {  	s2 =	sld [smem:$0x3FFD];
	_ =	sdelay $0x3  }
0x96: {  	_ =	strace s2  }
0x97: {  	_ =	strace $0x8FFFFFFF  }
0x98: {  	s19 =	sld [smem:$0x3FDB];
	_ =	sdelay $0x1  }
0x99: {  	s20 =	simm.s32 $_scs_section_size  }
0x9a: {  	s4 =	simm.s32 $_size__tile_overlayer_lowered;
	s5 =	simm.s32 $_tile_overlayer_lowered  }
0x9b: {  	s6 =	simm.s32 $0x1BFF;
	s21 =	sshll.u32 s5, $0x1;
	s3 =	sadd.s32 s20, s19  }
0x9c: {  	s22 =	simm.s32 $0x0;
	s4 =	sshll.u32 s4, $0x1;
	s5 =	sadd.s32 s21, s3  }
0x9d: {  	[timem:s22], [sflag:s6] =	dma.local [hbm:s5], s4  }
0x9e: {  	_ =	swait.ge [sflag:s6], s4  }
0x9f: {  	s4 =	ssub.s32 $0x0, s4;
	[sflag:s6] =	ssyncset.done $0x0  }
0xa0: {  	[sflag:s6] =	ssyncadd.s32 s4;
	_ =	sdelay $0x1  }
0xa1: {  	s23 =	simm.s32 $0x1B8B  }
0xa2: {  	_ =	swait.ge [sflag:s23], $0x1  }
0xa3: {  	[sflag:s23] =	ssyncset.done $0x0  }
0xa4: {  	[sflag:s23] =	ssyncadd.s32 $0xFFFFFFFF  }
0xa5: {  	s4 =	sld [smem:$0x0]  }
0xa6: {  	s5 =	sand.u32 $0xFFFFFFFE, s1  }
0xa7: {  	p0 =	sne.s32 s1, s5  }
0xa8: {  	s5 =	sshll.u32 @p0 s5, $0xE  }
0xa9: {  	s5 =	sadd.s32 @p0 $0x11B8D, s5;
	s6 =	sshll.u32 @p0 s4, $0x11  }
0xaa: {  	s5 =	sor.u32 @p0 s6, s5  }
0xab: {  	[sflag:s5] =	ssyncadd.remote.s32 @p0 $0x1;
	_ =	sdelay $0x1  }
0xac: {  	s5 =	simm.s32 @p0 $0x1B8D  }
0xad: {  	_ =	swait.eq @p0 [sflag:s5], $0x1  }
0xae: {  	[sflag:s5] =	ssyncadd.s32 @p0 $0xFFFFFFFF  }
0xaf: {  	s6 =	sshll.u32 @!p0 s1, $0xE  }
0xb0: {  	s6 =	sor.u32 @!p0 $0x4000, s6;
	s5 =	simm.s32 @!p0 $0x1B8D  }
0xb1: {  	s4 =	sshll.u32 @!p0 s4, $0x11;
	s6 =	sadd.s32 @!p0 $0x11B8D, s6;
	_ =	swait.eq @!p0 [sflag:s5], $0x1  }
0xb2: {  	s4 =	sor.u32 @!p0 s4, s6;
	[sflag:s5] =	ssyncadd.s32 @!p0 $0xFFFFFFFF  }
0xb3: {  	s25 =	simm.s32 $0x1B8E;
	s24 =	sld [smem:$0x3FFE];
	[sflag:s4] =	ssyncadd.remote.s32 @!p0 $0x1  }
0xb4: {  	s26 =	simm.s32 $execute0_lowered;
	[smem:$0x3FD2] =	sst s25  }
0xb5: {  	s5 =	sshll.u32 s26, $0x1;
	_ =	strace $0x8000004C;
	[dreg:$0x1] =	wrdreg $0xFFFFFFFF  }
0xb6: {  	s28 =	simm.s32 $_size_execute0_lowered;
	s3 =	sadd.s32 s3, s5;
	[dreg:$0x0] =	wrdreg $0x0  }
0xb7: {  	s5 =	sshll.u32 s28, $0x1;
	[dreg:$0x2] =	wrdreg s3  }
0xb8: {  	[dreg:$0x3] =	wrdreg s5  }
0xb9: {  	[dreg:$0x4] =	wrdreg $0xC0  }
0xba: {  	_ =	task [dreg:s22], $0x5FFFF  }
0xbb: {  	[dreg:$0x1] =	wrdreg $0xFFFFFFFF  }
0xbc: {  	[dreg:$0x0] =	wrdreg $0x60  }
0xbd: {  	[dreg:$0x2] =	wrdreg s24  }
0xbe: {  	[dreg:$0x3] =	wrdreg $0x90000  }
0xbf: {  	[dreg:$0x4] =	wrdreg $0xA  }
0xc0: {  	_ =	task.clear_ibuf [dreg:s22], $0x5FFFF;
	_ =	strace $0x9000004C  }
0xc1: {  	s29 =	simm.s32 $0xA;
	_ =	strace $0x8000004E  }
0xc2: {  	_ =	swait.ge [sflag:s29], $0x1  }
0xc3: {  	[sflag:s29] =	ssyncadd.s32 $0xFFFFFFFF  }
0xc4: {  	_ =	strace $0x9000004E  }
0xc5: {  	_ =	sfence  }
0xc6: {  	s30 =	sld [smem:$0x0];
	_ =	sdelay $0x2  }
0xc7: {  	s31 =	sshll.u32 s1, $0xD;
	s1 =	sshrl.u32 s1, $0x2  }
0xc8: {  	s4 =	sand.u32 $0x4000, s31;
	s1 =	sadd.s32 s1, s30  }
0xc9: {  	s0 =	sor.u32 s4, s0;
	s1 =	sshll.u32 s1, $0x11  }
0xca: {  	s0 =	sor.u32 s1, s0  }
0xcb: {  	s0 =	sadd.s32 $0x8F2B, s0  }
0xcc: {  	[sflag:s0] =	ssyncadd.remote.s32 $0x1  }
0xcd: {  	_ =	sfence.sel $0xFFFF  }
0xce: {  	[dreg:$0x0] =	wrdreg $0xFFFFFFFF;
	(pc) =	sbr.abs _section_cstart, $3  }
0xcf: {  	[dreg:$0x1] =	wrdreg $0xFFFFFFFF  }
0xd0: {  	_ =	task.clear_ibuf [dreg:s22], $0x2FFFF;
	_ =	strace $0x9FFFFFFF  }
0xd1: {  	(tm) =	ssettm $0x7FFFFFFF  }
tec
execute0_lowered:
.L_overlay_start_1:
0x0: {  	(tag) =	ssettag $0x1  }
0x1: {  	s7 =	rddreg [dreg:$0x0]  }
0x2: {  	s1 =	rddreg [dreg:$0x1]  }
0x3: {  	s0 =	rddreg [dreg:$0x2];
	s2 =	simm.s32 $0x0;
	s22 =	stileid.u32  }
0x4: {  	s6 =	srdreg.scid;
	s17 =	simm.s32 $0x80;
	s18 =	simm.s32 $0x5000  }
0x5: {  	s19 =	simm.s32 $0x1;
	[smem:$0x7FF] =	sst s2;
	s5 =	smul.u32 $0x500, s22  }
0x6: {  	s3 =	sadd.s32 $0x23200, s7;
	s4 =	sadd.s32 $0x4A400, s7;
	s11 =	smul.u32 $0x4F000, s22  }
0x7: {  	s9 =	sand.u32 $0x1, s6;
	s6 =	sadd.s32 $0xC9A00, s7;
	s14 =	smul.u32 $0x4E000, s22  }
0x8: {  	s13 =	sshll.u32 s22, $0x6;
	s31 =	smul.u32 $0x2700, s22;
	s21 =	sadd.s32 $0x138000, s1  }
0x9: {  	p1 =	sne.s32 s22, $0x0;
	p2 =	seq.s32 s22, $0x0;
	s22 =	simm.s32 $0x0  }
0xa: {  	_ =	strace $0x8000004D;
	s8 =	ssub.s32 $0x2, s9;
	p0 =	seq.s32 s9, $0x1  }
0xb: {  	s21 =	sshrl.u32 s21, $0x3;
	s10 =	sadd.s32 s5, s7;
	s5 =	sadd.s32 $0x20A00, s7  }
0xc: {  	s7 =	sadd.s32 $0xF0C00, s7;
	s12 =	sshrl.u32 s8, $0x1;
	s11 =	sshrl.u32 s11, $0x2  }
.Ltmp0:
0xd: {  	s30 =	sshrl.u32 s14, $0x2;
	s15 =	ssub.s32 s8, s12;
	(pc) =	sbr.rel .LBB2_1-.Ltmp0, $4  }
0xe: {  	s16 =	sadd.s32 s11, s1;
	s8 =	sor.u32 $0x1C02, s13;
	s9 =	sadd.s32 $0x1BA00, s10  }
0xf: {  	s10 =	sadd.s32 $0x16A00, s10;
	s20 =	sadd.s32 s30, s1;
	s11 =	sadd.s32 s6, s31  }
0x10: {  	s12 =	sadd.s32 s7, s31;
	s13 =	smax.u32 s15, $0x1;
	s14 =	sshrl.u32 s16, $0x3  }
0x11: {  	s15 =	simm.s32 $0x2;
	s16 =	simm.s32 $0x2800;
	s20 =	sshrl.u32 s20, $0x3  }
.LBB2_8:
0x12: {  	s23 =	sadd.s32 $0x27000, s23  }
0x13: {  	[hbm:s23], [sflag:s8] =	dma.local [spmem:s21], $0x100  }
0x14: {  	_ =	swait.ge [sflag:s15], $0x100  }
0x15: {  	[sflag:s15] =	ssyncset.done $0x0  }
0x16: {  	[sflag:s15] =	ssyncadd.s32 $0xFFFFFF00  }
.LBB2_9:
0x17: {  	s22 =	sadd.s32 $0x1, s22  }
0x18: {  	p3 =	sne.s32 s22, s13  }
.Ltmp1:
0x19: {  	_ = 	snop;
	(pc) =	sbr.rel @!p3 .LBB2_10-.Ltmp1, $1  }
0x1a: {  	_ =	sdelay $0x3  }
.LBB2_1:
0x1b: {  	[spmem:s14], [sflag:s8] =	dma.local [hbm:s5], $0x2780  }
0x1c: {  	_ =	swait.ge [sflag:s15], $0x2780  }
0x1d: {  	[sflag:s15] =	ssyncset.done $0x0  }
0x1e: {  	[sflag:s15] =	ssyncadd.s32 $0xFFFFD880  }
0x1f: {  	[bflag:$0x0] =	sbarrier.arrive $0xFFFF  }
0x20: {  	[tilespmem:s2], [sflag:$0x2] =	stream.linear.gather [hbm4b:s9+s2], $0x2800, $0x38;
	[tilespmem:$0x1CC00] =	vst v63  }
0x21: {  	_ =	swait.ge [sflag:s15], $0x2800  }
0x22: {  	[sflag:s15] =	ssyncset.done $0x0  }
.Ltmp2:
0x23: {  	[sflag:s15] =	ssyncadd.s32 $0xFFFFD800;
	(pc) =	sbr.rel @!p0 .LBB2_2-.Ltmp2, $4  }
0x24: {  	[tilespmem:s16], [sflag:$0x2] =	stream.linear.gather [hbm4b:s10+s2], $0x2800, $0x38;
	[tilespmem:$0x1CC00] =	vst v63  }
0x25: {  	_ =	swait.ge [sflag:s15], $0x2800  }
0x26: {  	[sflag:s15] =	ssyncset.done $0x0  }
0x27: {  	s23 =	simm.s32 $0x0;
	[sflag:s15] =	ssyncadd.s32 $0xFFFFD800  }
0x28: {  	[tilespmem:s18], [sflag:$0x1] =	stream.indirect.gather [hbm4b:s4+s17], $0x80, s23, s17, $0xb8;
	[tilespmem:$0x1CC00] =	vst v63  }
0x29: {  	_ =	swait.ge [sflag:s19], $0x4000  }
0x2a: {  	[sflag:s19] =	ssyncset.done $0x0  }
0x2b: {  	s31 =	simm.s32 $0x2800;
	[sflag:s19] =	ssyncadd.s32 $0xFFFFC000  }
0x2c: {  	[spmem:s1] =	stream.indirect.scatter.add.f32 [tilespmem:s18], [sflag:$0x2], $0x80, s31, s17, $0xb8;
	[tilespmem:$0x1CC00] =	vst v63  }
0x2d: {  	_ =	swait.ge [sflag:s15], $0x4000  }
0x2e: {  	s23 =	simm.s32 $0x200;
	s24 =	simm.s32 $0x400;
	[sflag:s15] =	ssyncset.done $0x0  }
.LBB2_6:
0x2f: {  	s25 =	sshra.s32 s23, $0x2  }
0x30: {  	[sflag:s15] =	ssyncadd.s32 $0xFFFFC000;
	s23 =	smov.u32 s24;
	s26 =	sadd.s32 $0x200, s24  }
0x31: {  	[tilespmem:s18], [sflag:$0x1] =	stream.indirect.gather [hbm4b:s4+s17], $0x80, s25, s17, $0xb8;
	[tilespmem:$0x1CC00] =	vst v63  }
0x32: {  	p3 =	sne.s32 s24, $0x9E00;
	_ =	swait.ge [sflag:s19], $0x4000  }
.Ltmp3:
0x33: {  	[sflag:s19] =	ssyncset.done $0x0;
	(pc) =	sbr.rel @p3 .LBB2_6-.Ltmp3, $4  }
0x34: {  	s24 =	sadd.s32 $0x2800, s25;
	[sflag:s19] =	ssyncadd.s32 $0xFFFFC000  }
0x35: {  	[spmem:s1] =	stream.indirect.scatter.add.f32 [tilespmem:s18], [sflag:$0x2], $0x80, s24, s17, $0xb8;
	[tilespmem:$0x1CC00] =	vst v63  }
0x36: {  	_ =	swait.ge [sflag:s15], $0x4000  }
0x37: {  	s24 =	smov.u32 s26;
	[sflag:s15] =	ssyncset.done $0x0  }
0x38: {  	s23 =	sshra.s32 s23, $0x2;
	[sflag:s15] =	ssyncadd.s32 $0xFFFFC000  }
0x39: {  	[tilespmem:s18], [sflag:$0x1] =	stream.indirect.gather [hbm4b:s4+s17], $0x80, s23, s17, $0xb8;
	[tilespmem:$0x1CC00] =	vst v63  }
0x3a: {  	_ =	swait.ge [sflag:s19], $0x4000  }
0x3b: {  	[sflag:s19] =	ssyncset.done $0x0  }
0x3c: {  	s23 =	sadd.s32 $0x2800, s23;
	[sflag:s19] =	ssyncadd.s32 $0xFFFFC000  }
0x3d: {  	[spmem:s1] =	stream.indirect.scatter.add.f32 [tilespmem:s18], [sflag:$0x2], $0x80, s23, s17, $0xb8;
	[tilespmem:$0x1CC00] =	vst v63  }
0x3e: {  	_ =	swait.ge [sflag:s15], $0x4000  }
0x3f: {  	[sflag:s15] =	ssyncset.done $0x0  }
0x40: {  	[sflag:s15] =	ssyncadd.s32 $0xFFFFC000  }
0x41: {  	[bflag:$0x0] =	sbarrier.arrive $0xFFFF  }
0x42: {  	[hbm:s12], [sflag:s8] =	dma.local [spmem:s20], $0x2700  }
.Ltmp4:
0x43: {  	_ = 	snop;
	(pc) =	sbr.rel @p1 .LBB2_9-.Ltmp4, $4  }
.Ltmp5:
0x44: {  	_ = 	snop;
	(pc) =	sbr.rel @!p1 .LBB2_8-.Ltmp5, $4  }
0x45: {  	_ =	swait.ge [sflag:s15], $0x2700  }
0x46: {  	[sflag:s15] =	ssyncset.done $0x0  }
0x47: {  	s23 =	smov.u32 s7;
	[sflag:s15] =	ssyncadd.s32 $0xFFFFD900  }
0x48: {  	_ = 	snop  }
.LBB2_2:
0x49: {  	[tilespmem:s18], [sflag:$0x1] =	stream.indirect.gather [hbm4b:s3+s17], $0x80, s23, s17, $0xb8;
	[tilespmem:$0x1CC00] =	vst v63  }
0x4a: {  	_ =	swait.ge [sflag:s19], $0x4000  }
0x4b: {  	[sflag:s19] =	ssyncset.done $0x0  }
0x4c: {  	s31 =	simm.s32 $0x2800;
	[sflag:s19] =	ssyncadd.s32 $0xFFFFC000  }
0x4d: {  	[spmem:s1] =	stream.indirect.scatter.add.f32 [tilespmem:s18], [sflag:$0x2], $0x80, s31, s17, $0xb8;
	[tilespmem:$0x1CC00] =	vst v63  }
0x4e: {  	_ =	swait.ge [sflag:s15], $0x4000  }
0x4f: {  	s23 =	simm.s32 $0x200;
	s24 =	simm.s32 $0x400;
	[sflag:s15] =	ssyncset.done $0x0  }
.LBB2_3:
0x50: {  	s25 =	sshra.s32 s23, $0x2  }
0x51: {  	[sflag:s15] =	ssyncadd.s32 $0xFFFFC000;
	s23 =	smov.u32 s24;
	s26 =	sadd.s32 $0x200, s24  }
0x52: {  	[tilespmem:s18], [sflag:$0x1] =	stream.indirect.gather [hbm4b:s3+s17], $0x80, s25, s17, $0xb8;
	[tilespmem:$0x1CC00] =	vst v63  }
0x53: {  	p3 =	sne.s32 s24, $0x9E00;
	_ =	swait.ge [sflag:s19], $0x4000  }
.Ltmp6:
0x54: {  	[sflag:s19] =	ssyncset.done $0x0;
	(pc) =	sbr.rel @p3 .LBB2_3-.Ltmp6, $4  }
0x55: {  	s24 =	sadd.s32 $0x2800, s25;
	[sflag:s19] =	ssyncadd.s32 $0xFFFFC000  }
0x56: {  	[spmem:s1] =	stream.indirect.scatter.add.f32 [tilespmem:s18], [sflag:$0x2], $0x80, s24, s17, $0xb8;
	[tilespmem:$0x1CC00] =	vst v63  }
0x57: {  	_ =	swait.ge [sflag:s15], $0x4000  }
0x58: {  	s24 =	smov.u32 s26;
	[sflag:s15] =	ssyncset.done $0x0  }
0x59: {  	s23 =	sshra.s32 s23, $0x2;
	[sflag:s15] =	ssyncadd.s32 $0xFFFFC000  }
0x5a: {  	[tilespmem:s18], [sflag:$0x1] =	stream.indirect.gather [hbm4b:s3+s17], $0x80, s23, s17, $0xb8;
	[tilespmem:$0x1CC00] =	vst v63  }
0x5b: {  	_ =	swait.ge [sflag:s19], $0x4000  }
0x5c: {  	[sflag:s19] =	ssyncset.done $0x0  }
0x5d: {  	s23 =	sadd.s32 $0x2800, s23;
	[sflag:s19] =	ssyncadd.s32 $0xFFFFC000  }
0x5e: {  	[spmem:s1] =	stream.indirect.scatter.add.f32 [tilespmem:s18], [sflag:$0x2], $0x80, s23, s17, $0xb8;
	[tilespmem:$0x1CC00] =	vst v63  }
0x5f: {  	_ =	swait.ge [sflag:s15], $0x4000  }
0x60: {  	[sflag:s15] =	ssyncset.done $0x0  }
0x61: {  	[sflag:s15] =	ssyncadd.s32 $0xFFFFC000  }
0x62: {  	[bflag:$0x0] =	sbarrier.arrive $0xFFFF  }
0x63: {  	[hbm:s11], [sflag:s8] =	dma.local [spmem:s20], $0x2700  }
.Ltmp7:
0x64: {  	_ = 	snop;
	(pc) =	sbr.rel @!p2 .LBB2_9-.Ltmp7, $4  }
.Ltmp8:
0x65: {  	_ = 	snop;
	(pc) =	sbr.rel @p2 .LBB2_8-.Ltmp8, $4  }
0x66: {  	_ =	swait.ge [sflag:s15], $0x2700  }
0x67: {  	[sflag:s15] =	ssyncset.done $0x0  }
0x68: {  	s23 =	smov.u32 s6;
	[sflag:s15] =	ssyncadd.s32 $0xFFFFD900  }
0x69: {  	_ = 	snop  }
.LBB2_10:
0x6a: {  	_ =	sfence.sel $0x180000  }
0x6b: {  	[bflag:$0x0] =	sbarrier.arrive $0xFFFF  }
0x6c: {  	_ =	strace $0x9000004D  }
0x6d: {  	s0 =	sadd.s32 @!p1 $0x100000, s0;
	[bflag:$0x2] =	sbarrier.arrive $0xFFFF  }
0x6e: {  	[sflag:s0] =	ssyncadd.tile.s32 @!p1 $0x1;
	_ =	shalt  }
.Lfunc_end2:
_tile_overlayer_lowered:
.L_overlay_start_2:
0x6f: {  	(tag) =	ssettag $0x2  }
0x70: {  	s0 =	rddreg [dreg:$0x0];
	s2 =	stileid.u32  }
0x71: {  	s1 =	rddreg [dreg:$0x1];
	p0 =	sne.s32 s2, $0x0  }
0x72: {  	s3 =	rddreg [dreg:$0x2];
	[bflag:$0x3] =	sbarrier.arrive $0xFFFF;
	s2 =	simm.s32 @!p0 $0x1C02  }
0x73: {  	[timem:s3], [sflag:s2] =	dma.local @!p0 [hbm:s0], s1  }
0x74: {  	s0 =	simm.s32 @!p0 $0x2  }
0x75: {  	_ =	swait.ge @!p0 [sflag:s0], s1  }
0x76: {  	s1 =	ssub.s32 @!p0 $0x0, s1;
	[sflag:s0] =	ssyncset.done @!p0 $0x0  }
0x77: {  	[sflag:s0] =	ssyncadd.s32 @!p0 s1  }
0x78: {  	[bflag:$0x3] =	sbarrier.arrive $0xFFFF  }
0x79: {  	_ =	shalt  }

// kernel: kernel.54.cloned.1.call-start
scs
__scs_entry_jumppad:
0x0: {  	(pc) =	sbr.rel $0x88, $3  }
0x1: {  	(tag) =	ssettag $0x0;
	lr =	simm.s32 $0x1  }
0x2: {  	[smem:$0x3F59] =	sst lr;
	_ =	strace $0xD0000000  }
0x3: {  	_ = 	snop  }
0x4: {  	_ = 	snop  }
0x5: {  	_ = 	snop  }
0x6: {  	_ = 	snop  }
0x7: {  	_ = 	snop  }
__scs_overlays_trampoline_lowered:
0x8: {  	[smem:$0x3F68] =	sst s0  }
0x9: {  	[smem:$0x3F69] =	sst s1  }
0xa: {  	[smem:$0x3F6A] =	sst s2  }
0xb: {  	[smem:$0x3F6B] =	sst s3  }
0xc: {  	[smem:$0x3F6C] =	sst s4  }
0xd: {  	[smem:$0x3F6D] =	sst s5  }
0xe: {  	[smem:$0x3F6E] =	sst s6  }
0xf: {  	[smem:$0x3F6F] =	sst s7  }
0x10: {  	[smem:$0x3F70] =	sst s8  }
0x11: {  	[smem:$0x3F71] =	sst s9;
	s0 =	simm.s32 @!p0 $0x0  }
0x12: {  	s1 =	sld [smem:$0x3F57];
	s0 =	simm.s32 @p0 $0x1  }
0x13: {  	[smem:$0x3F72] =	sst s0;
	s0 =	simm.s32 @!p1 $0x0  }
0x14: {  	s2 =	sld [smem:$0x3F56];
	s0 =	simm.s32 @p1 $0x1  }
0x15: {  	[smem:$0x3F73] =	sst s0;
	s0 =	simm.s32 @!p2 $0x0  }
0x16: {  	s3 =	sld [smem:$0x3FDB];
	s0 =	simm.s32 @p2 $0x1  }
0x17: {  	s4 =	simm.s32 $0x1BF5;
	[smem:$0x3F75] =	sst s0  }
0x18: {  	s0 =	sld [smem:$0x3F58];
	_ =	swait.ge [sflag:s4], $0x0  }
0x19: {  	s7 =	sld [smem:$0x3F59]  }
0x1a: {  	s8 =	sadd.s32 $0xFFFFE003, lr  }
0x1b: {  	s9 =	sadd.s32 $0xFFFFFEF7, lr;
	s5 =	simm.s32 $0xFFFFFFFF;
	p2 =	slt.u32 s8, $0xFFFFF086  }
0x1c: {  	p1 =	slt.u32 s9, $0xF7A;
	s5 =	simm.s32 @!p2 $0x0  }
0x1d: {  	s5 =	simm.s32 @p1 $0x1;
	p0 =	seq.s32 s7, s2  }
0x1e: {  	s7 =	smul.u32 @!p0 $0xF7A, s2;
	p2 =	seq.s32 @!p0 s5, $0x0  }
0x1f: {  	s9 =	smul.u32 $0xF7A, s1;
	s8 =	simm.s32 @!p0 $0x1BF5;
	p2 =	por !p2, p0  }
0x20: {  	[sflag:s8] =	ssyncset.s32 @!p0 $0xFFFFF086;
	s6 =	sadd.s32 @!p0 s3, s7;
	s7 =	simm.s32 @!p0 $0x108  }
0x21: {  	s3 =	sadd.s32 s3, s9;
	s6 =	sadd.s32 @!p0 $0x88, s6;
	s7 =	simm.s32 @p2 $0x1082  }
0x22: {  	[simem:s7], [sflag:s8] =	dma.local @!p0 [hbm:s6], $0xF7A  }
0x23: {  	s9 =	sor.u32 $0xD0000000, s2;
	s6 =	simm.s32 $0x108;
	_ =	swait.ge @!p0 [sflag:s8], $0x0  }
0x24: {  	s3 =	sadd.s32 $0x88, s3;
	s6 =	simm.s32 @!p1 $0x1082;
	[sflag:s4] =	ssyncset.s32 $0xFFFFF086  }
0x25: {  	[simem:s6], [sflag:s4] =	dma.local [hbm:s3], $0xF7A  }
0x26: {  	[smem:$0x3F59] =	sst s1;
	(tag) =	ssettag s2;
	_ =	strace s9  }
0x27: {  	s1 =	sld [smem:$0x3F69]  }
0x28: {  	s2 =	sld [smem:$0x3F6A]  }
0x29: {  	s4 =	sld [smem:$0x3F6C]  }
0x2a: {  	p0 =	seq.s32 s5, $0x0;
	s5 =	sld [smem:$0x3F6D]  }
0x2b: {  	s6 =	sld [smem:$0x3F6E]  }
0x2c: {  	s7 =	sld [smem:$0x3F6F]  }
0x2d: {  	s3 =	simm.s32 $0x108;
	s8 =	sld [smem:$0x3F70]  }
0x2e: {  	s3 =	simm.s32 @!p0 $0x1082;
	s9 =	sld [smem:$0x3F71]  }
0x2f: {  	lr =	sadd.s32 s0, s3;
	s0 =	sld [smem:$0x3F68]  }
0x30: {  	s3 =	sld [smem:$0x3F6B]  }
0x31: {  	[smem:$0x3F74] =	sst s10  }
0x32: {  	s10 =	sld [smem:$0x3F72];
	_ =	sdelay $0x3  }
0x33: {  	p0 =	seq.s32 s10, $0x1;
	s10 =	sld [smem:$0x3F74];
	_ =	sdelay $0x3  }
0x34: {  	[smem:$0x3F74] =	sst s10  }
0x35: {  	s10 =	sld [smem:$0x3F73];
	_ =	sdelay $0x3  }
0x36: {  	p1 =	seq.s32 s10, $0x1;
	s10 =	sld [smem:$0x3F74];
	_ =	sdelay $0x3  }
0x37: {  	[smem:$0x3F74] =	sst s10  }
0x38: {  	s10 =	sld [smem:$0x3F75]  }
0x39: {  	_ = 	snop;
	(pc) =	sbr.ind lr, $3  }
0x3a: {  	_ = 	snop  }
0x3b: {  	_ = 	snop  }
0x3c: {  	p2 =	seq.s32 s10, $0x1;
	s10 =	sld [smem:$0x3F74]  }
0x3d: {  	_ =	shalt  }
0x3e: {  	_ =	shalt  }
0x3f: {  	_ =	shalt  }
0x40: {  	_ =	shalt  }
0x41: {  	_ =	shalt  }
0x42: {  	_ =	shalt  }
0x43: {  	_ =	shalt  }
0x44: {  	_ =	shalt  }
0x45: {  	_ =	shalt  }
0x46: {  	_ =	shalt  }
0x47: {  	_ =	shalt  }
0x48: {  	_ =	shalt  }
0x49: {  	_ =	shalt  }
0x4a: {  	_ =	shalt  }
0x4b: {  	_ =	shalt  }
0x4c: {  	_ =	shalt  }
0x4d: {  	_ =	shalt  }
0x4e: {  	_ =	shalt  }
0x4f: {  	_ =	shalt  }
0x50: {  	_ =	shalt  }
0x51: {  	_ =	shalt  }
0x52: {  	_ =	shalt  }
0x53: {  	_ =	shalt  }
0x54: {  	_ =	shalt  }
0x55: {  	_ =	shalt  }
0x56: {  	_ =	shalt  }
0x57: {  	_ =	shalt  }
0x58: {  	_ =	shalt  }
0x59: {  	_ =	shalt  }
0x5a: {  	_ =	shalt  }
0x5b: {  	_ =	shalt  }
0x5c: {  	_ =	shalt  }
0x5d: {  	_ =	shalt  }
0x5e: {  	_ =	shalt  }
0x5f: {  	_ =	shalt  }
0x60: {  	_ =	shalt  }
0x61: {  	_ =	shalt  }
0x62: {  	_ =	shalt  }
0x63: {  	_ =	shalt  }
0x64: {  	_ =	shalt  }
0x65: {  	_ =	shalt  }
0x66: {  	_ =	shalt  }
0x67: {  	_ =	shalt  }
0x68: {  	_ =	shalt  }
0x69: {  	_ =	shalt  }
0x6a: {  	_ =	shalt  }
0x6b: {  	_ =	shalt  }
0x6c: {  	_ =	shalt  }
0x6d: {  	_ =	shalt  }
0x6e: {  	_ =	shalt  }
0x6f: {  	_ =	shalt  }
0x70: {  	_ =	shalt  }
0x71: {  	_ =	shalt  }
0x72: {  	_ =	shalt  }
0x73: {  	_ =	shalt  }
0x74: {  	_ =	shalt  }
0x75: {  	_ =	shalt  }
0x76: {  	_ =	shalt  }
0x77: {  	_ =	shalt  }
0x78: {  	_ =	shalt  }
0x79: {  	_ =	shalt  }
0x7a: {  	_ =	shalt  }
0x7b: {  	_ =	shalt  }
0x7c: {  	_ =	shalt  }
0x7d: {  	_ =	shalt  }
0x7e: {  	_ =	shalt  }
0x7f: {  	_ =	shalt  }
0x80: {  	_ =	shalt  }
0x81: {  	_ =	shalt  }
0x82: {  	_ =	shalt  }
0x83: {  	_ =	shalt  }
0x84: {  	_ =	shalt  }
0x85: {  	_ =	shalt  }
0x86: {  	_ =	shalt  }
0x87: {  	_ =	shalt  }
.Lfunc_end0:
.L_simem_size_0:
called_computation.5_lowered:
.L_overlay_start_0:
0x88: {  	s2 =	sld [smem:$0x3FD9]  }
0x89: {  	s3 =	sld [smem:$0x3FFE];
	_ =	sdelay $0x1  }
0x8a: {  	s1 =	srdreg.scid  }
0x8b: {  	s0 =	sand.u32 $0x1, s1  }
0x8c: {  	s17 =	sshll.u32 s0, $0xA;
	s2 =	sadd.s32 s3, s2  }
0x8d: {  	s2 =	sadd.s32 s2, s17  }
0x8e: {  	[smem:$0x3F80] =	sst s2  }
0x8f: {  	_ = 	snop  }
0x90: {  	(tm) =	ssettm $0x1  }
0x91: {  	s18 =	sld [smem:$0x3FFB];
	_ =	sdelay $0x3  }
0x92: {  	_ =	strace s18  }
0x93: {  	s2 =	sld [smem:$0x3FFC];
	_ =	sdelay $0x3  }
0x94: {  	_ =	strace s2  }
0x95: {  	s2 =	sld [smem:$0x3FFD];
	_ =	sdelay $0x3  }
0x96: {  	_ =	strace s2  }
0x97: {  	_ =	strace $0x8FFFFFFF  }
0x98: {  	s19 =	sld [smem:$0x3FDB];
	_ =	sdelay $0x1  }
0x99: {  	s20 =	simm.s32 $_scs_section_size  }
0x9a: {  	s4 =	simm.s32 $_size__tile_overlayer_lowered;
	s5 =	simm.s32 $_tile_overlayer_lowered  }
0x9b: {  	s6 =	simm.s32 $0x1BFF;
	s21 =	sshll.u32 s5, $0x1;
	s3 =	sadd.s32 s20, s19  }
0x9c: {  	s22 =	simm.s32 $0x0;
	s4 =	sshll.u32 s4, $0x1;
	s5 =	sadd.s32 s21, s3  }
0x9d: {  	[timem:s22], [sflag:s6] =	dma.local [hbm:s5], s4  }
0x9e: {  	_ =	swait.ge [sflag:s6], s4  }
0x9f: {  	s4 =	ssub.s32 $0x0, s4;
	[sflag:s6] =	ssyncset.done $0x0  }
0xa0: {  	[sflag:s6] =	ssyncadd.s32 s4;
	_ =	sdelay $0x1  }
0xa1: {  	s23 =	simm.s32 $0x1B8B  }
0xa2: {  	_ =	swait.ge [sflag:s23], $0x1  }
0xa3: {  	[sflag:s23] =	ssyncset.done $0x0  }
0xa4: {  	[sflag:s23] =	ssyncadd.s32 $0xFFFFFFFF  }
0xa5: {  	s4 =	sld [smem:$0x0]  }
0xa6: {  	s5 =	sand.u32 $0xFFFFFFFE, s1  }
0xa7: {  	p0 =	sne.s32 s1, s5  }
0xa8: {  	s5 =	sshll.u32 @p0 s5, $0xE  }
0xa9: {  	s5 =	sadd.s32 @p0 $0x11B8D, s5;
	s6 =	sshll.u32 @p0 s4, $0x11  }
0xaa: {  	s5 =	sor.u32 @p0 s6, s5  }
0xab: {  	[sflag:s5] =	ssyncadd.remote.s32 @p0 $0x1;
	_ =	sdelay $0x1  }
0xac: {  	s5 =	simm.s32 @p0 $0x1B8D  }
0xad: {  	_ =	swait.eq @p0 [sflag:s5], $0x1  }
0xae: {  	[sflag:s5] =	ssyncadd.s32 @p0 $0xFFFFFFFF  }
0xaf: {  	s6 =	sshll.u32 @!p0 s1, $0xE  }
0xb0: {  	s6 =	sor.u32 @!p0 $0x4000, s6;
	s5 =	simm.s32 @!p0 $0x1B8D  }
0xb1: {  	s4 =	sshll.u32 @!p0 s4, $0x11;
	s6 =	sadd.s32 @!p0 $0x11B8D, s6;
	_ =	swait.eq @!p0 [sflag:s5], $0x1  }
0xb2: {  	s4 =	sor.u32 @!p0 s4, s6;
	[sflag:s5] =	ssyncadd.s32 @!p0 $0xFFFFFFFF  }
0xb3: {  	s25 =	simm.s32 $0x1B8E;
	s24 =	sld [smem:$0x3FFE];
	[sflag:s4] =	ssyncadd.remote.s32 @!p0 $0x1  }
0xb4: {  	s26 =	simm.s32 $execute0_lowered;
	[smem:$0x3FD2] =	sst s25  }
0xb5: {  	s5 =	sshll.u32 s26, $0x1;
	_ =	strace $0x80000052;
	[dreg:$0x1] =	wrdreg $0xFFFFFFFF  }
0xb6: {  	s28 =	simm.s32 $_size_execute0_lowered;
	s3 =	sadd.s32 s3, s5;
	[dreg:$0x0] =	wrdreg $0x0  }
0xb7: {  	s5 =	sshll.u32 s28, $0x1;
	[dreg:$0x2] =	wrdreg s3  }
0xb8: {  	[dreg:$0x3] =	wrdreg s5  }
0xb9: {  	[dreg:$0x4] =	wrdreg $0xC0  }
0xba: {  	_ =	task [dreg:s22], $0x5FFFF  }
0xbb: {  	[dreg:$0x1] =	wrdreg $0xFFFFFFFF  }
0xbc: {  	[dreg:$0x0] =	wrdreg $0x60  }
0xbd: {  	[dreg:$0x2] =	wrdreg s24  }
0xbe: {  	[dreg:$0x3] =	wrdreg $0x90000  }
0xbf: {  	[dreg:$0x4] =	wrdreg $0xA  }
0xc0: {  	_ =	task.clear_ibuf [dreg:s22], $0x5FFFF;
	_ =	strace $0x90000052  }
0xc1: {  	s29 =	simm.s32 $0xA;
	_ =	strace $0x80000054  }
0xc2: {  	_ =	swait.ge [sflag:s29], $0x1  }
0xc3: {  	[sflag:s29] =	ssyncadd.s32 $0xFFFFFFFF  }
0xc4: {  	_ =	strace $0x90000054  }
0xc5: {  	_ =	sfence  }
0xc6: {  	s30 =	sld [smem:$0x0];
	_ =	sdelay $0x2  }
0xc7: {  	s31 =	sshll.u32 s1, $0xD;
	s1 =	sshrl.u32 s1, $0x2  }
0xc8: {  	s4 =	sand.u32 $0x4000, s31;
	s1 =	sadd.s32 s1, s30  }
0xc9: {  	s0 =	sor.u32 s4, s0;
	s1 =	sshll.u32 s1, $0x11  }
0xca: {  	s0 =	sor.u32 s1, s0  }
0xcb: {  	s0 =	sadd.s32 $0x8F2B, s0  }
0xcc: {  	[sflag:s0] =	ssyncadd.remote.s32 $0x1  }
0xcd: {  	_ =	sfence.sel $0xFFFF  }
0xce: {  	[dreg:$0x0] =	wrdreg $0xFFFFFFFF;
	(pc) =	sbr.abs _section_cstart, $3  }
0xcf: {  	[dreg:$0x1] =	wrdreg $0xFFFFFFFF  }
0xd0: {  	_ =	task.clear_ibuf [dreg:s22], $0x2FFFF;
	_ =	strace $0x9FFFFFFF  }
0xd1: {  	(tm) =	ssettm $0x7FFFFFFF  }
tec
execute0_lowered:
.L_overlay_start_1:
0x0: {  	(tag) =	ssettag $0x1  }
0x1: {  	s7 =	rddreg [dreg:$0x0]  }
0x2: {  	s1 =	rddreg [dreg:$0x1]  }
0x3: {  	s0 =	rddreg [dreg:$0x2];
	s2 =	simm.s32 $0x0;
	s22 =	stileid.u32  }
0x4: {  	s6 =	srdreg.scid;
	s17 =	simm.s32 $0x80;
	s18 =	simm.s32 $0x5000  }
0x5: {  	s19 =	simm.s32 $0x1;
	[smem:$0x7FF] =	sst s2;
	s5 =	smul.u32 $0x500, s22  }
0x6: {  	s3 =	sadd.s32 $0x23200, s7;
	s4 =	sadd.s32 $0xC9A00, s7;
	s11 =	smul.u32 $0x4F000, s22  }
0x7: {  	s9 =	sand.u32 $0x1, s6;
	s6 =	sadd.s32 $0xF0C00, s7;
	s14 =	smul.u32 $0x4E000, s22  }
0x8: {  	s13 =	sshll.u32 s22, $0x6;
	s31 =	smul.u32 $0x2700, s22;
	s21 =	sadd.s32 $0x138000, s1  }
0x9: {  	p1 =	sne.s32 s22, $0x0;
	p2 =	seq.s32 s22, $0x0;
	s22 =	simm.s32 $0x0  }
0xa: {  	_ =	strace $0x80000053;
	s8 =	ssub.s32 $0x2, s9;
	p0 =	seq.s32 s9, $0x1  }
0xb: {  	s21 =	sshrl.u32 s21, $0x3;
	s10 =	sadd.s32 s5, s7;
	s5 =	sadd.s32 $0x20A00, s7  }
0xc: {  	s7 =	sadd.s32 $0x166200, s7;
	s12 =	sshrl.u32 s8, $0x1;
	s11 =	sshrl.u32 s11, $0x2  }
.Ltmp0:
0xd: {  	s30 =	sshrl.u32 s14, $0x2;
	s15 =	ssub.s32 s8, s12;
	(pc) =	sbr.rel .LBB2_1-.Ltmp0, $4  }
0xe: {  	s16 =	sadd.s32 s11, s1;
	s8 =	sor.u32 $0x1C02, s13;
	s9 =	sadd.s32 $0x1BA00, s10  }
0xf: {  	s10 =	sadd.s32 $0x16A00, s10;
	s20 =	sadd.s32 s30, s1;
	s11 =	sadd.s32 s6, s31  }
0x10: {  	s12 =	sadd.s32 s7, s31;
	s13 =	smax.u32 s15, $0x1;
	s14 =	sshrl.u32 s16, $0x3  }
0x11: {  	s15 =	simm.s32 $0x2;
	s16 =	simm.s32 $0x2800;
	s20 =	sshrl.u32 s20, $0x3  }
.LBB2_8:
0x12: {  	s23 =	sadd.s32 $0x27000, s23  }
0x13: {  	[hbm:s23], [sflag:s8] =	dma.local [spmem:s21], $0x100  }
0x14: {  	_ =	swait.ge [sflag:s15], $0x100  }
0x15: {  	[sflag:s15] =	ssyncset.done $0x0  }
0x16: {  	[sflag:s15] =	ssyncadd.s32 $0xFFFFFF00  }
.LBB2_9:
0x17: {  	s22 =	sadd.s32 $0x1, s22  }
0x18: {  	p3 =	sne.s32 s22, s13  }
.Ltmp1:
0x19: {  	_ = 	snop;
	(pc) =	sbr.rel @!p3 .LBB2_10-.Ltmp1, $1  }
0x1a: {  	_ =	sdelay $0x3  }
.LBB2_1:
0x1b: {  	[spmem:s14], [sflag:s8] =	dma.local [hbm:s5], $0x2780  }
0x1c: {  	_ =	swait.ge [sflag:s15], $0x2780  }
0x1d: {  	[sflag:s15] =	ssyncset.done $0x0  }
0x1e: {  	[sflag:s15] =	ssyncadd.s32 $0xFFFFD880  }
0x1f: {  	[bflag:$0x0] =	sbarrier.arrive $0xFFFF  }
0x20: {  	[tilespmem:s2], [sflag:$0x2] =	stream.linear.gather [hbm4b:s9+s2], $0x2800, $0x38;
	[tilespmem:$0x1CC00] =	vst v63  }
0x21: {  	_ =	swait.ge [sflag:s15], $0x2800  }
0x22: {  	[sflag:s15] =	ssyncset.done $0x0  }
.Ltmp2:
0x23: {  	[sflag:s15] =	ssyncadd.s32 $0xFFFFD800;
	(pc) =	sbr.rel @!p0 .LBB2_2-.Ltmp2, $4  }
0x24: {  	[tilespmem:s16], [sflag:$0x2] =	stream.linear.gather [hbm4b:s10+s2], $0x2800, $0x38;
	[tilespmem:$0x1CC00] =	vst v63  }
0x25: {  	_ =	swait.ge [sflag:s15], $0x2800  }
0x26: {  	[sflag:s15] =	ssyncset.done $0x0  }
0x27: {  	s23 =	simm.s32 $0x0;
	[sflag:s15] =	ssyncadd.s32 $0xFFFFD800  }
0x28: {  	[tilespmem:s18], [sflag:$0x1] =	stream.indirect.gather [hbm4b:s4+s17], $0x80, s23, s17, $0xb8;
	[tilespmem:$0x1CC00] =	vst v63  }
0x29: {  	_ =	swait.ge [sflag:s19], $0x4000  }
0x2a: {  	[sflag:s19] =	ssyncset.done $0x0  }
0x2b: {  	s31 =	simm.s32 $0x2800;
	[sflag:s19] =	ssyncadd.s32 $0xFFFFC000  }
0x2c: {  	[spmem:s1] =	stream.indirect.scatter.add.f32 [tilespmem:s18], [sflag:$0x2], $0x80, s31, s17, $0xb8;
	[tilespmem:$0x1CC00] =	vst v63  }
0x2d: {  	_ =	swait.ge [sflag:s15], $0x4000  }
0x2e: {  	s23 =	simm.s32 $0x200;
	s24 =	simm.s32 $0x400;
	[sflag:s15] =	ssyncset.done $0x0  }
.LBB2_6:
0x2f: {  	s25 =	sshra.s32 s23, $0x2  }
0x30: {  	[sflag:s15] =	ssyncadd.s32 $0xFFFFC000;
	s23 =	smov.u32 s24;
	s26 =	sadd.s32 $0x200, s24  }
0x31: {  	[tilespmem:s18], [sflag:$0x1] =	stream.indirect.gather [hbm4b:s4+s17], $0x80, s25, s17, $0xb8;
	[tilespmem:$0x1CC00] =	vst v63  }
0x32: {  	p3 =	sne.s32 s24, $0x9E00;
	_ =	swait.ge [sflag:s19], $0x4000  }
.Ltmp3:
0x33: {  	[sflag:s19] =	ssyncset.done $0x0;
	(pc) =	sbr.rel @p3 .LBB2_6-.Ltmp3, $4  }
0x34: {  	s24 =	sadd.s32 $0x2800, s25;
	[sflag:s19] =	ssyncadd.s32 $0xFFFFC000  }
0x35: {  	[spmem:s1] =	stream.indirect.scatter.add.f32 [tilespmem:s18], [sflag:$0x2], $0x80, s24, s17, $0xb8;
	[tilespmem:$0x1CC00] =	vst v63  }
0x36: {  	_ =	swait.ge [sflag:s15], $0x4000  }
0x37: {  	s24 =	smov.u32 s26;
	[sflag:s15] =	ssyncset.done $0x0  }
0x38: {  	s23 =	sshra.s32 s23, $0x2;
	[sflag:s15] =	ssyncadd.s32 $0xFFFFC000  }
0x39: {  	[tilespmem:s18], [sflag:$0x1] =	stream.indirect.gather [hbm4b:s4+s17], $0x80, s23, s17, $0xb8;
	[tilespmem:$0x1CC00] =	vst v63  }
0x3a: {  	_ =	swait.ge [sflag:s19], $0x4000  }
0x3b: {  	[sflag:s19] =	ssyncset.done $0x0  }
0x3c: {  	s23 =	sadd.s32 $0x2800, s23;
	[sflag:s19] =	ssyncadd.s32 $0xFFFFC000  }
0x3d: {  	[spmem:s1] =	stream.indirect.scatter.add.f32 [tilespmem:s18], [sflag:$0x2], $0x80, s23, s17, $0xb8;
	[tilespmem:$0x1CC00] =	vst v63  }
0x3e: {  	_ =	swait.ge [sflag:s15], $0x4000  }
0x3f: {  	[sflag:s15] =	ssyncset.done $0x0  }
0x40: {  	[sflag:s15] =	ssyncadd.s32 $0xFFFFC000  }
0x41: {  	[bflag:$0x0] =	sbarrier.arrive $0xFFFF  }
0x42: {  	[hbm:s12], [sflag:s8] =	dma.local [spmem:s20], $0x2700  }
.Ltmp4:
0x43: {  	_ = 	snop;
	(pc) =	sbr.rel @p1 .LBB2_9-.Ltmp4, $4  }
.Ltmp5:
0x44: {  	_ = 	snop;
	(pc) =	sbr.rel @!p1 .LBB2_8-.Ltmp5, $4  }
0x45: {  	_ =	swait.ge [sflag:s15], $0x2700  }
0x46: {  	[sflag:s15] =	ssyncset.done $0x0  }
0x47: {  	s23 =	smov.u32 s7;
	[sflag:s15] =	ssyncadd.s32 $0xFFFFD900  }
0x48: {  	_ = 	snop  }
.LBB2_2:
0x49: {  	[tilespmem:s18], [sflag:$0x1] =	stream.indirect.gather [hbm4b:s3+s17], $0x80, s23, s17, $0xb8;
	[tilespmem:$0x1CC00] =	vst v63  }
0x4a: {  	_ =	swait.ge [sflag:s19], $0x4000  }
0x4b: {  	[sflag:s19] =	ssyncset.done $0x0  }
0x4c: {  	s31 =	simm.s32 $0x2800;
	[sflag:s19] =	ssyncadd.s32 $0xFFFFC000  }
0x4d: {  	[spmem:s1] =	stream.indirect.scatter.add.f32 [tilespmem:s18], [sflag:$0x2], $0x80, s31, s17, $0xb8;
	[tilespmem:$0x1CC00] =	vst v63  }
0x4e: {  	_ =	swait.ge [sflag:s15], $0x4000  }
0x4f: {  	s23 =	simm.s32 $0x200;
	s24 =	simm.s32 $0x400;
	[sflag:s15] =	ssyncset.done $0x0  }
.LBB2_3:
0x50: {  	s25 =	sshra.s32 s23, $0x2  }
0x51: {  	[sflag:s15] =	ssyncadd.s32 $0xFFFFC000;
	s23 =	smov.u32 s24;
	s26 =	sadd.s32 $0x200, s24  }
0x52: {  	[tilespmem:s18], [sflag:$0x1] =	stream.indirect.gather [hbm4b:s3+s17], $0x80, s25, s17, $0xb8;
	[tilespmem:$0x1CC00] =	vst v63  }
0x53: {  	p3 =	sne.s32 s24, $0x9E00;
	_ =	swait.ge [sflag:s19], $0x4000  }
.Ltmp6:
0x54: {  	[sflag:s19] =	ssyncset.done $0x0;
	(pc) =	sbr.rel @p3 .LBB2_3-.Ltmp6, $4  }
0x55: {  	s24 =	sadd.s32 $0x2800, s25;
	[sflag:s19] =	ssyncadd.s32 $0xFFFFC000  }
0x56: {  	[spmem:s1] =	stream.indirect.scatter.add.f32 [tilespmem:s18], [sflag:$0x2], $0x80, s24, s17, $0xb8;
	[tilespmem:$0x1CC00] =	vst v63  }
0x57: {  	_ =	swait.ge [sflag:s15], $0x4000  }
0x58: {  	s24 =	smov.u32 s26;
	[sflag:s15] =	ssyncset.done $0x0  }
0x59: {  	s23 =	sshra.s32 s23, $0x2;
	[sflag:s15] =	ssyncadd.s32 $0xFFFFC000  }
0x5a: {  	[tilespmem:s18], [sflag:$0x1] =	stream.indirect.gather [hbm4b:s3+s17], $0x80, s23, s17, $0xb8;
	[tilespmem:$0x1CC00] =	vst v63  }
0x5b: {  	_ =	swait.ge [sflag:s19], $0x4000  }
0x5c: {  	[sflag:s19] =	ssyncset.done $0x0  }
0x5d: {  	s23 =	sadd.s32 $0x2800, s23;
	[sflag:s19] =	ssyncadd.s32 $0xFFFFC000  }
0x5e: {  	[spmem:s1] =	stream.indirect.scatter.add.f32 [tilespmem:s18], [sflag:$0x2], $0x80, s23, s17, $0xb8;
	[tilespmem:$0x1CC00] =	vst v63  }
0x5f: {  	_ =	swait.ge [sflag:s15], $0x4000  }
0x60: {  	[sflag:s15] =	ssyncset.done $0x0  }
0x61: {  	[sflag:s15] =	ssyncadd.s32 $0xFFFFC000  }
0x62: {  	[bflag:$0x0] =	sbarrier.arrive $0xFFFF  }
0x63: {  	[hbm:s11], [sflag:s8] =	dma.local [spmem:s20], $0x2700  }
.Ltmp7:
0x64: {  	_ = 	snop;
	(pc) =	sbr.rel @!p2 .LBB2_9-.Ltmp7, $4  }
.Ltmp8:
0x65: {  	_ = 	snop;
	(pc) =	sbr.rel @p2 .LBB2_8-.Ltmp8, $4  }
0x66: {  	_ =	swait.ge [sflag:s15], $0x2700  }
0x67: {  	[sflag:s15] =	ssyncset.done $0x0  }
0x68: {  	s23 =	smov.u32 s6;
	[sflag:s15] =	ssyncadd.s32 $0xFFFFD900  }
0x69: {  	_ = 	snop  }
.LBB2_10:
0x6a: {  	_ =	sfence.sel $0x180000  }
0x6b: {  	[bflag:$0x0] =	sbarrier.arrive $0xFFFF  }
0x6c: {  	_ =	strace $0x90000053  }
0x6d: {  	s0 =	sadd.s32 @!p1 $0x100000, s0;
	[bflag:$0x2] =	sbarrier.arrive $0xFFFF  }
0x6e: {  	[sflag:s0] =	ssyncadd.tile.s32 @!p1 $0x1;
	_ =	shalt  }
.Lfunc_end2:
_tile_overlayer_lowered:
.L_overlay_start_2:
0x6f: {  	(tag) =	ssettag $0x2  }
0x70: {  	s0 =	rddreg [dreg:$0x0];
	s2 =	stileid.u32  }
0x71: {  	s1 =	rddreg [dreg:$0x1];
	p0 =	sne.s32 s2, $0x0  }
0x72: {  	s3 =	rddreg [dreg:$0x2];
	[bflag:$0x3] =	sbarrier.arrive $0xFFFF;
	s2 =	simm.s32 @!p0 $0x1C02  }
0x73: {  	[timem:s3], [sflag:s2] =	dma.local @!p0 [hbm:s0], s1  }
0x74: {  	s0 =	simm.s32 @!p0 $0x2  }
0x75: {  	_ =	swait.ge @!p0 [sflag:s0], s1  }
0x76: {  	s1 =	ssub.s32 @!p0 $0x0, s1;
	[sflag:s0] =	ssyncset.done @!p0 $0x0  }
0x77: {  	[sflag:s0] =	ssyncadd.s32 @!p0 s1  }
0x78: {  	[bflag:$0x3] =	sbarrier.arrive $0xFFFF  }
0x79: {  	_ =	shalt  }

</sc_bundles>
